<compile_context>
chip_gen: v7x
topology: tpu7x:2x2x1
jax: 0.10.2.dev20260603
libtpu: 0.0.44.dev20260713+nightly
codegen_flags: <defaults>
</compile_context>

<pallas_src>
import functools

import jax
import jax.numpy as jnp
from jax import lax
from jax.experimental import pallas as pl
from jax.experimental.pallas import tpu as pltpu
from jax.experimental.pallas import tpu_sc as plsc

_N = 10000
_NP = 10240
_E = 320000
_HD = 128
_EBLK = 2000

_INTERPRET = False




def _update_kernel(do_embed, h_ref, embw_ref, embb_ref,
                   ah_ref, nd_ref, bng_ref, bnb_ref, h_out):
    h = h_ref[...]
    if do_embed:
        h = jnp.dot(h, embw_ref[...],
                    preferred_element_type=jnp.float32) + embb_ref[...]
    else:
        num = jnp.concatenate([nd_ref[0, :_N, :64], nd_ref[1, :_N, :64]],
                              axis=1)
        den = jnp.concatenate([nd_ref[0, :_N, 64:], nd_ref[1, :_N, 64:]],
                              axis=1)
        hnew = ah_ref[...] + num / (den + 1e-6)
        m = jnp.mean(hnew, axis=0, keepdims=True)
        v = jnp.mean((hnew - m) ** 2, axis=0, keepdims=True)
        hn = bng_ref[...] * (hnew - m) / jnp.sqrt(v + 1e-5) + bnb_ref[...]
        h = h + jnp.maximum(hn, 0.0)
    h_out[...] = h


def _update_call(do_embed, h, embw, embb, ah, nd, bng, bnb):
    fn = functools.partial(_update_kernel, do_embed)
    return pl.pallas_call(
        fn,
        out_shape=jax.ShapeDtypeStruct((_N, _HD), jnp.float32),
        interpret=_INTERPRET,
    )(h, embw, embb, ah, nd, bng, bnb)


def _tables_kernel(h_ref, aw_ref, ab_ref, bw_ref, bb_ref, dw_ref, db_ref,
                   ew_ref, eb_ref,
                   ah_out, s0_out, t0_out):
    h = h_ref[...]
    ah_out[...] = jnp.dot(h, aw_ref[...],
                          preferred_element_type=jnp.float32) + ab_ref[...]
    bh = jnp.dot(h, bw_ref[...],
                 preferred_element_type=jnp.float32) + bb_ref[...]
    dh = jnp.dot(h, dw_ref[...],
                 preferred_element_type=jnp.float32) + db_ref[...]
    eh = jnp.dot(h, ew_ref[...],
                 preferred_element_type=jnp.float32) + eb_ref[...]
    s0_out[:_N, :] = jnp.concatenate([dh[:, :64], bh[:, :64]], axis=1)
    s0_out[_N:, :] = jnp.concatenate([dh[:, 64:], bh[:, 64:]], axis=1)
    t0_out[:_N, :] = eh
    t0_out[_N:, :] = jnp.concatenate([eh[:, 64:], eh[:, :64]], axis=1)


def _tables_call(h, aw, ab, bw, bb, dw, db, ew, eb):
    f32 = jnp.float32
    out_shape = [
        jax.ShapeDtypeStruct((_N, _HD), f32),
        jax.ShapeDtypeStruct((2 * _N, _HD), f32),
        jax.ShapeDtypeStruct((2 * _N, _HD), f32),
    ]
    return pl.pallas_call(
        _tables_kernel,
        out_shape=out_shape,
        interpret=_INTERPRET,
    )(h, aw, ab, bw, bb, dw, db, ew, eb)




def _edge_kernel(first, last, prev_ref, en_ref, sc_ref, sh_ref,
                 w_ref, b_ref, cw_ref, cb_ref, *outs):
    if first:
        el = prev_ref[...]
    else:
        en = jnp.concatenate([en_ref[0], en_ref[1]], axis=1)
        en = en * sc_ref[...] + sh_ref[...]
        prev = prev_ref[...]
        if prev.shape[1] != _HD:
            prev = jnp.dot(prev, w_ref[...],
                           preferred_element_type=jnp.float32) + b_ref[...]
        el = prev + jnp.maximum(en, 0.0)
    ce = jnp.dot(el, cw_ref[...],
                 preferred_element_type=jnp.float32) + cb_ref[...]
    if last:
        ce_out, = outs
    else:
        ce_out, el_out = outs
        el_out[...] = el
    ce_out[0] = ce[:, :64]
    ce_out[1] = ce[:, 64:]


def _edge_call(first, last, prev, en, scale, shift, w, b, cw, cb):
    f32 = jnp.float32
    nblk = _E // _EBLK
    pd = prev.shape[1]
    zero2 = lambda i: (0, 0)
    row = lambda i: (i, 0)
    half = lambda i: (0, i, 0)
    in_specs = [
        pl.BlockSpec((_EBLK, pd), row),
        pl.BlockSpec((2, _EBLK, 64), half),
        pl.BlockSpec((1, _HD), zero2),
        pl.BlockSpec((1, _HD), zero2),
        pl.BlockSpec(w.shape, zero2),
        pl.BlockSpec((1, _HD), zero2),
        pl.BlockSpec(cw.shape, zero2),
        pl.BlockSpec((1, _HD), zero2),
    ]
    out_shape = [jax.ShapeDtypeStruct((2, _E, 64), f32)]
    out_specs = [pl.BlockSpec((2, _EBLK, 64), half)]
    if not last:
        out_shape.append(jax.ShapeDtypeStruct((_E, _HD), f32))
        out_specs.append(pl.BlockSpec((_EBLK, _HD), row))
    fn = functools.partial(_edge_kernel, first, last)
    return pl.pallas_call(
        fn,
        grid=(nblk,),
        in_specs=in_specs,
        out_specs=out_specs,
        out_shape=out_shape,
        interpret=_INTERPRET,
    )(prev, en, scale, shift, w, b, cw, cb)



_CH = 80
_EPT = _E // 16
_NIT = _EPT // _CH
_ZR = 64


def _sc_edge_kernel(last, ce_hbm, stab_hbm, ttab_hbm, src_hbm, dst_hbm,
                    *rest):
    if last:
        (nd_out, bn_out,
         srcv, dstv, dstadj, srows, trows, cev, msgsg,
         accb, ndacc, sem1, sem2) = rest
        en_out = None
    else:
        (en_out, nd_out, bn_out,
         srcv, dstv, dstadj, srows, trows, cev, msgsg,
         accb, ndacc, sem1, sem2) = rest
    c = lax.axis_index("c")
    s = lax.axis_index("s")
    zero = jnp.zeros((16,), jnp.float32)

    def zb_body(k, _):
        msgsg[k // 8, pl.ds(16 * (k % 8), 16)] = zero
        return 0
    lax.fori_loop(0, _CH * 8, zb_body, 0)

    def zacc_body(m, _):
        base = s * (_NP // 16) + m * _CH
        pltpu.sync_copy(msgsg, ndacc.at[pl.ds(base, _CH)])
        return 0
    lax.fori_loop(0, _NP // 16 // _CH, zacc_body, 0)
    plsc.subcore_barrier()

    coff = c * _N

    def chunk(i, acc):
        base = s * _EPT + i * _CH
        pltpu.sync_copy(src_hbm.at[pl.ds(base, _CH)], srcv)
        pltpu.sync_copy(dst_hbm.at[pl.ds(base, _CH)], dstv)

        def adj_body(k, _):
            sl = pl.ds(16 * k, 16)
            srcv[sl] = srcv[sl] + coff
            dstadj[sl] = dstv[sl] + coff
            return 0
        lax.fori_loop(0, _CH // 16, adj_body, 0)

        cp1 = pltpu.async_copy(stab_hbm.at[srcv], srows, sem1)
        cp2 = pltpu.async_copy(ttab_hbm.at[dstadj], trows, sem2)
        pltpu.sync_copy(ce_hbm.at[c, pl.ds(base, _CH)], cev)
        cp1.wait()
        cp2.wait()

        def ej(j, a):
            a = list(a)
            for q in range(4):
                sl = pl.ds(16 * q, 16)
                en = cev[j, sl] + srows[j, sl] + trows[j, sl]
                sg = 1.0 / (1.0 + jnp.exp(-en))
                if not last:
                    cev[j, sl] = en
                msgsg[j, sl] = sg * srows[j, pl.ds(64 + 16 * q, 16)]
                msgsg[j, pl.ds(64 + 16 * q, 16)] = sg
                a[q] = a[q] + en
                a[4 + q] = a[4 + q] + en * en
            return tuple(a)
        acc = lax.fori_loop(0, _CH, ej, acc)

        if not last:
            pltpu.sync_copy(cev, en_out.at[c, pl.ds(base, _CH)])
        pltpu.sync_copy(msgsg, ndacc.at[dstv], add=True)
        return acc

    acc0 = (zero,) * 8
    acc = lax.fori_loop(0, _NIT, chunk, acc0)

    for q in range(4):
        accb[pl.ds(16 * q, 16)] = acc[q]
        accb[pl.ds(64 + 16 * q, 16)] = acc[4 + q]
    pltpu.sync_copy(accb, bn_out.at[c * 16 + s])

    plsc.subcore_barrier()
    rows = _NP // 16
    pltpu.sync_copy(ndacc.at[pl.ds(s * rows, rows)],
                    nd_out.at[c, pl.ds(s * rows, rows)])


def _edge_pass(ce, stab, ttab, src, dst, last):
    f32 = jnp.float32
    mesh = plsc.VectorSubcoreMesh(core_axis_name="c", subcore_axis_name="s",
                                  num_cores=2, num_subcores=16)
    out_type = []
    if not last:
        out_type.append(jax.ShapeDtypeStruct((2, _E, 64), f32))
    out_type += [
        jax.ShapeDtypeStruct((2, _NP, _HD), f32),
        jax.ShapeDtypeStruct((32, _HD), f32),
    ]
    scratch = [
        pltpu.VMEM((_CH,), jnp.int32),
        pltpu.VMEM((_CH,), jnp.int32),
        pltpu.VMEM((_CH,), jnp.int32),
        pltpu.VMEM((_CH, _HD), f32),
        pltpu.VMEM((_CH, _HD), f32),
        pltpu.VMEM((_CH, 64), f32),
        pltpu.VMEM((_CH, _HD), f32),
        pltpu.VMEM((_HD,), f32),
        pltpu.VMEM_SHARED((_NP, _HD), f32),
        pltpu.SemaphoreType.DMA,
        pltpu.SemaphoreType.DMA,
    ]
    fn = pl.kernel(functools.partial(_sc_edge_kernel, last),
                   out_type=out_type, mesh=mesh, scratch_types=scratch,
                   interpret=_INTERPRET)
    outs = fn(ce, stab, ttab, src, dst)
    if last:
        nd, bn = outs
        return None, nd, None, None
    en, nd, bn = outs
    esum = jnp.concatenate([jnp.sum(bn[:16, :64], 0), jnp.sum(bn[16:, :64], 0)])
    esum2 = jnp.concatenate([jnp.sum(bn[:16, 64:], 0), jnp.sum(bn[16:, 64:], 0)])
    return en, nd, esum, esum2




def kernel(h, e, edge_index, params):
    f32 = jnp.float32
    src = edge_index[0]
    dst = edge_index[1]
    p = params
    row = lambda x: x.reshape(1, -1).astype(f32)
    zeros_r = jnp.zeros((1, _HD), f32)
    zeros_w = jnp.zeros((_HD, _HD), f32)
    zeros_d = jnp.zeros((2, 8, _HD), f32)

    h0 = _update_call(True, h, p['emb_h_w'], row(p['emb_h_b']),
                      jnp.zeros((8, _HD), f32), zeros_d,
                      zeros_r, zeros_r)
    ah, stab, ttab = _tables_call(
        h0,
        p['A_w'][0], row(p['A_b'][0]), p['B_w'][0], row(p['B_b'][0]),
        p['D_w'][0], row(p['D_b'][0]), p['E_w'][0], row(p['E_b'][0]))

    w_fold = (p['emb_e_w'] @ p['C_w'][0]).astype(f32)
    b_fold = row(p['emb_e_b'] @ p['C_w'][0] + p['C_b'][0])
    ze = jnp.zeros((2, _E, 64), f32)
    ce, = _edge_call(True, True, e, ze, zeros_r, zeros_r,
                     zeros_w, zeros_r, w_fold, b_fold)

    hcur = h0
    ahcur = ah
    eprev = e
    en = esum = esum2 = None
    for i in range(4):
        last = i == 3
        if i > 0:
            m = (esum / _E).reshape(1, -1)
            v = (esum2 / _E).reshape(1, -1) - m * m
            scale = row(p['bn_e_g'][i - 1]) / jnp.sqrt(v + 1e-5)
            shift = row(p['bn_e_b'][i - 1]) - m * scale
            if i == 1:
                w = p['emb_e_w'].astype(f32)
                b = row(p['emb_e_b'])
            else:
                w = zeros_w
                b = zeros_r
            outs = _edge_call(False, last, eprev, en, scale, shift,
                              w, b, p['C_w'][i], row(p['C_b'][i]))
            if last:
                ce, = outs
            else:
                ce, eprev = outs
        en, nd, esum, esum2 = _edge_pass(ce, stab, ttab, src, dst, last)
        hcur = _update_call(False, hcur, zeros_w, zeros_r, ahcur, nd,
                            row(p['bn_h_g'][i]), row(p['bn_h_b'][i]))
        if last:
            return hcur
        ah, stab, ttab = _tables_call(
            hcur,
            p['A_w'][i + 1], row(p['A_b'][i + 1]),
            p['B_w'][i + 1], row(p['B_b'][i + 1]),
            p['D_w'][i + 1], row(p['D_b'][i + 1]),
            p['E_w'][i + 1], row(p['E_b'][i + 1]))
        ahcur = ah

# --- scband reference (transcript-rebuilt; emitter-appended) ---
"""Pipeline reference for scband-gated-gcnnet-45303315038588 (READ-ONLY COPY).

The authoritative reference and input builder live on the scoring server;
editing this copy changes nothing except your own understanding.
"""

import jax, jax.numpy as jnp
import numpy as np

N = 10000
E = 320000
D_IN = 128
D_EDGE = 16
HD = 128
L = 4


def _bn(x, g, b):
    m = jnp.mean(x, axis=0)
    v = jnp.var(x, axis=0)
    return g * (x - m) / jnp.sqrt(v + 1e-5) + b


def setup_inputs(seed: int = 0) -> dict:
    key = jax.random.key(seed)
    ks = jax.random.split(key, 16)
    h = jax.random.normal(ks[0], (N, D_IN), dtype=jnp.float32)
    e = jax.random.normal(ks[1], (E, D_EDGE), dtype=jnp.float32)
    edge_index = jax.random.randint(ks[2], (2, E), 0, N, dtype=jnp.int32)
    s = 0.05
    params = {
        'emb_h_w': jax.random.normal(ks[3], (D_IN, HD), jnp.float32) * s,
        'emb_h_b': jnp.zeros((HD,), jnp.float32),
        'emb_e_w': jax.random.normal(ks[4], (D_EDGE, HD), jnp.float32) * s,
        'emb_e_b': jnp.zeros((HD,), jnp.float32),
        'A_w': jax.random.normal(ks[5], (L, HD, HD), jnp.float32) * s,
        'A_b': jnp.zeros((L, HD), jnp.float32),
        'B_w': jax.random.normal(ks[6], (L, HD, HD), jnp.float32) * s,
        'B_b': jnp.zeros((L, HD), jnp.float32),
        'C_w': jax.random.normal(ks[7], (L, HD, HD), jnp.float32) * s,
        'C_b': jnp.zeros((L, HD), jnp.float32),
        'D_w': jax.random.normal(ks[8], (L, HD, HD), jnp.float32) * s,
        'D_b': jnp.zeros((L, HD), jnp.float32),
        'E_w': jax.random.normal(ks[9], (L, HD, HD), jnp.float32) * s,
        'E_b': jnp.zeros((L, HD), jnp.float32),
        'bn_h_g': jnp.ones((L, HD), jnp.float32),
        'bn_h_b': jnp.zeros((L, HD), jnp.float32),
        'bn_e_g': jnp.ones((L, HD), jnp.float32),
        'bn_e_b': jnp.zeros((L, HD), jnp.float32),
    }
    return {'h': h, 'e': e, 'edge_index': edge_index, 'params': params}


def _forward(h, e, edge_index, params):
    src = edge_index[0]
    dst = edge_index[1]
    h = h @ params['emb_h_w'] + params['emb_h_b']
    e = e @ params['emb_e_w'] + params['emb_e_b']
    for i in range(L):
        h_in, e_in = h, e
        Ah = h @ params['A_w'][i] + params['A_b'][i]
        Bh = h @ params['B_w'][i] + params['B_b'][i]
        Dh = h @ params['D_w'][i] + params['D_b'][i]
        Eh = h @ params['E_w'][i] + params['E_b'][i]
        Ce = e @ params['C_w'][i] + params['C_b'][i]
        # message: e_ij = Ce + Dh[src] + Eh[dst]; sigma gating, scatter-add to dst
        e_new = Ce + Dh[src] + Eh[dst]
        sigma = jax.nn.sigmoid(e_new)
        num = jax.ops.segment_sum(sigma * Bh[src], dst, num_segments=N)
        den = jax.ops.segment_sum(sigma, dst, num_segments=N)
        h_new = Ah + num / (den + 1e-6)
        h_new = _bn(h_new, params['bn_h_g'][i], params['bn_h_b'][i])
        e_new2 = _bn(e_new, params['bn_e_g'][i], params['bn_e_b'][i])
        h_new = jax.nn.relu(h_new)
        e_new2 = jax.nn.relu(e_new2)
        h = h_in + h_new
        e = e_in + e_new2
    return h


def reference(h, e, edge_index, params):
    return _forward(h, e, edge_index, params)

if __name__ == "__main__":
    import jax
    _d = setup_inputs()
    print(jax.jit(kernel)(*tuple(_d.values())))

</pallas_src>

<mosaic_0001>
#map = affine_map<(d0, d1) -> (0, 0, 0)>
#map1 = affine_map<(d0, d1) -> (0, 0)>
#map2 = affine_map<(d0, d1) -> (0)>
module attributes {stable_mosaic.version = 14 : i64} {
  func.func @_sc_edge_kernel(%arg0: i32, %arg1: i32, %arg2: memref<2x320000x64xf32, #tpu.memory_space<hbm>>, %arg3: memref<20000x128xf32, #tpu.memory_space<hbm>>, %arg4: memref<20000x128xf32, #tpu.memory_space<hbm>>, %arg5: memref<320000xi32, #tpu.memory_space<hbm>>, %arg6: memref<320000xi32, #tpu.memory_space<hbm>>, %arg7: memref<2x320000x64xf32, #tpu.memory_space<hbm>>, %arg8: memref<2x10240x128xf32, #tpu.memory_space<hbm>>, %arg9: memref<32x128xf32, #tpu.memory_space<hbm>>, %arg10: memref<80xi32, #tpu.memory_space<vmem>>, %arg11: memref<80xi32, #tpu.memory_space<vmem>>, %arg12: memref<80xi32, #tpu.memory_space<vmem>>, %arg13: memref<80x128xf32, #tpu.memory_space<vmem>>, %arg14: memref<80x128xf32, #tpu.memory_space<vmem>>, %arg15: memref<80x64xf32, #tpu.memory_space<vmem>>, %arg16: memref<80x128xf32, #tpu.memory_space<vmem>>, %arg17: memref<128xf32, #tpu.memory_space<vmem>>, %arg18: memref<10240x128xf32, #tpu.memory_space<vmem_shared>>, %arg19: memref<!tpu.dma_semaphore, #tpu.memory_space<semaphore_mem>>, %arg20: memref<!tpu.dma_semaphore, #tpu.memory_space<semaphore_mem>>) attributes {dimension_semantics = [#tpu.dimension_semantics<core_parallel>, #tpu.dimension_semantics<subcore_parallel>], iteration_bounds = array<i64: 2, 16>, scalar_prefetch = 0 : i64, scratch_operands = 11 : i64, tpu.core_type = #tpu.core_type<sc_vector_subcore>, window_params = [{transform_indices = #map}, {transform_indices = #map1}, {transform_indices = #map1}, {transform_indices = #map2}, {transform_indices = #map2}, {transform_indices = #map}, {transform_indices = #map}, {transform_indices = #map1}]} {
    %broadcast_in_dim3A = arith.constant 0.000000e+00 : f32
    %broadcast_in_dim3A_0 = vector.broadcast %broadcast_in_dim3A : f32 to vector<16xf32>
    %scan3A = arith.constant 0 : i32
    %scan3A_1 = arith.constant 0 : i32
    %scan3A_2 = arith.constant 640 : i32
    %scan3A_3 = arith.addi %scan3A_1, %scan3A_2 : i32
    %scan3A_4 = arith.constant 1 : i32
    %scan3A_5 = scf.for %scan3A_59 = %scan3A_1 to %scan3A_3 step %scan3A_4 iter_args(%scan3A_60 = %scan3A) -> (i32)  : i32 {
      %jit3A = arith.constant 8 : i32
      %div3A = arith.divsi %scan3A_59, %jit3A : i32
      %sign3A = arith.constant 0 : i32
      %sign3A_61 = arith.cmpi sgt, %scan3A_59, %sign3A : i32
      %sign3A_62 = arith.extui %sign3A_61 : i1 to i32
      %sign3A_63 = arith.constant 0 : i32
      %sign3A_64 = arith.cmpi slt, %scan3A_59, %sign3A_63 : i32
      %sign3A_65 = arith.extui %sign3A_64 : i1 to i32
      %sign3A_66 = arith.subi %sign3A_62, %sign3A_65 : i32
      %sign3A_67 = arith.constant 0 : i32
      %sign3A_68 = arith.cmpi sgt, %jit3A, %sign3A_67 : i32
      %sign3A_69 = arith.extui %sign3A_68 : i1 to i32
      %sign3A_70 = arith.constant 0 : i32
      %sign3A_71 = arith.cmpi slt, %jit3A, %sign3A_70 : i32
      %sign3A_72 = arith.extui %sign3A_71 : i1 to i32
      %sign3A_73 = arith.subi %sign3A_69, %sign3A_72 : i32
      %ne3A = arith.cmpi ne, %sign3A_66, %sign3A_73 : i32
      %rem3A = arith.remsi %scan3A_59, %jit3A : i32
      %ne3A_74 = arith.constant 0 : i32
      %ne3A_75 = arith.cmpi ne, %rem3A, %ne3A_74 : i32
      %and3A = arith.andi %ne3A, %ne3A_75 : i1
      %sub3A = arith.constant 1 : i32
      %sub3A_76 = arith.subi %div3A, %sub3A : i32
      %select_n3A = arith.select %and3A, %sub3A_76, %div3A : i32
      %jit3A_77 = arith.constant 8 : i32
      %eq3A = arith.constant 0 : i32
      %eq3A_78 = arith.cmpi eq, %jit3A_77, %eq3A : i32
      %jit3A_79 = arith.constant 1 : i32
      %select_n3A_80 = arith.select %eq3A_78, %jit3A_79, %jit3A_77 : i32
      %rem3A_81 = arith.remsi %scan3A_59, %select_n3A_80 : i32
      %ne3A_82 = arith.constant 0 : i32
      %ne3A_83 = arith.cmpi ne, %rem3A_81, %ne3A_82 : i32
      %lt3A = arith.constant 0 : i32
      %lt3A_84 = arith.cmpi slt, %rem3A_81, %lt3A : i32
      %lt3A_85 = arith.constant 0 : i32
      %lt3A_86 = arith.cmpi slt, %select_n3A_80, %lt3A_85 : i32
      %ne3A_87 = arith.xori %lt3A_84, %lt3A_86 : i1
      %and3A_88 = arith.andi %ne3A_87, %ne3A_83 : i1
      %add3A_89 = arith.addi %rem3A_81, %select_n3A_80 : i32
      %select_n3A_90 = arith.select %and3A_88, %add3A_89, %rem3A_81 : i32
      %mul3A_91 = arith.constant 16 : i32
      %mul3A_92 = arith.muli %mul3A_91, %select_n3A_90 : i32
      %swap3A_93 = arith.index_cast %select_n3A : i32 to index
      %swap3A_94 = arith.index_cast %mul3A_92 : i32 to index
      %swap3A_95 = tpu.vector_load %arg16[%swap3A_93, %swap3A_94] {strides = array<i32>} : memref<80x128xf32, #tpu.memory_space<vmem>>, vector<1x16xf32>,
      %swap3A_96 = vector.shape_cast %swap3A_95 : vector<1x16xf32> to vector<16xf32>
      %swap3A_97 = vector.shape_cast %broadcast_in_dim3A_0 : vector<16xf32> to vector<1x16xf32>
      tpu.vector_store %arg16[%swap3A_93, %swap3A_94], %swap3A_97 {strides = array<i32>} : memref<80x128xf32, #tpu.memory_space<vmem>>, vector<1x16xf32>,
      %scan3A_98 = arith.constant 0 : i32
      scf.yield %scan3A_98 : i32
    }
    %scan3A_6 = arith.constant 640 : i32
    %scan3A_7 = arith.constant 0 : i32
    %scan3A_8 = arith.constant 0 : i32
    %scan3A_9 = arith.constant 8 : i32
    %scan3A_10 = arith.addi %scan3A_8, %scan3A_9 : i32
    %scan3A_11 = arith.constant 1 : i32
    %scan3A_12 = scf.for %scan3A_59 = %scan3A_8 to %scan3A_10 step %scan3A_11 iter_args(%scan3A_60 = %scan3A_7) -> (i32)  : i32 {
      %mul3A_61 = arith.constant 640 : i32
      %mul3A_62 = arith.muli %arg1, %mul3A_61 : i32
      %mul3A_63 = arith.constant 80 : i32
      %mul3A_64 = arith.muli %scan3A_59, %mul3A_63 : i32
      %add3A_65 = arith.addi %mul3A_62, %mul3A_64 : i32
      "tpu.region"() ({
        %run_scoped3A = tpu.sem_alloc : memref<!tpu.dma_semaphore, #tpu.memory_space<semaphore_mem>>
        %dma_start3A = arith.constant 0 : i32
        %dma_start3A_67 = tpu.memref_slice %arg18[%add3A_65, %dma_start3A] : memref<10240x128xf32, #tpu.memory_space<vmem_shared>> -> memref<80x128xf32, #tpu.memory_space<vmem_shared>>
        %dma_start3A_68 = arith.constant 0 : i32
        %dma_start3A_69 = tpu.memref_slice %arg18[%add3A_65, %dma_start3A_68] : memref<10240x128xf32, #tpu.memory_space<vmem_shared>> -> memref<80x128xf32, #tpu.memory_space<vmem_shared>>
        tpu.enqueue_dma source(%arg16 : memref<80x128xf32, #tpu.memory_space<vmem>>) target(%dma_start3A_69 : memref<80x128xf32, #tpu.memory_space<vmem_shared>>) target_semaphore(%run_scoped3A : memref<!tpu.dma_semaphore, #tpu.memory_space<semaphore_mem>>)
        %dma_wait3A = arith.constant 0 : i32
        %dma_wait3A_70 = tpu.memref_slice %arg18[%add3A_65, %dma_wait3A] : memref<10240x128xf32, #tpu.memory_space<vmem_shared>> -> memref<80x128xf32, #tpu.memory_space<vmem_shared>>
        %dma_wait3A_71 = arith.constant 0 : i32
        %dma_wait3A_72 = tpu.memref_slice %arg18[%add3A_65, %dma_wait3A_71] : memref<10240x128xf32, #tpu.memory_space<vmem_shared>> -> memref<80x128xf32, #tpu.memory_space<vmem_shared>>
        tpu.wait_dma2 semaphore(%run_scoped3A : memref<!tpu.dma_semaphore, #tpu.memory_space<semaphore_mem>>) src(%arg16 : memref<80x128xf32, #tpu.memory_space<vmem>>) dst(%dma_wait3A_72 : memref<80x128xf32, #tpu.memory_space<vmem_shared>>)
        tpu.yield
      }) : () -> ()
      %scan3A_66 = arith.constant 0 : i32
      scf.yield %scan3A_66 : i32
    }
    %scan3A_13 = arith.constant 8 : i32
    %barrier3A = arith.constant 0 : index
    tpu.barrier barrier_id(%barrier3A)
    %mul3A = arith.constant 10000 : i32
    %mul3A_14 = arith.muli %arg0, %mul3A : i32
    %scan3A_15 = arith.constant 0 : i32
    %scan3A_16 = arith.constant 250 : i32
    %scan3A_17 = arith.addi %scan3A_15, %scan3A_16 : i32
    %scan3A_18 = arith.constant 1 : i32
    %scan3A_19:8 = scf.for %scan3A_59 = %scan3A_15 to %scan3A_17 step %scan3A_18 iter_args(%scan3A_60 = %broadcast_in_dim3A_0, %scan3A_61 = %broadcast_in_dim3A_0, %scan3A_62 = %broadcast_in_dim3A_0, %scan3A_63 = %broadcast_in_dim3A_0, %scan3A_64 = %broadcast_in_dim3A_0, %scan3A_65 = %broadcast_in_dim3A_0, %scan3A_66 = %broadcast_in_dim3A_0, %scan3A_67 = %broadcast_in_dim3A_0) -> (vector<16xf32>, vector<16xf32>, vector<16xf32>, vector<16xf32>, vector<16xf32>, vector<16xf32>, vector<16xf32>, vector<16xf32>)  : i32 {
      %mul3A_68 = arith.constant 20000 : i32
      %mul3A_69 = arith.muli %arg1, %mul3A_68 : i32
      %mul3A_70 = arith.constant 80 : i32
      %mul3A_71 = arith.muli %scan3A_59, %mul3A_70 : i32
      %add3A_72 = arith.addi %mul3A_69, %mul3A_71 : i32
      "tpu.region"() ({
        %run_scoped3A = tpu.sem_alloc : memref<!tpu.dma_semaphore, #tpu.memory_space<semaphore_mem>>
        %dma_start3A_96 = tpu.memref_slice %arg5[%add3A_72] : memref<320000xi32, #tpu.memory_space<hbm>> -> memref<80xi32, #tpu.memory_space<hbm>>
        %dma_start3A_97 = tpu.memref_slice %arg5[%add3A_72] : memref<320000xi32, #tpu.memory_space<hbm>> -> memref<80xi32, #tpu.memory_space<hbm>>
        tpu.enqueue_dma source(%dma_start3A_97 : memref<80xi32, #tpu.memory_space<hbm>>) target(%arg10 : memref<80xi32, #tpu.memory_space<vmem>>) target_semaphore(%run_scoped3A : memref<!tpu.dma_semaphore, #tpu.memory_space<semaphore_mem>>)
        %dma_wait3A_98 = tpu.memref_slice %arg5[%add3A_72] : memref<320000xi32, #tpu.memory_space<hbm>> -> memref<80xi32, #tpu.memory_space<hbm>>
        %dma_wait3A_99 = tpu.memref_slice %arg5[%add3A_72] : memref<320000xi32, #tpu.memory_space<hbm>> -> memref<80xi32, #tpu.memory_space<hbm>>
        tpu.wait_dma2 semaphore(%run_scoped3A : memref<!tpu.dma_semaphore, #tpu.memory_space<semaphore_mem>>) src(%dma_wait3A_99 : memref<80xi32, #tpu.memory_space<hbm>>) dst(%arg10 : memref<80xi32, #tpu.memory_space<vmem>>)
        tpu.yield
      }) : () -> ()
      "tpu.region"() ({
        %run_scoped3A = tpu.sem_alloc : memref<!tpu.dma_semaphore, #tpu.memory_space<semaphore_mem>>
        %dma_start3A_96 = tpu.memref_slice %arg6[%add3A_72] : memref<320000xi32, #tpu.memory_space<hbm>> -> memref<80xi32, #tpu.memory_space<hbm>>
        %dma_start3A_97 = tpu.memref_slice %arg6[%add3A_72] : memref<320000xi32, #tpu.memory_space<hbm>> -> memref<80xi32, #tpu.memory_space<hbm>>
        tpu.enqueue_dma source(%dma_start3A_97 : memref<80xi32, #tpu.memory_space<hbm>>) target(%arg11 : memref<80xi32, #tpu.memory_space<vmem>>) target_semaphore(%run_scoped3A : memref<!tpu.dma_semaphore, #tpu.memory_space<semaphore_mem>>)
        %dma_wait3A_98 = tpu.memref_slice %arg6[%add3A_72] : memref<320000xi32, #tpu.memory_space<hbm>> -> memref<80xi32, #tpu.memory_space<hbm>>
        %dma_wait3A_99 = tpu.memref_slice %arg6[%add3A_72] : memref<320000xi32, #tpu.memory_space<hbm>> -> memref<80xi32, #tpu.memory_space<hbm>>
        tpu.wait_dma2 semaphore(%run_scoped3A : memref<!tpu.dma_semaphore, #tpu.memory_space<semaphore_mem>>) src(%dma_wait3A_99 : memref<80xi32, #tpu.memory_space<hbm>>) dst(%arg11 : memref<80xi32, #tpu.memory_space<vmem>>)
        tpu.yield
      }) : () -> ()
      %scan3A_73 = arith.constant 0 : i32
      %scan3A_74 = arith.constant 0 : i32
      %scan3A_75 = arith.constant 5 : i32
      %scan3A_76 = arith.addi %scan3A_74, %scan3A_75 : i32
      %scan3A_77 = arith.constant 1 : i32
      %scan3A_78 = scf.for %scan3A_96 = %scan3A_74 to %scan3A_76 step %scan3A_77 iter_args(%scan3A_97 = %scan3A_73) -> (i32)  : i32 {
        %mul3A_98 = arith.constant 16 : i32
        %mul3A_99 = arith.muli %mul3A_98, %scan3A_96 : i32
        %get3A = arith.index_cast %mul3A_99 : i32 to index
        %get3A_100 = tpu.vector_load %arg10[%get3A] {strides = array<i32>} : memref<80xi32, #tpu.memory_space<vmem>>, vector<16xi32>,
        %get3A_101 = vector.shape_cast %get3A_100 : vector<16xi32> to vector<16xi32>
        %add3A_102 = vector.broadcast %mul3A_14 : i32 to vector<16xi32>
        %add3A_103 = arith.addi %get3A_101, %add3A_102 : vector<16xi32>
        %swap3A_104 = arith.index_cast %mul3A_99 : i32 to index
        %swap3A_105 = tpu.vector_load %arg10[%swap3A_104] {strides = array<i32>} : memref<80xi32, #tpu.memory_space<vmem>>, vector<16xi32>,
        %swap3A_106 = vector.shape_cast %swap3A_105 : vector<16xi32> to vector<16xi32>
        %swap3A_107 = vector.shape_cast %add3A_103 : vector<16xi32> to vector<16xi32>
        tpu.vector_store %arg10[%swap3A_104], %swap3A_107 {strides = array<i32>} : memref<80xi32, #tpu.memory_space<vmem>>, vector<16xi32>,
        %get3A_108 = arith.index_cast %mul3A_99 : i32 to index
        %get3A_109 = tpu.vector_load %arg11[%get3A_108] {strides = array<i32>} : memref<80xi32, #tpu.memory_space<vmem>>, vector<16xi32>,
        %get3A_110 = vector.shape_cast %get3A_109 : vector<16xi32> to vector<16xi32>
        %add3A_111 = vector.broadcast %mul3A_14 : i32 to vector<16xi32>
        %add3A_112 = arith.addi %get3A_110, %add3A_111 : vector<16xi32>
        %swap3A_113 = arith.index_cast %mul3A_99 : i32 to index
        %swap3A_114 = tpu.vector_load %arg12[%swap3A_113] {strides = array<i32>} : memref<80xi32, #tpu.memory_space<vmem>>, vector<16xi32>,
        %swap3A_115 = vector.shape_cast %swap3A_114 : vector<16xi32> to vector<16xi32>
        %swap3A_116 = vector.shape_cast %add3A_112 : vector<16xi32> to vector<16xi32>
        tpu.vector_store %arg12[%swap3A_113], %swap3A_116 {strides = array<i32>} : memref<80xi32, #tpu.memory_space<vmem>>, vector<16xi32>,
        %scan3A_117 = arith.constant 0 : i32
        scf.yield %scan3A_117 : i32
      }
      %scan3A_79 = arith.constant 5 : i32
      %dma_start3A = arith.constant 0 : i32
      %dma_start3A_80 = arith.constant 0 : i32
      %dma_start3A_81 = tpu.memref_slice %arg3[%dma_start3A, %dma_start3A_80] : memref<20000x128xf32, #tpu.memory_space<hbm>> -> memref<20000x128xf32, #tpu.memory_space<hbm>>
      tpu.enqueue_indirect_dma source(%dma_start3A_81 : memref<20000x128xf32, #tpu.memory_space<hbm>>) target(%arg13 : memref<80x128xf32, #tpu.memory_space<vmem>>) offsets(%arg10 : memref<80xi32, #tpu.memory_space<vmem>>) semaphore(%arg19 : memref<!tpu.dma_semaphore, #tpu.memory_space<semaphore_mem>>)
      %dma_start3A_82 = arith.constant 0 : i32
      %dma_start3A_83 = arith.constant 0 : i32
      %dma_start3A_84 = tpu.memref_slice %arg4[%dma_start3A_82, %dma_start3A_83] : memref<20000x128xf32, #tpu.memory_space<hbm>> -> memref<20000x128xf32, #tpu.memory_space<hbm>>
      tpu.enqueue_indirect_dma source(%dma_start3A_84 : memref<20000x128xf32, #tpu.memory_space<hbm>>) target(%arg14 : memref<80x128xf32, #tpu.memory_space<vmem>>) offsets(%arg12 : memref<80xi32, #tpu.memory_space<vmem>>) semaphore(%arg20 : memref<!tpu.dma_semaphore, #tpu.memory_space<semaphore_mem>>)
      "tpu.region"() ({
        %run_scoped3A = tpu.sem_alloc : memref<!tpu.dma_semaphore, #tpu.memory_space<semaphore_mem>>
        %dma_start3A_96 = arith.constant 0 : i32
        %dma_start3A_97 = tpu.memref_slice %arg2[%arg0, %add3A_72, %dma_start3A_96] : memref<2x320000x64xf32, #tpu.memory_space<hbm>> -> memref<1x80x64xf32, #tpu.memory_space<hbm>>
        %dma_start3A_98 = tpu.memref_squeeze %dma_start3A_97 : memref<1x80x64xf32, #tpu.memory_space<hbm>> -> memref<80x64xf32, #tpu.memory_space<hbm>>
        %dma_start3A_99 = arith.constant 0 : i32
        %dma_start3A_100 = tpu.memref_slice %arg2[%arg0, %add3A_72, %dma_start3A_99] : memref<2x320000x64xf32, #tpu.memory_space<hbm>> -> memref<1x80x64xf32, #tpu.memory_space<hbm>>
        %dma_start3A_101 = tpu.memref_squeeze %dma_start3A_100 : memref<1x80x64xf32, #tpu.memory_space<hbm>> -> memref<80x64xf32, #tpu.memory_space<hbm>>
        tpu.enqueue_dma source(%dma_start3A_101 : memref<80x64xf32, #tpu.memory_space<hbm>>) target(%arg15 : memref<80x64xf32, #tpu.memory_space<vmem>>) target_semaphore(%run_scoped3A : memref<!tpu.dma_semaphore, #tpu.memory_space<semaphore_mem>>)
        %dma_wait3A_102 = arith.constant 0 : i32
        %dma_wait3A_103 = tpu.memref_slice %arg2[%arg0, %add3A_72, %dma_wait3A_102] : memref<2x320000x64xf32, #tpu.memory_space<hbm>> -> memref<1x80x64xf32, #tpu.memory_space<hbm>>
        %dma_wait3A_104 = tpu.memref_squeeze %dma_wait3A_103 : memref<1x80x64xf32, #tpu.memory_space<hbm>> -> memref<80x64xf32, #tpu.memory_space<hbm>>
        %dma_wait3A_105 = arith.constant 0 : i32
        %dma_wait3A_106 = tpu.memref_slice %arg2[%arg0, %add3A_72, %dma_wait3A_105] : memref<2x320000x64xf32, #tpu.memory_space<hbm>> -> memref<1x80x64xf32, #tpu.memory_space<hbm>>
        %dma_wait3A_107 = tpu.memref_squeeze %dma_wait3A_106 : memref<1x80x64xf32, #tpu.memory_space<hbm>> -> memref<80x64xf32, #tpu.memory_space<hbm>>
        tpu.wait_dma2 semaphore(%run_scoped3A : memref<!tpu.dma_semaphore, #tpu.memory_space<semaphore_mem>>) src(%dma_wait3A_107 : memref<80x64xf32, #tpu.memory_space<hbm>>) dst(%arg15 : memref<80x64xf32, #tpu.memory_space<vmem>>)
        tpu.yield
      }) : () -> ()
      %dma_wait3A = arith.constant 0 : i32
      %dma_wait3A_85 = arith.constant 0 : i32
      %dma_wait3A_86 = tpu.memref_slice %arg3[%dma_wait3A, %dma_wait3A_85] : memref<20000x128xf32, #tpu.memory_space<hbm>> -> memref<20000x128xf32, #tpu.memory_space<hbm>>
      tpu.wait_indirect_dma semaphore(%arg19 : memref<!tpu.dma_semaphore, #tpu.memory_space<semaphore_mem>>) src(%dma_wait3A_86 : memref<20000x128xf32, #tpu.memory_space<hbm>>) dst(%arg13 : memref<80x128xf32, #tpu.memory_space<vmem>>)
      %dma_wait3A_87 = arith.constant 0 : i32
      %dma_wait3A_88 = arith.constant 0 : i32
      %dma_wait3A_89 = tpu.memref_slice %arg4[%dma_wait3A_87, %dma_wait3A_88] : memref<20000x128xf32, #tpu.memory_space<hbm>> -> memref<20000x128xf32, #tpu.memory_space<hbm>>
      tpu.wait_indirect_dma semaphore(%arg20 : memref<!tpu.dma_semaphore, #tpu.memory_space<semaphore_mem>>) src(%dma_wait3A_89 : memref<20000x128xf32, #tpu.memory_space<hbm>>) dst(%arg14 : memref<80x128xf32, #tpu.memory_space<vmem>>)
      %scan3A_90 = arith.constant 0 : i32
      %scan3A_91 = arith.constant 80 : i32
      %scan3A_92 = arith.addi %scan3A_90, %scan3A_91 : i32
      %scan3A_93 = arith.constant 1 : i32
      %scan3A_94:8 = scf.for %scan3A_96 = %scan3A_90 to %scan3A_92 step %scan3A_93 iter_args(%scan3A_97 = %scan3A_60, %scan3A_98 = %scan3A_61, %scan3A_99 = %scan3A_62, %scan3A_100 = %scan3A_63, %scan3A_101 = %scan3A_64, %scan3A_102 = %scan3A_65, %scan3A_103 = %scan3A_66, %scan3A_104 = %scan3A_67) -> (vector<16xf32>, vector<16xf32>, vector<16xf32>, vector<16xf32>, vector<16xf32>, vector<16xf32>, vector<16xf32>, vector<16xf32>)  : i32 {
        %get3A = arith.index_cast %scan3A_96 : i32 to index
        %get3A_105 = arith.constant 0 : index
        %get3A_106 = tpu.vector_load %arg15[%get3A, %get3A_105] {strides = array<i32>} : memref<80x64xf32, #tpu.memory_space<vmem>>, vector<1x16xf32>,
        %get3A_107 = vector.shape_cast %get3A_106 : vector<1x16xf32> to vector<16xf32>
        %get3A_108 = arith.index_cast %scan3A_96 : i32 to index
        %get3A_109 = arith.constant 0 : index
        %get3A_110 = tpu.vector_load %arg13[%get3A_108, %get3A_109] {strides = array<i32>} : memref<80x128xf32, #tpu.memory_space<vmem>>, vector<1x16xf32>,
        %get3A_111 = vector.shape_cast %get3A_110 : vector<1x16xf32> to vector<16xf32>
        %add3A_112 = arith.addf %get3A_107, %get3A_111 : vector<16xf32>
        %get3A_113 = arith.index_cast %scan3A_96 : i32 to index
        %get3A_114 = arith.constant 0 : index
        %get3A_115 = tpu.vector_load %arg14[%get3A_113, %get3A_114] {strides = array<i32>} : memref<80x128xf32, #tpu.memory_space<vmem>>, vector<1x16xf32>,
        %get3A_116 = vector.shape_cast %get3A_115 : vector<1x16xf32> to vector<16xf32>
        %add3A_117 = arith.addf %add3A_112, %get3A_116 : vector<16xf32>
        %neg3A = arith.constant 0.000000e+00 : f32
        %neg3A_118 = vector.broadcast %neg3A : f32 to vector<16xf32>
        %neg3A_119 = arith.subf %neg3A_118, %add3A_117 : vector<16xf32>
        %exp3A = math.exp %neg3A_119 : vector<16xf32>
        %add3A_120 = arith.constant 1.000000e+00 : f32
        %add3A_121 = vector.broadcast %add3A_120 : f32 to vector<16xf32>
        %add3A_122 = arith.addf %add3A_121, %exp3A : vector<16xf32>
        %div3A = arith.constant 1.000000e+00 : f32
        %div3A_123 = vector.broadcast %div3A : f32 to vector<16xf32>
        %div3A_124 = arith.divf %div3A_123, %add3A_122 : vector<16xf32>
        %swap3A_125 = arith.index_cast %scan3A_96 : i32 to index
        %swap3A_126 = arith.constant 0 : index
        %swap3A_127 = tpu.vector_load %arg15[%swap3A_125, %swap3A_126] {strides = array<i32>} : memref<80x64xf32, #tpu.memory_space<vmem>>, vector<1x16xf32>,
        %swap3A_128 = vector.shape_cast %swap3A_127 : vector<1x16xf32> to vector<16xf32>
        %swap3A_129 = vector.shape_cast %add3A_117 : vector<16xf32> to vector<1x16xf32>
        tpu.vector_store %arg15[%swap3A_125, %swap3A_126], %swap3A_129 {strides = array<i32>} : memref<80x64xf32, #tpu.memory_space<vmem>>, vector<1x16xf32>,
        %get3A_130 = arith.index_cast %scan3A_96 : i32 to index
        %get3A_131 = arith.constant 64 : index
        %get3A_132 = tpu.vector_load %arg13[%get3A_130, %get3A_131] {strides = array<i32>} : memref<80x128xf32, #tpu.memory_space<vmem>>, vector<1x16xf32>,
        %get3A_133 = vector.shape_cast %get3A_132 : vector<1x16xf32> to vector<16xf32>
        %mul3A_134 = arith.mulf %div3A_124, %get3A_133 : vector<16xf32>
        %swap3A_135 = arith.index_cast %scan3A_96 : i32 to index
        %swap3A_136 = arith.constant 0 : index
        %swap3A_137 = tpu.vector_load %arg16[%swap3A_135, %swap3A_136] {strides = array<i32>} : memref<80x128xf32, #tpu.memory_space<vmem>>, vector<1x16xf32>,
        %swap3A_138 = vector.shape_cast %swap3A_137 : vector<1x16xf32> to vector<16xf32>
        %swap3A_139 = vector.shape_cast %mul3A_134 : vector<16xf32> to vector<1x16xf32>
        tpu.vector_store %arg16[%swap3A_135, %swap3A_136], %swap3A_139 {strides = array<i32>} : memref<80x128xf32, #tpu.memory_space<vmem>>, vector<1x16xf32>,
        %swap3A_140 = arith.index_cast %scan3A_96 : i32 to index
        %swap3A_141 = arith.constant 64 : index
        %swap3A_142 = tpu.vector_load %arg16[%swap3A_140, %swap3A_141] {strides = array<i32>} : memref<80x128xf32, #tpu.memory_space<vmem>>, vector<1x16xf32>,
        %swap3A_143 = vector.shape_cast %swap3A_142 : vector<1x16xf32> to vector<16xf32>
        %swap3A_144 = vector.shape_cast %div3A_124 : vector<16xf32> to vector<1x16xf32>
        tpu.vector_store %arg16[%swap3A_140, %swap3A_141], %swap3A_144 {strides = array<i32>} : memref<80x128xf32, #tpu.memory_space<vmem>>, vector<1x16xf32>,
        %add3A_145 = arith.addf %scan3A_97, %add3A_117 : vector<16xf32>
        %mul3A_146 = arith.mulf %add3A_117, %add3A_117 : vector<16xf32>
        %add3A_147 = arith.addf %scan3A_101, %mul3A_146 : vector<16xf32>
        %get3A_148 = arith.index_cast %scan3A_96 : i32 to index
        %get3A_149 = arith.constant 16 : index
        %get3A_150 = tpu.vector_load %arg15[%get3A_148, %get3A_149] {strides = array<i32>} : memref<80x64xf32, #tpu.memory_space<vmem>>, vector<1x16xf32>,
        %get3A_151 = vector.shape_cast %get3A_150 : vector<1x16xf32> to vector<16xf32>
        %get3A_152 = arith.index_cast %scan3A_96 : i32 to index
        %get3A_153 = arith.constant 16 : index
        %get3A_154 = tpu.vector_load %arg13[%get3A_152, %get3A_153] {strides = array<i32>} : memref<80x128xf32, #tpu.memory_space<vmem>>, vector<1x16xf32>,
        %get3A_155 = vector.shape_cast %get3A_154 : vector<1x16xf32> to vector<16xf32>
        %add3A_156 = arith.addf %get3A_151, %get3A_155 : vector<16xf32>
        %get3A_157 = arith.index_cast %scan3A_96 : i32 to index
        %get3A_158 = arith.constant 16 : index
        %get3A_159 = tpu.vector_load %arg14[%get3A_157, %get3A_158] {strides = array<i32>} : memref<80x128xf32, #tpu.memory_space<vmem>>, vector<1x16xf32>,
        %get3A_160 = vector.shape_cast %get3A_159 : vector<1x16xf32> to vector<16xf32>
        %add3A_161 = arith.addf %add3A_156, %get3A_160 : vector<16xf32>
        %neg3A_162 = arith.constant 0.000000e+00 : f32
        %neg3A_163 = vector.broadcast %neg3A_162 : f32 to vector<16xf32>
        %neg3A_164 = arith.subf %neg3A_163, %add3A_161 : vector<16xf32>
        %exp3A_165 = math.exp %neg3A_164 : vector<16xf32>
        %add3A_166 = arith.constant 1.000000e+00 : f32
        %add3A_167 = vector.broadcast %add3A_166 : f32 to vector<16xf32>
        %add3A_168 = arith.addf %add3A_167, %exp3A_165 : vector<16xf32>
        %div3A_169 = arith.constant 1.000000e+00 : f32
        %div3A_170 = vector.broadcast %div3A_169 : f32 to vector<16xf32>
        %div3A_171 = arith.divf %div3A_170, %add3A_168 : vector<16xf32>
        %swap3A_172 = arith.index_cast %scan3A_96 : i32 to index
        %swap3A_173 = arith.constant 16 : index
        %swap3A_174 = tpu.vector_load %arg15[%swap3A_172, %swap3A_173] {strides = array<i32>} : memref<80x64xf32, #tpu.memory_space<vmem>>, vector<1x16xf32>,
        %swap3A_175 = vector.shape_cast %swap3A_174 : vector<1x16xf32> to vector<16xf32>
        %swap3A_176 = vector.shape_cast %add3A_161 : vector<16xf32> to vector<1x16xf32>
        tpu.vector_store %arg15[%swap3A_172, %swap3A_173], %swap3A_176 {strides = array<i32>} : memref<80x64xf32, #tpu.memory_space<vmem>>, vector<1x16xf32>,
        %get3A_177 = arith.index_cast %scan3A_96 : i32 to index
        %get3A_178 = arith.constant 80 : index
        %get3A_179 = tpu.vector_load %arg13[%get3A_177, %get3A_178] {strides = array<i32>} : memref<80x128xf32, #tpu.memory_space<vmem>>, vector<1x16xf32>,
        %get3A_180 = vector.shape_cast %get3A_179 : vector<1x16xf32> to vector<16xf32>
        %mul3A_181 = arith.mulf %div3A_171, %get3A_180 : vector<16xf32>
        %swap3A_182 = arith.index_cast %scan3A_96 : i32 to index
        %swap3A_183 = arith.constant 16 : index
        %swap3A_184 = tpu.vector_load %arg16[%swap3A_182, %swap3A_183] {strides = array<i32>} : memref<80x128xf32, #tpu.memory_space<vmem>>, vector<1x16xf32>,
        %swap3A_185 = vector.shape_cast %swap3A_184 : vector<1x16xf32> to vector<16xf32>
        %swap3A_186 = vector.shape_cast %mul3A_181 : vector<16xf32> to vector<1x16xf32>
        tpu.vector_store %arg16[%swap3A_182, %swap3A_183], %swap3A_186 {strides = array<i32>} : memref<80x128xf32, #tpu.memory_space<vmem>>, vector<1x16xf32>,
        %swap3A_187 = arith.index_cast %scan3A_96 : i32 to index
        %swap3A_188 = arith.constant 80 : index
        %swap3A_189 = tpu.vector_load %arg16[%swap3A_187, %swap3A_188] {strides = array<i32>} : memref<80x128xf32, #tpu.memory_space<vmem>>, vector<1x16xf32>,
        %swap3A_190 = vector.shape_cast %swap3A_189 : vector<1x16xf32> to vector<16xf32>
        %swap3A_191 = vector.shape_cast %div3A_171 : vector<16xf32> to vector<1x16xf32>
        tpu.vector_store %arg16[%swap3A_187, %swap3A_188], %swap3A_191 {strides = array<i32>} : memref<80x128xf32, #tpu.memory_space<vmem>>, vector<1x16xf32>,
        %add3A_192 = arith.addf %scan3A_98, %add3A_161 : vector<16xf32>
        %mul3A_193 = arith.mulf %add3A_161, %add3A_161 : vector<16xf32>
        %add3A_194 = arith.addf %scan3A_102, %mul3A_193 : vector<16xf32>
        %get3A_195 = arith.index_cast %scan3A_96 : i32 to index
        %get3A_196 = arith.constant 32 : index
        %get3A_197 = tpu.vector_load %arg15[%get3A_195, %get3A_196] {strides = array<i32>} : memref<80x64xf32, #tpu.memory_space<vmem>>, vector<1x16xf32>,
        %get3A_198 = vector.shape_cast %get3A_197 : vector<1x16xf32> to vector<16xf32>
        %get3A_199 = arith.index_cast %scan3A_96 : i32 to index
        %get3A_200 = arith.constant 32 : index
        %get3A_201 = tpu.vector_load %arg13[%get3A_199, %get3A_200] {strides = array<i32>} : memref<80x128xf32, #tpu.memory_space<vmem>>, vector<1x16xf32>,
        %get3A_202 = vector.shape_cast %get3A_201 : vector<1x16xf32> to vector<16xf32>
        %add3A_203 = arith.addf %get3A_198, %get3A_202 : vector<16xf32>
        %get3A_204 = arith.index_cast %scan3A_96 : i32 to index
        %get3A_205 = arith.constant 32 : index
        %get3A_206 = tpu.vector_load %arg14[%get3A_204, %get3A_205] {strides = array<i32>} : memref<80x128xf32, #tpu.memory_space<vmem>>, vector<1x16xf32>,
        %get3A_207 = vector.shape_cast %get3A_206 : vector<1x16xf32> to vector<16xf32>
        %add3A_208 = arith.addf %add3A_203, %get3A_207 : vector<16xf32>
        %neg3A_209 = arith.constant 0.000000e+00 : f32
        %neg3A_210 = vector.broadcast %neg3A_209 : f32 to vector<16xf32>
        %neg3A_211 = arith.subf %neg3A_210, %add3A_208 : vector<16xf32>
        %exp3A_212 = math.exp %neg3A_211 : vector<16xf32>
        %add3A_213 = arith.constant 1.000000e+00 : f32
        %add3A_214 = vector.broadcast %add3A_213 : f32 to vector<16xf32>
        %add3A_215 = arith.addf %add3A_214, %exp3A_212 : vector<16xf32>
        %div3A_216 = arith.constant 1.000000e+00 : f32
        %div3A_217 = vector.broadcast %div3A_216 : f32 to vector<16xf32>
        %div3A_218 = arith.divf %div3A_217, %add3A_215 : vector<16xf32>
        %swap3A_219 = arith.index_cast %scan3A_96 : i32 to index
        %swap3A_220 = arith.constant 32 : index
        %swap3A_221 = tpu.vector_load %arg15[%swap3A_219, %swap3A_220] {strides = array<i32>} : memref<80x64xf32, #tpu.memory_space<vmem>>, vector<1x16xf32>,
        %swap3A_222 = vector.shape_cast %swap3A_221 : vector<1x16xf32> to vector<16xf32>
        %swap3A_223 = vector.shape_cast %add3A_208 : vector<16xf32> to vector<1x16xf32>
        tpu.vector_store %arg15[%swap3A_219, %swap3A_220], %swap3A_223 {strides = array<i32>} : memref<80x64xf32, #tpu.memory_space<vmem>>, vector<1x16xf32>,
        %get3A_224 = arith.index_cast %scan3A_96 : i32 to index
        %get3A_225 = arith.constant 96 : index
        %get3A_226 = tpu.vector_load %arg13[%get3A_224, %get3A_225] {strides = array<i32>} : memref<80x128xf32, #tpu.memory_space<vmem>>, vector<1x16xf32>,
        %get3A_227 = vector.shape_cast %get3A_226 : vector<1x16xf32> to vector<16xf32>
        %mul3A_228 = arith.mulf %div3A_218, %get3A_227 : vector<16xf32>
        %swap3A_229 = arith.index_cast %scan3A_96 : i32 to index
        %swap3A_230 = arith.constant 32 : index
        %swap3A_231 = tpu.vector_load %arg16[%swap3A_229, %swap3A_230] {strides = array<i32>} : memref<80x128xf32, #tpu.memory_space<vmem>>, vector<1x16xf32>,
        %swap3A_232 = vector.shape_cast %swap3A_231 : vector<1x16xf32> to vector<16xf32>
        %swap3A_233 = vector.shape_cast %mul3A_228 : vector<16xf32> to vector<1x16xf32>
        tpu.vector_store %arg16[%swap3A_229, %swap3A_230], %swap3A_233 {strides = array<i32>} : memref<80x128xf32, #tpu.memory_space<vmem>>, vector<1x16xf32>,
        %swap3A_234 = arith.index_cast %scan3A_96 : i32 to index
        %swap3A_235 = arith.constant 96 : index
        %swap3A_236 = tpu.vector_load %arg16[%swap3A_234, %swap3A_235] {strides = array<i32>} : memref<80x128xf32, #tpu.memory_space<vmem>>, vector<1x16xf32>,
        %swap3A_237 = vector.shape_cast %swap3A_236 : vector<1x16xf32> to vector<16xf32>
        %swap3A_238 = vector.shape_cast %div3A_218 : vector<16xf32> to vector<1x16xf32>
        tpu.vector_store %arg16[%swap3A_234, %swap3A_235], %swap3A_238 {strides = array<i32>} : memref<80x128xf32, #tpu.memory_space<vmem>>, vector<1x16xf32>,
        %add3A_239 = arith.addf %scan3A_99, %add3A_208 : vector<16xf32>
        %mul3A_240 = arith.mulf %add3A_208, %add3A_208 : vector<16xf32>
        %add3A_241 = arith.addf %scan3A_103, %mul3A_240 : vector<16xf32>
        %get3A_242 = arith.index_cast %scan3A_96 : i32 to index
        %get3A_243 = arith.constant 48 : index
        %get3A_244 = tpu.vector_load %arg15[%get3A_242, %get3A_243] {strides = array<i32>} : memref<80x64xf32, #tpu.memory_space<vmem>>, vector<1x16xf32>,
        %get3A_245 = vector.shape_cast %get3A_244 : vector<1x16xf32> to vector<16xf32>
        %get3A_246 = arith.index_cast %scan3A_96 : i32 to index
        %get3A_247 = arith.constant 48 : index
        %get3A_248 = tpu.vector_load %arg13[%get3A_246, %get3A_247] {strides = array<i32>} : memref<80x128xf32, #tpu.memory_space<vmem>>, vector<1x16xf32>,
        %get3A_249 = vector.shape_cast %get3A_248 : vector<1x16xf32> to vector<16xf32>
        %add3A_250 = arith.addf %get3A_245, %get3A_249 : vector<16xf32>
        %get3A_251 = arith.index_cast %scan3A_96 : i32 to index
        %get3A_252 = arith.constant 48 : index
        %get3A_253 = tpu.vector_load %arg14[%get3A_251, %get3A_252] {strides = array<i32>} : memref<80x128xf32, #tpu.memory_space<vmem>>, vector<1x16xf32>,
        %get3A_254 = vector.shape_cast %get3A_253 : vector<1x16xf32> to vector<16xf32>
        %add3A_255 = arith.addf %add3A_250, %get3A_254 : vector<16xf32>
        %neg3A_256 = arith.constant 0.000000e+00 : f32
        %neg3A_257 = vector.broadcast %neg3A_256 : f32 to vector<16xf32>
        %neg3A_258 = arith.subf %neg3A_257, %add3A_255 : vector<16xf32>
        %exp3A_259 = math.exp %neg3A_258 : vector<16xf32>
        %add3A_260 = arith.constant 1.000000e+00 : f32
        %add3A_261 = vector.broadcast %add3A_260 : f32 to vector<16xf32>
        %add3A_262 = arith.addf %add3A_261, %exp3A_259 : vector<16xf32>
        %div3A_263 = arith.constant 1.000000e+00 : f32
        %div3A_264 = vector.broadcast %div3A_263 : f32 to vector<16xf32>
        %div3A_265 = arith.divf %div3A_264, %add3A_262 : vector<16xf32>
        %swap3A_266 = arith.index_cast %scan3A_96 : i32 to index
        %swap3A_267 = arith.constant 48 : index
        %swap3A_268 = tpu.vector_load %arg15[%swap3A_266, %swap3A_267] {strides = array<i32>} : memref<80x64xf32, #tpu.memory_space<vmem>>, vector<1x16xf32>,
        %swap3A_269 = vector.shape_cast %swap3A_268 : vector<1x16xf32> to vector<16xf32>
        %swap3A_270 = vector.shape_cast %add3A_255 : vector<16xf32> to vector<1x16xf32>
        tpu.vector_store %arg15[%swap3A_266, %swap3A_267], %swap3A_270 {strides = array<i32>} : memref<80x64xf32, #tpu.memory_space<vmem>>, vector<1x16xf32>,
        %get3A_271 = arith.index_cast %scan3A_96 : i32 to index
        %get3A_272 = arith.constant 112 : index
        %get3A_273 = tpu.vector_load %arg13[%get3A_271, %get3A_272] {strides = array<i32>} : memref<80x128xf32, #tpu.memory_space<vmem>>, vector<1x16xf32>,
        %get3A_274 = vector.shape_cast %get3A_273 : vector<1x16xf32> to vector<16xf32>
        %mul3A_275 = arith.mulf %div3A_265, %get3A_274 : vector<16xf32>
        %swap3A_276 = arith.index_cast %scan3A_96 : i32 to index
        %swap3A_277 = arith.constant 48 : index
        %swap3A_278 = tpu.vector_load %arg16[%swap3A_276, %swap3A_277] {strides = array<i32>} : memref<80x128xf32, #tpu.memory_space<vmem>>, vector<1x16xf32>,
        %swap3A_279 = vector.shape_cast %swap3A_278 : vector<1x16xf32> to vector<16xf32>
        %swap3A_280 = vector.shape_cast %mul3A_275 : vector<16xf32> to vector<1x16xf32>
        tpu.vector_store %arg16[%swap3A_276, %swap3A_277], %swap3A_280 {strides = array<i32>} : memref<80x128xf32, #tpu.memory_space<vmem>>, vector<1x16xf32>,
        %swap3A_281 = arith.index_cast %scan3A_96 : i32 to index
        %swap3A_282 = arith.constant 112 : index
        %swap3A_283 = tpu.vector_load %arg16[%swap3A_281, %swap3A_282] {strides = array<i32>} : memref<80x128xf32, #tpu.memory_space<vmem>>, vector<1x16xf32>,
        %swap3A_284 = vector.shape_cast %swap3A_283 : vector<1x16xf32> to vector<16xf32>
        %swap3A_285 = vector.shape_cast %div3A_265 : vector<16xf32> to vector<1x16xf32>
        tpu.vector_store %arg16[%swap3A_281, %swap3A_282], %swap3A_285 {strides = array<i32>} : memref<80x128xf32, #tpu.memory_space<vmem>>, vector<1x16xf32>,
        %add3A_286 = arith.addf %scan3A_100, %add3A_255 : vector<16xf32>
        %mul3A_287 = arith.mulf %add3A_255, %add3A_255 : vector<16xf32>
        %add3A_288 = arith.addf %scan3A_104, %mul3A_287 : vector<16xf32>
        scf.yield %add3A_145, %add3A_192, %add3A_239, %add3A_286, %add3A_147, %add3A_194, %add3A_241, %add3A_288 : vector<16xf32>, vector<16xf32>, vector<16xf32>, vector<16xf32>, vector<16xf32>, vector<16xf32>, vector<16xf32>, vector<16xf32>
      }
      %scan3A_95 = arith.constant 80 : i32
      "tpu.region"() ({
        %run_scoped3A = tpu.sem_alloc : memref<!tpu.dma_semaphore, #tpu.memory_space<semaphore_mem>>
        %dma_start3A_96 = arith.constant 0 : i32
        %dma_start3A_97 = tpu.memref_slice %arg7[%arg0, %add3A_72, %dma_start3A_96] : memref<2x320000x64xf32, #tpu.memory_space<hbm>> -> memref<1x80x64xf32, #tpu.memory_space<hbm>>
        %dma_start3A_98 = tpu.memref_squeeze %dma_start3A_97 : memref<1x80x64xf32, #tpu.memory_space<hbm>> -> memref<80x64xf32, #tpu.memory_space<hbm>>
        %dma_start3A_99 = arith.constant 0 : i32
        %dma_start3A_100 = tpu.memref_slice %arg7[%arg0, %add3A_72, %dma_start3A_99] : memref<2x320000x64xf32, #tpu.memory_space<hbm>> -> memref<1x80x64xf32, #tpu.memory_space<hbm>>
        %dma_start3A_101 = tpu.memref_squeeze %dma_start3A_100 : memref<1x80x64xf32, #tpu.memory_space<hbm>> -> memref<80x64xf32, #tpu.memory_space<hbm>>
        tpu.enqueue_dma source(%arg15 : memref<80x64xf32, #tpu.memory_space<vmem>>) target(%dma_start3A_101 : memref<80x64xf32, #tpu.memory_space<hbm>>) target_semaphore(%run_scoped3A : memref<!tpu.dma_semaphore, #tpu.memory_space<semaphore_mem>>)
        %dma_wait3A_102 = arith.constant 0 : i32
        %dma_wait3A_103 = tpu.memref_slice %arg7[%arg0, %add3A_72, %dma_wait3A_102] : memref<2x320000x64xf32, #tpu.memory_space<hbm>> -> memref<1x80x64xf32, #tpu.memory_space<hbm>>
        %dma_wait3A_104 = tpu.memref_squeeze %dma_wait3A_103 : memref<1x80x64xf32, #tpu.memory_space<hbm>> -> memref<80x64xf32, #tpu.memory_space<hbm>>
        %dma_wait3A_105 = arith.constant 0 : i32
        %dma_wait3A_106 = tpu.memref_slice %arg7[%arg0, %add3A_72, %dma_wait3A_105] : memref<2x320000x64xf32, #tpu.memory_space<hbm>> -> memref<1x80x64xf32, #tpu.memory_space<hbm>>
        %dma_wait3A_107 = tpu.memref_squeeze %dma_wait3A_106 : memref<1x80x64xf32, #tpu.memory_space<hbm>> -> memref<80x64xf32, #tpu.memory_space<hbm>>
        tpu.wait_dma2 semaphore(%run_scoped3A : memref<!tpu.dma_semaphore, #tpu.memory_space<semaphore_mem>>) src(%arg15 : memref<80x64xf32, #tpu.memory_space<vmem>>) dst(%dma_wait3A_107 : memref<80x64xf32, #tpu.memory_space<hbm>>)
        tpu.yield
      }) : () -> ()
      "tpu.region"() ({
        %run_scoped3A = tpu.sem_alloc : memref<!tpu.dma_semaphore, #tpu.memory_space<semaphore_mem>>
        %dma_start3A_96 = arith.constant 0 : i32
        %dma_start3A_97 = arith.constant 0 : i32
        %dma_start3A_98 = tpu.memref_slice %arg18[%dma_start3A_96, %dma_start3A_97] : memref<10240x128xf32, #tpu.memory_space<vmem_shared>> -> memref<10240x128xf32, #tpu.memory_space<vmem_shared>>
        tpu.enqueue_indirect_dma source(%arg16 : memref<80x128xf32, #tpu.memory_space<vmem>>) target(%dma_start3A_98 : memref<10240x128xf32, #tpu.memory_space<vmem_shared>>) offsets(%arg11 : memref<80xi32, #tpu.memory_space<vmem>>) semaphore(%run_scoped3A : memref<!tpu.dma_semaphore, #tpu.memory_space<semaphore_mem>>) {add = true}
        %dma_wait3A_99 = arith.constant 0 : i32
        %dma_wait3A_100 = arith.constant 0 : i32
        %dma_wait3A_101 = tpu.memref_slice %arg18[%dma_wait3A_99, %dma_wait3A_100] : memref<10240x128xf32, #tpu.memory_space<vmem_shared>> -> memref<10240x128xf32, #tpu.memory_space<vmem_shared>>
        tpu.wait_indirect_dma semaphore(%run_scoped3A : memref<!tpu.dma_semaphore, #tpu.memory_space<semaphore_mem>>) src(%arg16 : memref<80x128xf32, #tpu.memory_space<vmem>>) dst(%dma_wait3A_101 : memref<10240x128xf32, #tpu.memory_space<vmem_shared>>)
        tpu.yield
      }) : () -> ()
      scf.yield %scan3A_94#0, %scan3A_94#1, %scan3A_94#2, %scan3A_94#3, %scan3A_94#4, %scan3A_94#5, %scan3A_94#6, %scan3A_94#7 : vector<16xf32>, vector<16xf32>, vector<16xf32>, vector<16xf32>, vector<16xf32>, vector<16xf32>, vector<16xf32>, vector<16xf32>
    }
    %scan3A_20 = arith.constant 250 : i32
    %swap3A = arith.constant 0 : index
    %swap3A_21 = tpu.vector_load %arg17[%swap3A] {strides = array<i32>} : memref<128xf32, #tpu.memory_space<vmem>>, vector<16xf32>,
    %swap3A_22 = vector.shape_cast %swap3A_21 : vector<16xf32> to vector<16xf32>
    %swap3A_23 = vector.shape_cast %scan3A_19#0 : vector<16xf32> to vector<16xf32>
    tpu.vector_store %arg17[%swap3A], %swap3A_23 {strides = array<i32>} : memref<128xf32, #tpu.memory_space<vmem>>, vector<16xf32>,
    %swap3A_24 = arith.constant 64 : index
    %swap3A_25 = tpu.vector_load %arg17[%swap3A_24] {strides = array<i32>} : memref<128xf32, #tpu.memory_space<vmem>>, vector<16xf32>,
    %swap3A_26 = vector.shape_cast %swap3A_25 : vector<16xf32> to vector<16xf32>
    %swap3A_27 = vector.shape_cast %scan3A_19#4 : vector<16xf32> to vector<16xf32>
    tpu.vector_store %arg17[%swap3A_24], %swap3A_27 {strides = array<i32>} : memref<128xf32, #tpu.memory_space<vmem>>, vector<16xf32>,
    %swap3A_28 = arith.constant 16 : index
    %swap3A_29 = tpu.vector_load %arg17[%swap3A_28] {strides = array<i32>} : memref<128xf32, #tpu.memory_space<vmem>>, vector<16xf32>,
    %swap3A_30 = vector.shape_cast %swap3A_29 : vector<16xf32> to vector<16xf32>
    %swap3A_31 = vector.shape_cast %scan3A_19#1 : vector<16xf32> to vector<16xf32>
    tpu.vector_store %arg17[%swap3A_28], %swap3A_31 {strides = array<i32>} : memref<128xf32, #tpu.memory_space<vmem>>, vector<16xf32>,
    %swap3A_32 = arith.constant 80 : index
    %swap3A_33 = tpu.vector_load %arg17[%swap3A_32] {strides = array<i32>} : memref<128xf32, #tpu.memory_space<vmem>>, vector<16xf32>,
    %swap3A_34 = vector.shape_cast %swap3A_33 : vector<16xf32> to vector<16xf32>
    %swap3A_35 = vector.shape_cast %scan3A_19#5 : vector<16xf32> to vector<16xf32>
    tpu.vector_store %arg17[%swap3A_32], %swap3A_35 {strides = array<i32>} : memref<128xf32, #tpu.memory_space<vmem>>, vector<16xf32>,
    %swap3A_36 = arith.constant 32 : index
    %swap3A_37 = tpu.vector_load %arg17[%swap3A_36] {strides = array<i32>} : memref<128xf32, #tpu.memory_space<vmem>>, vector<16xf32>,
    %swap3A_38 = vector.shape_cast %swap3A_37 : vector<16xf32> to vector<16xf32>
    %swap3A_39 = vector.shape_cast %scan3A_19#2 : vector<16xf32> to vector<16xf32>
    tpu.vector_store %arg17[%swap3A_36], %swap3A_39 {strides = array<i32>} : memref<128xf32, #tpu.memory_space<vmem>>, vector<16xf32>,
    %swap3A_40 = arith.constant 96 : index
    %swap3A_41 = tpu.vector_load %arg17[%swap3A_40] {strides = array<i32>} : memref<128xf32, #tpu.memory_space<vmem>>, vector<16xf32>,
    %swap3A_42 = vector.shape_cast %swap3A_41 : vector<16xf32> to vector<16xf32>
    %swap3A_43 = vector.shape_cast %scan3A_19#6 : vector<16xf32> to vector<16xf32>
    tpu.vector_store %arg17[%swap3A_40], %swap3A_43 {strides = array<i32>} : memref<128xf32, #tpu.memory_space<vmem>>, vector<16xf32>,
    %swap3A_44 = arith.constant 48 : index
    %swap3A_45 = tpu.vector_load %arg17[%swap3A_44] {strides = array<i32>} : memref<128xf32, #tpu.memory_space<vmem>>, vector<16xf32>,
    %swap3A_46 = vector.shape_cast %swap3A_45 : vector<16xf32> to vector<16xf32>
    %swap3A_47 = vector.shape_cast %scan3A_19#3 : vector<16xf32> to vector<16xf32>
    tpu.vector_store %arg17[%swap3A_44], %swap3A_47 {strides = array<i32>} : memref<128xf32, #tpu.memory_space<vmem>>, vector<16xf32>,
    %swap3A_48 = arith.constant 112 : index
    %swap3A_49 = tpu.vector_load %arg17[%swap3A_48] {strides = array<i32>} : memref<128xf32, #tpu.memory_space<vmem>>, vector<16xf32>,
    %swap3A_50 = vector.shape_cast %swap3A_49 : vector<16xf32> to vector<16xf32>
    %swap3A_51 = vector.shape_cast %scan3A_19#7 : vector<16xf32> to vector<16xf32>
    tpu.vector_store %arg17[%swap3A_48], %swap3A_51 {strides = array<i32>} : memref<128xf32, #tpu.memory_space<vmem>>, vector<16xf32>,
    %mul3A_52 = arith.constant 16 : i32
    %mul3A_53 = arith.muli %arg0, %mul3A_52 : i32
    %add3A = arith.addi %mul3A_53, %arg1 : i32
    "tpu.region"() ({
      %run_scoped3A = tpu.sem_alloc : memref<!tpu.dma_semaphore, #tpu.memory_space<semaphore_mem>>
      %dma_start3A = arith.constant 0 : i32
      %dma_start3A_59 = tpu.memref_slice %arg9[%add3A, %dma_start3A] : memref<32x128xf32, #tpu.memory_space<hbm>> -> memref<1x128xf32, #tpu.memory_space<hbm>>
      %dma_start3A_60 = tpu.memref_squeeze %dma_start3A_59 : memref<1x128xf32, #tpu.memory_space<hbm>> -> memref<128xf32, #tpu.memory_space<hbm>>
      %dma_start3A_61 = arith.constant 0 : i32
      %dma_start3A_62 = tpu.memref_slice %arg9[%add3A, %dma_start3A_61] : memref<32x128xf32, #tpu.memory_space<hbm>> -> memref<1x128xf32, #tpu.memory_space<hbm>>
      %dma_start3A_63 = tpu.memref_squeeze %dma_start3A_62 : memref<1x128xf32, #tpu.memory_space<hbm>> -> memref<128xf32, #tpu.memory_space<hbm>>
      tpu.enqueue_dma source(%arg17 : memref<128xf32, #tpu.memory_space<vmem>>) target(%dma_start3A_63 : memref<128xf32, #tpu.memory_space<hbm>>) target_semaphore(%run_scoped3A : memref<!tpu.dma_semaphore, #tpu.memory_space<semaphore_mem>>)
      %dma_wait3A = arith.constant 0 : i32
      %dma_wait3A_64 = tpu.memref_slice %arg9[%add3A, %dma_wait3A] : memref<32x128xf32, #tpu.memory_space<hbm>> -> memref<1x128xf32, #tpu.memory_space<hbm>>
      %dma_wait3A_65 = tpu.memref_squeeze %dma_wait3A_64 : memref<1x128xf32, #tpu.memory_space<hbm>> -> memref<128xf32, #tpu.memory_space<hbm>>
      %dma_wait3A_66 = arith.constant 0 : i32
      %dma_wait3A_67 = tpu.memref_slice %arg9[%add3A, %dma_wait3A_66] : memref<32x128xf32, #tpu.memory_space<hbm>> -> memref<1x128xf32, #tpu.memory_space<hbm>>
      %dma_wait3A_68 = tpu.memref_squeeze %dma_wait3A_67 : memref<1x128xf32, #tpu.memory_space<hbm>> -> memref<128xf32, #tpu.memory_space<hbm>>
      tpu.wait_dma2 semaphore(%run_scoped3A : memref<!tpu.dma_semaphore, #tpu.memory_space<semaphore_mem>>) src(%arg17 : memref<128xf32, #tpu.memory_space<vmem>>) dst(%dma_wait3A_68 : memref<128xf32, #tpu.memory_space<hbm>>)
      tpu.yield
    }) : () -> ()
    %barrier3A_54 = arith.constant 0 : index
    tpu.barrier barrier_id(%barrier3A_54)
    %mul3A_55 = arith.constant 640 : i32
    %mul3A_56 = arith.muli %arg1, %mul3A_55 : i32
    %mul3A_57 = arith.constant 640 : i32
    %mul3A_58 = arith.muli %arg1, %mul3A_57 : i32
    "tpu.region"() ({
      %run_scoped3A = tpu.sem_alloc : memref<!tpu.dma_semaphore, #tpu.memory_space<semaphore_mem>>
      %dma_start3A = arith.constant 0 : i32
      %dma_start3A_59 = tpu.memref_slice %arg8[%arg0, %mul3A_58, %dma_start3A] : memref<2x10240x128xf32, #tpu.memory_space<hbm>> -> memref<1x640x128xf32, #tpu.memory_space<hbm>>
      %dma_start3A_60 = tpu.memref_squeeze %dma_start3A_59 : memref<1x640x128xf32, #tpu.memory_space<hbm>> -> memref<640x128xf32, #tpu.memory_space<hbm>>
      %dma_start3A_61 = arith.constant 0 : i32
      %dma_start3A_62 = tpu.memref_slice %arg18[%mul3A_56, %dma_start3A_61] : memref<10240x128xf32, #tpu.memory_space<vmem_shared>> -> memref<640x128xf32, #tpu.memory_space<vmem_shared>>
      tpu.enqueue_dma source(%dma_start3A_62 : memref<640x128xf32, #tpu.memory_space<vmem_shared>>) target(%dma_start3A_60 : memref<640x128xf32, #tpu.memory_space<hbm>>) target_semaphore(%run_scoped3A : memref<!tpu.dma_semaphore, #tpu.memory_space<semaphore_mem>>)
      %dma_wait3A = arith.constant 0 : i32
      %dma_wait3A_63 = tpu.memref_slice %arg8[%arg0, %mul3A_58, %dma_wait3A] : memref<2x10240x128xf32, #tpu.memory_space<hbm>> -> memref<1x640x128xf32, #tpu.memory_space<hbm>>
      %dma_wait3A_64 = tpu.memref_squeeze %dma_wait3A_63 : memref<1x640x128xf32, #tpu.memory_space<hbm>> -> memref<640x128xf32, #tpu.memory_space<hbm>>
      %dma_wait3A_65 = arith.constant 0 : i32
      %dma_wait3A_66 = tpu.memref_slice %arg18[%mul3A_56, %dma_wait3A_65] : memref<10240x128xf32, #tpu.memory_space<vmem_shared>> -> memref<640x128xf32, #tpu.memory_space<vmem_shared>>
      tpu.wait_dma2 semaphore(%run_scoped3A : memref<!tpu.dma_semaphore, #tpu.memory_space<semaphore_mem>>) src(%dma_wait3A_66 : memref<640x128xf32, #tpu.memory_space<vmem_shared>>) dst(%dma_wait3A_64 : memref<640x128xf32, #tpu.memory_space<hbm>>)
      tpu.yield
    }) : () -> ()
    return
  }
}

#map = affine_map<(d0, d1) -> (0, 0, 0)>
#map1 = affine_map<(d0, d1) -> (0, 0)>
#map2 = affine_map<(d0, d1) -> (0)>
module attributes {stable_mosaic.version = 14 : i64} {
  func.func @_sc_edge_kernel(%arg0: i32, %arg1: i32, %arg2: memref<2x320000x64xf32, #tpu.memory_space<hbm>>, %arg3: memref<20000x128xf32, #tpu.memory_space<hbm>>, %arg4: memref<20000x128xf32, #tpu.memory_space<hbm>>, %arg5: memref<320000xi32, #tpu.memory_space<hbm>>, %arg6: memref<320000xi32, #tpu.memory_space<hbm>>, %arg7: memref<2x320000x64xf32, #tpu.memory_space<hbm>>, %arg8: memref<2x10240x128xf32, #tpu.memory_space<hbm>>, %arg9: memref<32x128xf32, #tpu.memory_space<hbm>>, %arg10: memref<80xi32, #tpu.memory_space<vmem>>, %arg11: memref<80xi32, #tpu.memory_space<vmem>>, %arg12: memref<80xi32, #tpu.memory_space<vmem>>, %arg13: memref<80x128xf32, #tpu.memory_space<vmem>>, %arg14: memref<80x128xf32, #tpu.memory_space<vmem>>, %arg15: memref<80x64xf32, #tpu.memory_space<vmem>>, %arg16: memref<80x128xf32, #tpu.memory_space<vmem>>, %arg17: memref<128xf32, #tpu.memory_space<vmem>>, %arg18: memref<10240x128xf32, #tpu.memory_space<vmem_shared>>, %arg19: memref<!tpu.dma_semaphore, #tpu.memory_space<semaphore_mem>>, %arg20: memref<!tpu.dma_semaphore, #tpu.memory_space<semaphore_mem>>) attributes {dimension_semantics = [#tpu.dimension_semantics<core_parallel>, #tpu.dimension_semantics<subcore_parallel>], iteration_bounds = array<i64: 2, 16>, scalar_prefetch = 0 : i64, scratch_operands = 11 : i64, tpu.core_type = #tpu.core_type<sc_vector_subcore>, window_params = [{transform_indices = #map}, {transform_indices = #map1}, {transform_indices = #map1}, {transform_indices = #map2}, {transform_indices = #map2}, {transform_indices = #map}, {transform_indices = #map}, {transform_indices = #map1}]} {
    %broadcast_in_dim3A = arith.constant 0.000000e+00 : f32
    %broadcast_in_dim3A_0 = vector.broadcast %broadcast_in_dim3A : f32 to vector<16xf32>
    %scan3A = arith.constant 0 : i32
    %scan3A_1 = arith.constant 0 : i32
    %scan3A_2 = arith.constant 640 : i32
    %scan3A_3 = arith.addi %scan3A_1, %scan3A_2 : i32
    %scan3A_4 = arith.constant 1 : i32
    %scan3A_5 = scf.for %scan3A_59 = %scan3A_1 to %scan3A_3 step %scan3A_4 iter_args(%scan3A_60 = %scan3A) -> (i32)  : i32 {
      %jit3A = arith.constant 8 : i32
      %div3A = arith.divsi %scan3A_59, %jit3A : i32
      %sign3A = arith.constant 0 : i32
      %sign3A_61 = arith.cmpi sgt, %scan3A_59, %sign3A : i32
      %sign3A_62 = arith.extui %sign3A_61 : i1 to i32
      %sign3A_63 = arith.constant 0 : i32
      %sign3A_64 = arith.cmpi slt, %scan3A_59, %sign3A_63 : i32
      %sign3A_65 = arith.extui %sign3A_64 : i1 to i32
      %sign3A_66 = arith.subi %sign3A_62, %sign3A_65 : i32
      %sign3A_67 = arith.constant 0 : i32
      %sign3A_68 = arith.cmpi sgt, %jit3A, %sign3A_67 : i32
      %sign3A_69 = arith.extui %sign3A_68 : i1 to i32
      %sign3A_70 = arith.constant 0 : i32
      %sign3A_71 = arith.cmpi slt, %jit3A, %sign3A_70 : i32
      %sign3A_72 = arith.extui %sign3A_71 : i1 to i32
      %sign3A_73 = arith.subi %sign3A_69, %sign3A_72 : i32
      %ne3A = arith.cmpi ne, %sign3A_66, %sign3A_73 : i32
      %rem3A = arith.remsi %scan3A_59, %jit3A : i32
      %ne3A_74 = arith.constant 0 : i32
      %ne3A_75 = arith.cmpi ne, %rem3A, %ne3A_74 : i32
      %and3A = arith.andi %ne3A, %ne3A_75 : i1
      %sub3A = arith.constant 1 : i32
      %sub3A_76 = arith.subi %div3A, %sub3A : i32
      %select_n3A = arith.select %and3A, %sub3A_76, %div3A : i32
      %jit3A_77 = arith.constant 8 : i32
      %eq3A = arith.constant 0 : i32
      %eq3A_78 = arith.cmpi eq, %jit3A_77, %eq3A : i32
      %jit3A_79 = arith.constant 1 : i32
      %select_n3A_80 = arith.select %eq3A_78, %jit3A_79, %jit3A_77 : i32
      %rem3A_81 = arith.remsi %scan3A_59, %select_n3A_80 : i32
      %ne3A_82 = arith.constant 0 : i32
      %ne3A_83 = arith.cmpi ne, %rem3A_81, %ne3A_82 : i32
      %lt3A = arith.constant 0 : i32
      %lt3A_84 = arith.cmpi slt, %rem3A_81, %lt3A : i32
      %lt3A_85 = arith.constant 0 : i32
      %lt3A_86 = arith.cmpi slt, %select_n3A_80, %lt3A_85 : i32
      %ne3A_87 = arith.xori %lt3A_84, %lt3A_86 : i1
      %and3A_88 = arith.andi %ne3A_87, %ne3A_83 : i1
      %add3A_89 = arith.addi %rem3A_81, %select_n3A_80 : i32
      %select_n3A_90 = arith.select %and3A_88, %add3A_89, %rem3A_81 : i32
      %mul3A_91 = arith.constant 16 : i32
      %mul3A_92 = arith.muli %mul3A_91, %select_n3A_90 : i32
      %swap3A_93 = arith.index_cast %select_n3A : i32 to index
      %swap3A_94 = arith.index_cast %mul3A_92 : i32 to index
      %swap3A_95 = tpu.vector_load %arg16[%swap3A_93, %swap3A_94] {strides = array<i32>} : memref<80x128xf32, #tpu.memory_space<vmem>>, vector<1x16xf32>,
      %swap3A_96 = vector.shape_cast %swap3A_95 : vector<1x16xf32> to vector<16xf32>
      %swap3A_97 = vector.shape_cast %broadcast_in_dim3A_0 : vector<16xf32> to vector<1x16xf32>
      tpu.vector_store %arg16[%swap3A_93, %swap3A_94], %swap3A_97 {strides = array<i32>} : memref<80x128xf32, #tpu.memory_space<vmem>>, vector<1x16xf32>,
      %scan3A_98 = arith.constant 0 : i32
      scf.yield %scan3A_98 : i32
    }
    %scan3A_6 = arith.constant 640 : i32
    %scan3A_7 = arith.constant 0 : i32
    %scan3A_8 = arith.constant 0 : i32
    %scan3A_9 = arith.constant 8 : i32
    %scan3A_10 = arith.addi %scan3A_8, %scan3A_9 : i32
    %scan3A_11 = arith.constant 1 : i32
    %scan3A_12 = scf.for %scan3A_59 = %scan3A_8 to %scan3A_10 step %scan3A_11 iter_args(%scan3A_60 = %scan3A_7) -> (i32)  : i32 {
      %mul3A_61 = arith.constant 640 : i32
      %mul3A_62 = arith.muli %arg1, %mul3A_61 : i32
      %mul3A_63 = arith.constant 80 : i32
      %mul3A_64 = arith.muli %scan3A_59, %mul3A_63 : i32
      %add3A_65 = arith.addi %mul3A_62, %mul3A_64 : i32
      "tpu.region"() ({
        %run_scoped3A = tpu.sem_alloc : memref<!tpu.dma_semaphore, #tpu.memory_space<semaphore_mem>>
        %dma_start3A = arith.constant 0 : i32
        %dma_start3A_67 = tpu.memref_slice %arg18[%add3A_65, %dma_start3A] : memref<10240x128xf32, #tpu.memory_space<vmem_shared>> -> memref<80x128xf32, #tpu.memory_space<vmem_shared>>
        %dma_start3A_68 = arith.constant 0 : i32
        %dma_start3A_69 = tpu.memref_slice %arg18[%add3A_65, %dma_start3A_68] : memref<10240x128xf32, #tpu.memory_space<vmem_shared>> -> memref<80x128xf32, #tpu.memory_space<vmem_shared>>
        tpu.enqueue_dma source(%arg16 : memref<80x128xf32, #tpu.memory_space<vmem>>) target(%dma_start3A_69 : memref<80x128xf32, #tpu.memory_space<vmem_shared>>) target_semaphore(%run_scoped3A : memref<!tpu.dma_semaphore, #tpu.memory_space<semaphore_mem>>)
        %dma_wait3A = arith.constant 0 : i32
        %dma_wait3A_70 = tpu.memref_slice %arg18[%add3A_65, %dma_wait3A] : memref<10240x128xf32, #tpu.memory_space<vmem_shared>> -> memref<80x128xf32, #tpu.memory_space<vmem_shared>>
        %dma_wait3A_71 = arith.constant 0 : i32
        %dma_wait3A_72 = tpu.memref_slice %arg18[%add3A_65, %dma_wait3A_71] : memref<10240x128xf32, #tpu.memory_space<vmem_shared>> -> memref<80x128xf32, #tpu.memory_space<vmem_shared>>
        tpu.wait_dma2 semaphore(%run_scoped3A : memref<!tpu.dma_semaphore, #tpu.memory_space<semaphore_mem>>) src(%arg16 : memref<80x128xf32, #tpu.memory_space<vmem>>) dst(%dma_wait3A_72 : memref<80x128xf32, #tpu.memory_space<vmem_shared>>)
        tpu.yield
      }) : () -> ()
      %scan3A_66 = arith.constant 0 : i32
      scf.yield %scan3A_66 : i32
    }
    %scan3A_13 = arith.constant 8 : i32
    %barrier3A = arith.constant 0 : index
    tpu.barrier barrier_id(%barrier3A)
    %mul3A = arith.constant 10000 : i32
    %mul3A_14 = arith.muli %arg0, %mul3A : i32
    %scan3A_15 = arith.constant 0 : i32
    %scan3A_16 = arith.constant 250 : i32
    %scan3A_17 = arith.addi %scan3A_15, %scan3A_16 : i32
    %scan3A_18 = arith.constant 1 : i32
    %scan3A_19:8 = scf.for %scan3A_59 = %scan3A_15 to %scan3A_17 step %scan3A_18 iter_args(%scan3A_60 = %broadcast_in_dim3A_0, %scan3A_61 = %broadcast_in_dim3A_0, %scan3A_62 = %broadcast_in_dim3A_0, %scan3A_63 = %broadcast_in_dim3A_0, %scan3A_64 = %broadcast_in_dim3A_0, %scan3A_65 = %broadcast_in_dim3A_0, %scan3A_66 = %broadcast_in_dim3A_0, %scan3A_67 = %broadcast_in_dim3A_0) -> (vector<16xf32>, vector<16xf32>, vector<16xf32>, vector<16xf32>, vector<16xf32>, vector<16xf32>, vector<16xf32>, vector<16xf32>)  : i32 {
      %mul3A_68 = arith.constant 20000 : i32
      %mul3A_69 = arith.muli %arg1, %mul3A_68 : i32
      %mul3A_70 = arith.constant 80 : i32
      %mul3A_71 = arith.muli %scan3A_59, %mul3A_70 : i32
      %add3A_72 = arith.addi %mul3A_69, %mul3A_71 : i32
      "tpu.region"() ({
        %run_scoped3A = tpu.sem_alloc : memref<!tpu.dma_semaphore, #tpu.memory_space<semaphore_mem>>
        %dma_start3A_96 = tpu.memref_slice %arg5[%add3A_72] : memref<320000xi32, #tpu.memory_space<hbm>> -> memref<80xi32, #tpu.memory_space<hbm>>
        %dma_start3A_97 = tpu.memref_slice %arg5[%add3A_72] : memref<320000xi32, #tpu.memory_space<hbm>> -> memref<80xi32, #tpu.memory_space<hbm>>
        tpu.enqueue_dma source(%dma_start3A_97 : memref<80xi32, #tpu.memory_space<hbm>>) target(%arg10 : memref<80xi32, #tpu.memory_space<vmem>>) target_semaphore(%run_scoped3A : memref<!tpu.dma_semaphore, #tpu.memory_space<semaphore_mem>>)
        %dma_wait3A_98 = tpu.memref_slice %arg5[%add3A_72] : memref<320000xi32, #tpu.memory_space<hbm>> -> memref<80xi32, #tpu.memory_space<hbm>>
        %dma_wait3A_99 = tpu.memref_slice %arg5[%add3A_72] : memref<320000xi32, #tpu.memory_space<hbm>> -> memref<80xi32, #tpu.memory_space<hbm>>
        tpu.wait_dma2 semaphore(%run_scoped3A : memref<!tpu.dma_semaphore, #tpu.memory_space<semaphore_mem>>) src(%dma_wait3A_99 : memref<80xi32, #tpu.memory_space<hbm>>) dst(%arg10 : memref<80xi32, #tpu.memory_space<vmem>>)
        tpu.yield
      }) : () -> ()
      "tpu.region"() ({
        %run_scoped3A = tpu.sem_alloc : memref<!tpu.dma_semaphore, #tpu.memory_space<semaphore_mem>>
        %dma_start3A_96 = tpu.memref_slice %arg6[%add3A_72] : memref<320000xi32, #tpu.memory_space<hbm>> -> memref<80xi32, #tpu.memory_space<hbm>>
        %dma_start3A_97 = tpu.memref_slice %arg6[%add3A_72] : memref<320000xi32, #tpu.memory_space<hbm>> -> memref<80xi32, #tpu.memory_space<hbm>>
        tpu.enqueue_dma source(%dma_start3A_97 : memref<80xi32, #tpu.memory_space<hbm>>) target(%arg11 : memref<80xi32, #tpu.memory_space<vmem>>) target_semaphore(%run_scoped3A : memref<!tpu.dma_semaphore, #tpu.memory_space<semaphore_mem>>)
        %dma_wait3A_98 = tpu.memref_slice %arg6[%add3A_72] : memref<320000xi32, #tpu.memory_space<hbm>> -> memref<80xi32, #tpu.memory_space<hbm>>
        %dma_wait3A_99 = tpu.memref_slice %arg6[%add3A_72] : memref<320000xi32, #tpu.memory_space<hbm>> -> memref<80xi32, #tpu.memory_space<hbm>>
        tpu.wait_dma2 semaphore(%run_scoped3A : memref<!tpu.dma_semaphore, #tpu.memory_space<semaphore_mem>>) src(%dma_wait3A_99 : memref<80xi32, #tpu.memory_space<hbm>>) dst(%arg11 : memref<80xi32, #tpu.memory_space<vmem>>)
        tpu.yield
      }) : () -> ()
      %scan3A_73 = arith.constant 0 : i32
      %scan3A_74 = arith.constant 0 : i32
      %scan3A_75 = arith.constant 5 : i32
      %scan3A_76 = arith.addi %scan3A_74, %scan3A_75 : i32
      %scan3A_77 = arith.constant 1 : i32
      %scan3A_78 = scf.for %scan3A_96 = %scan3A_74 to %scan3A_76 step %scan3A_77 iter_args(%scan3A_97 = %scan3A_73) -> (i32)  : i32 {
        %mul3A_98 = arith.constant 16 : i32
        %mul3A_99 = arith.muli %mul3A_98, %scan3A_96 : i32
        %get3A = arith.index_cast %mul3A_99 : i32 to index
        %get3A_100 = tpu.vector_load %arg10[%get3A] {strides = array<i32>} : memref<80xi32, #tpu.memory_space<vmem>>, vector<16xi32>,
        %get3A_101 = vector.shape_cast %get3A_100 : vector<16xi32> to vector<16xi32>
        %add3A_102 = vector.broadcast %mul3A_14 : i32 to vector<16xi32>
        %add3A_103 = arith.addi %get3A_101, %add3A_102 : vector<16xi32>
        %swap3A_104 = arith.index_cast %mul3A_99 : i32 to index
        %swap3A_105 = tpu.vector_load %arg10[%swap3A_104] {strides = array<i32>} : memref<80xi32, #tpu.memory_space<vmem>>, vector<16xi32>,
        %swap3A_106 = vector.shape_cast %swap3A_105 : vector<16xi32> to vector<16xi32>
        %swap3A_107 = vector.shape_cast %add3A_103 : vector<16xi32> to vector<16xi32>
        tpu.vector_store %arg10[%swap3A_104], %swap3A_107 {strides = array<i32>} : memref<80xi32, #tpu.memory_space<vmem>>, vector<16xi32>,
        %get3A_108 = arith.index_cast %mul3A_99 : i32 to index
        %get3A_109 = tpu.vector_load %arg11[%get3A_108] {strides = array<i32>} : memref<80xi32, #tpu.memory_space<vmem>>, vector<16xi32>,
        %get3A_110 = vector.shape_cast %get3A_109 : vector<16xi32> to vector<16xi32>
        %add3A_111 = vector.broadcast %mul3A_14 : i32 to vector<16xi32>
        %add3A_112 = arith.addi %get3A_110, %add3A_111 : vector<16xi32>
        %swap3A_113 = arith.index_cast %mul3A_99 : i32 to index
        %swap3A_114 = tpu.vector_load %arg12[%swap3A_113] {strides = array<i32>} : memref<80xi32, #tpu.memory_space<vmem>>, vector<16xi32>,
        %swap3A_115 = vector.shape_cast %swap3A_114 : vector<16xi32> to vector<16xi32>
        %swap3A_116 = vector.shape_cast %add3A_112 : vector<16xi32> to vector<16xi32>
        tpu.vector_store %arg12[%swap3A_113], %swap3A_116 {strides = array<i32>} : memref<80xi32, #tpu.memory_space<vmem>>, vector<16xi32>,
        %scan3A_117 = arith.constant 0 : i32
        scf.yield %scan3A_117 : i32
      }
      %scan3A_79 = arith.constant 5 : i32
      %dma_start3A = arith.constant 0 : i32
      %dma_start3A_80 = arith.constant 0 : i32
      %dma_start3A_81 = tpu.memref_slice %arg3[%dma_start3A, %dma_start3A_80] : memref<20000x128xf32, #tpu.memory_space<hbm>> -> memref<20000x128xf32, #tpu.memory_space<hbm>>
      tpu.enqueue_indirect_dma source(%dma_start3A_81 : memref<20000x128xf32, #tpu.memory_space<hbm>>) target(%arg13 : memref<80x128xf32, #tpu.memory_space<vmem>>) offsets(%arg10 : memref<80xi32, #tpu.memory_space<vmem>>) semaphore(%arg19 : memref<!tpu.dma_semaphore, #tpu.memory_space<semaphore_mem>>)
      %dma_start3A_82 = arith.constant 0 : i32
      %dma_start3A_83 = arith.constant 0 : i32
      %dma_start3A_84 = tpu.memref_slice %arg4[%dma_start3A_82, %dma_start3A_83] : memref<20000x128xf32, #tpu.memory_space<hbm>> -> memref<20000x128xf32, #tpu.memory_space<hbm>>
      tpu.enqueue_indirect_dma source(%dma_start3A_84 : memref<20000x128xf32, #tpu.memory_space<hbm>>) target(%arg14 : memref<80x128xf32, #tpu.memory_space<vmem>>) offsets(%arg12 : memref<80xi32, #tpu.memory_space<vmem>>) semaphore(%arg20 : memref<!tpu.dma_semaphore, #tpu.memory_space<semaphore_mem>>)
      "tpu.region"() ({
        %run_scoped3A = tpu.sem_alloc : memref<!tpu.dma_semaphore, #tpu.memory_space<semaphore_mem>>
        %dma_start3A_96 = arith.constant 0 : i32
        %dma_start3A_97 = tpu.memref_slice %arg2[%arg0, %add3A_72, %dma_start3A_96] : memref<2x320000x64xf32, #tpu.memory_space<hbm>> -> memref<1x80x64xf32, #tpu.memory_space<hbm>>
        %dma_start3A_98 = tpu.memref_squeeze %dma_start3A_97 : memref<1x80x64xf32, #tpu.memory_space<hbm>> -> memref<80x64xf32, #tpu.memory_space<hbm>>
        %dma_start3A_99 = arith.constant 0 : i32
        %dma_start3A_100 = tpu.memref_slice %arg2[%arg0, %add3A_72, %dma_start3A_99] : memref<2x320000x64xf32, #tpu.memory_space<hbm>> -> memref<1x80x64xf32, #tpu.memory_space<hbm>>
        %dma_start3A_101 = tpu.memref_squeeze %dma_start3A_100 : memref<1x80x64xf32, #tpu.memory_space<hbm>> -> memref<80x64xf32, #tpu.memory_space<hbm>>
        tpu.enqueue_dma source(%dma_start3A_101 : memref<80x64xf32, #tpu.memory_space<hbm>>) target(%arg15 : memref<80x64xf32, #tpu.memory_space<vmem>>) target_semaphore(%run_scoped3A : memref<!tpu.dma_semaphore, #tpu.memory_space<semaphore_mem>>)
        %dma_wait3A_102 = arith.constant 0 : i32
        %dma_wait3A_103 = tpu.memref_slice %arg2[%arg0, %add3A_72, %dma_wait3A_102] : memref<2x320000x64xf32, #tpu.memory_space<hbm>> -> memref<1x80x64xf32, #tpu.memory_space<hbm>>
        %dma_wait3A_104 = tpu.memref_squeeze %dma_wait3A_103 : memref<1x80x64xf32, #tpu.memory_space<hbm>> -> memref<80x64xf32, #tpu.memory_space<hbm>>
        %dma_wait3A_105 = arith.constant 0 : i32
        %dma_wait3A_106 = tpu.memref_slice %arg2[%arg0, %add3A_72, %dma_wait3A_105] : memref<2x320000x64xf32, #tpu.memory_space<hbm>> -> memref<1x80x64xf32, #tpu.memory_space<hbm>>
        %dma_wait3A_107 = tpu.memref_squeeze %dma_wait3A_106 : memref<1x80x64xf32, #tpu.memory_space<hbm>> -> memref<80x64xf32, #tpu.memory_space<hbm>>
        tpu.wait_dma2 semaphore(%run_scoped3A : memref<!tpu.dma_semaphore, #tpu.memory_space<semaphore_mem>>) src(%dma_wait3A_107 : memref<80x64xf32, #tpu.memory_space<hbm>>) dst(%arg15 : memref<80x64xf32, #tpu.memory_space<vmem>>)
        tpu.yield
      }) : () -> ()
      %dma_wait3A = arith.constant 0 : i32
      %dma_wait3A_85 = arith.constant 0 : i32
      %dma_wait3A_86 = tpu.memref_slice %arg3[%dma_wait3A, %dma_wait3A_85] : memref<20000x128xf32, #tpu.memory_space<hbm>> -> memref<20000x128xf32, #tpu.memory_space<hbm>>
      tpu.wait_indirect_dma semaphore(%arg19 : memref<!tpu.dma_semaphore, #tpu.memory_space<semaphore_mem>>) src(%dma_wait3A_86 : memref<20000x128xf32, #tpu.memory_space<hbm>>) dst(%arg13 : memref<80x128xf32, #tpu.memory_space<vmem>>)
      %dma_wait3A_87 = arith.constant 0 : i32
      %dma_wait3A_88 = arith.constant 0 : i32
      %dma_wait3A_89 = tpu.memref_slice %arg4[%dma_wait3A_87, %dma_wait3A_88] : memref<20000x128xf32, #tpu.memory_space<hbm>> -> memref<20000x128xf32, #tpu.memory_space<hbm>>
      tpu.wait_indirect_dma semaphore(%arg20 : memref<!tpu.dma_semaphore, #tpu.memory_space<semaphore_mem>>) src(%dma_wait3A_89 : memref<20000x128xf32, #tpu.memory_space<hbm>>) dst(%arg14 : memref<80x128xf32, #tpu.memory_space<vmem>>)
      %scan3A_90 = arith.constant 0 : i32
      %scan3A_91 = arith.constant 80 : i32
      %scan3A_92 = arith.addi %scan3A_90, %scan3A_91 : i32
      %scan3A_93 = arith.constant 1 : i32
      %scan3A_94:8 = scf.for %scan3A_96 = %scan3A_90 to %scan3A_92 step %scan3A_93 iter_args(%scan3A_97 = %scan3A_60, %scan3A_98 = %scan3A_61, %scan3A_99 = %scan3A_62, %scan3A_100 = %scan3A_63, %scan3A_101 = %scan3A_64, %scan3A_102 = %scan3A_65, %scan3A_103 = %scan3A_66, %scan3A_104 = %scan3A_67) -> (vector<16xf32>, vector<16xf32>, vector<16xf32>, vector<16xf32>, vector<16xf32>, vector<16xf32>, vector<16xf32>, vector<16xf32>)  : i32 {
        %get3A = arith.index_cast %scan3A_96 : i32 to index
        %get3A_105 = arith.constant 0 : index
        %get3A_106 = tpu.vector_load %arg15[%get3A, %get3A_105] {strides = array<i32>} : memref<80x64xf32, #tpu.memory_space<vmem>>, vector<1x16xf32>,
        %get3A_107 = vector.shape_cast %get3A_106 : vector<1x16xf32> to vector<16xf32>
        %get3A_108 = arith.index_cast %scan3A_96 : i32 to index
        %get3A_109 = arith.constant 0 : index
        %get3A_110 = tpu.vector_load %arg13[%get3A_108, %get3A_109] {strides = array<i32>} : memref<80x128xf32, #tpu.memory_space<vmem>>, vector<1x16xf32>,
        %get3A_111 = vector.shape_cast %get3A_110 : vector<1x16xf32> to vector<16xf32>
        %add3A_112 = arith.addf %get3A_107, %get3A_111 : vector<16xf32>
        %get3A_113 = arith.index_cast %scan3A_96 : i32 to index
        %get3A_114 = arith.constant 0 : index
        %get3A_115 = tpu.vector_load %arg14[%get3A_113, %get3A_114] {strides = array<i32>} : memref<80x128xf32, #tpu.memory_space<vmem>>, vector<1x16xf32>,
        %get3A_116 = vector.shape_cast %get3A_115 : vector<1x16xf32> to vector<16xf32>
        %add3A_117 = arith.addf %add3A_112, %get3A_116 : vector<16xf32>
        %neg3A = arith.constant 0.000000e+00 : f32
        %neg3A_118 = vector.broadcast %neg3A : f32 to vector<16xf32>
        %neg3A_119 = arith.subf %neg3A_118, %add3A_117 : vector<16xf32>
        %exp3A = math.exp %neg3A_119 : vector<16xf32>
        %add3A_120 = arith.constant 1.000000e+00 : f32
        %add3A_121 = vector.broadcast %add3A_120 : f32 to vector<16xf32>
        %add3A_122 = arith.addf %add3A_121, %exp3A : vector<16xf32>
        %div3A = arith.constant 1.000000e+00 : f32
        %div3A_123 = vector.broadcast %div3A : f32 to vector<16xf32>
        %div3A_124 = arith.divf %div3A_123, %add3A_122 : vector<16xf32>
        %swap3A_125 = arith.index_cast %scan3A_96 : i32 to index
        %swap3A_126 = arith.constant 0 : index
        %swap3A_127 = tpu.vector_load %arg15[%swap3A_125, %swap3A_126] {strides = array<i32>} : memref<80x64xf32, #tpu.memory_space<vmem>>, vector<1x16xf32>,
        %swap3A_128 = vector.shape_cast %swap3A_127 : vector<1x16xf32> to vector<16xf32>
        %swap3A_129 = vector.shape_cast %add3A_117 : vector<16xf32> to vector<1x16xf32>
        tpu.vector_store %arg15[%swap3A_125, %swap3A_126], %swap3A_129 {strides = array<i32>} : memref<80x64xf32, #tpu.memory_space<vmem>>, vector<1x16xf32>,
        %get3A_130 = arith.index_cast %scan3A_96 : i32 to index
        %get3A_131 = arith.constant 64 : index
        %get3A_132 = tpu.vector_load %arg13[%get3A_130, %get3A_131] {strides = array<i32>} : memref<80x128xf32, #tpu.memory_space<vmem>>, vector<1x16xf32>,
        %get3A_133 = vector.shape_cast %get3A_132 : vector<1x16xf32> to vector<16xf32>
        %mul3A_134 = arith.mulf %div3A_124, %get3A_133 : vector<16xf32>
        %swap3A_135 = arith.index_cast %scan3A_96 : i32 to index
        %swap3A_136 = arith.constant 0 : index
        %swap3A_137 = tpu.vector_load %arg16[%swap3A_135, %swap3A_136] {strides = array<i32>} : memref<80x128xf32, #tpu.memory_space<vmem>>, vector<1x16xf32>,
        %swap3A_138 = vector.shape_cast %swap3A_137 : vector<1x16xf32> to vector<16xf32>
        %swap3A_139 = vector.shape_cast %mul3A_134 : vector<16xf32> to vector<1x16xf32>
        tpu.vector_store %arg16[%swap3A_135, %swap3A_136], %swap3A_139 {strides = array<i32>} : memref<80x128xf32, #tpu.memory_space<vmem>>, vector<1x16xf32>,
        %swap3A_140 = arith.index_cast %scan3A_96 : i32 to index
        %swap3A_141 = arith.constant 64 : index
        %swap3A_142 = tpu.vector_load %arg16[%swap3A_140, %swap3A_141] {strides = array<i32>} : memref<80x128xf32, #tpu.memory_space<vmem>>, vector<1x16xf32>,
        %swap3A_143 = vector.shape_cast %swap3A_142 : vector<1x16xf32> to vector<16xf32>
        %swap3A_144 = vector.shape_cast %div3A_124 : vector<16xf32> to vector<1x16xf32>
        tpu.vector_store %arg16[%swap3A_140, %swap3A_141], %swap3A_144 {strides = array<i32>} : memref<80x128xf32, #tpu.memory_space<vmem>>, vector<1x16xf32>,
        %add3A_145 = arith.addf %scan3A_97, %add3A_117 : vector<16xf32>
        %mul3A_146 = arith.mulf %add3A_117, %add3A_117 : vector<16xf32>
        %add3A_147 = arith.addf %scan3A_101, %mul3A_146 : vector<16xf32>
        %get3A_148 = arith.index_cast %scan3A_96 : i32 to index
        %get3A_149 = arith.constant 16 : index
        %get3A_150 = tpu.vector_load %arg15[%get3A_148, %get3A_149] {strides = array<i32>} : memref<80x64xf32, #tpu.memory_space<vmem>>, vector<1x16xf32>,
        %get3A_151 = vector.shape_cast %get3A_150 : vector<1x16xf32> to vector<16xf32>
        %get3A_152 = arith.index_cast %scan3A_96 : i32 to index
        %get3A_153 = arith.constant 16 : index
        %get3A_154 = tpu.vector_load %arg13[%get3A_152, %get3A_153] {strides = array<i32>} : memref<80x128xf32, #tpu.memory_space<vmem>>, vector<1x16xf32>,
        %get3A_155 = vector.shape_cast %get3A_154 : vector<1x16xf32> to vector<16xf32>
        %add3A_156 = arith.addf %get3A_151, %get3A_155 : vector<16xf32>
        %get3A_157 = arith.index_cast %scan3A_96 : i32 to index
        %get3A_158 = arith.constant 16 : index
        %get3A_159 = tpu.vector_load %arg14[%get3A_157, %get3A_158] {strides = array<i32>} : memref<80x128xf32, #tpu.memory_space<vmem>>, vector<1x16xf32>,
        %get3A_160 = vector.shape_cast %get3A_159 : vector<1x16xf32> to vector<16xf32>
        %add3A_161 = arith.addf %add3A_156, %get3A_160 : vector<16xf32>
        %neg3A_162 = arith.constant 0.000000e+00 : f32
        %neg3A_163 = vector.broadcast %neg3A_162 : f32 to vector<16xf32>
        %neg3A_164 = arith.subf %neg3A_163, %add3A_161 : vector<16xf32>
        %exp3A_165 = math.exp %neg3A_164 : vector<16xf32>
        %add3A_166 = arith.constant 1.000000e+00 : f32
        %add3A_167 = vector.broadcast %add3A_166 : f32 to vector<16xf32>
        %add3A_168 = arith.addf %add3A_167, %exp3A_165 : vector<16xf32>
        %div3A_169 = arith.constant 1.000000e+00 : f32
        %div3A_170 = vector.broadcast %div3A_169 : f32 to vector<16xf32>
        %div3A_171 = arith.divf %div3A_170, %add3A_168 : vector<16xf32>
        %swap3A_172 = arith.index_cast %scan3A_96 : i32 to index
        %swap3A_173 = arith.constant 16 : index
        %swap3A_174 = tpu.vector_load %arg15[%swap3A_172, %swap3A_173] {strides = array<i32>} : memref<80x64xf32, #tpu.memory_space<vmem>>, vector<1x16xf32>,
        %swap3A_175 = vector.shape_cast %swap3A_174 : vector<1x16xf32> to vector<16xf32>
        %swap3A_176 = vector.shape_cast %add3A_161 : vector<16xf32> to vector<1x16xf32>
        tpu.vector_store %arg15[%swap3A_172, %swap3A_173], %swap3A_176 {strides = array<i32>} : memref<80x64xf32, #tpu.memory_space<vmem>>, vector<1x16xf32>,
        %get3A_177 = arith.index_cast %scan3A_96 : i32 to index
        %get3A_178 = arith.constant 80 : index
        %get3A_179 = tpu.vector_load %arg13[%get3A_177, %get3A_178] {strides = array<i32>} : memref<80x128xf32, #tpu.memory_space<vmem>>, vector<1x16xf32>,
        %get3A_180 = vector.shape_cast %get3A_179 : vector<1x16xf32> to vector<16xf32>
        %mul3A_181 = arith.mulf %div3A_171, %get3A_180 : vector<16xf32>
        %swap3A_182 = arith.index_cast %scan3A_96 : i32 to index
        %swap3A_183 = arith.constant 16 : index
        %swap3A_184 = tpu.vector_load %arg16[%swap3A_182, %swap3A_183] {strides = array<i32>} : memref<80x128xf32, #tpu.memory_space<vmem>>, vector<1x16xf32>,
        %swap3A_185 = vector.shape_cast %swap3A_184 : vector<1x16xf32> to vector<16xf32>
        %swap3A_186 = vector.shape_cast %mul3A_181 : vector<16xf32> to vector<1x16xf32>
        tpu.vector_store %arg16[%swap3A_182, %swap3A_183], %swap3A_186 {strides = array<i32>} : memref<80x128xf32, #tpu.memory_space<vmem>>, vector<1x16xf32>,
        %swap3A_187 = arith.index_cast %scan3A_96 : i32 to index
        %swap3A_188 = arith.constant 80 : index
        %swap3A_189 = tpu.vector_load %arg16[%swap3A_187, %swap3A_188] {strides = array<i32>} : memref<80x128xf32, #tpu.memory_space<vmem>>, vector<1x16xf32>,
        %swap3A_190 = vector.shape_cast %swap3A_189 : vector<1x16xf32> to vector<16xf32>
        %swap3A_191 = vector.shape_cast %div3A_171 : vector<16xf32> to vector<1x16xf32>
        tpu.vector_store %arg16[%swap3A_187, %swap3A_188], %swap3A_191 {strides = array<i32>} : memref<80x128xf32, #tpu.memory_space<vmem>>, vector<1x16xf32>,
        %add3A_192 = arith.addf %scan3A_98, %add3A_161 : vector<16xf32>
        %mul3A_193 = arith.mulf %add3A_161, %add3A_161 : vector<16xf32>
        %add3A_194 = arith.addf %scan3A_102, %mul3A_193 : vector<16xf32>
        %get3A_195 = arith.index_cast %scan3A_96 : i32 to index
        %get3A_196 = arith.constant 32 : index
        %get3A_197 = tpu.vector_load %arg15[%get3A_195, %get3A_196] {strides = array<i32>} : memref<80x64xf32, #tpu.memory_space<vmem>>, vector<1x16xf32>,
        %get3A_198 = vector.shape_cast %get3A_197 : vector<1x16xf32> to vector<16xf32>
        %get3A_199 = arith.index_cast %scan3A_96 : i32 to index
        %get3A_200 = arith.constant 32 : index
        %get3A_201 = tpu.vector_load %arg13[%get3A_199, %get3A_200] {strides = array<i32>} : memref<80x128xf32, #tpu.memory_space<vmem>>, vector<1x16xf32>,
        %get3A_202 = vector.shape_cast %get3A_201 : vector<1x16xf32> to vector<16xf32>
        %add3A_203 = arith.addf %get3A_198, %get3A_202 : vector<16xf32>
        %get3A_204 = arith.index_cast %scan3A_96 : i32 to index
        %get3A_205 = arith.constant 32 : index
        %get3A_206 = tpu.vector_load %arg14[%get3A_204, %get3A_205] {strides = array<i32>} : memref<80x128xf32, #tpu.memory_space<vmem>>, vector<1x16xf32>,
        %get3A_207 = vector.shape_cast %get3A_206 : vector<1x16xf32> to vector<16xf32>
        %add3A_208 = arith.addf %add3A_203, %get3A_207 : vector<16xf32>
        %neg3A_209 = arith.constant 0.000000e+00 : f32
        %neg3A_210 = vector.broadcast %neg3A_209 : f32 to vector<16xf32>
        %neg3A_211 = arith.subf %neg3A_210, %add3A_208 : vector<16xf32>
        %exp3A_212 = math.exp %neg3A_211 : vector<16xf32>
        %add3A_213 = arith.constant 1.000000e+00 : f32
        %add3A_214 = vector.broadcast %add3A_213 : f32 to vector<16xf32>
        %add3A_215 = arith.addf %add3A_214, %exp3A_212 : vector<16xf32>
        %div3A_216 = arith.constant 1.000000e+00 : f32
        %div3A_217 = vector.broadcast %div3A_216 : f32 to vector<16xf32>
        %div3A_218 = arith.divf %div3A_217, %add3A_215 : vector<16xf32>
        %swap3A_219 = arith.index_cast %scan3A_96 : i32 to index
        %swap3A_220 = arith.constant 32 : index
        %swap3A_221 = tpu.vector_load %arg15[%swap3A_219, %swap3A_220] {strides = array<i32>} : memref<80x64xf32, #tpu.memory_space<vmem>>, vector<1x16xf32>,
        %swap3A_222 = vector.shape_cast %swap3A_221 : vector<1x16xf32> to vector<16xf32>
        %swap3A_223 = vector.shape_cast %add3A_208 : vector<16xf32> to vector<1x16xf32>
        tpu.vector_store %arg15[%swap3A_219, %swap3A_220], %swap3A_223 {strides = array<i32>} : memref<80x64xf32, #tpu.memory_space<vmem>>, vector<1x16xf32>,
        %get3A_224 = arith.index_cast %scan3A_96 : i32 to index
        %get3A_225 = arith.constant 96 : index
        %get3A_226 = tpu.vector_load %arg13[%get3A_224, %get3A_225] {strides = array<i32>} : memref<80x128xf32, #tpu.memory_space<vmem>>, vector<1x16xf32>,
        %get3A_227 = vector.shape_cast %get3A_226 : vector<1x16xf32> to vector<16xf32>
        %mul3A_228 = arith.mulf %div3A_218, %get3A_227 : vector<16xf32>
        %swap3A_229 = arith.index_cast %scan3A_96 : i32 to index
        %swap3A_230 = arith.constant 32 : index
        %swap3A_231 = tpu.vector_load %arg16[%swap3A_229, %swap3A_230] {strides = array<i32>} : memref<80x128xf32, #tpu.memory_space<vmem>>, vector<1x16xf32>,
        %swap3A_232 = vector.shape_cast %swap3A_231 : vector<1x16xf32> to vector<16xf32>
        %swap3A_233 = vector.shape_cast %mul3A_228 : vector<16xf32> to vector<1x16xf32>
        tpu.vector_store %arg16[%swap3A_229, %swap3A_230], %swap3A_233 {strides = array<i32>} : memref<80x128xf32, #tpu.memory_space<vmem>>, vector<1x16xf32>,
        %swap3A_234 = arith.index_cast %scan3A_96 : i32 to index
        %swap3A_235 = arith.constant 96 : index
        %swap3A_236 = tpu.vector_load %arg16[%swap3A_234, %swap3A_235] {strides = array<i32>} : memref<80x128xf32, #tpu.memory_space<vmem>>, vector<1x16xf32>,
        %swap3A_237 = vector.shape_cast %swap3A_236 : vector<1x16xf32> to vector<16xf32>
        %swap3A_238 = vector.shape_cast %div3A_218 : vector<16xf32> to vector<1x16xf32>
        tpu.vector_store %arg16[%swap3A_234, %swap3A_235], %swap3A_238 {strides = array<i32>} : memref<80x128xf32, #tpu.memory_space<vmem>>, vector<1x16xf32>,
        %add3A_239 = arith.addf %scan3A_99, %add3A_208 : vector<16xf32>
        %mul3A_240 = arith.mulf %add3A_208, %add3A_208 : vector<16xf32>
        %add3A_241 = arith.addf %scan3A_103, %mul3A_240 : vector<16xf32>
        %get3A_242 = arith.index_cast %scan3A_96 : i32 to index
        %get3A_243 = arith.constant 48 : index
        %get3A_244 = tpu.vector_load %arg15[%get3A_242, %get3A_243] {strides = array<i32>} : memref<80x64xf32, #tpu.memory_space<vmem>>, vector<1x16xf32>,
        %get3A_245 = vector.shape_cast %get3A_244 : vector<1x16xf32> to vector<16xf32>
        %get3A_246 = arith.index_cast %scan3A_96 : i32 to index
        %get3A_247 = arith.constant 48 : index
        %get3A_248 = tpu.vector_load %arg13[%get3A_246, %get3A_247] {strides = array<i32>} : memref<80x128xf32, #tpu.memory_space<vmem>>, vector<1x16xf32>,
        %get3A_249 = vector.shape_cast %get3A_248 : vector<1x16xf32> to vector<16xf32>
        %add3A_250 = arith.addf %get3A_245, %get3A_249 : vector<16xf32>
        %get3A_251 = arith.index_cast %scan3A_96 : i32 to index
        %get3A_252 = arith.constant 48 : index
        %get3A_253 = tpu.vector_load %arg14[%get3A_251, %get3A_252] {strides = array<i32>} : memref<80x128xf32, #tpu.memory_space<vmem>>, vector<1x16xf32>,
        %get3A_254 = vector.shape_cast %get3A_253 : vector<1x16xf32> to vector<16xf32>
        %add3A_255 = arith.addf %add3A_250, %get3A_254 : vector<16xf32>
        %neg3A_256 = arith.constant 0.000000e+00 : f32
        %neg3A_257 = vector.broadcast %neg3A_256 : f32 to vector<16xf32>
        %neg3A_258 = arith.subf %neg3A_257, %add3A_255 : vector<16xf32>
        %exp3A_259 = math.exp %neg3A_258 : vector<16xf32>
        %add3A_260 = arith.constant 1.000000e+00 : f32
        %add3A_261 = vector.broadcast %add3A_260 : f32 to vector<16xf32>
        %add3A_262 = arith.addf %add3A_261, %exp3A_259 : vector<16xf32>
        %div3A_263 = arith.constant 1.000000e+00 : f32
        %div3A_264 = vector.broadcast %div3A_263 : f32 to vector<16xf32>
        %div3A_265 = arith.divf %div3A_264, %add3A_262 : vector<16xf32>
        %swap3A_266 = arith.index_cast %scan3A_96 : i32 to index
        %swap3A_267 = arith.constant 48 : index
        %swap3A_268 = tpu.vector_load %arg15[%swap3A_266, %swap3A_267] {strides = array<i32>} : memref<80x64xf32, #tpu.memory_space<vmem>>, vector<1x16xf32>,
        %swap3A_269 = vector.shape_cast %swap3A_268 : vector<1x16xf32> to vector<16xf32>
        %swap3A_270 = vector.shape_cast %add3A_255 : vector<16xf32> to vector<1x16xf32>
        tpu.vector_store %arg15[%swap3A_266, %swap3A_267], %swap3A_270 {strides = array<i32>} : memref<80x64xf32, #tpu.memory_space<vmem>>, vector<1x16xf32>,
        %get3A_271 = arith.index_cast %scan3A_96 : i32 to index
        %get3A_272 = arith.constant 112 : index
        %get3A_273 = tpu.vector_load %arg13[%get3A_271, %get3A_272] {strides = array<i32>} : memref<80x128xf32, #tpu.memory_space<vmem>>, vector<1x16xf32>,
        %get3A_274 = vector.shape_cast %get3A_273 : vector<1x16xf32> to vector<16xf32>
        %mul3A_275 = arith.mulf %div3A_265, %get3A_274 : vector<16xf32>
        %swap3A_276 = arith.index_cast %scan3A_96 : i32 to index
        %swap3A_277 = arith.constant 48 : index
        %swap3A_278 = tpu.vector_load %arg16[%swap3A_276, %swap3A_277] {strides = array<i32>} : memref<80x128xf32, #tpu.memory_space<vmem>>, vector<1x16xf32>,
        %swap3A_279 = vector.shape_cast %swap3A_278 : vector<1x16xf32> to vector<16xf32>
        %swap3A_280 = vector.shape_cast %mul3A_275 : vector<16xf32> to vector<1x16xf32>
        tpu.vector_store %arg16[%swap3A_276, %swap3A_277], %swap3A_280 {strides = array<i32>} : memref<80x128xf32, #tpu.memory_space<vmem>>, vector<1x16xf32>,
        %swap3A_281 = arith.index_cast %scan3A_96 : i32 to index
        %swap3A_282 = arith.constant 112 : index
        %swap3A_283 = tpu.vector_load %arg16[%swap3A_281, %swap3A_282] {strides = array<i32>} : memref<80x128xf32, #tpu.memory_space<vmem>>, vector<1x16xf32>,
        %swap3A_284 = vector.shape_cast %swap3A_283 : vector<1x16xf32> to vector<16xf32>
        %swap3A_285 = vector.shape_cast %div3A_265 : vector<16xf32> to vector<1x16xf32>
        tpu.vector_store %arg16[%swap3A_281, %swap3A_282], %swap3A_285 {strides = array<i32>} : memref<80x128xf32, #tpu.memory_space<vmem>>, vector<1x16xf32>,
        %add3A_286 = arith.addf %scan3A_100, %add3A_255 : vector<16xf32>
        %mul3A_287 = arith.mulf %add3A_255, %add3A_255 : vector<16xf32>
        %add3A_288 = arith.addf %scan3A_104, %mul3A_287 : vector<16xf32>
        scf.yield %add3A_145, %add3A_192, %add3A_239, %add3A_286, %add3A_147, %add3A_194, %add3A_241, %add3A_288 : vector<16xf32>, vector<16xf32>, vector<16xf32>, vector<16xf32>, vector<16xf32>, vector<16xf32>, vector<16xf32>, vector<16xf32>
      }
      %scan3A_95 = arith.constant 80 : i32
      "tpu.region"() ({
        %run_scoped3A = tpu.sem_alloc : memref<!tpu.dma_semaphore, #tpu.memory_space<semaphore_mem>>
        %dma_start3A_96 = arith.constant 0 : i32
        %dma_start3A_97 = tpu.memref_slice %arg7[%arg0, %add3A_72, %dma_start3A_96] : memref<2x320000x64xf32, #tpu.memory_space<hbm>> -> memref<1x80x64xf32, #tpu.memory_space<hbm>>
        %dma_start3A_98 = tpu.memref_squeeze %dma_start3A_97 : memref<1x80x64xf32, #tpu.memory_space<hbm>> -> memref<80x64xf32, #tpu.memory_space<hbm>>
        %dma_start3A_99 = arith.constant 0 : i32
        %dma_start3A_100 = tpu.memref_slice %arg7[%arg0, %add3A_72, %dma_start3A_99] : memref<2x320000x64xf32, #tpu.memory_space<hbm>> -> memref<1x80x64xf32, #tpu.memory_space<hbm>>
        %dma_start3A_101 = tpu.memref_squeeze %dma_start3A_100 : memref<1x80x64xf32, #tpu.memory_space<hbm>> -> memref<80x64xf32, #tpu.memory_space<hbm>>
        tpu.enqueue_dma source(%arg15 : memref<80x64xf32, #tpu.memory_space<vmem>>) target(%dma_start3A_101 : memref<80x64xf32, #tpu.memory_space<hbm>>) target_semaphore(%run_scoped3A : memref<!tpu.dma_semaphore, #tpu.memory_space<semaphore_mem>>)
        %dma_wait3A_102 = arith.constant 0 : i32
        %dma_wait3A_103 = tpu.memref_slice %arg7[%arg0, %add3A_72, %dma_wait3A_102] : memref<2x320000x64xf32, #tpu.memory_space<hbm>> -> memref<1x80x64xf32, #tpu.memory_space<hbm>>
        %dma_wait3A_104 = tpu.memref_squeeze %dma_wait3A_103 : memref<1x80x64xf32, #tpu.memory_space<hbm>> -> memref<80x64xf32, #tpu.memory_space<hbm>>
        %dma_wait3A_105 = arith.constant 0 : i32
        %dma_wait3A_106 = tpu.memref_slice %arg7[%arg0, %add3A_72, %dma_wait3A_105] : memref<2x320000x64xf32, #tpu.memory_space<hbm>> -> memref<1x80x64xf32, #tpu.memory_space<hbm>>
        %dma_wait3A_107 = tpu.memref_squeeze %dma_wait3A_106 : memref<1x80x64xf32, #tpu.memory_space<hbm>> -> memref<80x64xf32, #tpu.memory_space<hbm>>
        tpu.wait_dma2 semaphore(%run_scoped3A : memref<!tpu.dma_semaphore, #tpu.memory_space<semaphore_mem>>) src(%arg15 : memref<80x64xf32, #tpu.memory_space<vmem>>) dst(%dma_wait3A_107 : memref<80x64xf32, #tpu.memory_space<hbm>>)
        tpu.yield
      }) : () -> ()
      "tpu.region"() ({
        %run_scoped3A = tpu.sem_alloc : memref<!tpu.dma_semaphore, #tpu.memory_space<semaphore_mem>>
        %dma_start3A_96 = arith.constant 0 : i32
        %dma_start3A_97 = arith.constant 0 : i32
        %dma_start3A_98 = tpu.memref_slice %arg18[%dma_start3A_96, %dma_start3A_97] : memref<10240x128xf32, #tpu.memory_space<vmem_shared>> -> memref<10240x128xf32, #tpu.memory_space<vmem_shared>>
        tpu.enqueue_indirect_dma source(%arg16 : memref<80x128xf32, #tpu.memory_space<vmem>>) target(%dma_start3A_98 : memref<10240x128xf32, #tpu.memory_space<vmem_shared>>) offsets(%arg11 : memref<80xi32, #tpu.memory_space<vmem>>) semaphore(%run_scoped3A : memref<!tpu.dma_semaphore, #tpu.memory_space<semaphore_mem>>) {add = true}
        %dma_wait3A_99 = arith.constant 0 : i32
        %dma_wait3A_100 = arith.constant 0 : i32
        %dma_wait3A_101 = tpu.memref_slice %arg18[%dma_wait3A_99, %dma_wait3A_100] : memref<10240x128xf32, #tpu.memory_space<vmem_shared>> -> memref<10240x128xf32, #tpu.memory_space<vmem_shared>>
        tpu.wait_indirect_dma semaphore(%run_scoped3A : memref<!tpu.dma_semaphore, #tpu.memory_space<semaphore_mem>>) src(%arg16 : memref<80x128xf32, #tpu.memory_space<vmem>>) dst(%dma_wait3A_101 : memref<10240x128xf32, #tpu.memory_space<vmem_shared>>)
        tpu.yield
      }) : () -> ()
      scf.yield %scan3A_94#0, %scan3A_94#1, %scan3A_94#2, %scan3A_94#3, %scan3A_94#4, %scan3A_94#5, %scan3A_94#6, %scan3A_94#7 : vector<16xf32>, vector<16xf32>, vector<16xf32>, vector<16xf32>, vector<16xf32>, vector<16xf32>, vector<16xf32>, vector<16xf32>
    }
    %scan3A_20 = arith.constant 250 : i32
    %swap3A = arith.constant 0 : index
    %swap3A_21 = tpu.vector_load %arg17[%swap3A] {strides = array<i32>} : memref<128xf32, #tpu.memory_space<vmem>>, vector<16xf32>,
    %swap3A_22 = vector.shape_cast %swap3A_21 : vector<16xf32> to vector<16xf32>
    %swap3A_23 = vector.shape_cast %scan3A_19#0 : vector<16xf32> to vector<16xf32>
    tpu.vector_store %arg17[%swap3A], %swap3A_23 {strides = array<i32>} : memref<128xf32, #tpu.memory_space<vmem>>, vector<16xf32>,
    %swap3A_24 = arith.constant 64 : index
    %swap3A_25 = tpu.vector_load %arg17[%swap3A_24] {strides = array<i32>} : memref<128xf32, #tpu.memory_space<vmem>>, vector<16xf32>,
    %swap3A_26 = vector.shape_cast %swap3A_25 : vector<16xf32> to vector<16xf32>
    %swap3A_27 = vector.shape_cast %scan3A_19#4 : vector<16xf32> to vector<16xf32>
    tpu.vector_store %arg17[%swap3A_24], %swap3A_27 {strides = array<i32>} : memref<128xf32, #tpu.memory_space<vmem>>, vector<16xf32>,
    %swap3A_28 = arith.constant 16 : index
    %swap3A_29 = tpu.vector_load %arg17[%swap3A_28] {strides = array<i32>} : memref<128xf32, #tpu.memory_space<vmem>>, vector<16xf32>,
    %swap3A_30 = vector.shape_cast %swap3A_29 : vector<16xf32> to vector<16xf32>
    %swap3A_31 = vector.shape_cast %scan3A_19#1 : vector<16xf32> to vector<16xf32>
    tpu.vector_store %arg17[%swap3A_28], %swap3A_31 {strides = array<i32>} : memref<128xf32, #tpu.memory_space<vmem>>, vector<16xf32>,
    %swap3A_32 = arith.constant 80 : index
    %swap3A_33 = tpu.vector_load %arg17[%swap3A_32] {strides = array<i32>} : memref<128xf32, #tpu.memory_space<vmem>>, vector<16xf32>,
    %swap3A_34 = vector.shape_cast %swap3A_33 : vector<16xf32> to vector<16xf32>
    %swap3A_35 = vector.shape_cast %scan3A_19#5 : vector<16xf32> to vector<16xf32>
    tpu.vector_store %arg17[%swap3A_32], %swap3A_35 {strides = array<i32>} : memref<128xf32, #tpu.memory_space<vmem>>, vector<16xf32>,
    %swap3A_36 = arith.constant 32 : index
    %swap3A_37 = tpu.vector_load %arg17[%swap3A_36] {strides = array<i32>} : memref<128xf32, #tpu.memory_space<vmem>>, vector<16xf32>,
    %swap3A_38 = vector.shape_cast %swap3A_37 : vector<16xf32> to vector<16xf32>
    %swap3A_39 = vector.shape_cast %scan3A_19#2 : vector<16xf32> to vector<16xf32>
    tpu.vector_store %arg17[%swap3A_36], %swap3A_39 {strides = array<i32>} : memref<128xf32, #tpu.memory_space<vmem>>, vector<16xf32>,
    %swap3A_40 = arith.constant 96 : index
    %swap3A_41 = tpu.vector_load %arg17[%swap3A_40] {strides = array<i32>} : memref<128xf32, #tpu.memory_space<vmem>>, vector<16xf32>,
    %swap3A_42 = vector.shape_cast %swap3A_41 : vector<16xf32> to vector<16xf32>
    %swap3A_43 = vector.shape_cast %scan3A_19#6 : vector<16xf32> to vector<16xf32>
    tpu.vector_store %arg17[%swap3A_40], %swap3A_43 {strides = array<i32>} : memref<128xf32, #tpu.memory_space<vmem>>, vector<16xf32>,
    %swap3A_44 = arith.constant 48 : index
    %swap3A_45 = tpu.vector_load %arg17[%swap3A_44] {strides = array<i32>} : memref<128xf32, #tpu.memory_space<vmem>>, vector<16xf32>,
    %swap3A_46 = vector.shape_cast %swap3A_45 : vector<16xf32> to vector<16xf32>
    %swap3A_47 = vector.shape_cast %scan3A_19#3 : vector<16xf32> to vector<16xf32>
    tpu.vector_store %arg17[%swap3A_44], %swap3A_47 {strides = array<i32>} : memref<128xf32, #tpu.memory_space<vmem>>, vector<16xf32>,
    %swap3A_48 = arith.constant 112 : index
    %swap3A_49 = tpu.vector_load %arg17[%swap3A_48] {strides = array<i32>} : memref<128xf32, #tpu.memory_space<vmem>>, vector<16xf32>,
    %swap3A_50 = vector.shape_cast %swap3A_49 : vector<16xf32> to vector<16xf32>
    %swap3A_51 = vector.shape_cast %scan3A_19#7 : vector<16xf32> to vector<16xf32>
    tpu.vector_store %arg17[%swap3A_48], %swap3A_51 {strides = array<i32>} : memref<128xf32, #tpu.memory_space<vmem>>, vector<16xf32>,
    %mul3A_52 = arith.constant 16 : i32
    %mul3A_53 = arith.muli %arg0, %mul3A_52 : i32
    %add3A = arith.addi %mul3A_53, %arg1 : i32
    "tpu.region"() ({
      %run_scoped3A = tpu.sem_alloc : memref<!tpu.dma_semaphore, #tpu.memory_space<semaphore_mem>>
      %dma_start3A = arith.constant 0 : i32
      %dma_start3A_59 = tpu.memref_slice %arg9[%add3A, %dma_start3A] : memref<32x128xf32, #tpu.memory_space<hbm>> -> memref<1x128xf32, #tpu.memory_space<hbm>>
      %dma_start3A_60 = tpu.memref_squeeze %dma_start3A_59 : memref<1x128xf32, #tpu.memory_space<hbm>> -> memref<128xf32, #tpu.memory_space<hbm>>
      %dma_start3A_61 = arith.constant 0 : i32
      %dma_start3A_62 = tpu.memref_slice %arg9[%add3A, %dma_start3A_61] : memref<32x128xf32, #tpu.memory_space<hbm>> -> memref<1x128xf32, #tpu.memory_space<hbm>>
      %dma_start3A_63 = tpu.memref_squeeze %dma_start3A_62 : memref<1x128xf32, #tpu.memory_space<hbm>> -> memref<128xf32, #tpu.memory_space<hbm>>
      tpu.enqueue_dma source(%arg17 : memref<128xf32, #tpu.memory_space<vmem>>) target(%dma_start3A_63 : memref<128xf32, #tpu.memory_space<hbm>>) target_semaphore(%run_scoped3A : memref<!tpu.dma_semaphore, #tpu.memory_space<semaphore_mem>>)
      %dma_wait3A = arith.constant 0 : i32
      %dma_wait3A_64 = tpu.memref_slice %arg9[%add3A, %dma_wait3A] : memref<32x128xf32, #tpu.memory_space<hbm>> -> memref<1x128xf32, #tpu.memory_space<hbm>>
      %dma_wait3A_65 = tpu.memref_squeeze %dma_wait3A_64 : memref<1x128xf32, #tpu.memory_space<hbm>> -> memref<128xf32, #tpu.memory_space<hbm>>
      %dma_wait3A_66 = arith.constant 0 : i32
      %dma_wait3A_67 = tpu.memref_slice %arg9[%add3A, %dma_wait3A_66] : memref<32x128xf32, #tpu.memory_space<hbm>> -> memref<1x128xf32, #tpu.memory_space<hbm>>
      %dma_wait3A_68 = tpu.memref_squeeze %dma_wait3A_67 : memref<1x128xf32, #tpu.memory_space<hbm>> -> memref<128xf32, #tpu.memory_space<hbm>>
      tpu.wait_dma2 semaphore(%run_scoped3A : memref<!tpu.dma_semaphore, #tpu.memory_space<semaphore_mem>>) src(%arg17 : memref<128xf32, #tpu.memory_space<vmem>>) dst(%dma_wait3A_68 : memref<128xf32, #tpu.memory_space<hbm>>)
      tpu.yield
    }) : () -> ()
    %barrier3A_54 = arith.constant 0 : index
    tpu.barrier barrier_id(%barrier3A_54)
    %mul3A_55 = arith.constant 640 : i32
    %mul3A_56 = arith.muli %arg1, %mul3A_55 : i32
    %mul3A_57 = arith.constant 640 : i32
    %mul3A_58 = arith.muli %arg1, %mul3A_57 : i32
    "tpu.region"() ({
      %run_scoped3A = tpu.sem_alloc : memref<!tpu.dma_semaphore, #tpu.memory_space<semaphore_mem>>
      %dma_start3A = arith.constant 0 : i32
      %dma_start3A_59 = tpu.memref_slice %arg8[%arg0, %mul3A_58, %dma_start3A] : memref<2x10240x128xf32, #tpu.memory_space<hbm>> -> memref<1x640x128xf32, #tpu.memory_space<hbm>>
      %dma_start3A_60 = tpu.memref_squeeze %dma_start3A_59 : memref<1x640x128xf32, #tpu.memory_space<hbm>> -> memref<640x128xf32, #tpu.memory_space<hbm>>
      %dma_start3A_61 = arith.constant 0 : i32
      %dma_start3A_62 = tpu.memref_slice %arg18[%mul3A_56, %dma_start3A_61] : memref<10240x128xf32, #tpu.memory_space<vmem_shared>> -> memref<640x128xf32, #tpu.memory_space<vmem_shared>>
      tpu.enqueue_dma source(%dma_start3A_62 : memref<640x128xf32, #tpu.memory_space<vmem_shared>>) target(%dma_start3A_60 : memref<640x128xf32, #tpu.memory_space<hbm>>) target_semaphore(%run_scoped3A : memref<!tpu.dma_semaphore, #tpu.memory_space<semaphore_mem>>)
      %dma_wait3A = arith.constant 0 : i32
      %dma_wait3A_63 = tpu.memref_slice %arg8[%arg0, %mul3A_58, %dma_wait3A] : memref<2x10240x128xf32, #tpu.memory_space<hbm>> -> memref<1x640x128xf32, #tpu.memory_space<hbm>>
      %dma_wait3A_64 = tpu.memref_squeeze %dma_wait3A_63 : memref<1x640x128xf32, #tpu.memory_space<hbm>> -> memref<640x128xf32, #tpu.memory_space<hbm>>
      %dma_wait3A_65 = arith.constant 0 : i32
      %dma_wait3A_66 = tpu.memref_slice %arg18[%mul3A_56, %dma_wait3A_65] : memref<10240x128xf32, #tpu.memory_space<vmem_shared>> -> memref<640x128xf32, #tpu.memory_space<vmem_shared>>
      tpu.wait_dma2 semaphore(%run_scoped3A : memref<!tpu.dma_semaphore, #tpu.memory_space<semaphore_mem>>) src(%dma_wait3A_66 : memref<640x128xf32, #tpu.memory_space<vmem_shared>>) dst(%dma_wait3A_64 : memref<640x128xf32, #tpu.memory_space<hbm>>)
      tpu.yield
    }) : () -> ()
    return
  }
}

#map = affine_map<(d0, d1) -> (0, 0, 0)>
#map1 = affine_map<(d0, d1) -> (0, 0)>
#map2 = affine_map<(d0, d1) -> (0)>
module attributes {stable_mosaic.version = 14 : i64} {
  func.func @_sc_edge_kernel(%arg0: i32, %arg1: i32, %arg2: memref<2x320000x64xf32, #tpu.memory_space<hbm>>, %arg3: memref<20000x128xf32, #tpu.memory_space<hbm>>, %arg4: memref<20000x128xf32, #tpu.memory_space<hbm>>, %arg5: memref<320000xi32, #tpu.memory_space<hbm>>, %arg6: memref<320000xi32, #tpu.memory_space<hbm>>, %arg7: memref<2x10240x128xf32, #tpu.memory_space<hbm>>, %arg8: memref<32x128xf32, #tpu.memory_space<hbm>>, %arg9: memref<80xi32, #tpu.memory_space<vmem>>, %arg10: memref<80xi32, #tpu.memory_space<vmem>>, %arg11: memref<80xi32, #tpu.memory_space<vmem>>, %arg12: memref<80x128xf32, #tpu.memory_space<vmem>>, %arg13: memref<80x128xf32, #tpu.memory_space<vmem>>, %arg14: memref<80x64xf32, #tpu.memory_space<vmem>>, %arg15: memref<80x128xf32, #tpu.memory_space<vmem>>, %arg16: memref<128xf32, #tpu.memory_space<vmem>>, %arg17: memref<10240x128xf32, #tpu.memory_space<vmem_shared>>, %arg18: memref<!tpu.dma_semaphore, #tpu.memory_space<semaphore_mem>>, %arg19: memref<!tpu.dma_semaphore, #tpu.memory_space<semaphore_mem>>) attributes {dimension_semantics = [#tpu.dimension_semantics<core_parallel>, #tpu.dimension_semantics<subcore_parallel>], iteration_bounds = array<i64: 2, 16>, scalar_prefetch = 0 : i64, scratch_operands = 11 : i64, tpu.core_type = #tpu.core_type<sc_vector_subcore>, window_params = [{transform_indices = #map}, {transform_indices = #map1}, {transform_indices = #map1}, {transform_indices = #map2}, {transform_indices = #map2}, {transform_indices = #map}, {transform_indices = #map1}]} {
    %broadcast_in_dim3A = arith.constant 0.000000e+00 : f32
    %broadcast_in_dim3A_0 = vector.broadcast %broadcast_in_dim3A : f32 to vector<16xf32>
    %scan3A = arith.constant 0 : i32
    %scan3A_1 = arith.constant 0 : i32
    %scan3A_2 = arith.constant 640 : i32
    %scan3A_3 = arith.addi %scan3A_1, %scan3A_2 : i32
    %scan3A_4 = arith.constant 1 : i32
    %scan3A_5 = scf.for %scan3A_59 = %scan3A_1 to %scan3A_3 step %scan3A_4 iter_args(%scan3A_60 = %scan3A) -> (i32)  : i32 {
      %jit3A = arith.constant 8 : i32
      %div3A = arith.divsi %scan3A_59, %jit3A : i32
      %sign3A = arith.constant 0 : i32
      %sign3A_61 = arith.cmpi sgt, %scan3A_59, %sign3A : i32
      %sign3A_62 = arith.extui %sign3A_61 : i1 to i32
      %sign3A_63 = arith.constant 0 : i32
      %sign3A_64 = arith.cmpi slt, %scan3A_59, %sign3A_63 : i32
      %sign3A_65 = arith.extui %sign3A_64 : i1 to i32
      %sign3A_66 = arith.subi %sign3A_62, %sign3A_65 : i32
      %sign3A_67 = arith.constant 0 : i32
      %sign3A_68 = arith.cmpi sgt, %jit3A, %sign3A_67 : i32
      %sign3A_69 = arith.extui %sign3A_68 : i1 to i32
      %sign3A_70 = arith.constant 0 : i32
      %sign3A_71 = arith.cmpi slt, %jit3A, %sign3A_70 : i32
      %sign3A_72 = arith.extui %sign3A_71 : i1 to i32
      %sign3A_73 = arith.subi %sign3A_69, %sign3A_72 : i32
      %ne3A = arith.cmpi ne, %sign3A_66, %sign3A_73 : i32
      %rem3A = arith.remsi %scan3A_59, %jit3A : i32
      %ne3A_74 = arith.constant 0 : i32
      %ne3A_75 = arith.cmpi ne, %rem3A, %ne3A_74 : i32
      %and3A = arith.andi %ne3A, %ne3A_75 : i1
      %sub3A = arith.constant 1 : i32
      %sub3A_76 = arith.subi %div3A, %sub3A : i32
      %select_n3A = arith.select %and3A, %sub3A_76, %div3A : i32
      %jit3A_77 = arith.constant 8 : i32
      %eq3A = arith.constant 0 : i32
      %eq3A_78 = arith.cmpi eq, %jit3A_77, %eq3A : i32
      %jit3A_79 = arith.constant 1 : i32
      %select_n3A_80 = arith.select %eq3A_78, %jit3A_79, %jit3A_77 : i32
      %rem3A_81 = arith.remsi %scan3A_59, %select_n3A_80 : i32
      %ne3A_82 = arith.constant 0 : i32
      %ne3A_83 = arith.cmpi ne, %rem3A_81, %ne3A_82 : i32
      %lt3A = arith.constant 0 : i32
      %lt3A_84 = arith.cmpi slt, %rem3A_81, %lt3A : i32
      %lt3A_85 = arith.constant 0 : i32
      %lt3A_86 = arith.cmpi slt, %select_n3A_80, %lt3A_85 : i32
      %ne3A_87 = arith.xori %lt3A_84, %lt3A_86 : i1
      %and3A_88 = arith.andi %ne3A_87, %ne3A_83 : i1
      %add3A_89 = arith.addi %rem3A_81, %select_n3A_80 : i32
      %select_n3A_90 = arith.select %and3A_88, %add3A_89, %rem3A_81 : i32
      %mul3A_91 = arith.constant 16 : i32
      %mul3A_92 = arith.muli %mul3A_91, %select_n3A_90 : i32
      %swap3A_93 = arith.index_cast %select_n3A : i32 to index
      %swap3A_94 = arith.index_cast %mul3A_92 : i32 to index
      %swap3A_95 = tpu.vector_load %arg15[%swap3A_93, %swap3A_94] {strides = array<i32>} : memref<80x128xf32, #tpu.memory_space<vmem>>, vector<1x16xf32>,
      %swap3A_96 = vector.shape_cast %swap3A_95 : vector<1x16xf32> to vector<16xf32>
      %swap3A_97 = vector.shape_cast %broadcast_in_dim3A_0 : vector<16xf32> to vector<1x16xf32>
      tpu.vector_store %arg15[%swap3A_93, %swap3A_94], %swap3A_97 {strides = array<i32>} : memref<80x128xf32, #tpu.memory_space<vmem>>, vector<1x16xf32>,
      %scan3A_98 = arith.constant 0 : i32
      scf.yield %scan3A_98 : i32
    }
    %scan3A_6 = arith.constant 640 : i32
    %scan3A_7 = arith.constant 0 : i32
    %scan3A_8 = arith.constant 0 : i32
    %scan3A_9 = arith.constant 8 : i32
    %scan3A_10 = arith.addi %scan3A_8, %scan3A_9 : i32
    %scan3A_11 = arith.constant 1 : i32
    %scan3A_12 = scf.for %scan3A_59 = %scan3A_8 to %scan3A_10 step %scan3A_11 iter_args(%scan3A_60 = %scan3A_7) -> (i32)  : i32 {
      %mul3A_61 = arith.constant 640 : i32
      %mul3A_62 = arith.muli %arg1, %mul3A_61 : i32
      %mul3A_63 = arith.constant 80 : i32
      %mul3A_64 = arith.muli %scan3A_59, %mul3A_63 : i32
      %add3A_65 = arith.addi %mul3A_62, %mul3A_64 : i32
      "tpu.region"() ({
        %run_scoped3A = tpu.sem_alloc : memref<!tpu.dma_semaphore, #tpu.memory_space<semaphore_mem>>
        %dma_start3A = arith.constant 0 : i32
        %dma_start3A_67 = tpu.memref_slice %arg17[%add3A_65, %dma_start3A] : memref<10240x128xf32, #tpu.memory_space<vmem_shared>> -> memref<80x128xf32, #tpu.memory_space<vmem_shared>>
        %dma_start3A_68 = arith.constant 0 : i32
        %dma_start3A_69 = tpu.memref_slice %arg17[%add3A_65, %dma_start3A_68] : memref<10240x128xf32, #tpu.memory_space<vmem_shared>> -> memref<80x128xf32, #tpu.memory_space<vmem_shared>>
        tpu.enqueue_dma source(%arg15 : memref<80x128xf32, #tpu.memory_space<vmem>>) target(%dma_start3A_69 : memref<80x128xf32, #tpu.memory_space<vmem_shared>>) target_semaphore(%run_scoped3A : memref<!tpu.dma_semaphore, #tpu.memory_space<semaphore_mem>>)
        %dma_wait3A = arith.constant 0 : i32
        %dma_wait3A_70 = tpu.memref_slice %arg17[%add3A_65, %dma_wait3A] : memref<10240x128xf32, #tpu.memory_space<vmem_shared>> -> memref<80x128xf32, #tpu.memory_space<vmem_shared>>
        %dma_wait3A_71 = arith.constant 0 : i32
        %dma_wait3A_72 = tpu.memref_slice %arg17[%add3A_65, %dma_wait3A_71] : memref<10240x128xf32, #tpu.memory_space<vmem_shared>> -> memref<80x128xf32, #tpu.memory_space<vmem_shared>>
        tpu.wait_dma2 semaphore(%run_scoped3A : memref<!tpu.dma_semaphore, #tpu.memory_space<semaphore_mem>>) src(%arg15 : memref<80x128xf32, #tpu.memory_space<vmem>>) dst(%dma_wait3A_72 : memref<80x128xf32, #tpu.memory_space<vmem_shared>>)
        tpu.yield
      }) : () -> ()
      %scan3A_66 = arith.constant 0 : i32
      scf.yield %scan3A_66 : i32
    }
    %scan3A_13 = arith.constant 8 : i32
    %barrier3A = arith.constant 0 : index
    tpu.barrier barrier_id(%barrier3A)
    %mul3A = arith.constant 10000 : i32
    %mul3A_14 = arith.muli %arg0, %mul3A : i32
    %scan3A_15 = arith.constant 0 : i32
    %scan3A_16 = arith.constant 250 : i32
    %scan3A_17 = arith.addi %scan3A_15, %scan3A_16 : i32
    %scan3A_18 = arith.constant 1 : i32
    %scan3A_19:8 = scf.for %scan3A_59 = %scan3A_15 to %scan3A_17 step %scan3A_18 iter_args(%scan3A_60 = %broadcast_in_dim3A_0, %scan3A_61 = %broadcast_in_dim3A_0, %scan3A_62 = %broadcast_in_dim3A_0, %scan3A_63 = %broadcast_in_dim3A_0, %scan3A_64 = %broadcast_in_dim3A_0, %scan3A_65 = %broadcast_in_dim3A_0, %scan3A_66 = %broadcast_in_dim3A_0, %scan3A_67 = %broadcast_in_dim3A_0) -> (vector<16xf32>, vector<16xf32>, vector<16xf32>, vector<16xf32>, vector<16xf32>, vector<16xf32>, vector<16xf32>, vector<16xf32>)  : i32 {
      %mul3A_68 = arith.constant 20000 : i32
      %mul3A_69 = arith.muli %arg1, %mul3A_68 : i32
      %mul3A_70 = arith.constant 80 : i32
      %mul3A_71 = arith.muli %scan3A_59, %mul3A_70 : i32
      %add3A_72 = arith.addi %mul3A_69, %mul3A_71 : i32
      "tpu.region"() ({
        %run_scoped3A = tpu.sem_alloc : memref<!tpu.dma_semaphore, #tpu.memory_space<semaphore_mem>>
        %dma_start3A_96 = tpu.memref_slice %arg5[%add3A_72] : memref<320000xi32, #tpu.memory_space<hbm>> -> memref<80xi32, #tpu.memory_space<hbm>>
        %dma_start3A_97 = tpu.memref_slice %arg5[%add3A_72] : memref<320000xi32, #tpu.memory_space<hbm>> -> memref<80xi32, #tpu.memory_space<hbm>>
        tpu.enqueue_dma source(%dma_start3A_97 : memref<80xi32, #tpu.memory_space<hbm>>) target(%arg9 : memref<80xi32, #tpu.memory_space<vmem>>) target_semaphore(%run_scoped3A : memref<!tpu.dma_semaphore, #tpu.memory_space<semaphore_mem>>)
        %dma_wait3A_98 = tpu.memref_slice %arg5[%add3A_72] : memref<320000xi32, #tpu.memory_space<hbm>> -> memref<80xi32, #tpu.memory_space<hbm>>
        %dma_wait3A_99 = tpu.memref_slice %arg5[%add3A_72] : memref<320000xi32, #tpu.memory_space<hbm>> -> memref<80xi32, #tpu.memory_space<hbm>>
        tpu.wait_dma2 semaphore(%run_scoped3A : memref<!tpu.dma_semaphore, #tpu.memory_space<semaphore_mem>>) src(%dma_wait3A_99 : memref<80xi32, #tpu.memory_space<hbm>>) dst(%arg9 : memref<80xi32, #tpu.memory_space<vmem>>)
        tpu.yield
      }) : () -> ()
      "tpu.region"() ({
        %run_scoped3A = tpu.sem_alloc : memref<!tpu.dma_semaphore, #tpu.memory_space<semaphore_mem>>
        %dma_start3A_96 = tpu.memref_slice %arg6[%add3A_72] : memref<320000xi32, #tpu.memory_space<hbm>> -> memref<80xi32, #tpu.memory_space<hbm>>
        %dma_start3A_97 = tpu.memref_slice %arg6[%add3A_72] : memref<320000xi32, #tpu.memory_space<hbm>> -> memref<80xi32, #tpu.memory_space<hbm>>
        tpu.enqueue_dma source(%dma_start3A_97 : memref<80xi32, #tpu.memory_space<hbm>>) target(%arg10 : memref<80xi32, #tpu.memory_space<vmem>>) target_semaphore(%run_scoped3A : memref<!tpu.dma_semaphore, #tpu.memory_space<semaphore_mem>>)
        %dma_wait3A_98 = tpu.memref_slice %arg6[%add3A_72] : memref<320000xi32, #tpu.memory_space<hbm>> -> memref<80xi32, #tpu.memory_space<hbm>>
        %dma_wait3A_99 = tpu.memref_slice %arg6[%add3A_72] : memref<320000xi32, #tpu.memory_space<hbm>> -> memref<80xi32, #tpu.memory_space<hbm>>
        tpu.wait_dma2 semaphore(%run_scoped3A : memref<!tpu.dma_semaphore, #tpu.memory_space<semaphore_mem>>) src(%dma_wait3A_99 : memref<80xi32, #tpu.memory_space<hbm>>) dst(%arg10 : memref<80xi32, #tpu.memory_space<vmem>>)
        tpu.yield
      }) : () -> ()
      %scan3A_73 = arith.constant 0 : i32
      %scan3A_74 = arith.constant 0 : i32
      %scan3A_75 = arith.constant 5 : i32
      %scan3A_76 = arith.addi %scan3A_74, %scan3A_75 : i32
      %scan3A_77 = arith.constant 1 : i32
      %scan3A_78 = scf.for %scan3A_96 = %scan3A_74 to %scan3A_76 step %scan3A_77 iter_args(%scan3A_97 = %scan3A_73) -> (i32)  : i32 {
        %mul3A_98 = arith.constant 16 : i32
        %mul3A_99 = arith.muli %mul3A_98, %scan3A_96 : i32
        %get3A = arith.index_cast %mul3A_99 : i32 to index
        %get3A_100 = tpu.vector_load %arg9[%get3A] {strides = array<i32>} : memref<80xi32, #tpu.memory_space<vmem>>, vector<16xi32>,
        %get3A_101 = vector.shape_cast %get3A_100 : vector<16xi32> to vector<16xi32>
        %add3A_102 = vector.broadcast %mul3A_14 : i32 to vector<16xi32>
        %add3A_103 = arith.addi %get3A_101, %add3A_102 : vector<16xi32>
        %swap3A_104 = arith.index_cast %mul3A_99 : i32 to index
        %swap3A_105 = tpu.vector_load %arg9[%swap3A_104] {strides = array<i32>} : memref<80xi32, #tpu.memory_space<vmem>>, vector<16xi32>,
        %swap3A_106 = vector.shape_cast %swap3A_105 : vector<16xi32> to vector<16xi32>
        %swap3A_107 = vector.shape_cast %add3A_103 : vector<16xi32> to vector<16xi32>
        tpu.vector_store %arg9[%swap3A_104], %swap3A_107 {strides = array<i32>} : memref<80xi32, #tpu.memory_space<vmem>>, vector<16xi32>,
        %get3A_108 = arith.index_cast %mul3A_99 : i32 to index
        %get3A_109 = tpu.vector_load %arg10[%get3A_108] {strides = array<i32>} : memref<80xi32, #tpu.memory_space<vmem>>, vector<16xi32>,
        %get3A_110 = vector.shape_cast %get3A_109 : vector<16xi32> to vector<16xi32>
        %add3A_111 = vector.broadcast %mul3A_14 : i32 to vector<16xi32>
        %add3A_112 = arith.addi %get3A_110, %add3A_111 : vector<16xi32>
        %swap3A_113 = arith.index_cast %mul3A_99 : i32 to index
        %swap3A_114 = tpu.vector_load %arg11[%swap3A_113] {strides = array<i32>} : memref<80xi32, #tpu.memory_space<vmem>>, vector<16xi32>,
        %swap3A_115 = vector.shape_cast %swap3A_114 : vector<16xi32> to vector<16xi32>
        %swap3A_116 = vector.shape_cast %add3A_112 : vector<16xi32> to vector<16xi32>
        tpu.vector_store %arg11[%swap3A_113], %swap3A_116 {strides = array<i32>} : memref<80xi32, #tpu.memory_space<vmem>>, vector<16xi32>,
        %scan3A_117 = arith.constant 0 : i32
        scf.yield %scan3A_117 : i32
      }
      %scan3A_79 = arith.constant 5 : i32
      %dma_start3A = arith.constant 0 : i32
      %dma_start3A_80 = arith.constant 0 : i32
      %dma_start3A_81 = tpu.memref_slice %arg3[%dma_start3A, %dma_start3A_80] : memref<20000x128xf32, #tpu.memory_space<hbm>> -> memref<20000x128xf32, #tpu.memory_space<hbm>>
      tpu.enqueue_indirect_dma source(%dma_start3A_81 : memref<20000x128xf32, #tpu.memory_space<hbm>>) target(%arg12 : memref<80x128xf32, #tpu.memory_space<vmem>>) offsets(%arg9 : memref<80xi32, #tpu.memory_space<vmem>>) semaphore(%arg18 : memref<!tpu.dma_semaphore, #tpu.memory_space<semaphore_mem>>)
      %dma_start3A_82 = arith.constant 0 : i32
      %dma_start3A_83 = arith.constant 0 : i32
      %dma_start3A_84 = tpu.memref_slice %arg4[%dma_start3A_82, %dma_start3A_83] : memref<20000x128xf32, #tpu.memory_space<hbm>> -> memref<20000x128xf32, #tpu.memory_space<hbm>>
      tpu.enqueue_indirect_dma source(%dma_start3A_84 : memref<20000x128xf32, #tpu.memory_space<hbm>>) target(%arg13 : memref<80x128xf32, #tpu.memory_space<vmem>>) offsets(%arg11 : memref<80xi32, #tpu.memory_space<vmem>>) semaphore(%arg19 : memref<!tpu.dma_semaphore, #tpu.memory_space<semaphore_mem>>)
      "tpu.region"() ({
        %run_scoped3A = tpu.sem_alloc : memref<!tpu.dma_semaphore, #tpu.memory_space<semaphore_mem>>
        %dma_start3A_96 = arith.constant 0 : i32
        %dma_start3A_97 = tpu.memref_slice %arg2[%arg0, %add3A_72, %dma_start3A_96] : memref<2x320000x64xf32, #tpu.memory_space<hbm>> -> memref<1x80x64xf32, #tpu.memory_space<hbm>>
        %dma_start3A_98 = tpu.memref_squeeze %dma_start3A_97 : memref<1x80x64xf32, #tpu.memory_space<hbm>> -> memref<80x64xf32, #tpu.memory_space<hbm>>
        %dma_start3A_99 = arith.constant 0 : i32
        %dma_start3A_100 = tpu.memref_slice %arg2[%arg0, %add3A_72, %dma_start3A_99] : memref<2x320000x64xf32, #tpu.memory_space<hbm>> -> memref<1x80x64xf32, #tpu.memory_space<hbm>>
        %dma_start3A_101 = tpu.memref_squeeze %dma_start3A_100 : memref<1x80x64xf32, #tpu.memory_space<hbm>> -> memref<80x64xf32, #tpu.memory_space<hbm>>
        tpu.enqueue_dma source(%dma_start3A_101 : memref<80x64xf32, #tpu.memory_space<hbm>>) target(%arg14 : memref<80x64xf32, #tpu.memory_space<vmem>>) target_semaphore(%run_scoped3A : memref<!tpu.dma_semaphore, #tpu.memory_space<semaphore_mem>>)
        %dma_wait3A_102 = arith.constant 0 : i32
        %dma_wait3A_103 = tpu.memref_slice %arg2[%arg0, %add3A_72, %dma_wait3A_102] : memref<2x320000x64xf32, #tpu.memory_space<hbm>> -> memref<1x80x64xf32, #tpu.memory_space<hbm>>
        %dma_wait3A_104 = tpu.memref_squeeze %dma_wait3A_103 : memref<1x80x64xf32, #tpu.memory_space<hbm>> -> memref<80x64xf32, #tpu.memory_space<hbm>>
        %dma_wait3A_105 = arith.constant 0 : i32
        %dma_wait3A_106 = tpu.memref_slice %arg2[%arg0, %add3A_72, %dma_wait3A_105] : memref<2x320000x64xf32, #tpu.memory_space<hbm>> -> memref<1x80x64xf32, #tpu.memory_space<hbm>>
        %dma_wait3A_107 = tpu.memref_squeeze %dma_wait3A_106 : memref<1x80x64xf32, #tpu.memory_space<hbm>> -> memref<80x64xf32, #tpu.memory_space<hbm>>
        tpu.wait_dma2 semaphore(%run_scoped3A : memref<!tpu.dma_semaphore, #tpu.memory_space<semaphore_mem>>) src(%dma_wait3A_107 : memref<80x64xf32, #tpu.memory_space<hbm>>) dst(%arg14 : memref<80x64xf32, #tpu.memory_space<vmem>>)
        tpu.yield
      }) : () -> ()
      %dma_wait3A = arith.constant 0 : i32
      %dma_wait3A_85 = arith.constant 0 : i32
      %dma_wait3A_86 = tpu.memref_slice %arg3[%dma_wait3A, %dma_wait3A_85] : memref<20000x128xf32, #tpu.memory_space<hbm>> -> memref<20000x128xf32, #tpu.memory_space<hbm>>
      tpu.wait_indirect_dma semaphore(%arg18 : memref<!tpu.dma_semaphore, #tpu.memory_space<semaphore_mem>>) src(%dma_wait3A_86 : memref<20000x128xf32, #tpu.memory_space<hbm>>) dst(%arg12 : memref<80x128xf32, #tpu.memory_space<vmem>>)
      %dma_wait3A_87 = arith.constant 0 : i32
      %dma_wait3A_88 = arith.constant 0 : i32
      %dma_wait3A_89 = tpu.memref_slice %arg4[%dma_wait3A_87, %dma_wait3A_88] : memref<20000x128xf32, #tpu.memory_space<hbm>> -> memref<20000x128xf32, #tpu.memory_space<hbm>>
      tpu.wait_indirect_dma semaphore(%arg19 : memref<!tpu.dma_semaphore, #tpu.memory_space<semaphore_mem>>) src(%dma_wait3A_89 : memref<20000x128xf32, #tpu.memory_space<hbm>>) dst(%arg13 : memref<80x128xf32, #tpu.memory_space<vmem>>)
      %scan3A_90 = arith.constant 0 : i32
      %scan3A_91 = arith.constant 80 : i32
      %scan3A_92 = arith.addi %scan3A_90, %scan3A_91 : i32
      %scan3A_93 = arith.constant 1 : i32
      %scan3A_94:8 = scf.for %scan3A_96 = %scan3A_90 to %scan3A_92 step %scan3A_93 iter_args(%scan3A_97 = %scan3A_60, %scan3A_98 = %scan3A_61, %scan3A_99 = %scan3A_62, %scan3A_100 = %scan3A_63, %scan3A_101 = %scan3A_64, %scan3A_102 = %scan3A_65, %scan3A_103 = %scan3A_66, %scan3A_104 = %scan3A_67) -> (vector<16xf32>, vector<16xf32>, vector<16xf32>, vector<16xf32>, vector<16xf32>, vector<16xf32>, vector<16xf32>, vector<16xf32>)  : i32 {
        %get3A = arith.index_cast %scan3A_96 : i32 to index
        %get3A_105 = arith.constant 0 : index
        %get3A_106 = tpu.vector_load %arg14[%get3A, %get3A_105] {strides = array<i32>} : memref<80x64xf32, #tpu.memory_space<vmem>>, vector<1x16xf32>,
        %get3A_107 = vector.shape_cast %get3A_106 : vector<1x16xf32> to vector<16xf32>
        %get3A_108 = arith.index_cast %scan3A_96 : i32 to index
        %get3A_109 = arith.constant 0 : index
        %get3A_110 = tpu.vector_load %arg12[%get3A_108, %get3A_109] {strides = array<i32>} : memref<80x128xf32, #tpu.memory_space<vmem>>, vector<1x16xf32>,
        %get3A_111 = vector.shape_cast %get3A_110 : vector<1x16xf32> to vector<16xf32>
        %add3A_112 = arith.addf %get3A_107, %get3A_111 : vector<16xf32>
        %get3A_113 = arith.index_cast %scan3A_96 : i32 to index
        %get3A_114 = arith.constant 0 : index
        %get3A_115 = tpu.vector_load %arg13[%get3A_113, %get3A_114] {strides = array<i32>} : memref<80x128xf32, #tpu.memory_space<vmem>>, vector<1x16xf32>,
        %get3A_116 = vector.shape_cast %get3A_115 : vector<1x16xf32> to vector<16xf32>
        %add3A_117 = arith.addf %add3A_112, %get3A_116 : vector<16xf32>
        %neg3A = arith.constant 0.000000e+00 : f32
        %neg3A_118 = vector.broadcast %neg3A : f32 to vector<16xf32>
        %neg3A_119 = arith.subf %neg3A_118, %add3A_117 : vector<16xf32>
        %exp3A = math.exp %neg3A_119 : vector<16xf32>
        %add3A_120 = arith.constant 1.000000e+00 : f32
        %add3A_121 = vector.broadcast %add3A_120 : f32 to vector<16xf32>
        %add3A_122 = arith.addf %add3A_121, %exp3A : vector<16xf32>
        %div3A = arith.constant 1.000000e+00 : f32
        %div3A_123 = vector.broadcast %div3A : f32 to vector<16xf32>
        %div3A_124 = arith.divf %div3A_123, %add3A_122 : vector<16xf32>
        %get3A_125 = arith.index_cast %scan3A_96 : i32 to index
        %get3A_126 = arith.constant 64 : index
        %get3A_127 = tpu.vector_load %arg12[%get3A_125, %get3A_126] {strides = array<i32>} : memref<80x128xf32, #tpu.memory_space<vmem>>, vector<1x16xf32>,
        %get3A_128 = vector.shape_cast %get3A_127 : vector<1x16xf32> to vector<16xf32>
        %mul3A_129 = arith.mulf %div3A_124, %get3A_128 : vector<16xf32>
        %swap3A_130 = arith.index_cast %scan3A_96 : i32 to index
        %swap3A_131 = arith.constant 0 : index
        %swap3A_132 = tpu.vector_load %arg15[%swap3A_130, %swap3A_131] {strides = array<i32>} : memref<80x128xf32, #tpu.memory_space<vmem>>, vector<1x16xf32>,
        %swap3A_133 = vector.shape_cast %swap3A_132 : vector<1x16xf32> to vector<16xf32>
        %swap3A_134 = vector.shape_cast %mul3A_129 : vector<16xf32> to vector<1x16xf32>
        tpu.vector_store %arg15[%swap3A_130, %swap3A_131], %swap3A_134 {strides = array<i32>} : memref<80x128xf32, #tpu.memory_space<vmem>>, vector<1x16xf32>,
        %swap3A_135 = arith.index_cast %scan3A_96 : i32 to index
        %swap3A_136 = arith.constant 64 : index
        %swap3A_137 = tpu.vector_load %arg15[%swap3A_135, %swap3A_136] {strides = array<i32>} : memref<80x128xf32, #tpu.memory_space<vmem>>, vector<1x16xf32>,
        %swap3A_138 = vector.shape_cast %swap3A_137 : vector<1x16xf32> to vector<16xf32>
        %swap3A_139 = vector.shape_cast %div3A_124 : vector<16xf32> to vector<1x16xf32>
        tpu.vector_store %arg15[%swap3A_135, %swap3A_136], %swap3A_139 {strides = array<i32>} : memref<80x128xf32, #tpu.memory_space<vmem>>, vector<1x16xf32>,
        %add3A_140 = arith.addf %scan3A_97, %add3A_117 : vector<16xf32>
        %mul3A_141 = arith.mulf %add3A_117, %add3A_117 : vector<16xf32>
        %add3A_142 = arith.addf %scan3A_101, %mul3A_141 : vector<16xf32>
        %get3A_143 = arith.index_cast %scan3A_96 : i32 to index
        %get3A_144 = arith.constant 16 : index
        %get3A_145 = tpu.vector_load %arg14[%get3A_143, %get3A_144] {strides = array<i32>} : memref<80x64xf32, #tpu.memory_space<vmem>>, vector<1x16xf32>,
        %get3A_146 = vector.shape_cast %get3A_145 : vector<1x16xf32> to vector<16xf32>
        %get3A_147 = arith.index_cast %scan3A_96 : i32 to index
        %get3A_148 = arith.constant 16 : index
        %get3A_149 = tpu.vector_load %arg12[%get3A_147, %get3A_148] {strides = array<i32>} : memref<80x128xf32, #tpu.memory_space<vmem>>, vector<1x16xf32>,
        %get3A_150 = vector.shape_cast %get3A_149 : vector<1x16xf32> to vector<16xf32>
        %add3A_151 = arith.addf %get3A_146, %get3A_150 : vector<16xf32>
        %get3A_152 = arith.index_cast %scan3A_96 : i32 to index
        %get3A_153 = arith.constant 16 : index
        %get3A_154 = tpu.vector_load %arg13[%get3A_152, %get3A_153] {strides = array<i32>} : memref<80x128xf32, #tpu.memory_space<vmem>>, vector<1x16xf32>,
        %get3A_155 = vector.shape_cast %get3A_154 : vector<1x16xf32> to vector<16xf32>
        %add3A_156 = arith.addf %add3A_151, %get3A_155 : vector<16xf32>
        %neg3A_157 = arith.constant 0.000000e+00 : f32
        %neg3A_158 = vector.broadcast %neg3A_157 : f32 to vector<16xf32>
        %neg3A_159 = arith.subf %neg3A_158, %add3A_156 : vector<16xf32>
        %exp3A_160 = math.exp %neg3A_159 : vector<16xf32>
        %add3A_161 = arith.constant 1.000000e+00 : f32
        %add3A_162 = vector.broadcast %add3A_161 : f32 to vector<16xf32>
        %add3A_163 = arith.addf %add3A_162, %exp3A_160 : vector<16xf32>
        %div3A_164 = arith.constant 1.000000e+00 : f32
        %div3A_165 = vector.broadcast %div3A_164 : f32 to vector<16xf32>
        %div3A_166 = arith.divf %div3A_165, %add3A_163 : vector<16xf32>
        %get3A_167 = arith.index_cast %scan3A_96 : i32 to index
        %get3A_168 = arith.constant 80 : index
        %get3A_169 = tpu.vector_load %arg12[%get3A_167, %get3A_168] {strides = array<i32>} : memref<80x128xf32, #tpu.memory_space<vmem>>, vector<1x16xf32>,
        %get3A_170 = vector.shape_cast %get3A_169 : vector<1x16xf32> to vector<16xf32>
        %mul3A_171 = arith.mulf %div3A_166, %get3A_170 : vector<16xf32>
        %swap3A_172 = arith.index_cast %scan3A_96 : i32 to index
        %swap3A_173 = arith.constant 16 : index
        %swap3A_174 = tpu.vector_load %arg15[%swap3A_172, %swap3A_173] {strides = array<i32>} : memref<80x128xf32, #tpu.memory_space<vmem>>, vector<1x16xf32>,
        %swap3A_175 = vector.shape_cast %swap3A_174 : vector<1x16xf32> to vector<16xf32>
        %swap3A_176 = vector.shape_cast %mul3A_171 : vector<16xf32> to vector<1x16xf32>
        tpu.vector_store %arg15[%swap3A_172, %swap3A_173], %swap3A_176 {strides = array<i32>} : memref<80x128xf32, #tpu.memory_space<vmem>>, vector<1x16xf32>,
        %swap3A_177 = arith.index_cast %scan3A_96 : i32 to index
        %swap3A_178 = arith.constant 80 : index
        %swap3A_179 = tpu.vector_load %arg15[%swap3A_177, %swap3A_178] {strides = array<i32>} : memref<80x128xf32, #tpu.memory_space<vmem>>, vector<1x16xf32>,
        %swap3A_180 = vector.shape_cast %swap3A_179 : vector<1x16xf32> to vector<16xf32>
        %swap3A_181 = vector.shape_cast %div3A_166 : vector<16xf32> to vector<1x16xf32>
        tpu.vector_store %arg15[%swap3A_177, %swap3A_178], %swap3A_181 {strides = array<i32>} : memref<80x128xf32, #tpu.memory_space<vmem>>, vector<1x16xf32>,
        %add3A_182 = arith.addf %scan3A_98, %add3A_156 : vector<16xf32>
        %mul3A_183 = arith.mulf %add3A_156, %add3A_156 : vector<16xf32>
        %add3A_184 = arith.addf %scan3A_102, %mul3A_183 : vector<16xf32>
        %get3A_185 = arith.index_cast %scan3A_96 : i32 to index
        %get3A_186 = arith.constant 32 : index
        %get3A_187 = tpu.vector_load %arg14[%get3A_185, %get3A_186] {strides = array<i32>} : memref<80x64xf32, #tpu.memory_space<vmem>>, vector<1x16xf32>,
        %get3A_188 = vector.shape_cast %get3A_187 : vector<1x16xf32> to vector<16xf32>
        %get3A_189 = arith.index_cast %scan3A_96 : i32 to index
        %get3A_190 = arith.constant 32 : index
        %get3A_191 = tpu.vector_load %arg12[%get3A_189, %get3A_190] {strides = array<i32>} : memref<80x128xf32, #tpu.memory_space<vmem>>, vector<1x16xf32>,
        %get3A_192 = vector.shape_cast %get3A_191 : vector<1x16xf32> to vector<16xf32>
        %add3A_193 = arith.addf %get3A_188, %get3A_192 : vector<16xf32>
        %get3A_194 = arith.index_cast %scan3A_96 : i32 to index
        %get3A_195 = arith.constant 32 : index
        %get3A_196 = tpu.vector_load %arg13[%get3A_194, %get3A_195] {strides = array<i32>} : memref<80x128xf32, #tpu.memory_space<vmem>>, vector<1x16xf32>,
        %get3A_197 = vector.shape_cast %get3A_196 : vector<1x16xf32> to vector<16xf32>
        %add3A_198 = arith.addf %add3A_193, %get3A_197 : vector<16xf32>
        %neg3A_199 = arith.constant 0.000000e+00 : f32
        %neg3A_200 = vector.broadcast %neg3A_199 : f32 to vector<16xf32>
        %neg3A_201 = arith.subf %neg3A_200, %add3A_198 : vector<16xf32>
        %exp3A_202 = math.exp %neg3A_201 : vector<16xf32>
        %add3A_203 = arith.constant 1.000000e+00 : f32
        %add3A_204 = vector.broadcast %add3A_203 : f32 to vector<16xf32>
        %add3A_205 = arith.addf %add3A_204, %exp3A_202 : vector<16xf32>
        %div3A_206 = arith.constant 1.000000e+00 : f32
        %div3A_207 = vector.broadcast %div3A_206 : f32 to vector<16xf32>
        %div3A_208 = arith.divf %div3A_207, %add3A_205 : vector<16xf32>
        %get3A_209 = arith.index_cast %scan3A_96 : i32 to index
        %get3A_210 = arith.constant 96 : index
        %get3A_211 = tpu.vector_load %arg12[%get3A_209, %get3A_210] {strides = array<i32>} : memref<80x128xf32, #tpu.memory_space<vmem>>, vector<1x16xf32>,
        %get3A_212 = vector.shape_cast %get3A_211 : vector<1x16xf32> to vector<16xf32>
        %mul3A_213 = arith.mulf %div3A_208, %get3A_212 : vector<16xf32>
        %swap3A_214 = arith.index_cast %scan3A_96 : i32 to index
        %swap3A_215 = arith.constant 32 : index
        %swap3A_216 = tpu.vector_load %arg15[%swap3A_214, %swap3A_215] {strides = array<i32>} : memref<80x128xf32, #tpu.memory_space<vmem>>, vector<1x16xf32>,
        %swap3A_217 = vector.shape_cast %swap3A_216 : vector<1x16xf32> to vector<16xf32>
        %swap3A_218 = vector.shape_cast %mul3A_213 : vector<16xf32> to vector<1x16xf32>
        tpu.vector_store %arg15[%swap3A_214, %swap3A_215], %swap3A_218 {strides = array<i32>} : memref<80x128xf32, #tpu.memory_space<vmem>>, vector<1x16xf32>,
        %swap3A_219 = arith.index_cast %scan3A_96 : i32 to index
        %swap3A_220 = arith.constant 96 : index
        %swap3A_221 = tpu.vector_load %arg15[%swap3A_219, %swap3A_220] {strides = array<i32>} : memref<80x128xf32, #tpu.memory_space<vmem>>, vector<1x16xf32>,
        %swap3A_222 = vector.shape_cast %swap3A_221 : vector<1x16xf32> to vector<16xf32>
        %swap3A_223 = vector.shape_cast %div3A_208 : vector<16xf32> to vector<1x16xf32>
        tpu.vector_store %arg15[%swap3A_219, %swap3A_220], %swap3A_223 {strides = array<i32>} : memref<80x128xf32, #tpu.memory_space<vmem>>, vector<1x16xf32>,
        %add3A_224 = arith.addf %scan3A_99, %add3A_198 : vector<16xf32>
        %mul3A_225 = arith.mulf %add3A_198, %add3A_198 : vector<16xf32>
        %add3A_226 = arith.addf %scan3A_103, %mul3A_225 : vector<16xf32>
        %get3A_227 = arith.index_cast %scan3A_96 : i32 to index
        %get3A_228 = arith.constant 48 : index
        %get3A_229 = tpu.vector_load %arg14[%get3A_227, %get3A_228] {strides = array<i32>} : memref<80x64xf32, #tpu.memory_space<vmem>>, vector<1x16xf32>,
        %get3A_230 = vector.shape_cast %get3A_229 : vector<1x16xf32> to vector<16xf32>
        %get3A_231 = arith.index_cast %scan3A_96 : i32 to index
        %get3A_232 = arith.constant 48 : index
        %get3A_233 = tpu.vector_load %arg12[%get3A_231, %get3A_232] {strides = array<i32>} : memref<80x128xf32, #tpu.memory_space<vmem>>, vector<1x16xf32>,
        %get3A_234 = vector.shape_cast %get3A_233 : vector<1x16xf32> to vector<16xf32>
        %add3A_235 = arith.addf %get3A_230, %get3A_234 : vector<16xf32>
        %get3A_236 = arith.index_cast %scan3A_96 : i32 to index
        %get3A_237 = arith.constant 48 : index
        %get3A_238 = tpu.vector_load %arg13[%get3A_236, %get3A_237] {strides = array<i32>} : memref<80x128xf32, #tpu.memory_space<vmem>>, vector<1x16xf32>,
        %get3A_239 = vector.shape_cast %get3A_238 : vector<1x16xf32> to vector<16xf32>
        %add3A_240 = arith.addf %add3A_235, %get3A_239 : vector<16xf32>
        %neg3A_241 = arith.constant 0.000000e+00 : f32
        %neg3A_242 = vector.broadcast %neg3A_241 : f32 to vector<16xf32>
        %neg3A_243 = arith.subf %neg3A_242, %add3A_240 : vector<16xf32>
        %exp3A_244 = math.exp %neg3A_243 : vector<16xf32>
        %add3A_245 = arith.constant 1.000000e+00 : f32
        %add3A_246 = vector.broadcast %add3A_245 : f32 to vector<16xf32>
        %add3A_247 = arith.addf %add3A_246, %exp3A_244 : vector<16xf32>
        %div3A_248 = arith.constant 1.000000e+00 : f32
        %div3A_249 = vector.broadcast %div3A_248 : f32 to vector<16xf32>
        %div3A_250 = arith.divf %div3A_249, %add3A_247 : vector<16xf32>
        %get3A_251 = arith.index_cast %scan3A_96 : i32 to index
        %get3A_252 = arith.constant 112 : index
        %get3A_253 = tpu.vector_load %arg12[%get3A_251, %get3A_252] {strides = array<i32>} : memref<80x128xf32, #tpu.memory_space<vmem>>, vector<1x16xf32>,
        %get3A_254 = vector.shape_cast %get3A_253 : vector<1x16xf32> to vector<16xf32>
        %mul3A_255 = arith.mulf %div3A_250, %get3A_254 : vector<16xf32>
        %swap3A_256 = arith.index_cast %scan3A_96 : i32 to index
        %swap3A_257 = arith.constant 48 : index
        %swap3A_258 = tpu.vector_load %arg15[%swap3A_256, %swap3A_257] {strides = array<i32>} : memref<80x128xf32, #tpu.memory_space<vmem>>, vector<1x16xf32>,
        %swap3A_259 = vector.shape_cast %swap3A_258 : vector<1x16xf32> to vector<16xf32>
        %swap3A_260 = vector.shape_cast %mul3A_255 : vector<16xf32> to vector<1x16xf32>
        tpu.vector_store %arg15[%swap3A_256, %swap3A_257], %swap3A_260 {strides = array<i32>} : memref<80x128xf32, #tpu.memory_space<vmem>>, vector<1x16xf32>,
        %swap3A_261 = arith.index_cast %scan3A_96 : i32 to index
        %swap3A_262 = arith.constant 112 : index
        %swap3A_263 = tpu.vector_load %arg15[%swap3A_261, %swap3A_262] {strides = array<i32>} : memref<80x128xf32, #tpu.memory_space<vmem>>, vector<1x16xf32>,
        %swap3A_264 = vector.shape_cast %swap3A_263 : vector<1x16xf32> to vector<16xf32>
        %swap3A_265 = vector.shape_cast %div3A_250 : vector<16xf32> to vector<1x16xf32>
        tpu.vector_store %arg15[%swap3A_261, %swap3A_262], %swap3A_265 {strides = array<i32>} : memref<80x128xf32, #tpu.memory_space<vmem>>, vector<1x16xf32>,
        %add3A_266 = arith.addf %scan3A_100, %add3A_240 : vector<16xf32>
        %mul3A_267 = arith.mulf %add3A_240, %add3A_240 : vector<16xf32>
        %add3A_268 = arith.addf %scan3A_104, %mul3A_267 : vector<16xf32>
        scf.yield %add3A_140, %add3A_182, %add3A_224, %add3A_266, %add3A_142, %add3A_184, %add3A_226, %add3A_268 : vector<16xf32>, vector<16xf32>, vector<16xf32>, vector<16xf32>, vector<16xf32>, vector<16xf32>, vector<16xf32>, vector<16xf32>
      }
      %scan3A_95 = arith.constant 80 : i32
      "tpu.region"() ({
        %run_scoped3A = tpu.sem_alloc : memref<!tpu.dma_semaphore, #tpu.memory_space<semaphore_mem>>
        %dma_start3A_96 = arith.constant 0 : i32
        %dma_start3A_97 = arith.constant 0 : i32
        %dma_start3A_98 = tpu.memref_slice %arg17[%dma_start3A_96, %dma_start3A_97] : memref<10240x128xf32, #tpu.memory_space<vmem_shared>> -> memref<10240x128xf32, #tpu.memory_space<vmem_shared>>
        tpu.enqueue_indirect_dma source(%arg15 : memref<80x128xf32, #tpu.memory_space<vmem>>) target(%dma_start3A_98 : memref<10240x128xf32, #tpu.memory_space<vmem_shared>>) offsets(%arg10 : memref<80xi32, #tpu.memory_space<vmem>>) semaphore(%run_scoped3A : memref<!tpu.dma_semaphore, #tpu.memory_space<semaphore_mem>>) {add = true}
        %dma_wait3A_99 = arith.constant 0 : i32
        %dma_wait3A_100 = arith.constant 0 : i32
        %dma_wait3A_101 = tpu.memref_slice %arg17[%dma_wait3A_99, %dma_wait3A_100] : memref<10240x128xf32, #tpu.memory_space<vmem_shared>> -> memref<10240x128xf32, #tpu.memory_space<vmem_shared>>
        tpu.wait_indirect_dma semaphore(%run_scoped3A : memref<!tpu.dma_semaphore, #tpu.memory_space<semaphore_mem>>) src(%arg15 : memref<80x128xf32, #tpu.memory_space<vmem>>) dst(%dma_wait3A_101 : memref<10240x128xf32, #tpu.memory_space<vmem_shared>>)
        tpu.yield
      }) : () -> ()
      scf.yield %scan3A_94#0, %scan3A_94#1, %scan3A_94#2, %scan3A_94#3, %scan3A_94#4, %scan3A_94#5, %scan3A_94#6, %scan3A_94#7 : vector<16xf32>, vector<16xf32>, vector<16xf32>, vector<16xf32>, vector<16xf32>, vector<16xf32>, vector<16xf32>, vector<16xf32>
    }
    %scan3A_20 = arith.constant 250 : i32
    %swap3A = arith.constant 0 : index
    %swap3A_21 = tpu.vector_load %arg16[%swap3A] {strides = array<i32>} : memref<128xf32, #tpu.memory_space<vmem>>, vector<16xf32>,
    %swap3A_22 = vector.shape_cast %swap3A_21 : vector<16xf32> to vector<16xf32>
    %swap3A_23 = vector.shape_cast %scan3A_19#0 : vector<16xf32> to vector<16xf32>
    tpu.vector_store %arg16[%swap3A], %swap3A_23 {strides = array<i32>} : memref<128xf32, #tpu.memory_space<vmem>>, vector<16xf32>,
    %swap3A_24 = arith.constant 64 : index
    %swap3A_25 = tpu.vector_load %arg16[%swap3A_24] {strides = array<i32>} : memref<128xf32, #tpu.memory_space<vmem>>, vector<16xf32>,
    %swap3A_26 = vector.shape_cast %swap3A_25 : vector<16xf32> to vector<16xf32>
    %swap3A_27 = vector.shape_cast %scan3A_19#4 : vector<16xf32> to vector<16xf32>
    tpu.vector_store %arg16[%swap3A_24], %swap3A_27 {strides = array<i32>} : memref<128xf32, #tpu.memory_space<vmem>>, vector<16xf32>,
    %swap3A_28 = arith.constant 16 : index
    %swap3A_29 = tpu.vector_load %arg16[%swap3A_28] {strides = array<i32>} : memref<128xf32, #tpu.memory_space<vmem>>, vector<16xf32>,
    %swap3A_30 = vector.shape_cast %swap3A_29 : vector<16xf32> to vector<16xf32>
    %swap3A_31 = vector.shape_cast %scan3A_19#1 : vector<16xf32> to vector<16xf32>
    tpu.vector_store %arg16[%swap3A_28], %swap3A_31 {strides = array<i32>} : memref<128xf32, #tpu.memory_space<vmem>>, vector<16xf32>,
    %swap3A_32 = arith.constant 80 : index
    %swap3A_33 = tpu.vector_load %arg16[%swap3A_32] {strides = array<i32>} : memref<128xf32, #tpu.memory_space<vmem>>, vector<16xf32>,
    %swap3A_34 = vector.shape_cast %swap3A_33 : vector<16xf32> to vector<16xf32>
    %swap3A_35 = vector.shape_cast %scan3A_19#5 : vector<16xf32> to vector<16xf32>
    tpu.vector_store %arg16[%swap3A_32], %swap3A_35 {strides = array<i32>} : memref<128xf32, #tpu.memory_space<vmem>>, vector<16xf32>,
    %swap3A_36 = arith.constant 32 : index
    %swap3A_37 = tpu.vector_load %arg16[%swap3A_36] {strides = array<i32>} : memref<128xf32, #tpu.memory_space<vmem>>, vector<16xf32>,
    %swap3A_38 = vector.shape_cast %swap3A_37 : vector<16xf32> to vector<16xf32>
    %swap3A_39 = vector.shape_cast %scan3A_19#2 : vector<16xf32> to vector<16xf32>
    tpu.vector_store %arg16[%swap3A_36], %swap3A_39 {strides = array<i32>} : memref<128xf32, #tpu.memory_space<vmem>>, vector<16xf32>,
    %swap3A_40 = arith.constant 96 : index
    %swap3A_41 = tpu.vector_load %arg16[%swap3A_40] {strides = array<i32>} : memref<128xf32, #tpu.memory_space<vmem>>, vector<16xf32>,
    %swap3A_42 = vector.shape_cast %swap3A_41 : vector<16xf32> to vector<16xf32>
    %swap3A_43 = vector.shape_cast %scan3A_19#6 : vector<16xf32> to vector<16xf32>
    tpu.vector_store %arg16[%swap3A_40], %swap3A_43 {strides = array<i32>} : memref<128xf32, #tpu.memory_space<vmem>>, vector<16xf32>,
    %swap3A_44 = arith.constant 48 : index
    %swap3A_45 = tpu.vector_load %arg16[%swap3A_44] {strides = array<i32>} : memref<128xf32, #tpu.memory_space<vmem>>, vector<16xf32>,
    %swap3A_46 = vector.shape_cast %swap3A_45 : vector<16xf32> to vector<16xf32>
    %swap3A_47 = vector.shape_cast %scan3A_19#3 : vector<16xf32> to vector<16xf32>
    tpu.vector_store %arg16[%swap3A_44], %swap3A_47 {strides = array<i32>} : memref<128xf32, #tpu.memory_space<vmem>>, vector<16xf32>,
    %swap3A_48 = arith.constant 112 : index
    %swap3A_49 = tpu.vector_load %arg16[%swap3A_48] {strides = array<i32>} : memref<128xf32, #tpu.memory_space<vmem>>, vector<16xf32>,
    %swap3A_50 = vector.shape_cast %swap3A_49 : vector<16xf32> to vector<16xf32>
    %swap3A_51 = vector.shape_cast %scan3A_19#7 : vector<16xf32> to vector<16xf32>
    tpu.vector_store %arg16[%swap3A_48], %swap3A_51 {strides = array<i32>} : memref<128xf32, #tpu.memory_space<vmem>>, vector<16xf32>,
    %mul3A_52 = arith.constant 16 : i32
    %mul3A_53 = arith.muli %arg0, %mul3A_52 : i32
    %add3A = arith.addi %mul3A_53, %arg1 : i32
    "tpu.region"() ({
      %run_scoped3A = tpu.sem_alloc : memref<!tpu.dma_semaphore, #tpu.memory_space<semaphore_mem>>
      %dma_start3A = arith.constant 0 : i32
      %dma_start3A_59 = tpu.memref_slice %arg8[%add3A, %dma_start3A] : memref<32x128xf32, #tpu.memory_space<hbm>> -> memref<1x128xf32, #tpu.memory_space<hbm>>
      %dma_start3A_60 = tpu.memref_squeeze %dma_start3A_59 : memref<1x128xf32, #tpu.memory_space<hbm>> -> memref<128xf32, #tpu.memory_space<hbm>>
      %dma_start3A_61 = arith.constant 0 : i32
      %dma_start3A_62 = tpu.memref_slice %arg8[%add3A, %dma_start3A_61] : memref<32x128xf32, #tpu.memory_space<hbm>> -> memref<1x128xf32, #tpu.memory_space<hbm>>
      %dma_start3A_63 = tpu.memref_squeeze %dma_start3A_62 : memref<1x128xf32, #tpu.memory_space<hbm>> -> memref<128xf32, #tpu.memory_space<hbm>>
      tpu.enqueue_dma source(%arg16 : memref<128xf32, #tpu.memory_space<vmem>>) target(%dma_start3A_63 : memref<128xf32, #tpu.memory_space<hbm>>) target_semaphore(%run_scoped3A : memref<!tpu.dma_semaphore, #tpu.memory_space<semaphore_mem>>)
      %dma_wait3A = arith.constant 0 : i32
      %dma_wait3A_64 = tpu.memref_slice %arg8[%add3A, %dma_wait3A] : memref<32x128xf32, #tpu.memory_space<hbm>> -> memref<1x128xf32, #tpu.memory_space<hbm>>
      %dma_wait3A_65 = tpu.memref_squeeze %dma_wait3A_64 : memref<1x128xf32, #tpu.memory_space<hbm>> -> memref<128xf32, #tpu.memory_space<hbm>>
      %dma_wait3A_66 = arith.constant 0 : i32
      %dma_wait3A_67 = tpu.memref_slice %arg8[%add3A, %dma_wait3A_66] : memref<32x128xf32, #tpu.memory_space<hbm>> -> memref<1x128xf32, #tpu.memory_space<hbm>>
      %dma_wait3A_68 = tpu.memref_squeeze %dma_wait3A_67 : memref<1x128xf32, #tpu.memory_space<hbm>> -> memref<128xf32, #tpu.memory_space<hbm>>
      tpu.wait_dma2 semaphore(%run_scoped3A : memref<!tpu.dma_semaphore, #tpu.memory_space<semaphore_mem>>) src(%arg16 : memref<128xf32, #tpu.memory_space<vmem>>) dst(%dma_wait3A_68 : memref<128xf32, #tpu.memory_space<hbm>>)
      tpu.yield
    }) : () -> ()
    %barrier3A_54 = arith.constant 0 : index
    tpu.barrier barrier_id(%barrier3A_54)
    %mul3A_55 = arith.constant 640 : i32
    %mul3A_56 = arith.muli %arg1, %mul3A_55 : i32
    %mul3A_57 = arith.constant 640 : i32
    %mul3A_58 = arith.muli %arg1, %mul3A_57 : i32
    "tpu.region"() ({
      %run_scoped3A = tpu.sem_alloc : memref<!tpu.dma_semaphore, #tpu.memory_space<semaphore_mem>>
      %dma_start3A = arith.constant 0 : i32
      %dma_start3A_59 = tpu.memref_slice %arg7[%arg0, %mul3A_58, %dma_start3A] : memref<2x10240x128xf32, #tpu.memory_space<hbm>> -> memref<1x640x128xf32, #tpu.memory_space<hbm>>
      %dma_start3A_60 = tpu.memref_squeeze %dma_start3A_59 : memref<1x640x128xf32, #tpu.memory_space<hbm>> -> memref<640x128xf32, #tpu.memory_space<hbm>>
      %dma_start3A_61 = arith.constant 0 : i32
      %dma_start3A_62 = tpu.memref_slice %arg17[%mul3A_56, %dma_start3A_61] : memref<10240x128xf32, #tpu.memory_space<vmem_shared>> -> memref<640x128xf32, #tpu.memory_space<vmem_shared>>
      tpu.enqueue_dma source(%dma_start3A_62 : memref<640x128xf32, #tpu.memory_space<vmem_shared>>) target(%dma_start3A_60 : memref<640x128xf32, #tpu.memory_space<hbm>>) target_semaphore(%run_scoped3A : memref<!tpu.dma_semaphore, #tpu.memory_space<semaphore_mem>>)
      %dma_wait3A = arith.constant 0 : i32
      %dma_wait3A_63 = tpu.memref_slice %arg7[%arg0, %mul3A_58, %dma_wait3A] : memref<2x10240x128xf32, #tpu.memory_space<hbm>> -> memref<1x640x128xf32, #tpu.memory_space<hbm>>
      %dma_wait3A_64 = tpu.memref_squeeze %dma_wait3A_63 : memref<1x640x128xf32, #tpu.memory_space<hbm>> -> memref<640x128xf32, #tpu.memory_space<hbm>>
      %dma_wait3A_65 = arith.constant 0 : i32
      %dma_wait3A_66 = tpu.memref_slice %arg17[%mul3A_56, %dma_wait3A_65] : memref<10240x128xf32, #tpu.memory_space<vmem_shared>> -> memref<640x128xf32, #tpu.memory_space<vmem_shared>>
      tpu.wait_dma2 semaphore(%run_scoped3A : memref<!tpu.dma_semaphore, #tpu.memory_space<semaphore_mem>>) src(%dma_wait3A_66 : memref<640x128xf32, #tpu.memory_space<vmem_shared>>) dst(%dma_wait3A_64 : memref<640x128xf32, #tpu.memory_space<hbm>>)
      tpu.yield
    }) : () -> ()
    return
  }
}

#map = affine_map<(d0, d1) -> (0, 0, 0)>
#map1 = affine_map<(d0, d1) -> (0, 0)>
#map2 = affine_map<(d0, d1) -> (0)>
module attributes {stable_mosaic.version = 14 : i64} {
  func.func @_sc_edge_kernel(%arg0: i32, %arg1: i32, %arg2: memref<2x320000x64xf32, #tpu.memory_space<hbm>>, %arg3: memref<20000x128xf32, #tpu.memory_space<hbm>>, %arg4: memref<20000x128xf32, #tpu.memory_space<hbm>>, %arg5: memref<320000xi32, #tpu.memory_space<hbm>>, %arg6: memref<320000xi32, #tpu.memory_space<hbm>>, %arg7: memref<2x320000x64xf32, #tpu.memory_space<hbm>>, %arg8: memref<2x10240x128xf32, #tpu.memory_space<hbm>>, %arg9: memref<32x128xf32, #tpu.memory_space<hbm>>, %arg10: memref<80xi32, #tpu.memory_space<vmem>>, %arg11: memref<80xi32, #tpu.memory_space<vmem>>, %arg12: memref<80xi32, #tpu.memory_space<vmem>>, %arg13: memref<80x128xf32, #tpu.memory_space<vmem>>, %arg14: memref<80x128xf32, #tpu.memory_space<vmem>>, %arg15: memref<80x64xf32, #tpu.memory_space<vmem>>, %arg16: memref<80x128xf32, #tpu.memory_space<vmem>>, %arg17: memref<128xf32, #tpu.memory_space<vmem>>, %arg18: memref<10240x128xf32, #tpu.memory_space<vmem_shared>>, %arg19: memref<!tpu.dma_semaphore, #tpu.memory_space<semaphore_mem>>, %arg20: memref<!tpu.dma_semaphore, #tpu.memory_space<semaphore_mem>>) attributes {dimension_semantics = [#tpu.dimension_semantics<core_parallel>, #tpu.dimension_semantics<subcore_parallel>], iteration_bounds = array<i64: 2, 16>, scalar_prefetch = 0 : i64, scratch_operands = 11 : i64, tpu.core_type = #tpu.core_type<sc_vector_subcore>, window_params = [{transform_indices = #map}, {transform_indices = #map1}, {transform_indices = #map1}, {transform_indices = #map2}, {transform_indices = #map2}, {transform_indices = #map}, {transform_indices = #map}, {transform_indices = #map1}]} {
    %broadcast_in_dim3A = arith.constant 0.000000e+00 : f32
    %broadcast_in_dim3A_0 = vector.broadcast %broadcast_in_dim3A : f32 to vector<16xf32>
    %scan3A = arith.constant 0 : i32
    %scan3A_1 = arith.constant 0 : i32
    %scan3A_2 = arith.constant 640 : i32
    %scan3A_3 = arith.addi %scan3A_1, %scan3A_2 : i32
    %scan3A_4 = arith.constant 1 : i32
    %scan3A_5 = scf.for %scan3A_59 = %scan3A_1 to %scan3A_3 step %scan3A_4 iter_args(%scan3A_60 = %scan3A) -> (i32)  : i32 {
      %jit3A = arith.constant 8 : i32
      %div3A = arith.divsi %scan3A_59, %jit3A : i32
      %sign3A = arith.constant 0 : i32
      %sign3A_61 = arith.cmpi sgt, %scan3A_59, %sign3A : i32
      %sign3A_62 = arith.extui %sign3A_61 : i1 to i32
      %sign3A_63 = arith.constant 0 : i32
      %sign3A_64 = arith.cmpi slt, %scan3A_59, %sign3A_63 : i32
      %sign3A_65 = arith.extui %sign3A_64 : i1 to i32
      %sign3A_66 = arith.subi %sign3A_62, %sign3A_65 : i32
      %sign3A_67 = arith.constant 0 : i32
      %sign3A_68 = arith.cmpi sgt, %jit3A, %sign3A_67 : i32
      %sign3A_69 = arith.extui %sign3A_68 : i1 to i32
      %sign3A_70 = arith.constant 0 : i32
      %sign3A_71 = arith.cmpi slt, %jit3A, %sign3A_70 : i32
      %sign3A_72 = arith.extui %sign3A_71 : i1 to i32
      %sign3A_73 = arith.subi %sign3A_69, %sign3A_72 : i32
      %ne3A = arith.cmpi ne, %sign3A_66, %sign3A_73 : i32
      %rem3A = arith.remsi %scan3A_59, %jit3A : i32
      %ne3A_74 = arith.constant 0 : i32
      %ne3A_75 = arith.cmpi ne, %rem3A, %ne3A_74 : i32
      %and3A = arith.andi %ne3A, %ne3A_75 : i1
      %sub3A = arith.constant 1 : i32
      %sub3A_76 = arith.subi %div3A, %sub3A : i32
      %select_n3A = arith.select %and3A, %sub3A_76, %div3A : i32
      %jit3A_77 = arith.constant 8 : i32
      %eq3A = arith.constant 0 : i32
      %eq3A_78 = arith.cmpi eq, %jit3A_77, %eq3A : i32
      %jit3A_79 = arith.constant 1 : i32
      %select_n3A_80 = arith.select %eq3A_78, %jit3A_79, %jit3A_77 : i32
      %rem3A_81 = arith.remsi %scan3A_59, %select_n3A_80 : i32
      %ne3A_82 = arith.constant 0 : i32
      %ne3A_83 = arith.cmpi ne, %rem3A_81, %ne3A_82 : i32
      %lt3A = arith.constant 0 : i32
      %lt3A_84 = arith.cmpi slt, %rem3A_81, %lt3A : i32
      %lt3A_85 = arith.constant 0 : i32
      %lt3A_86 = arith.cmpi slt, %select_n3A_80, %lt3A_85 : i32
      %ne3A_87 = arith.xori %lt3A_84, %lt3A_86 : i1
      %and3A_88 = arith.andi %ne3A_87, %ne3A_83 : i1
      %add3A_89 = arith.addi %rem3A_81, %select_n3A_80 : i32
      %select_n3A_90 = arith.select %and3A_88, %add3A_89, %rem3A_81 : i32
      %mul3A_91 = arith.constant 16 : i32
      %mul3A_92 = arith.muli %mul3A_91, %select_n3A_90 : i32
      %swap3A_93 = arith.index_cast %select_n3A : i32 to index
      %swap3A_94 = arith.index_cast %mul3A_92 : i32 to index
      %swap3A_95 = tpu.vector_load %arg16[%swap3A_93, %swap3A_94] {strides = array<i32>} : memref<80x128xf32, #tpu.memory_space<vmem>>, vector<1x16xf32>,
      %swap3A_96 = vector.shape_cast %swap3A_95 : vector<1x16xf32> to vector<16xf32>
      %swap3A_97 = vector.shape_cast %broadcast_in_dim3A_0 : vector<16xf32> to vector<1x16xf32>
      tpu.vector_store %arg16[%swap3A_93, %swap3A_94], %swap3A_97 {strides = array<i32>} : memref<80x128xf32, #tpu.memory_space<vmem>>, vector<1x16xf32>,
      %scan3A_98 = arith.constant 0 : i32
      scf.yield %scan3A_98 : i32
    }
    %scan3A_6 = arith.constant 640 : i32
    %scan3A_7 = arith.constant 0 : i32
    %scan3A_8 = arith.constant 0 : i32
    %scan3A_9 = arith.constant 8 : i32
    %scan3A_10 = arith.addi %scan3A_8, %scan3A_9 : i32
    %scan3A_11 = arith.constant 1 : i32
    %scan3A_12 = scf.for %scan3A_59 = %scan3A_8 to %scan3A_10 step %scan3A_11 iter_args(%scan3A_60 = %scan3A_7) -> (i32)  : i32 {
      %mul3A_61 = arith.constant 640 : i32
      %mul3A_62 = arith.muli %arg1, %mul3A_61 : i32
      %mul3A_63 = arith.constant 80 : i32
      %mul3A_64 = arith.muli %scan3A_59, %mul3A_63 : i32
      %add3A_65 = arith.addi %mul3A_62, %mul3A_64 : i32
      "tpu.region"() ({
        %run_scoped3A = tpu.sem_alloc : memref<!tpu.dma_semaphore, #tpu.memory_space<semaphore_mem>>
        %dma_start3A = arith.constant 0 : i32
        %dma_start3A_67 = tpu.memref_slice %arg18[%add3A_65, %dma_start3A] : memref<10240x128xf32, #tpu.memory_space<vmem_shared>> -> memref<80x128xf32, #tpu.memory_space<vmem_shared>>
        %dma_start3A_68 = arith.constant 0 : i32
        %dma_start3A_69 = tpu.memref_slice %arg18[%add3A_65, %dma_start3A_68] : memref<10240x128xf32, #tpu.memory_space<vmem_shared>> -> memref<80x128xf32, #tpu.memory_space<vmem_shared>>
        tpu.enqueue_dma source(%arg16 : memref<80x128xf32, #tpu.memory_space<vmem>>) target(%dma_start3A_69 : memref<80x128xf32, #tpu.memory_space<vmem_shared>>) target_semaphore(%run_scoped3A : memref<!tpu.dma_semaphore, #tpu.memory_space<semaphore_mem>>)
        %dma_wait3A = arith.constant 0 : i32
        %dma_wait3A_70 = tpu.memref_slice %arg18[%add3A_65, %dma_wait3A] : memref<10240x128xf32, #tpu.memory_space<vmem_shared>> -> memref<80x128xf32, #tpu.memory_space<vmem_shared>>
        %dma_wait3A_71 = arith.constant 0 : i32
        %dma_wait3A_72 = tpu.memref_slice %arg18[%add3A_65, %dma_wait3A_71] : memref<10240x128xf32, #tpu.memory_space<vmem_shared>> -> memref<80x128xf32, #tpu.memory_space<vmem_shared>>
        tpu.wait_dma2 semaphore(%run_scoped3A : memref<!tpu.dma_semaphore, #tpu.memory_space<semaphore_mem>>) src(%arg16 : memref<80x128xf32, #tpu.memory_space<vmem>>) dst(%dma_wait3A_72 : memref<80x128xf32, #tpu.memory_space<vmem_shared>>)
        tpu.yield
      }) : () -> ()
      %scan3A_66 = arith.constant 0 : i32
      scf.yield %scan3A_66 : i32
    }
    %scan3A_13 = arith.constant 8 : i32
    %barrier3A = arith.constant 0 : index
    tpu.barrier barrier_id(%barrier3A)
    %mul3A = arith.constant 10000 : i32
    %mul3A_14 = arith.muli %arg0, %mul3A : i32
    %scan3A_15 = arith.constant 0 : i32
    %scan3A_16 = arith.constant 250 : i32
    %scan3A_17 = arith.addi %scan3A_15, %scan3A_16 : i32
    %scan3A_18 = arith.constant 1 : i32
    %scan3A_19:8 = scf.for %scan3A_59 = %scan3A_15 to %scan3A_17 step %scan3A_18 iter_args(%scan3A_60 = %broadcast_in_dim3A_0, %scan3A_61 = %broadcast_in_dim3A_0, %scan3A_62 = %broadcast_in_dim3A_0, %scan3A_63 = %broadcast_in_dim3A_0, %scan3A_64 = %broadcast_in_dim3A_0, %scan3A_65 = %broadcast_in_dim3A_0, %scan3A_66 = %broadcast_in_dim3A_0, %scan3A_67 = %broadcast_in_dim3A_0) -> (vector<16xf32>, vector<16xf32>, vector<16xf32>, vector<16xf32>, vector<16xf32>, vector<16xf32>, vector<16xf32>, vector<16xf32>)  : i32 {
      %mul3A_68 = arith.constant 20000 : i32
      %mul3A_69 = arith.muli %arg1, %mul3A_68 : i32
      %mul3A_70 = arith.constant 80 : i32
      %mul3A_71 = arith.muli %scan3A_59, %mul3A_70 : i32
      %add3A_72 = arith.addi %mul3A_69, %mul3A_71 : i32
      "tpu.region"() ({
        %run_scoped3A = tpu.sem_alloc : memref<!tpu.dma_semaphore, #tpu.memory_space<semaphore_mem>>
        %dma_start3A_96 = tpu.memref_slice %arg5[%add3A_72] : memref<320000xi32, #tpu.memory_space<hbm>> -> memref<80xi32, #tpu.memory_space<hbm>>
        %dma_start3A_97 = tpu.memref_slice %arg5[%add3A_72] : memref<320000xi32, #tpu.memory_space<hbm>> -> memref<80xi32, #tpu.memory_space<hbm>>
        tpu.enqueue_dma source(%dma_start3A_97 : memref<80xi32, #tpu.memory_space<hbm>>) target(%arg10 : memref<80xi32, #tpu.memory_space<vmem>>) target_semaphore(%run_scoped3A : memref<!tpu.dma_semaphore, #tpu.memory_space<semaphore_mem>>)
        %dma_wait3A_98 = tpu.memref_slice %arg5[%add3A_72] : memref<320000xi32, #tpu.memory_space<hbm>> -> memref<80xi32, #tpu.memory_space<hbm>>
        %dma_wait3A_99 = tpu.memref_slice %arg5[%add3A_72] : memref<320000xi32, #tpu.memory_space<hbm>> -> memref<80xi32, #tpu.memory_space<hbm>>
        tpu.wait_dma2 semaphore(%run_scoped3A : memref<!tpu.dma_semaphore, #tpu.memory_space<semaphore_mem>>) src(%dma_wait3A_99 : memref<80xi32, #tpu.memory_space<hbm>>) dst(%arg10 : memref<80xi32, #tpu.memory_space<vmem>>)
        tpu.yield
      }) : () -> ()
      "tpu.region"() ({
        %run_scoped3A = tpu.sem_alloc : memref<!tpu.dma_semaphore, #tpu.memory_space<semaphore_mem>>
        %dma_start3A_96 = tpu.memref_slice %arg6[%add3A_72] : memref<320000xi32, #tpu.memory_space<hbm>> -> memref<80xi32, #tpu.memory_space<hbm>>
        %dma_start3A_97 = tpu.memref_slice %arg6[%add3A_72] : memref<320000xi32, #tpu.memory_space<hbm>> -> memref<80xi32, #tpu.memory_space<hbm>>
        tpu.enqueue_dma source(%dma_start3A_97 : memref<80xi32, #tpu.memory_space<hbm>>) target(%arg11 : memref<80xi32, #tpu.memory_space<vmem>>) target_semaphore(%run_scoped3A : memref<!tpu.dma_semaphore, #tpu.memory_space<semaphore_mem>>)
        %dma_wait3A_98 = tpu.memref_slice %arg6[%add3A_72] : memref<320000xi32, #tpu.memory_space<hbm>> -> memref<80xi32, #tpu.memory_space<hbm>>
        %dma_wait3A_99 = tpu.memref_slice %arg6[%add3A_72] : memref<320000xi32, #tpu.memory_space<hbm>> -> memref<80xi32, #tpu.memory_space<hbm>>
        tpu.wait_dma2 semaphore(%run_scoped3A : memref<!tpu.dma_semaphore, #tpu.memory_space<semaphore_mem>>) src(%dma_wait3A_99 : memref<80xi32, #tpu.memory_space<hbm>>) dst(%arg11 : memref<80xi32, #tpu.memory_space<vmem>>)
        tpu.yield
      }) : () -> ()
      %scan3A_73 = arith.constant 0 : i32
      %scan3A_74 = arith.constant 0 : i32
      %scan3A_75 = arith.constant 5 : i32
      %scan3A_76 = arith.addi %scan3A_74, %scan3A_75 : i32
      %scan3A_77 = arith.constant 1 : i32
      %scan3A_78 = scf.for %scan3A_96 = %scan3A_74 to %scan3A_76 step %scan3A_77 iter_args(%scan3A_97 = %scan3A_73) -> (i32)  : i32 {
        %mul3A_98 = arith.constant 16 : i32
        %mul3A_99 = arith.muli %mul3A_98, %scan3A_96 : i32
        %get3A = arith.index_cast %mul3A_99 : i32 to index
        %get3A_100 = tpu.vector_load %arg10[%get3A] {strides = array<i32>} : memref<80xi32, #tpu.memory_space<vmem>>, vector<16xi32>,
        %get3A_101 = vector.shape_cast %get3A_100 : vector<16xi32> to vector<16xi32>
        %add3A_102 = vector.broadcast %mul3A_14 : i32 to vector<16xi32>
        %add3A_103 = arith.addi %get3A_101, %add3A_102 : vector<16xi32>
        %swap3A_104 = arith.index_cast %mul3A_99 : i32 to index
        %swap3A_105 = tpu.vector_load %arg10[%swap3A_104] {strides = array<i32>} : memref<80xi32, #tpu.memory_space<vmem>>, vector<16xi32>,
        %swap3A_106 = vector.shape_cast %swap3A_105 : vector<16xi32> to vector<16xi32>
        %swap3A_107 = vector.shape_cast %add3A_103 : vector<16xi32> to vector<16xi32>
        tpu.vector_store %arg10[%swap3A_104], %swap3A_107 {strides = array<i32>} : memref<80xi32, #tpu.memory_space<vmem>>, vector<16xi32>,
        %get3A_108 = arith.index_cast %mul3A_99 : i32 to index
        %get3A_109 = tpu.vector_load %arg11[%get3A_108] {strides = array<i32>} : memref<80xi32, #tpu.memory_space<vmem>>, vector<16xi32>,
        %get3A_110 = vector.shape_cast %get3A_109 : vector<16xi32> to vector<16xi32>
        %add3A_111 = vector.broadcast %mul3A_14 : i32 to vector<16xi32>
        %add3A_112 = arith.addi %get3A_110, %add3A_111 : vector<16xi32>
        %swap3A_113 = arith.index_cast %mul3A_99 : i32 to index
        %swap3A_114 = tpu.vector_load %arg12[%swap3A_113] {strides = array<i32>} : memref<80xi32, #tpu.memory_space<vmem>>, vector<16xi32>,
        %swap3A_115 = vector.shape_cast %swap3A_114 : vector<16xi32> to vector<16xi32>
        %swap3A_116 = vector.shape_cast %add3A_112 : vector<16xi32> to vector<16xi32>
        tpu.vector_store %arg12[%swap3A_113], %swap3A_116 {strides = array<i32>} : memref<80xi32, #tpu.memory_space<vmem>>, vector<16xi32>,
        %scan3A_117 = arith.constant 0 : i32
        scf.yield %scan3A_117 : i32
      }
      %scan3A_79 = arith.constant 5 : i32
      %dma_start3A = arith.constant 0 : i32
      %dma_start3A_80 = arith.constant 0 : i32
      %dma_start3A_81 = tpu.memref_slice %arg3[%dma_start3A, %dma_start3A_80] : memref<20000x128xf32, #tpu.memory_space<hbm>> -> memref<20000x128xf32, #tpu.memory_space<hbm>>
      tpu.enqueue_indirect_dma source(%dma_start3A_81 : memref<20000x128xf32, #tpu.memory_space<hbm>>) target(%arg13 : memref<80x128xf32, #tpu.memory_space<vmem>>) offsets(%arg10 : memref<80xi32, #tpu.memory_space<vmem>>) semaphore(%arg19 : memref<!tpu.dma_semaphore, #tpu.memory_space<semaphore_mem>>)
      %dma_start3A_82 = arith.constant 0 : i32
      %dma_start3A_83 = arith.constant 0 : i32
      %dma_start3A_84 = tpu.memref_slice %arg4[%dma_start3A_82, %dma_start3A_83] : memref<20000x128xf32, #tpu.memory_space<hbm>> -> memref<20000x128xf32, #tpu.memory_space<hbm>>
      tpu.enqueue_indirect_dma source(%dma_start3A_84 : memref<20000x128xf32, #tpu.memory_space<hbm>>) target(%arg14 : memref<80x128xf32, #tpu.memory_space<vmem>>) offsets(%arg12 : memref<80xi32, #tpu.memory_space<vmem>>) semaphore(%arg20 : memref<!tpu.dma_semaphore, #tpu.memory_space<semaphore_mem>>)
      "tpu.region"() ({
        %run_scoped3A = tpu.sem_alloc : memref<!tpu.dma_semaphore, #tpu.memory_space<semaphore_mem>>
        %dma_start3A_96 = arith.constant 0 : i32
        %dma_start3A_97 = tpu.memref_slice %arg2[%arg0, %add3A_72, %dma_start3A_96] : memref<2x320000x64xf32, #tpu.memory_space<hbm>> -> memref<1x80x64xf32, #tpu.memory_space<hbm>>
        %dma_start3A_98 = tpu.memref_squeeze %dma_start3A_97 : memref<1x80x64xf32, #tpu.memory_space<hbm>> -> memref<80x64xf32, #tpu.memory_space<hbm>>
        %dma_start3A_99 = arith.constant 0 : i32
        %dma_start3A_100 = tpu.memref_slice %arg2[%arg0, %add3A_72, %dma_start3A_99] : memref<2x320000x64xf32, #tpu.memory_space<hbm>> -> memref<1x80x64xf32, #tpu.memory_space<hbm>>
        %dma_start3A_101 = tpu.memref_squeeze %dma_start3A_100 : memref<1x80x64xf32, #tpu.memory_space<hbm>> -> memref<80x64xf32, #tpu.memory_space<hbm>>
        tpu.enqueue_dma source(%dma_start3A_101 : memref<80x64xf32, #tpu.memory_space<hbm>>) target(%arg15 : memref<80x64xf32, #tpu.memory_space<vmem>>) target_semaphore(%run_scoped3A : memref<!tpu.dma_semaphore, #tpu.memory_space<semaphore_mem>>)
        %dma_wait3A_102 = arith.constant 0 : i32
        %dma_wait3A_103 = tpu.memref_slice %arg2[%arg0, %add3A_72, %dma_wait3A_102] : memref<2x320000x64xf32, #tpu.memory_space<hbm>> -> memref<1x80x64xf32, #tpu.memory_space<hbm>>
        %dma_wait3A_104 = tpu.memref_squeeze %dma_wait3A_103 : memref<1x80x64xf32, #tpu.memory_space<hbm>> -> memref<80x64xf32, #tpu.memory_space<hbm>>
        %dma_wait3A_105 = arith.constant 0 : i32
        %dma_wait3A_106 = tpu.memref_slice %arg2[%arg0, %add3A_72, %dma_wait3A_105] : memref<2x320000x64xf32, #tpu.memory_space<hbm>> -> memref<1x80x64xf32, #tpu.memory_space<hbm>>
        %dma_wait3A_107 = tpu.memref_squeeze %dma_wait3A_106 : memref<1x80x64xf32, #tpu.memory_space<hbm>> -> memref<80x64xf32, #tpu.memory_space<hbm>>
        tpu.wait_dma2 semaphore(%run_scoped3A : memref<!tpu.dma_semaphore, #tpu.memory_space<semaphore_mem>>) src(%dma_wait3A_107 : memref<80x64xf32, #tpu.memory_space<hbm>>) dst(%arg15 : memref<80x64xf32, #tpu.memory_space<vmem>>)
        tpu.yield
      }) : () -> ()
      %dma_wait3A = arith.constant 0 : i32
      %dma_wait3A_85 = arith.constant 0 : i32
      %dma_wait3A_86 = tpu.memref_slice %arg3[%dma_wait3A, %dma_wait3A_85] : memref<20000x128xf32, #tpu.memory_space<hbm>> -> memref<20000x128xf32, #tpu.memory_space<hbm>>
      tpu.wait_indirect_dma semaphore(%arg19 : memref<!tpu.dma_semaphore, #tpu.memory_space<semaphore_mem>>) src(%dma_wait3A_86 : memref<20000x128xf32, #tpu.memory_space<hbm>>) dst(%arg13 : memref<80x128xf32, #tpu.memory_space<vmem>>)
      %dma_wait3A_87 = arith.constant 0 : i32
      %dma_wait3A_88 = arith.constant 0 : i32
      %dma_wait3A_89 = tpu.memref_slice %arg4[%dma_wait3A_87, %dma_wait3A_88] : memref<20000x128xf32, #tpu.memory_space<hbm>> -> memref<20000x128xf32, #tpu.memory_space<hbm>>
      tpu.wait_indirect_dma semaphore(%arg20 : memref<!tpu.dma_semaphore, #tpu.memory_space<semaphore_mem>>) src(%dma_wait3A_89 : memref<20000x128xf32, #tpu.memory_space<hbm>>) dst(%arg14 : memref<80x128xf32, #tpu.memory_space<vmem>>)
      %scan3A_90 = arith.constant 0 : i32
      %scan3A_91 = arith.constant 80 : i32
      %scan3A_92 = arith.addi %scan3A_90, %scan3A_91 : i32
      %scan3A_93 = arith.constant 1 : i32
      %scan3A_94:8 = scf.for %scan3A_96 = %scan3A_90 to %scan3A_92 step %scan3A_93 iter_args(%scan3A_97 = %scan3A_60, %scan3A_98 = %scan3A_61, %scan3A_99 = %scan3A_62, %scan3A_100 = %scan3A_63, %scan3A_101 = %scan3A_64, %scan3A_102 = %scan3A_65, %scan3A_103 = %scan3A_66, %scan3A_104 = %scan3A_67) -> (vector<16xf32>, vector<16xf32>, vector<16xf32>, vector<16xf32>, vector<16xf32>, vector<16xf32>, vector<16xf32>, vector<16xf32>)  : i32 {
        %get3A = arith.index_cast %scan3A_96 : i32 to index
        %get3A_105 = arith.constant 0 : index
        %get3A_106 = tpu.vector_load %arg15[%get3A, %get3A_105] {strides = array<i32>} : memref<80x64xf32, #tpu.memory_space<vmem>>, vector<1x16xf32>,
        %get3A_107 = vector.shape_cast %get3A_106 : vector<1x16xf32> to vector<16xf32>
        %get3A_108 = arith.index_cast %scan3A_96 : i32 to index
        %get3A_109 = arith.constant 0 : index
        %get3A_110 = tpu.vector_load %arg13[%get3A_108, %get3A_109] {strides = array<i32>} : memref<80x128xf32, #tpu.memory_space<vmem>>, vector<1x16xf32>,
        %get3A_111 = vector.shape_cast %get3A_110 : vector<1x16xf32> to vector<16xf32>
        %add3A_112 = arith.addf %get3A_107, %get3A_111 : vector<16xf32>
        %get3A_113 = arith.index_cast %scan3A_96 : i32 to index
        %get3A_114 = arith.constant 0 : index
        %get3A_115 = tpu.vector_load %arg14[%get3A_113, %get3A_114] {strides = array<i32>} : memref<80x128xf32, #tpu.memory_space<vmem>>, vector<1x16xf32>,
        %get3A_116 = vector.shape_cast %get3A_115 : vector<1x16xf32> to vector<16xf32>
        %add3A_117 = arith.addf %add3A_112, %get3A_116 : vector<16xf32>
        %neg3A = arith.constant 0.000000e+00 : f32
        %neg3A_118 = vector.broadcast %neg3A : f32 to vector<16xf32>
        %neg3A_119 = arith.subf %neg3A_118, %add3A_117 : vector<16xf32>
        %exp3A = math.exp %neg3A_119 : vector<16xf32>
        %add3A_120 = arith.constant 1.000000e+00 : f32
        %add3A_121 = vector.broadcast %add3A_120 : f32 to vector<16xf32>
        %add3A_122 = arith.addf %add3A_121, %exp3A : vector<16xf32>
        %div3A = arith.constant 1.000000e+00 : f32
        %div3A_123 = vector.broadcast %div3A : f32 to vector<16xf32>
        %div3A_124 = arith.divf %div3A_123, %add3A_122 : vector<16xf32>
        %swap3A_125 = arith.index_cast %scan3A_96 : i32 to index
        %swap3A_126 = arith.constant 0 : index
        %swap3A_127 = tpu.vector_load %arg15[%swap3A_125, %swap3A_126] {strides = array<i32>} : memref<80x64xf32, #tpu.memory_space<vmem>>, vector<1x16xf32>,
        %swap3A_128 = vector.shape_cast %swap3A_127 : vector<1x16xf32> to vector<16xf32>
        %swap3A_129 = vector.shape_cast %add3A_117 : vector<16xf32> to vector<1x16xf32>
        tpu.vector_store %arg15[%swap3A_125, %swap3A_126], %swap3A_129 {strides = array<i32>} : memref<80x64xf32, #tpu.memory_space<vmem>>, vector<1x16xf32>,
        %get3A_130 = arith.index_cast %scan3A_96 : i32 to index
        %get3A_131 = arith.constant 64 : index
        %get3A_132 = tpu.vector_load %arg13[%get3A_130, %get3A_131] {strides = array<i32>} : memref<80x128xf32, #tpu.memory_space<vmem>>, vector<1x16xf32>,
        %get3A_133 = vector.shape_cast %get3A_132 : vector<1x16xf32> to vector<16xf32>
        %mul3A_134 = arith.mulf %div3A_124, %get3A_133 : vector<16xf32>
        %swap3A_135 = arith.index_cast %scan3A_96 : i32 to index
        %swap3A_136 = arith.constant 0 : index
        %swap3A_137 = tpu.vector_load %arg16[%swap3A_135, %swap3A_136] {strides = array<i32>} : memref<80x128xf32, #tpu.memory_space<vmem>>, vector<1x16xf32>,
        %swap3A_138 = vector.shape_cast %swap3A_137 : vector<1x16xf32> to vector<16xf32>
        %swap3A_139 = vector.shape_cast %mul3A_134 : vector<16xf32> to vector<1x16xf32>
        tpu.vector_store %arg16[%swap3A_135, %swap3A_136], %swap3A_139 {strides = array<i32>} : memref<80x128xf32, #tpu.memory_space<vmem>>, vector<1x16xf32>,
        %swap3A_140 = arith.index_cast %scan3A_96 : i32 to index
        %swap3A_141 = arith.constant 64 : index
        %swap3A_142 = tpu.vector_load %arg16[%swap3A_140, %swap3A_141] {strides = array<i32>} : memref<80x128xf32, #tpu.memory_space<vmem>>, vector<1x16xf32>,
        %swap3A_143 = vector.shape_cast %swap3A_142 : vector<1x16xf32> to vector<16xf32>
        %swap3A_144 = vector.shape_cast %div3A_124 : vector<16xf32> to vector<1x16xf32>
        tpu.vector_store %arg16[%swap3A_140, %swap3A_141], %swap3A_144 {strides = array<i32>} : memref<80x128xf32, #tpu.memory_space<vmem>>, vector<1x16xf32>,
        %add3A_145 = arith.addf %scan3A_97, %add3A_117 : vector<16xf32>
        %mul3A_146 = arith.mulf %add3A_117, %add3A_117 : vector<16xf32>
        %add3A_147 = arith.addf %scan3A_101, %mul3A_146 : vector<16xf32>
        %get3A_148 = arith.index_cast %scan3A_96 : i32 to index
        %get3A_149 = arith.constant 16 : index
        %get3A_150 = tpu.vector_load %arg15[%get3A_148, %get3A_149] {strides = array<i32>} : memref<80x64xf32, #tpu.memory_space<vmem>>, vector<1x16xf32>,
        %get3A_151 = vector.shape_cast %get3A_150 : vector<1x16xf32> to vector<16xf32>
        %get3A_152 = arith.index_cast %scan3A_96 : i32 to index
        %get3A_153 = arith.constant 16 : index
        %get3A_154 = tpu.vector_load %arg13[%get3A_152, %get3A_153] {strides = array<i32>} : memref<80x128xf32, #tpu.memory_space<vmem>>, vector<1x16xf32>,
        %get3A_155 = vector.shape_cast %get3A_154 : vector<1x16xf32> to vector<16xf32>
        %add3A_156 = arith.addf %get3A_151, %get3A_155 : vector<16xf32>
        %get3A_157 = arith.index_cast %scan3A_96 : i32 to index
        %get3A_158 = arith.constant 16 : index
        %get3A_159 = tpu.vector_load %arg14[%get3A_157, %get3A_158] {strides = array<i32>} : memref<80x128xf32, #tpu.memory_space<vmem>>, vector<1x16xf32>,
        %get3A_160 = vector.shape_cast %get3A_159 : vector<1x16xf32> to vector<16xf32>
        %add3A_161 = arith.addf %add3A_156, %get3A_160 : vector<16xf32>
        %neg3A_162 = arith.constant 0.000000e+00 : f32
        %neg3A_163 = vector.broadcast %neg3A_162 : f32 to vector<16xf32>
        %neg3A_164 = arith.subf %neg3A_163, %add3A_161 : vector<16xf32>
        %exp3A_165 = math.exp %neg3A_164 : vector<16xf32>
        %add3A_166 = arith.constant 1.000000e+00 : f32
        %add3A_167 = vector.broadcast %add3A_166 : f32 to vector<16xf32>
        %add3A_168 = arith.addf %add3A_167, %exp3A_165 : vector<16xf32>
        %div3A_169 = arith.constant 1.000000e+00 : f32
        %div3A_170 = vector.broadcast %div3A_169 : f32 to vector<16xf32>
        %div3A_171 = arith.divf %div3A_170, %add3A_168 : vector<16xf32>
        %swap3A_172 = arith.index_cast %scan3A_96 : i32 to index
        %swap3A_173 = arith.constant 16 : index
        %swap3A_174 = tpu.vector_load %arg15[%swap3A_172, %swap3A_173] {strides = array<i32>} : memref<80x64xf32, #tpu.memory_space<vmem>>, vector<1x16xf32>,
        %swap3A_175 = vector.shape_cast %swap3A_174 : vector<1x16xf32> to vector<16xf32>
        %swap3A_176 = vector.shape_cast %add3A_161 : vector<16xf32> to vector<1x16xf32>
        tpu.vector_store %arg15[%swap3A_172, %swap3A_173], %swap3A_176 {strides = array<i32>} : memref<80x64xf32, #tpu.memory_space<vmem>>, vector<1x16xf32>,
        %get3A_177 = arith.index_cast %scan3A_96 : i32 to index
        %get3A_178 = arith.constant 80 : index
        %get3A_179 = tpu.vector_load %arg13[%get3A_177, %get3A_178] {strides = array<i32>} : memref<80x128xf32, #tpu.memory_space<vmem>>, vector<1x16xf32>,
        %get3A_180 = vector.shape_cast %get3A_179 : vector<1x16xf32> to vector<16xf32>
        %mul3A_181 = arith.mulf %div3A_171, %get3A_180 : vector<16xf32>
        %swap3A_182 = arith.index_cast %scan3A_96 : i32 to index
        %swap3A_183 = arith.constant 16 : index
        %swap3A_184 = tpu.vector_load %arg16[%swap3A_182, %swap3A_183] {strides = array<i32>} : memref<80x128xf32, #tpu.memory_space<vmem>>, vector<1x16xf32>,
        %swap3A_185 = vector.shape_cast %swap3A_184 : vector<1x16xf32> to vector<16xf32>
        %swap3A_186 = vector.shape_cast %mul3A_181 : vector<16xf32> to vector<1x16xf32>
        tpu.vector_store %arg16[%swap3A_182, %swap3A_183], %swap3A_186 {strides = array<i32>} : memref<80x128xf32, #tpu.memory_space<vmem>>, vector<1x16xf32>,
        %swap3A_187 = arith.index_cast %scan3A_96 : i32 to index
        %swap3A_188 = arith.constant 80 : index
        %swap3A_189 = tpu.vector_load %arg16[%swap3A_187, %swap3A_188] {strides = array<i32>} : memref<80x128xf32, #tpu.memory_space<vmem>>, vector<1x16xf32>,
        %swap3A_190 = vector.shape_cast %swap3A_189 : vector<1x16xf32> to vector<16xf32>
        %swap3A_191 = vector.shape_cast %div3A_171 : vector<16xf32> to vector<1x16xf32>
        tpu.vector_store %arg16[%swap3A_187, %swap3A_188], %swap3A_191 {strides = array<i32>} : memref<80x128xf32, #tpu.memory_space<vmem>>, vector<1x16xf32>,
        %add3A_192 = arith.addf %scan3A_98, %add3A_161 : vector<16xf32>
        %mul3A_193 = arith.mulf %add3A_161, %add3A_161 : vector<16xf32>
        %add3A_194 = arith.addf %scan3A_102, %mul3A_193 : vector<16xf32>
        %get3A_195 = arith.index_cast %scan3A_96 : i32 to index
        %get3A_196 = arith.constant 32 : index
        %get3A_197 = tpu.vector_load %arg15[%get3A_195, %get3A_196] {strides = array<i32>} : memref<80x64xf32, #tpu.memory_space<vmem>>, vector<1x16xf32>,
        %get3A_198 = vector.shape_cast %get3A_197 : vector<1x16xf32> to vector<16xf32>
        %get3A_199 = arith.index_cast %scan3A_96 : i32 to index
        %get3A_200 = arith.constant 32 : index
        %get3A_201 = tpu.vector_load %arg13[%get3A_199, %get3A_200] {strides = array<i32>} : memref<80x128xf32, #tpu.memory_space<vmem>>, vector<1x16xf32>,
        %get3A_202 = vector.shape_cast %get3A_201 : vector<1x16xf32> to vector<16xf32>
        %add3A_203 = arith.addf %get3A_198, %get3A_202 : vector<16xf32>
        %get3A_204 = arith.index_cast %scan3A_96 : i32 to index
        %get3A_205 = arith.constant 32 : index
        %get3A_206 = tpu.vector_load %arg14[%get3A_204, %get3A_205] {strides = array<i32>} : memref<80x128xf32, #tpu.memory_space<vmem>>, vector<1x16xf32>,
        %get3A_207 = vector.shape_cast %get3A_206 : vector<1x16xf32> to vector<16xf32>
        %add3A_208 = arith.addf %add3A_203, %get3A_207 : vector<16xf32>
        %neg3A_209 = arith.constant 0.000000e+00 : f32
        %neg3A_210 = vector.broadcast %neg3A_209 : f32 to vector<16xf32>
        %neg3A_211 = arith.subf %neg3A_210, %add3A_208 : vector<16xf32>
        %exp3A_212 = math.exp %neg3A_211 : vector<16xf32>
        %add3A_213 = arith.constant 1.000000e+00 : f32
        %add3A_214 = vector.broadcast %add3A_213 : f32 to vector<16xf32>
        %add3A_215 = arith.addf %add3A_214, %exp3A_212 : vector<16xf32>
        %div3A_216 = arith.constant 1.000000e+00 : f32
        %div3A_217 = vector.broadcast %div3A_216 : f32 to vector<16xf32>
        %div3A_218 = arith.divf %div3A_217, %add3A_215 : vector<16xf32>
        %swap3A_219 = arith.index_cast %scan3A_96 : i32 to index
        %swap3A_220 = arith.constant 32 : index
        %swap3A_221 = tpu.vector_load %arg15[%swap3A_219, %swap3A_220] {strides = array<i32>} : memref<80x64xf32, #tpu.memory_space<vmem>>, vector<1x16xf32>,
        %swap3A_222 = vector.shape_cast %swap3A_221 : vector<1x16xf32> to vector<16xf32>
        %swap3A_223 = vector.shape_cast %add3A_208 : vector<16xf32> to vector<1x16xf32>
        tpu.vector_store %arg15[%swap3A_219, %swap3A_220], %swap3A_223 {strides = array<i32>} : memref<80x64xf32, #tpu.memory_space<vmem>>, vector<1x16xf32>,
        %get3A_224 = arith.index_cast %scan3A_96 : i32 to index
        %get3A_225 = arith.constant 96 : index
        %get3A_226 = tpu.vector_load %arg13[%get3A_224, %get3A_225] {strides = array<i32>} : memref<80x128xf32, #tpu.memory_space<vmem>>, vector<1x16xf32>,
        %get3A_227 = vector.shape_cast %get3A_226 : vector<1x16xf32> to vector<16xf32>
        %mul3A_228 = arith.mulf %div3A_218, %get3A_227 : vector<16xf32>
        %swap3A_229 = arith.index_cast %scan3A_96 : i32 to index
        %swap3A_230 = arith.constant 32 : index
        %swap3A_231 = tpu.vector_load %arg16[%swap3A_229, %swap3A_230] {strides = array<i32>} : memref<80x128xf32, #tpu.memory_space<vmem>>, vector<1x16xf32>,
        %swap3A_232 = vector.shape_cast %swap3A_231 : vector<1x16xf32> to vector<16xf32>
        %swap3A_233 = vector.shape_cast %mul3A_228 : vector<16xf32> to vector<1x16xf32>
        tpu.vector_store %arg16[%swap3A_229, %swap3A_230], %swap3A_233 {strides = array<i32>} : memref<80x128xf32, #tpu.memory_space<vmem>>, vector<1x16xf32>,
        %swap3A_234 = arith.index_cast %scan3A_96 : i32 to index
        %swap3A_235 = arith.constant 96 : index
        %swap3A_236 = tpu.vector_load %arg16[%swap3A_234, %swap3A_235] {strides = array<i32>} : memref<80x128xf32, #tpu.memory_space<vmem>>, vector<1x16xf32>,
        %swap3A_237 = vector.shape_cast %swap3A_236 : vector<1x16xf32> to vector<16xf32>
        %swap3A_238 = vector.shape_cast %div3A_218 : vector<16xf32> to vector<1x16xf32>
        tpu.vector_store %arg16[%swap3A_234, %swap3A_235], %swap3A_238 {strides = array<i32>} : memref<80x128xf32, #tpu.memory_space<vmem>>, vector<1x16xf32>,
        %add3A_239 = arith.addf %scan3A_99, %add3A_208 : vector<16xf32>
        %mul3A_240 = arith.mulf %add3A_208, %add3A_208 : vector<16xf32>
        %add3A_241 = arith.addf %scan3A_103, %mul3A_240 : vector<16xf32>
        %get3A_242 = arith.index_cast %scan3A_96 : i32 to index
        %get3A_243 = arith.constant 48 : index
        %get3A_244 = tpu.vector_load %arg15[%get3A_242, %get3A_243] {strides = array<i32>} : memref<80x64xf32, #tpu.memory_space<vmem>>, vector<1x16xf32>,
        %get3A_245 = vector.shape_cast %get3A_244 : vector<1x16xf32> to vector<16xf32>
        %get3A_246 = arith.index_cast %scan3A_96 : i32 to index
        %get3A_247 = arith.constant 48 : index
        %get3A_248 = tpu.vector_load %arg13[%get3A_246, %get3A_247] {strides = array<i32>} : memref<80x128xf32, #tpu.memory_space<vmem>>, vector<1x16xf32>,
        %get3A_249 = vector.shape_cast %get3A_248 : vector<1x16xf32> to vector<16xf32>
        %add3A_250 = arith.addf %get3A_245, %get3A_249 : vector<16xf32>
        %get3A_251 = arith.index_cast %scan3A_96 : i32 to index
        %get3A_252 = arith.constant 48 : index
        %get3A_253 = tpu.vector_load %arg14[%get3A_251, %get3A_252] {strides = array<i32>} : memref<80x128xf32, #tpu.memory_space<vmem>>, vector<1x16xf32>,
        %get3A_254 = vector.shape_cast %get3A_253 : vector<1x16xf32> to vector<16xf32>
        %add3A_255 = arith.addf %add3A_250, %get3A_254 : vector<16xf32>
        %neg3A_256 = arith.constant 0.000000e+00 : f32
        %neg3A_257 = vector.broadcast %neg3A_256 : f32 to vector<16xf32>
        %neg3A_258 = arith.subf %neg3A_257, %add3A_255 : vector<16xf32>
        %exp3A_259 = math.exp %neg3A_258 : vector<16xf32>
        %add3A_260 = arith.constant 1.000000e+00 : f32
        %add3A_261 = vector.broadcast %add3A_260 : f32 to vector<16xf32>
        %add3A_262 = arith.addf %add3A_261, %exp3A_259 : vector<16xf32>
        %div3A_263 = arith.constant 1.000000e+00 : f32
        %div3A_264 = vector.broadcast %div3A_263 : f32 to vector<16xf32>
        %div3A_265 = arith.divf %div3A_264, %add3A_262 : vector<16xf32>
        %swap3A_266 = arith.index_cast %scan3A_96 : i32 to index
        %swap3A_267 = arith.constant 48 : index
        %swap3A_268 = tpu.vector_load %arg15[%swap3A_266, %swap3A_267] {strides = array<i32>} : memref<80x64xf32, #tpu.memory_space<vmem>>, vector<1x16xf32>,
        %swap3A_269 = vector.shape_cast %swap3A_268 : vector<1x16xf32> to vector<16xf32>
        %swap3A_270 = vector.shape_cast %add3A_255 : vector<16xf32> to vector<1x16xf32>
        tpu.vector_store %arg15[%swap3A_266, %swap3A_267], %swap3A_270 {strides = array<i32>} : memref<80x64xf32, #tpu.memory_space<vmem>>, vector<1x16xf32>,
        %get3A_271 = arith.index_cast %scan3A_96 : i32 to index
        %get3A_272 = arith.constant 112 : index
        %get3A_273 = tpu.vector_load %arg13[%get3A_271, %get3A_272] {strides = array<i32>} : memref<80x128xf32, #tpu.memory_space<vmem>>, vector<1x16xf32>,
        %get3A_274 = vector.shape_cast %get3A_273 : vector<1x16xf32> to vector<16xf32>
        %mul3A_275 = arith.mulf %div3A_265, %get3A_274 : vector<16xf32>
        %swap3A_276 = arith.index_cast %scan3A_96 : i32 to index
        %swap3A_277 = arith.constant 48 : index
        %swap3A_278 = tpu.vector_load %arg16[%swap3A_276, %swap3A_277] {strides = array<i32>} : memref<80x128xf32, #tpu.memory_space<vmem>>, vector<1x16xf32>,
        %swap3A_279 = vector.shape_cast %swap3A_278 : vector<1x16xf32> to vector<16xf32>
        %swap3A_280 = vector.shape_cast %mul3A_275 : vector<16xf32> to vector<1x16xf32>
        tpu.vector_store %arg16[%swap3A_276, %swap3A_277], %swap3A_280 {strides = array<i32>} : memref<80x128xf32, #tpu.memory_space<vmem>>, vector<1x16xf32>,
        %swap3A_281 = arith.index_cast %scan3A_96 : i32 to index
        %swap3A_282 = arith.constant 112 : index
        %swap3A_283 = tpu.vector_load %arg16[%swap3A_281, %swap3A_282] {strides = array<i32>} : memref<80x128xf32, #tpu.memory_space<vmem>>, vector<1x16xf32>,
        %swap3A_284 = vector.shape_cast %swap3A_283 : vector<1x16xf32> to vector<16xf32>
        %swap3A_285 = vector.shape_cast %div3A_265 : vector<16xf32> to vector<1x16xf32>
        tpu.vector_store %arg16[%swap3A_281, %swap3A_282], %swap3A_285 {strides = array<i32>} : memref<80x128xf32, #tpu.memory_space<vmem>>, vector<1x16xf32>,
        %add3A_286 = arith.addf %scan3A_100, %add3A_255 : vector<16xf32>
        %mul3A_287 = arith.mulf %add3A_255, %add3A_255 : vector<16xf32>
        %add3A_288 = arith.addf %scan3A_104, %mul3A_287 : vector<16xf32>
        scf.yield %add3A_145, %add3A_192, %add3A_239, %add3A_286, %add3A_147, %add3A_194, %add3A_241, %add3A_288 : vector<16xf32>, vector<16xf32>, vector<16xf32>, vector<16xf32>, vector<16xf32>, vector<16xf32>, vector<16xf32>, vector<16xf32>
      }
      %scan3A_95 = arith.constant 80 : i32
      "tpu.region"() ({
        %run_scoped3A = tpu.sem_alloc : memref<!tpu.dma_semaphore, #tpu.memory_space<semaphore_mem>>
        %dma_start3A_96 = arith.constant 0 : i32
        %dma_start3A_97 = tpu.memref_slice %arg7[%arg0, %add3A_72, %dma_start3A_96] : memref<2x320000x64xf32, #tpu.memory_space<hbm>> -> memref<1x80x64xf32, #tpu.memory_space<hbm>>
        %dma_start3A_98 = tpu.memref_squeeze %dma_start3A_97 : memref<1x80x64xf32, #tpu.memory_space<hbm>> -> memref<80x64xf32, #tpu.memory_space<hbm>>
        %dma_start3A_99 = arith.constant 0 : i32
        %dma_start3A_100 = tpu.memref_slice %arg7[%arg0, %add3A_72, %dma_start3A_99] : memref<2x320000x64xf32, #tpu.memory_space<hbm>> -> memref<1x80x64xf32, #tpu.memory_space<hbm>>
        %dma_start3A_101 = tpu.memref_squeeze %dma_start3A_100 : memref<1x80x64xf32, #tpu.memory_space<hbm>> -> memref<80x64xf32, #tpu.memory_space<hbm>>
        tpu.enqueue_dma source(%arg15 : memref<80x64xf32, #tpu.memory_space<vmem>>) target(%dma_start3A_101 : memref<80x64xf32, #tpu.memory_space<hbm>>) target_semaphore(%run_scoped3A : memref<!tpu.dma_semaphore, #tpu.memory_space<semaphore_mem>>)
        %dma_wait3A_102 = arith.constant 0 : i32
        %dma_wait3A_103 = tpu.memref_slice %arg7[%arg0, %add3A_72, %dma_wait3A_102] : memref<2x320000x64xf32, #tpu.memory_space<hbm>> -> memref<1x80x64xf32, #tpu.memory_space<hbm>>
        %dma_wait3A_104 = tpu.memref_squeeze %dma_wait3A_103 : memref<1x80x64xf32, #tpu.memory_space<hbm>> -> memref<80x64xf32, #tpu.memory_space<hbm>>
        %dma_wait3A_105 = arith.constant 0 : i32
        %dma_wait3A_106 = tpu.memref_slice %arg7[%arg0, %add3A_72, %dma_wait3A_105] : memref<2x320000x64xf32, #tpu.memory_space<hbm>> -> memref<1x80x64xf32, #tpu.memory_space<hbm>>
        %dma_wait3A_107 = tpu.memref_squeeze %dma_wait3A_106 : memref<1x80x64xf32, #tpu.memory_space<hbm>> -> memref<80x64xf32, #tpu.memory_space<hbm>>
        tpu.wait_dma2 semaphore(%run_scoped3A : memref<!tpu.dma_semaphore, #tpu.memory_space<semaphore_mem>>) src(%arg15 : memref<80x64xf32, #tpu.memory_space<vmem>>) dst(%dma_wait3A_107 : memref<80x64xf32, #tpu.memory_space<hbm>>)
        tpu.yield
      }) : () -> ()
      "tpu.region"() ({
        %run_scoped3A = tpu.sem_alloc : memref<!tpu.dma_semaphore, #tpu.memory_space<semaphore_mem>>
        %dma_start3A_96 = arith.constant 0 : i32
        %dma_start3A_97 = arith.constant 0 : i32
        %dma_start3A_98 = tpu.memref_slice %arg18[%dma_start3A_96, %dma_start3A_97] : memref<10240x128xf32, #tpu.memory_space<vmem_shared>> -> memref<10240x128xf32, #tpu.memory_space<vmem_shared>>
        tpu.enqueue_indirect_dma source(%arg16 : memref<80x128xf32, #tpu.memory_space<vmem>>) target(%dma_start3A_98 : memref<10240x128xf32, #tpu.memory_space<vmem_shared>>) offsets(%arg11 : memref<80xi32, #tpu.memory_space<vmem>>) semaphore(%run_scoped3A : memref<!tpu.dma_semaphore, #tpu.memory_space<semaphore_mem>>) {add = true}
        %dma_wait3A_99 = arith.constant 0 : i32
        %dma_wait3A_100 = arith.constant 0 : i32
        %dma_wait3A_101 = tpu.memref_slice %arg18[%dma_wait3A_99, %dma_wait3A_100] : memref<10240x128xf32, #tpu.memory_space<vmem_shared>> -> memref<10240x128xf32, #tpu.memory_space<vmem_shared>>
        tpu.wait_indirect_dma semaphore(%run_scoped3A : memref<!tpu.dma_semaphore, #tpu.memory_space<semaphore_mem>>) src(%arg16 : memref<80x128xf32, #tpu.memory_space<vmem>>) dst(%dma_wait3A_101 : memref<10240x128xf32, #tpu.memory_space<vmem_shared>>)
        tpu.yield
      }) : () -> ()
      scf.yield %scan3A_94#0, %scan3A_94#1, %scan3A_94#2, %scan3A_94#3, %scan3A_94#4, %scan3A_94#5, %scan3A_94#6, %scan3A_94#7 : vector<16xf32>, vector<16xf32>, vector<16xf32>, vector<16xf32>, vector<16xf32>, vector<16xf32>, vector<16xf32>, vector<16xf32>
    }
    %scan3A_20 = arith.constant 250 : i32
    %swap3A = arith.constant 0 : index
    %swap3A_21 = tpu.vector_load %arg17[%swap3A] {strides = array<i32>} : memref<128xf32, #tpu.memory_space<vmem>>, vector<16xf32>,
    %swap3A_22 = vector.shape_cast %swap3A_21 : vector<16xf32> to vector<16xf32>
    %swap3A_23 = vector.shape_cast %scan3A_19#0 : vector<16xf32> to vector<16xf32>
    tpu.vector_store %arg17[%swap3A], %swap3A_23 {strides = array<i32>} : memref<128xf32, #tpu.memory_space<vmem>>, vector<16xf32>,
    %swap3A_24 = arith.constant 64 : index
    %swap3A_25 = tpu.vector_load %arg17[%swap3A_24] {strides = array<i32>} : memref<128xf32, #tpu.memory_space<vmem>>, vector<16xf32>,
    %swap3A_26 = vector.shape_cast %swap3A_25 : vector<16xf32> to vector<16xf32>
    %swap3A_27 = vector.shape_cast %scan3A_19#4 : vector<16xf32> to vector<16xf32>
    tpu.vector_store %arg17[%swap3A_24], %swap3A_27 {strides = array<i32>} : memref<128xf32, #tpu.memory_space<vmem>>, vector<16xf32>,
    %swap3A_28 = arith.constant 16 : index
    %swap3A_29 = tpu.vector_load %arg17[%swap3A_28] {strides = array<i32>} : memref<128xf32, #tpu.memory_space<vmem>>, vector<16xf32>,
    %swap3A_30 = vector.shape_cast %swap3A_29 : vector<16xf32> to vector<16xf32>
    %swap3A_31 = vector.shape_cast %scan3A_19#1 : vector<16xf32> to vector<16xf32>
    tpu.vector_store %arg17[%swap3A_28], %swap3A_31 {strides = array<i32>} : memref<128xf32, #tpu.memory_space<vmem>>, vector<16xf32>,
    %swap3A_32 = arith.constant 80 : index
    %swap3A_33 = tpu.vector_load %arg17[%swap3A_32] {strides = array<i32>} : memref<128xf32, #tpu.memory_space<vmem>>, vector<16xf32>,
    %swap3A_34 = vector.shape_cast %swap3A_33 : vector<16xf32> to vector<16xf32>
    %swap3A_35 = vector.shape_cast %scan3A_19#5 : vector<16xf32> to vector<16xf32>
    tpu.vector_store %arg17[%swap3A_32], %swap3A_35 {strides = array<i32>} : memref<128xf32, #tpu.memory_space<vmem>>, vector<16xf32>,
    %swap3A_36 = arith.constant 32 : index
    %swap3A_37 = tpu.vector_load %arg17[%swap3A_36] {strides = array<i32>} : memref<128xf32, #tpu.memory_space<vmem>>, vector<16xf32>,
    %swap3A_38 = vector.shape_cast %swap3A_37 : vector<16xf32> to vector<16xf32>
    %swap3A_39 = vector.shape_cast %scan3A_19#2 : vector<16xf32> to vector<16xf32>
    tpu.vector_store %arg17[%swap3A_36], %swap3A_39 {strides = array<i32>} : memref<128xf32, #tpu.memory_space<vmem>>, vector<16xf32>,
    %swap3A_40 = arith.constant 96 : index
    %swap3A_41 = tpu.vector_load %arg17[%swap3A_40] {strides = array<i32>} : memref<128xf32, #tpu.memory_space<vmem>>, vector<16xf32>,
    %swap3A_42 = vector.shape_cast %swap3A_41 : vector<16xf32> to vector<16xf32>
    %swap3A_43 = vector.shape_cast %scan3A_19#6 : vector<16xf32> to vector<16xf32>
    tpu.vector_store %arg17[%swap3A_40], %swap3A_43 {strides = array<i32>} : memref<128xf32, #tpu.memory_space<vmem>>, vector<16xf32>,
    %swap3A_44 = arith.constant 48 : index
    %swap3A_45 = tpu.vector_load %arg17[%swap3A_44] {strides = array<i32>} : memref<128xf32, #tpu.memory_space<vmem>>, vector<16xf32>,
    %swap3A_46 = vector.shape_cast %swap3A_45 : vector<16xf32> to vector<16xf32>
    %swap3A_47 = vector.shape_cast %scan3A_19#3 : vector<16xf32> to vector<16xf32>
    tpu.vector_store %arg17[%swap3A_44], %swap3A_47 {strides = array<i32>} : memref<128xf32, #tpu.memory_space<vmem>>, vector<16xf32>,
    %swap3A_48 = arith.constant 112 : index
    %swap3A_49 = tpu.vector_load %arg17[%swap3A_48] {strides = array<i32>} : memref<128xf32, #tpu.memory_space<vmem>>, vector<16xf32>,
    %swap3A_50 = vector.shape_cast %swap3A_49 : vector<16xf32> to vector<16xf32>
    %swap3A_51 = vector.shape_cast %scan3A_19#7 : vector<16xf32> to vector<16xf32>
    tpu.vector_store %arg17[%swap3A_48], %swap3A_51 {strides = array<i32>} : memref<128xf32, #tpu.memory_space<vmem>>, vector<16xf32>,
    %mul3A_52 = arith.constant 16 : i32
    %mul3A_53 = arith.muli %arg0, %mul3A_52 : i32
    %add3A = arith.addi %mul3A_53, %arg1 : i32
    "tpu.region"() ({
      %run_scoped3A = tpu.sem_alloc : memref<!tpu.dma_semaphore, #tpu.memory_space<semaphore_mem>>
      %dma_start3A = arith.constant 0 : i32
      %dma_start3A_59 = tpu.memref_slice %arg9[%add3A, %dma_start3A] : memref<32x128xf32, #tpu.memory_space<hbm>> -> memref<1x128xf32, #tpu.memory_space<hbm>>
      %dma_start3A_60 = tpu.memref_squeeze %dma_start3A_59 : memref<1x128xf32, #tpu.memory_space<hbm>> -> memref<128xf32, #tpu.memory_space<hbm>>
      %dma_start3A_61 = arith.constant 0 : i32
      %dma_start3A_62 = tpu.memref_slice %arg9[%add3A, %dma_start3A_61] : memref<32x128xf32, #tpu.memory_space<hbm>> -> memref<1x128xf32, #tpu.memory_space<hbm>>
      %dma_start3A_63 = tpu.memref_squeeze %dma_start3A_62 : memref<1x128xf32, #tpu.memory_space<hbm>> -> memref<128xf32, #tpu.memory_space<hbm>>
      tpu.enqueue_dma source(%arg17 : memref<128xf32, #tpu.memory_space<vmem>>) target(%dma_start3A_63 : memref<128xf32, #tpu.memory_space<hbm>>) target_semaphore(%run_scoped3A : memref<!tpu.dma_semaphore, #tpu.memory_space<semaphore_mem>>)
      %dma_wait3A = arith.constant 0 : i32
      %dma_wait3A_64 = tpu.memref_slice %arg9[%add3A, %dma_wait3A] : memref<32x128xf32, #tpu.memory_space<hbm>> -> memref<1x128xf32, #tpu.memory_space<hbm>>
      %dma_wait3A_65 = tpu.memref_squeeze %dma_wait3A_64 : memref<1x128xf32, #tpu.memory_space<hbm>> -> memref<128xf32, #tpu.memory_space<hbm>>
      %dma_wait3A_66 = arith.constant 0 : i32
      %dma_wait3A_67 = tpu.memref_slice %arg9[%add3A, %dma_wait3A_66] : memref<32x128xf32, #tpu.memory_space<hbm>> -> memref<1x128xf32, #tpu.memory_space<hbm>>
      %dma_wait3A_68 = tpu.memref_squeeze %dma_wait3A_67 : memref<1x128xf32, #tpu.memory_space<hbm>> -> memref<128xf32, #tpu.memory_space<hbm>>
      tpu.wait_dma2 semaphore(%run_scoped3A : memref<!tpu.dma_semaphore, #tpu.memory_space<semaphore_mem>>) src(%arg17 : memref<128xf32, #tpu.memory_space<vmem>>) dst(%dma_wait3A_68 : memref<128xf32, #tpu.memory_space<hbm>>)
      tpu.yield
    }) : () -> ()
    %barrier3A_54 = arith.constant 0 : index
    tpu.barrier barrier_id(%barrier3A_54)
    %mul3A_55 = arith.constant 640 : i32
    %mul3A_56 = arith.muli %arg1, %mul3A_55 : i32
    %mul3A_57 = arith.constant 640 : i32
    %mul3A_58 = arith.muli %arg1, %mul3A_57 : i32
    "tpu.region"() ({
      %run_scoped3A = tpu.sem_alloc : memref<!tpu.dma_semaphore, #tpu.memory_space<semaphore_mem>>
      %dma_start3A = arith.constant 0 : i32
      %dma_start3A_59 = tpu.memref_slice %arg8[%arg0, %mul3A_58, %dma_start3A] : memref<2x10240x128xf32, #tpu.memory_space<hbm>> -> memref<1x640x128xf32, #tpu.memory_space<hbm>>
      %dma_start3A_60 = tpu.memref_squeeze %dma_start3A_59 : memref<1x640x128xf32, #tpu.memory_space<hbm>> -> memref<640x128xf32, #tpu.memory_space<hbm>>
      %dma_start3A_61 = arith.constant 0 : i32
      %dma_start3A_62 = tpu.memref_slice %arg18[%mul3A_56, %dma_start3A_61] : memref<10240x128xf32, #tpu.memory_space<vmem_shared>> -> memref<640x128xf32, #tpu.memory_space<vmem_shared>>
      tpu.enqueue_dma source(%dma_start3A_62 : memref<640x128xf32, #tpu.memory_space<vmem_shared>>) target(%dma_start3A_60 : memref<640x128xf32, #tpu.memory_space<hbm>>) target_semaphore(%run_scoped3A : memref<!tpu.dma_semaphore, #tpu.memory_space<semaphore_mem>>)
      %dma_wait3A = arith.constant 0 : i32
      %dma_wait3A_63 = tpu.memref_slice %arg8[%arg0, %mul3A_58, %dma_wait3A] : memref<2x10240x128xf32, #tpu.memory_space<hbm>> -> memref<1x640x128xf32, #tpu.memory_space<hbm>>
      %dma_wait3A_64 = tpu.memref_squeeze %dma_wait3A_63 : memref<1x640x128xf32, #tpu.memory_space<hbm>> -> memref<640x128xf32, #tpu.memory_space<hbm>>
      %dma_wait3A_65 = arith.constant 0 : i32
      %dma_wait3A_66 = tpu.memref_slice %arg18[%mul3A_56, %dma_wait3A_65] : memref<10240x128xf32, #tpu.memory_space<vmem_shared>> -> memref<640x128xf32, #tpu.memory_space<vmem_shared>>
      tpu.wait_dma2 semaphore(%run_scoped3A : memref<!tpu.dma_semaphore, #tpu.memory_space<semaphore_mem>>) src(%dma_wait3A_66 : memref<640x128xf32, #tpu.memory_space<vmem_shared>>) dst(%dma_wait3A_64 : memref<640x128xf32, #tpu.memory_space<hbm>>)
      tpu.yield
    }) : () -> ()
    return
  }
}

module attributes {stable_mosaic.version = 14 : i64} {
  func.func @_update_kernel(%arg0: memref<10000x128xf32, #tpu.memory_space<vmem>>, %arg1: memref<128x128xf32, #tpu.memory_space<vmem>>, %arg2: memref<1x128xf32, #tpu.memory_space<vmem>>, %arg3: memref<8x128xf32, #tpu.memory_space<vmem>>, %arg4: memref<2x8x128xf32, #tpu.memory_space<vmem>>, %arg5: memref<1x128xf32, #tpu.memory_space<vmem>>, %arg6: memref<1x128xf32, #tpu.memory_space<vmem>>, %arg7: memref<10000x128xf32, #tpu.memory_space<vmem>>) attributes {dimension_semantics = [], scalar_prefetch = 0 : i64, scratch_operands = 0 : i64, tpu.core_type = #tpu.core_type<tc>} {
    %get3A = arith.constant 0 : index
    %get3A_0 = arith.constant 0 : index
    %get3A_1 = vector.load %arg0[%get3A, %get3A_0] : memref<10000x128xf32, #tpu.memory_space<vmem>>, vector<10000x128xf32>
    %get3A_2 = arith.constant 0 : index
    %get3A_3 = arith.constant 0 : index
    %get3A_4 = vector.load %arg1[%get3A_2, %get3A_3] : memref<128x128xf32, #tpu.memory_space<vmem>>, vector<128x128xf32>
    %dot_general3A = arith.constant dense<0.000000e+00> : vector<10000x128xf32>
    %dot_general3A_5 = tpu.matmul %get3A_1, %get3A_4, %dot_general3A {dimension_numbers = #tpu.dot_dimension_numbers<[1], [0], [0], [1], [0, 0, 1, 1], [], []>, transpose_lhs_hint = false} : vector<10000x128xf32>, vector<128x128xf32>, vector<10000x128xf32> -> vector<10000x128xf32>
    %get3A_6 = arith.constant 0 : index
    %get3A_7 = arith.constant 0 : index
    %get3A_8 = vector.load %arg2[%get3A_6, %get3A_7] : memref<1x128xf32, #tpu.memory_space<vmem>>, vector<1x128xf32>
    %add3A = vector.broadcast %get3A_8 : vector<1x128xf32> to vector<10000x128xf32>
    %add3A_9 = arith.addf %dot_general3A_5, %add3A : vector<10000x128xf32>
    %swap3A = arith.constant 0 : index
    %swap3A_10 = arith.constant 0 : index
    %swap3A_11 = vector.load %arg7[%swap3A, %swap3A_10] : memref<10000x128xf32, #tpu.memory_space<vmem>>, vector<10000x128xf32>
    tpu.vector_store %arg7[%swap3A, %swap3A_10], %add3A_9 {strides = array<i32>} : memref<10000x128xf32, #tpu.memory_space<vmem>>, vector<10000x128xf32>,
    return
  }
}

module attributes {stable_mosaic.version = 14 : i64} {
  func.func @_edge_kernel(%arg0: i32, %arg1: memref<2000x16xf32, #tpu.memory_space<vmem>>, %arg2: memref<2x2000x64xf32, #tpu.memory_space<vmem>>, %arg3: memref<1x128xf32, #tpu.memory_space<vmem>>, %arg4: memref<1x128xf32, #tpu.memory_space<vmem>>, %arg5: memref<128x128xf32, #tpu.memory_space<vmem>>, %arg6: memref<1x128xf32, #tpu.memory_space<vmem>>, %arg7: memref<16x128xf32, #tpu.memory_space<vmem>>, %arg8: memref<1x128xf32, #tpu.memory_space<vmem>>, %arg9: memref<2x2000x64xf32, #tpu.memory_space<vmem>>) attributes {dimension_semantics = [#tpu.dimension_semantics<arbitrary>], iteration_bounds = array<i64: 160>, scalar_prefetch = 0 : i64, scratch_operands = 0 : i64, tpu.core_type = #tpu.core_type<tc>, window_params = [{transform_indices = @transform_0, window_bounds = array<i64: 2000, 16>}, {transform_indices = @transform_1, window_bounds = array<i64: 2, 2000, 64>}, {pipeline_mode = #tpu.pipeline_mode<synchronous>, transform_indices = @transform_2, window_bounds = array<i64: 1, 128>}, {pipeline_mode = #tpu.pipeline_mode<synchronous>, transform_indices = @transform_3, window_bounds = array<i64: 1, 128>}, {pipeline_mode = #tpu.pipeline_mode<synchronous>, transform_indices = @transform_4, window_bounds = array<i64: 128, 128>}, {pipeline_mode = #tpu.pipeline_mode<synchronous>, transform_indices = @transform_5, window_bounds = array<i64: 1, 128>}, {pipeline_mode = #tpu.pipeline_mode<synchronous>, transform_indices = @transform_6, window_bounds = array<i64: 16, 128>}, {pipeline_mode = #tpu.pipeline_mode<synchronous>, transform_indices = @transform_7, window_bounds = array<i64: 1, 128>}, {transform_indices = @transform_8, window_bounds = array<i64: 2, 2000, 64>}]} {
    %get3A = arith.constant 0 : index
    %get3A_0 = arith.constant 0 : index
    %get3A_1 = vector.load %arg1[%get3A, %get3A_0] : memref<2000x16xf32, #tpu.memory_space<vmem>>, vector<2000x16xf32>
    %get3A_2 = arith.constant 0 : index
    %get3A_3 = arith.constant 0 : index
    %get3A_4 = vector.load %arg7[%get3A_2, %get3A_3] : memref<16x128xf32, #tpu.memory_space<vmem>>, vector<16x128xf32>
    %dot_general3A = arith.constant dense<0.000000e+00> : vector<2000x128xf32>
    %dot_general3A_5 = tpu.matmul %get3A_1, %get3A_4, %dot_general3A {dimension_numbers = #tpu.dot_dimension_numbers<[1], [0], [0], [1], [0, 0, 1, 1], [], []>, transpose_lhs_hint = false} : vector<2000x16xf32>, vector<16x128xf32>, vector<2000x128xf32> -> vector<2000x128xf32>
    %get3A_6 = arith.constant 0 : index
    %get3A_7 = arith.constant 0 : index
    %get3A_8 = vector.load %arg8[%get3A_6, %get3A_7] : memref<1x128xf32, #tpu.memory_space<vmem>>, vector<1x128xf32>
    %add3A = vector.broadcast %get3A_8 : vector<1x128xf32> to vector<2000x128xf32>
    %add3A_9 = arith.addf %dot_general3A_5, %add3A : vector<2000x128xf32>
    %slice3A = vector.extract_strided_slice %add3A_9 {offsets = [0, 0], sizes = [2000, 64], strides = [1, 1]} : vector<2000x128xf32> to vector<2000x64xf32>
    %swap3A = arith.constant 0 : index
    %swap3A_10 = arith.constant 0 : index
    %swap3A_11 = arith.constant 0 : index
    %swap3A_12 = vector.load %arg9[%swap3A, %swap3A_10, %swap3A_11] : memref<2x2000x64xf32, #tpu.memory_space<vmem>>, vector<1x2000x64xf32>
    %swap3A_13 = vector.shape_cast %swap3A_12 : vector<1x2000x64xf32> to vector<2000x64xf32>
    %swap3A_14 = vector.shape_cast %slice3A : vector<2000x64xf32> to vector<1x2000x64xf32>
    tpu.vector_store %arg9[%swap3A, %swap3A_10, %swap3A_11], %swap3A_14 {strides = array<i32>} : memref<2x2000x64xf32, #tpu.memory_space<vmem>>, vector<1x2000x64xf32>,
    %slice3A_15 = vector.extract_strided_slice %add3A_9 {offsets = [0, 64], sizes = [2000, 64], strides = [1, 1]} : vector<2000x128xf32> to vector<2000x64xf32>
    %swap3A_16 = arith.constant 1 : index
    %swap3A_17 = arith.constant 0 : index
    %swap3A_18 = arith.constant 0 : index
    %swap3A_19 = vector.load %arg9[%swap3A_16, %swap3A_17, %swap3A_18] : memref<2x2000x64xf32, #tpu.memory_space<vmem>>, vector<1x2000x64xf32>
    %swap3A_20 = vector.shape_cast %swap3A_19 : vector<1x2000x64xf32> to vector<2000x64xf32>
    %swap3A_21 = vector.shape_cast %slice3A_15 : vector<2000x64xf32> to vector<1x2000x64xf32>
    tpu.vector_store %arg9[%swap3A_16, %swap3A_17, %swap3A_18], %swap3A_21 {strides = array<i32>} : memref<2x2000x64xf32, #tpu.memory_space<vmem>>, vector<1x2000x64xf32>,
    return
  }
  func.func @transform_0(%arg0: i32) -> (i32, i32) {
    %c0_i32 = arith.constant 0 : i32
    %c0_i32_0 = arith.constant 0 : i32
    return %arg0, %c0_i32 : i32, i32
  }
  func.func @transform_1(%arg0: i32) -> (i32, i32, i32) {
    %c0_i32 = arith.constant 0 : i32
    %c0_i32_0 = arith.constant 0 : i32
    %c0_i32_1 = arith.constant 0 : i32
    return %c0_i32, %arg0, %c0_i32_0 : i32, i32, i32
  }
  func.func @transform_2(%arg0: i32) -> (i32, i32) {
    %c0_i32 = arith.constant 0 : i32
    %c0_i32_0 = arith.constant 0 : i32
    %c0_i32_1 = arith.constant 0 : i32
    return %c0_i32, %c0_i32_0 : i32, i32
  }
  func.func @transform_3(%arg0: i32) -> (i32, i32) {
    %c0_i32 = arith.constant 0 : i32
    %c0_i32_0 = arith.constant 0 : i32
    %c0_i32_1 = arith.constant 0 : i32
    return %c0_i32, %c0_i32_0 : i32, i32
  }
  func.func @transform_4(%arg0: i32) -> (i32, i32) {
    %c0_i32 = arith.constant 0 : i32
    %c0_i32_0 = arith.constant 0 : i32
    %c0_i32_1 = arith.constant 0 : i32
    return %c0_i32, %c0_i32_0 : i32, i32
  }
  func.func @transform_5(%arg0: i32) -> (i32, i32) {
    %c0_i32 = arith.constant 0 : i32
    %c0_i32_0 = arith.constant 0 : i32
    %c0_i32_1 = arith.constant 0 : i32
    return %c0_i32, %c0_i32_0 : i32, i32
  }
  func.func @transform_6(%arg0: i32) -> (i32, i32) {
    %c0_i32 = arith.constant 0 : i32
    %c0_i32_0 = arith.constant 0 : i32
    %c0_i32_1 = arith.constant 0 : i32
    return %c0_i32, %c0_i32_0 : i32, i32
  }
  func.func @transform_7(%arg0: i32) -> (i32, i32) {
    %c0_i32 = arith.constant 0 : i32
    %c0_i32_0 = arith.constant 0 : i32
    %c0_i32_1 = arith.constant 0 : i32
    return %c0_i32, %c0_i32_0 : i32, i32
  }
  func.func @transform_8(%arg0: i32) -> (i32, i32, i32) {
    %c0_i32 = arith.constant 0 : i32
    %c0_i32_0 = arith.constant 0 : i32
    %c0_i32_1 = arith.constant 0 : i32
    return %c0_i32, %arg0, %c0_i32_0 : i32, i32, i32
  }
}

module attributes {stable_mosaic.version = 14 : i64} {
  func.func @_tables_kernel(%arg0: memref<10000x128xf32, #tpu.memory_space<vmem>>, %arg1: memref<128x128xf32, #tpu.memory_space<vmem>>, %arg2: memref<1x128xf32, #tpu.memory_space<vmem>>, %arg3: memref<128x128xf32, #tpu.memory_space<vmem>>, %arg4: memref<1x128xf32, #tpu.memory_space<vmem>>, %arg5: memref<128x128xf32, #tpu.memory_space<vmem>>, %arg6: memref<1x128xf32, #tpu.memory_space<vmem>>, %arg7: memref<128x128xf32, #tpu.memory_space<vmem>>, %arg8: memref<1x128xf32, #tpu.memory_space<vmem>>, %arg9: memref<10000x128xf32, #tpu.memory_space<vmem>>, %arg10: memref<20000x128xf32, #tpu.memory_space<vmem>>, %arg11: memref<20000x128xf32, #tpu.memory_space<vmem>>) attributes {dimension_semantics = [], scalar_prefetch = 0 : i64, scratch_operands = 0 : i64, tpu.core_type = #tpu.core_type<tc>} {
    %get3A = arith.constant 0 : index
    %get3A_0 = arith.constant 0 : index
    %get3A_1 = vector.load %arg0[%get3A, %get3A_0] : memref<10000x128xf32, #tpu.memory_space<vmem>>, vector<10000x128xf32>
    %get3A_2 = arith.constant 0 : index
    %get3A_3 = arith.constant 0 : index
    %get3A_4 = vector.load %arg1[%get3A_2, %get3A_3] : memref<128x128xf32, #tpu.memory_space<vmem>>, vector<128x128xf32>
    %dot_general3A = arith.constant dense<0.000000e+00> : vector<10000x128xf32>
    %dot_general3A_5 = tpu.matmul %get3A_1, %get3A_4, %dot_general3A {dimension_numbers = #tpu.dot_dimension_numbers<[1], [0], [0], [1], [0, 0, 1, 1], [], []>, transpose_lhs_hint = false} : vector<10000x128xf32>, vector<128x128xf32>, vector<10000x128xf32> -> vector<10000x128xf32>
    %get3A_6 = arith.constant 0 : index
    %get3A_7 = arith.constant 0 : index
    %get3A_8 = vector.load %arg2[%get3A_6, %get3A_7] : memref<1x128xf32, #tpu.memory_space<vmem>>, vector<1x128xf32>
    %add3A = vector.broadcast %get3A_8 : vector<1x128xf32> to vector<10000x128xf32>
    %add3A_9 = arith.addf %dot_general3A_5, %add3A : vector<10000x128xf32>
    %swap3A = arith.constant 0 : index
    %swap3A_10 = arith.constant 0 : index
    %swap3A_11 = vector.load %arg9[%swap3A, %swap3A_10] : memref<10000x128xf32, #tpu.memory_space<vmem>>, vector<10000x128xf32>
    tpu.vector_store %arg9[%swap3A, %swap3A_10], %add3A_9 {strides = array<i32>} : memref<10000x128xf32, #tpu.memory_space<vmem>>, vector<10000x128xf32>,
    %get3A_12 = arith.constant 0 : index
    %get3A_13 = arith.constant 0 : index
    %get3A_14 = vector.load %arg3[%get3A_12, %get3A_13] : memref<128x128xf32, #tpu.memory_space<vmem>>, vector<128x128xf32>
    %dot_general3A_15 = arith.constant dense<0.000000e+00> : vector<10000x128xf32>
    %dot_general3A_16 = tpu.matmul %get3A_1, %get3A_14, %dot_general3A_15 {dimension_numbers = #tpu.dot_dimension_numbers<[1], [0], [0], [1], [0, 0, 1, 1], [], []>, transpose_lhs_hint = false} : vector<10000x128xf32>, vector<128x128xf32>, vector<10000x128xf32> -> vector<10000x128xf32>
    %get3A_17 = arith.constant 0 : index
    %get3A_18 = arith.constant 0 : index
    %get3A_19 = vector.load %arg4[%get3A_17, %get3A_18] : memref<1x128xf32, #tpu.memory_space<vmem>>, vector<1x128xf32>
    %add3A_20 = vector.broadcast %get3A_19 : vector<1x128xf32> to vector<10000x128xf32>
    %add3A_21 = arith.addf %dot_general3A_16, %add3A_20 : vector<10000x128xf32>
    %get3A_22 = arith.constant 0 : index
    %get3A_23 = arith.constant 0 : index
    %get3A_24 = vector.load %arg5[%get3A_22, %get3A_23] : memref<128x128xf32, #tpu.memory_space<vmem>>, vector<128x128xf32>
    %dot_general3A_25 = arith.constant dense<0.000000e+00> : vector<10000x128xf32>
    %dot_general3A_26 = tpu.matmul %get3A_1, %get3A_24, %dot_general3A_25 {dimension_numbers = #tpu.dot_dimension_numbers<[1], [0], [0], [1], [0, 0, 1, 1], [], []>, transpose_lhs_hint = false} : vector<10000x128xf32>, vector<128x128xf32>, vector<10000x128xf32> -> vector<10000x128xf32>
    %get3A_27 = arith.constant 0 : index
    %get3A_28 = arith.constant 0 : index
    %get3A_29 = vector.load %arg6[%get3A_27, %get3A_28] : memref<1x128xf32, #tpu.memory_space<vmem>>, vector<1x128xf32>
    %add3A_30 = vector.broadcast %get3A_29 : vector<1x128xf32> to vector<10000x128xf32>
    %add3A_31 = arith.addf %dot_general3A_26, %add3A_30 : vector<10000x128xf32>
    %get3A_32 = arith.constant 0 : index
    %get3A_33 = arith.constant 0 : index
    %get3A_34 = vector.load %arg7[%get3A_32, %get3A_33] : memref<128x128xf32, #tpu.memory_space<vmem>>, vector<128x128xf32>
    %dot_general3A_35 = arith.constant dense<0.000000e+00> : vector<10000x128xf32>
    %dot_general3A_36 = tpu.matmul %get3A_1, %get3A_34, %dot_general3A_35 {dimension_numbers = #tpu.dot_dimension_numbers<[1], [0], [0], [1], [0, 0, 1, 1], [], []>, transpose_lhs_hint = false} : vector<10000x128xf32>, vector<128x128xf32>, vector<10000x128xf32> -> vector<10000x128xf32>
    %get3A_37 = arith.constant 0 : index
    %get3A_38 = arith.constant 0 : index
    %get3A_39 = vector.load %arg8[%get3A_37, %get3A_38] : memref<1x128xf32, #tpu.memory_space<vmem>>, vector<1x128xf32>
    %add3A_40 = vector.broadcast %get3A_39 : vector<1x128xf32> to vector<10000x128xf32>
    %add3A_41 = arith.addf %dot_general3A_36, %add3A_40 : vector<10000x128xf32>
    %slice3A = vector.extract_strided_slice %add3A_31 {offsets = [0, 0], sizes = [10000, 64], strides = [1, 1]} : vector<10000x128xf32> to vector<10000x64xf32>
    %slice3A_42 = vector.extract_strided_slice %add3A_21 {offsets = [0, 0], sizes = [10000, 64], strides = [1, 1]} : vector<10000x128xf32> to vector<10000x64xf32>
    %concatenate3A = tpu.concatenate %slice3A, %slice3A_42 in 1 : vector<10000x64xf32>, vector<10000x64xf32> -> vector<10000x128xf32>
    %swap3A_43 = arith.constant 0 : index
    %swap3A_44 = arith.constant 0 : index
    %swap3A_45 = vector.load %arg10[%swap3A_43, %swap3A_44] : memref<20000x128xf32, #tpu.memory_space<vmem>>, vector<10000x128xf32>
    tpu.vector_store %arg10[%swap3A_43, %swap3A_44], %concatenate3A {strides = array<i32>} : memref<20000x128xf32, #tpu.memory_space<vmem>>, vector<10000x128xf32>,
    %slice3A_46 = vector.extract_strided_slice %add3A_31 {offsets = [0, 64], sizes = [10000, 64], strides = [1, 1]} : vector<10000x128xf32> to vector<10000x64xf32>
    %slice3A_47 = vector.extract_strided_slice %add3A_21 {offsets = [0, 64], sizes = [10000, 64], strides = [1, 1]} : vector<10000x128xf32> to vector<10000x64xf32>
    %concatenate3A_48 = tpu.concatenate %slice3A_46, %slice3A_47 in 1 : vector<10000x64xf32>, vector<10000x64xf32> -> vector<10000x128xf32>
    %swap3A_49 = arith.constant 10000 : index
    %swap3A_50 = arith.constant 0 : index
    %swap3A_51 = vector.load %arg10[%swap3A_49, %swap3A_50] : memref<20000x128xf32, #tpu.memory_space<vmem>>, vector<10000x128xf32>
    tpu.vector_store %arg10[%swap3A_49, %swap3A_50], %concatenate3A_48 {strides = array<i32>} : memref<20000x128xf32, #tpu.memory_space<vmem>>, vector<10000x128xf32>,
    %swap3A_52 = arith.constant 0 : index
    %swap3A_53 = arith.constant 0 : index
    %swap3A_54 = vector.load %arg11[%swap3A_52, %swap3A_53] : memref<20000x128xf32, #tpu.memory_space<vmem>>, vector<10000x128xf32>
    tpu.vector_store %arg11[%swap3A_52, %swap3A_53], %add3A_41 {strides = array<i32>} : memref<20000x128xf32, #tpu.memory_space<vmem>>, vector<10000x128xf32>,
    %slice3A_55 = vector.extract_strided_slice %add3A_41 {offsets = [0, 64], sizes = [10000, 64], strides = [1, 1]} : vector<10000x128xf32> to vector<10000x64xf32>
    %slice3A_56 = vector.extract_strided_slice %add3A_41 {offsets = [0, 0], sizes = [10000, 64], strides = [1, 1]} : vector<10000x128xf32> to vector<10000x64xf32>
    %concatenate3A_57 = tpu.concatenate %slice3A_55, %slice3A_56 in 1 : vector<10000x64xf32>, vector<10000x64xf32> -> vector<10000x128xf32>
    %swap3A_58 = arith.constant 10000 : index
    %swap3A_59 = arith.constant 0 : index
    %swap3A_60 = vector.load %arg11[%swap3A_58, %swap3A_59] : memref<20000x128xf32, #tpu.memory_space<vmem>>, vector<10000x128xf32>
    tpu.vector_store %arg11[%swap3A_58, %swap3A_59], %concatenate3A_57 {strides = array<i32>} : memref<20000x128xf32, #tpu.memory_space<vmem>>, vector<10000x128xf32>,
    return
  }
}

module attributes {stable_mosaic.version = 14 : i64} {
  func.func @_update_kernel(%arg0: memref<10000x128xf32, #tpu.memory_space<vmem>>, %arg1: memref<128x128xf32, #tpu.memory_space<vmem>>, %arg2: memref<1x128xf32, #tpu.memory_space<vmem>>, %arg3: memref<10000x128xf32, #tpu.memory_space<vmem>>, %arg4: memref<2x10240x128xf32, #tpu.memory_space<vmem>>, %arg5: memref<1x128xf32, #tpu.memory_space<vmem>>, %arg6: memref<1x128xf32, #tpu.memory_space<vmem>>, %arg7: memref<10000x128xf32, #tpu.memory_space<vmem>>) attributes {dimension_semantics = [], scalar_prefetch = 0 : i64, scratch_operands = 0 : i64, tpu.core_type = #tpu.core_type<tc>} {
    %get3A = arith.constant 0 : index
    %get3A_0 = arith.constant 0 : index
    %get3A_1 = vector.load %arg0[%get3A, %get3A_0] : memref<10000x128xf32, #tpu.memory_space<vmem>>, vector<10000x128xf32>
    %get3A_2 = arith.constant 0 : index
    %get3A_3 = arith.constant 0 : index
    %get3A_4 = arith.constant 0 : index
    %get3A_5 = vector.load %arg4[%get3A_2, %get3A_3, %get3A_4] : memref<2x10240x128xf32, #tpu.memory_space<vmem>>, vector<1x10000x64xf32>
    %get3A_6 = vector.shape_cast %get3A_5 : vector<1x10000x64xf32> to vector<10000x64xf32>
    %get3A_7 = arith.constant 1 : index
    %get3A_8 = arith.constant 0 : index
    %get3A_9 = arith.constant 0 : index
    %get3A_10 = vector.load %arg4[%get3A_7, %get3A_8, %get3A_9] : memref<2x10240x128xf32, #tpu.memory_space<vmem>>, vector<1x10000x64xf32>
    %get3A_11 = vector.shape_cast %get3A_10 : vector<1x10000x64xf32> to vector<10000x64xf32>
    %concatenate3A = tpu.concatenate %get3A_6, %get3A_11 in 1 : vector<10000x64xf32>, vector<10000x64xf32> -> vector<10000x128xf32>
    %get3A_12 = arith.constant 0 : index
    %get3A_13 = arith.constant 0 : index
    %get3A_14 = arith.constant 64 : index
    %get3A_15 = vector.load %arg4[%get3A_12, %get3A_13, %get3A_14] : memref<2x10240x128xf32, #tpu.memory_space<vmem>>, vector<1x10000x64xf32>
    %get3A_16 = vector.shape_cast %get3A_15 : vector<1x10000x64xf32> to vector<10000x64xf32>
    %get3A_17 = arith.constant 1 : index
    %get3A_18 = arith.constant 0 : index
    %get3A_19 = arith.constant 64 : index
    %get3A_20 = vector.load %arg4[%get3A_17, %get3A_18, %get3A_19] : memref<2x10240x128xf32, #tpu.memory_space<vmem>>, vector<1x10000x64xf32>
    %get3A_21 = vector.shape_cast %get3A_20 : vector<1x10000x64xf32> to vector<10000x64xf32>
    %concatenate3A_22 = tpu.concatenate %get3A_16, %get3A_21 in 1 : vector<10000x64xf32>, vector<10000x64xf32> -> vector<10000x128xf32>
    %get3A_23 = arith.constant 0 : index
    %get3A_24 = arith.constant 0 : index
    %get3A_25 = vector.load %arg3[%get3A_23, %get3A_24] : memref<10000x128xf32, #tpu.memory_space<vmem>>, vector<10000x128xf32>
    %add3A = arith.constant 9.99999997E-7 : f32
    %add3A_26 = vector.broadcast %add3A : f32 to vector<10000x128xf32>
    %add3A_27 = arith.addf %concatenate3A_22, %add3A_26 : vector<10000x128xf32>
    %div3A = arith.divf %concatenate3A, %add3A_27 : vector<10000x128xf32>
    %add3A_28 = arith.addf %get3A_25, %div3A : vector<10000x128xf32>
    %reduce_sum3A = arith.constant dense<0.000000e+00> : vector<128xf32>
    %reduce_sum3A_29 = vector.multi_reduction <add>, %add3A_28, %reduce_sum3A [0] : vector<10000x128xf32> to vector<128xf32>
    %broadcast_in_dim3A = vector.shape_cast %reduce_sum3A_29 : vector<128xf32> to vector<1x128xf32>
    %div3A_30 = arith.constant 1.000000e+04 : f32
    %div3A_31 = vector.broadcast %div3A_30 : f32 to vector<1x128xf32>
    %div3A_32 = arith.divf %broadcast_in_dim3A, %div3A_31 : vector<1x128xf32>
    %sub3A = vector.broadcast %div3A_32 : vector<1x128xf32> to vector<10000x128xf32>
    %sub3A_33 = arith.subf %add3A_28, %sub3A : vector<10000x128xf32>
    %integer_pow3A = arith.mulf %sub3A_33, %sub3A_33 : vector<10000x128xf32>
    %reduce_sum3A_34 = arith.constant dense<0.000000e+00> : vector<128xf32>
    %reduce_sum3A_35 = vector.multi_reduction <add>, %integer_pow3A, %reduce_sum3A_34 [0] : vector<10000x128xf32> to vector<128xf32>
    %broadcast_in_dim3A_36 = vector.shape_cast %reduce_sum3A_35 : vector<128xf32> to vector<1x128xf32>
    %div3A_37 = arith.constant 1.000000e+04 : f32
    %div3A_38 = vector.broadcast %div3A_37 : f32 to vector<1x128xf32>
    %div3A_39 = arith.divf %broadcast_in_dim3A_36, %div3A_38 : vector<1x128xf32>
    %get3A_40 = arith.constant 0 : index
    %get3A_41 = arith.constant 0 : index
    %get3A_42 = vector.load %arg5[%get3A_40, %get3A_41] : memref<1x128xf32, #tpu.memory_space<vmem>>, vector<1x128xf32>
    %sub3A_43 = vector.broadcast %div3A_32 : vector<1x128xf32> to vector<10000x128xf32>
    %sub3A_44 = arith.subf %add3A_28, %sub3A_43 : vector<10000x128xf32>
    %mul3A = vector.broadcast %get3A_42 : vector<1x128xf32> to vector<10000x128xf32>
    %mul3A_45 = arith.mulf %mul3A, %sub3A_44 : vector<10000x128xf32>
    %add3A_46 = arith.constant 9.99999974E-6 : f32
    %add3A_47 = vector.broadcast %add3A_46 : f32 to vector<1x128xf32>
    %add3A_48 = arith.addf %div3A_39, %add3A_47 : vector<1x128xf32>
    %sqrt3A = math.sqrt %add3A_48 : vector<1x128xf32>
    %div3A_49 = vector.broadcast %sqrt3A : vector<1x128xf32> to vector<10000x128xf32>
    %div3A_50 = arith.divf %mul3A_45, %div3A_49 : vector<10000x128xf32>
    %get3A_51 = arith.constant 0 : index
    %get3A_52 = arith.constant 0 : index
    %get3A_53 = vector.load %arg6[%get3A_51, %get3A_52] : memref<1x128xf32, #tpu.memory_space<vmem>>, vector<1x128xf32>
    %add3A_54 = vector.broadcast %get3A_53 : vector<1x128xf32> to vector<10000x128xf32>
    %add3A_55 = arith.addf %div3A_50, %add3A_54 : vector<10000x128xf32>
    %max3A = arith.constant 0.000000e+00 : f32
    %max3A_56 = vector.broadcast %max3A : f32 to vector<10000x128xf32>
    %max3A_57 = arith.maximumf %add3A_55, %max3A_56 : vector<10000x128xf32>
    %add3A_58 = arith.addf %get3A_1, %max3A_57 : vector<10000x128xf32>
    %swap3A = arith.constant 0 : index
    %swap3A_59 = arith.constant 0 : index
    %swap3A_60 = vector.load %arg7[%swap3A, %swap3A_59] : memref<10000x128xf32, #tpu.memory_space<vmem>>, vector<10000x128xf32>
    tpu.vector_store %arg7[%swap3A, %swap3A_59], %add3A_58 {strides = array<i32>} : memref<10000x128xf32, #tpu.memory_space<vmem>>, vector<10000x128xf32>,
    return
  }
}

module attributes {stable_mosaic.version = 14 : i64} {
  func.func @_edge_kernel(%arg0: i32, %arg1: memref<2000x16xf32, #tpu.memory_space<vmem>>, %arg2: memref<2x2000x64xf32, #tpu.memory_space<vmem>>, %arg3: memref<1x128xf32, #tpu.memory_space<vmem>>, %arg4: memref<1x128xf32, #tpu.memory_space<vmem>>, %arg5: memref<16x128xf32, #tpu.memory_space<vmem>>, %arg6: memref<1x128xf32, #tpu.memory_space<vmem>>, %arg7: memref<128x128xf32, #tpu.memory_space<vmem>>, %arg8: memref<1x128xf32, #tpu.memory_space<vmem>>, %arg9: memref<2x2000x64xf32, #tpu.memory_space<vmem>>, %arg10: memref<2000x128xf32, #tpu.memory_space<vmem>>) attributes {dimension_semantics = [#tpu.dimension_semantics<arbitrary>], iteration_bounds = array<i64: 160>, scalar_prefetch = 0 : i64, scratch_operands = 0 : i64, tpu.core_type = #tpu.core_type<tc>, window_params = [{transform_indices = @transform_0, window_bounds = array<i64: 2000, 16>}, {transform_indices = @transform_1, window_bounds = array<i64: 2, 2000, 64>}, {pipeline_mode = #tpu.pipeline_mode<synchronous>, transform_indices = @transform_2, window_bounds = array<i64: 1, 128>}, {pipeline_mode = #tpu.pipeline_mode<synchronous>, transform_indices = @transform_3, window_bounds = array<i64: 1, 128>}, {pipeline_mode = #tpu.pipeline_mode<synchronous>, transform_indices = @transform_4, window_bounds = array<i64: 16, 128>}, {pipeline_mode = #tpu.pipeline_mode<synchronous>, transform_indices = @transform_5, window_bounds = array<i64: 1, 128>}, {pipeline_mode = #tpu.pipeline_mode<synchronous>, transform_indices = @transform_6, window_bounds = array<i64: 128, 128>}, {pipeline_mode = #tpu.pipeline_mode<synchronous>, transform_indices = @transform_7, window_bounds = array<i64: 1, 128>}, {transform_indices = @transform_8, window_bounds = array<i64: 2, 2000, 64>}, {transform_indices = @transform_9, window_bounds = array<i64: 2000, 128>}]} {
    %get3A = arith.constant 0 : index
    %get3A_0 = arith.constant 0 : index
    %get3A_1 = arith.constant 0 : index
    %get3A_2 = vector.load %arg2[%get3A, %get3A_0, %get3A_1] : memref<2x2000x64xf32, #tpu.memory_space<vmem>>, vector<1x2000x64xf32>
    %get3A_3 = vector.shape_cast %get3A_2 : vector<1x2000x64xf32> to vector<2000x64xf32>
    %get3A_4 = arith.constant 1 : index
    %get3A_5 = arith.constant 0 : index
    %get3A_6 = arith.constant 0 : index
    %get3A_7 = vector.load %arg2[%get3A_4, %get3A_5, %get3A_6] : memref<2x2000x64xf32, #tpu.memory_space<vmem>>, vector<1x2000x64xf32>
    %get3A_8 = vector.shape_cast %get3A_7 : vector<1x2000x64xf32> to vector<2000x64xf32>
    %concatenate3A = tpu.concatenate %get3A_3, %get3A_8 in 1 : vector<2000x64xf32>, vector<2000x64xf32> -> vector<2000x128xf32>
    %get3A_9 = arith.constant 0 : index
    %get3A_10 = arith.constant 0 : index
    %get3A_11 = vector.load %arg3[%get3A_9, %get3A_10] : memref<1x128xf32, #tpu.memory_space<vmem>>, vector<1x128xf32>
    %mul3A = vector.broadcast %get3A_11 : vector<1x128xf32> to vector<2000x128xf32>
    %mul3A_12 = arith.mulf %concatenate3A, %mul3A : vector<2000x128xf32>
    %get3A_13 = arith.constant 0 : index
    %get3A_14 = arith.constant 0 : index
    %get3A_15 = vector.load %arg4[%get3A_13, %get3A_14] : memref<1x128xf32, #tpu.memory_space<vmem>>, vector<1x128xf32>
    %add3A = vector.broadcast %get3A_15 : vector<1x128xf32> to vector<2000x128xf32>
    %add3A_16 = arith.addf %mul3A_12, %add3A : vector<2000x128xf32>
    %get3A_17 = arith.constant 0 : index
    %get3A_18 = arith.constant 0 : index
    %get3A_19 = vector.load %arg1[%get3A_17, %get3A_18] : memref<2000x16xf32, #tpu.memory_space<vmem>>, vector<2000x16xf32>
    %get3A_20 = arith.constant 0 : index
    %get3A_21 = arith.constant 0 : index
    %get3A_22 = vector.load %arg5[%get3A_20, %get3A_21] : memref<16x128xf32, #tpu.memory_space<vmem>>, vector<16x128xf32>
    %dot_general3A = arith.constant dense<0.000000e+00> : vector<2000x128xf32>
    %dot_general3A_23 = tpu.matmul %get3A_19, %get3A_22, %dot_general3A {dimension_numbers = #tpu.dot_dimension_numbers<[1], [0], [0], [1], [0, 0, 1, 1], [], []>, transpose_lhs_hint = false} : vector<2000x16xf32>, vector<16x128xf32>, vector<2000x128xf32> -> vector<2000x128xf32>
    %get3A_24 = arith.constant 0 : index
    %get3A_25 = arith.constant 0 : index
    %get3A_26 = vector.load %arg6[%get3A_24, %get3A_25] : memref<1x128xf32, #tpu.memory_space<vmem>>, vector<1x128xf32>
    %add3A_27 = vector.broadcast %get3A_26 : vector<1x128xf32> to vector<2000x128xf32>
    %add3A_28 = arith.addf %dot_general3A_23, %add3A_27 : vector<2000x128xf32>
    %max3A = arith.constant 0.000000e+00 : f32
    %max3A_29 = vector.broadcast %max3A : f32 to vector<2000x128xf32>
    %max3A_30 = arith.maximumf %add3A_16, %max3A_29 : vector<2000x128xf32>
    %add3A_31 = arith.addf %add3A_28, %max3A_30 : vector<2000x128xf32>
    %get3A_32 = arith.constant 0 : index
    %get3A_33 = arith.constant 0 : index
    %get3A_34 = vector.load %arg7[%get3A_32, %get3A_33] : memref<128x128xf32, #tpu.memory_space<vmem>>, vector<128x128xf32>
    %dot_general3A_35 = arith.constant dense<0.000000e+00> : vector<2000x128xf32>
    %dot_general3A_36 = tpu.matmul %add3A_31, %get3A_34, %dot_general3A_35 {dimension_numbers = #tpu.dot_dimension_numbers<[1], [0], [0], [1], [0, 0, 1, 1], [], []>, transpose_lhs_hint = false} : vector<2000x128xf32>, vector<128x128xf32>, vector<2000x128xf32> -> vector<2000x128xf32>
    %get3A_37 = arith.constant 0 : index
    %get3A_38 = arith.constant 0 : index
    %get3A_39 = vector.load %arg8[%get3A_37, %get3A_38] : memref<1x128xf32, #tpu.memory_space<vmem>>, vector<1x128xf32>
    %add3A_40 = vector.broadcast %get3A_39 : vector<1x128xf32> to vector<2000x128xf32>
    %add3A_41 = arith.addf %dot_general3A_36, %add3A_40 : vector<2000x128xf32>
    %swap3A = arith.constant 0 : index
    %swap3A_42 = arith.constant 0 : index
    %swap3A_43 = vector.load %arg10[%swap3A, %swap3A_42] : memref<2000x128xf32, #tpu.memory_space<vmem>>, vector<2000x128xf32>
    tpu.vector_store %arg10[%swap3A, %swap3A_42], %add3A_31 {strides = array<i32>} : memref<2000x128xf32, #tpu.memory_space<vmem>>, vector<2000x128xf32>,
    %slice3A = vector.extract_strided_slice %add3A_41 {offsets = [0, 0], sizes = [2000, 64], strides = [1, 1]} : vector<2000x128xf32> to vector<2000x64xf32>
    %swap3A_44 = arith.constant 0 : index
    %swap3A_45 = arith.constant 0 : index
    %swap3A_46 = arith.constant 0 : index
    %swap3A_47 = vector.load %arg9[%swap3A_44, %swap3A_45, %swap3A_46] : memref<2x2000x64xf32, #tpu.memory_space<vmem>>, vector<1x2000x64xf32>
    %swap3A_48 = vector.shape_cast %swap3A_47 : vector<1x2000x64xf32> to vector<2000x64xf32>
    %swap3A_49 = vector.shape_cast %slice3A : vector<2000x64xf32> to vector<1x2000x64xf32>
    tpu.vector_store %arg9[%swap3A_44, %swap3A_45, %swap3A_46], %swap3A_49 {strides = array<i32>} : memref<2x2000x64xf32, #tpu.memory_space<vmem>>, vector<1x2000x64xf32>,
    %slice3A_50 = vector.extract_strided_slice %add3A_41 {offsets = [0, 64], sizes = [2000, 64], strides = [1, 1]} : vector<2000x128xf32> to vector<2000x64xf32>
    %swap3A_51 = arith.constant 1 : index
    %swap3A_52 = arith.constant 0 : index
    %swap3A_53 = arith.constant 0 : index
    %swap3A_54 = vector.load %arg9[%swap3A_51, %swap3A_52, %swap3A_53] : memref<2x2000x64xf32, #tpu.memory_space<vmem>>, vector<1x2000x64xf32>
    %swap3A_55 = vector.shape_cast %swap3A_54 : vector<1x2000x64xf32> to vector<2000x64xf32>
    %swap3A_56 = vector.shape_cast %slice3A_50 : vector<2000x64xf32> to vector<1x2000x64xf32>
    tpu.vector_store %arg9[%swap3A_51, %swap3A_52, %swap3A_53], %swap3A_56 {strides = array<i32>} : memref<2x2000x64xf32, #tpu.memory_space<vmem>>, vector<1x2000x64xf32>,
    return
  }
  func.func @transform_0(%arg0: i32) -> (i32, i32) {
    %c0_i32 = arith.constant 0 : i32
    %c0_i32_0 = arith.constant 0 : i32
    return %arg0, %c0_i32 : i32, i32
  }
  func.func @transform_1(%arg0: i32) -> (i32, i32, i32) {
    %c0_i32 = arith.constant 0 : i32
    %c0_i32_0 = arith.constant 0 : i32
    %c0_i32_1 = arith.constant 0 : i32
    return %c0_i32, %arg0, %c0_i32_0 : i32, i32, i32
  }
  func.func @transform_2(%arg0: i32) -> (i32, i32) {
    %c0_i32 = arith.constant 0 : i32
    %c0_i32_0 = arith.constant 0 : i32
    %c0_i32_1 = arith.constant 0 : i32
    return %c0_i32, %c0_i32_0 : i32, i32
  }
  func.func @transform_3(%arg0: i32) -> (i32, i32) {
    %c0_i32 = arith.constant 0 : i32
    %c0_i32_0 = arith.constant 0 : i32
    %c0_i32_1 = arith.constant 0 : i32
    return %c0_i32, %c0_i32_0 : i32, i32
  }
  func.func @transform_4(%arg0: i32) -> (i32, i32) {
    %c0_i32 = arith.constant 0 : i32
    %c0_i32_0 = arith.constant 0 : i32
    %c0_i32_1 = arith.constant 0 : i32
    return %c0_i32, %c0_i32_0 : i32, i32
  }
  func.func @transform_5(%arg0: i32) -> (i32, i32) {
    %c0_i32 = arith.constant 0 : i32
    %c0_i32_0 = arith.constant 0 : i32
    %c0_i32_1 = arith.constant 0 : i32
    return %c0_i32, %c0_i32_0 : i32, i32
  }
  func.func @transform_6(%arg0: i32) -> (i32, i32) {
    %c0_i32 = arith.constant 0 : i32
    %c0_i32_0 = arith.constant 0 : i32
    %c0_i32_1 = arith.constant 0 : i32
    return %c0_i32, %c0_i32_0 : i32, i32
  }
  func.func @transform_7(%arg0: i32) -> (i32, i32) {
    %c0_i32 = arith.constant 0 : i32
    %c0_i32_0 = arith.constant 0 : i32
    %c0_i32_1 = arith.constant 0 : i32
    return %c0_i32, %c0_i32_0 : i32, i32
  }
  func.func @transform_8(%arg0: i32) -> (i32, i32, i32) {
    %c0_i32 = arith.constant 0 : i32
    %c0_i32_0 = arith.constant 0 : i32
    %c0_i32_1 = arith.constant 0 : i32
    return %c0_i32, %arg0, %c0_i32_0 : i32, i32, i32
  }
  func.func @transform_9(%arg0: i32) -> (i32, i32) {
    %c0_i32 = arith.constant 0 : i32
    %c0_i32_0 = arith.constant 0 : i32
    return %arg0, %c0_i32 : i32, i32
  }
}

module attributes {stable_mosaic.version = 14 : i64} {
  func.func @_edge_kernel(%arg0: i32, %arg1: memref<2000x128xf32, #tpu.memory_space<vmem>>, %arg2: memref<2x2000x64xf32, #tpu.memory_space<vmem>>, %arg3: memref<1x128xf32, #tpu.memory_space<vmem>>, %arg4: memref<1x128xf32, #tpu.memory_space<vmem>>, %arg5: memref<128x128xf32, #tpu.memory_space<vmem>>, %arg6: memref<1x128xf32, #tpu.memory_space<vmem>>, %arg7: memref<128x128xf32, #tpu.memory_space<vmem>>, %arg8: memref<1x128xf32, #tpu.memory_space<vmem>>, %arg9: memref<2x2000x64xf32, #tpu.memory_space<vmem>>, %arg10: memref<2000x128xf32, #tpu.memory_space<vmem>>) attributes {dimension_semantics = [#tpu.dimension_semantics<arbitrary>], iteration_bounds = array<i64: 160>, scalar_prefetch = 0 : i64, scratch_operands = 0 : i64, tpu.core_type = #tpu.core_type<tc>, window_params = [{transform_indices = @transform_0, window_bounds = array<i64: 2000, 128>}, {transform_indices = @transform_1, window_bounds = array<i64: 2, 2000, 64>}, {pipeline_mode = #tpu.pipeline_mode<synchronous>, transform_indices = @transform_2, window_bounds = array<i64: 1, 128>}, {pipeline_mode = #tpu.pipeline_mode<synchronous>, transform_indices = @transform_3, window_bounds = array<i64: 1, 128>}, {pipeline_mode = #tpu.pipeline_mode<synchronous>, transform_indices = @transform_4, window_bounds = array<i64: 128, 128>}, {pipeline_mode = #tpu.pipeline_mode<synchronous>, transform_indices = @transform_5, window_bounds = array<i64: 1, 128>}, {pipeline_mode = #tpu.pipeline_mode<synchronous>, transform_indices = @transform_6, window_bounds = array<i64: 128, 128>}, {pipeline_mode = #tpu.pipeline_mode<synchronous>, transform_indices = @transform_7, window_bounds = array<i64: 1, 128>}, {transform_indices = @transform_8, window_bounds = array<i64: 2, 2000, 64>}, {transform_indices = @transform_9, window_bounds = array<i64: 2000, 128>}]} {
    %get3A = arith.constant 0 : index
    %get3A_0 = arith.constant 0 : index
    %get3A_1 = arith.constant 0 : index
    %get3A_2 = vector.load %arg2[%get3A, %get3A_0, %get3A_1] : memref<2x2000x64xf32, #tpu.memory_space<vmem>>, vector<1x2000x64xf32>
    %get3A_3 = vector.shape_cast %get3A_2 : vector<1x2000x64xf32> to vector<2000x64xf32>
    %get3A_4 = arith.constant 1 : index
    %get3A_5 = arith.constant 0 : index
    %get3A_6 = arith.constant 0 : index
    %get3A_7 = vector.load %arg2[%get3A_4, %get3A_5, %get3A_6] : memref<2x2000x64xf32, #tpu.memory_space<vmem>>, vector<1x2000x64xf32>
    %get3A_8 = vector.shape_cast %get3A_7 : vector<1x2000x64xf32> to vector<2000x64xf32>
    %concatenate3A = tpu.concatenate %get3A_3, %get3A_8 in 1 : vector<2000x64xf32>, vector<2000x64xf32> -> vector<2000x128xf32>
    %get3A_9 = arith.constant 0 : index
    %get3A_10 = arith.constant 0 : index
    %get3A_11 = vector.load %arg3[%get3A_9, %get3A_10] : memref<1x128xf32, #tpu.memory_space<vmem>>, vector<1x128xf32>
    %mul3A = vector.broadcast %get3A_11 : vector<1x128xf32> to vector<2000x128xf32>
    %mul3A_12 = arith.mulf %concatenate3A, %mul3A : vector<2000x128xf32>
    %get3A_13 = arith.constant 0 : index
    %get3A_14 = arith.constant 0 : index
    %get3A_15 = vector.load %arg4[%get3A_13, %get3A_14] : memref<1x128xf32, #tpu.memory_space<vmem>>, vector<1x128xf32>
    %add3A = vector.broadcast %get3A_15 : vector<1x128xf32> to vector<2000x128xf32>
    %add3A_16 = arith.addf %mul3A_12, %add3A : vector<2000x128xf32>
    %get3A_17 = arith.constant 0 : index
    %get3A_18 = arith.constant 0 : index
    %get3A_19 = vector.load %arg1[%get3A_17, %get3A_18] : memref<2000x128xf32, #tpu.memory_space<vmem>>, vector<2000x128xf32>
    %max3A = arith.constant 0.000000e+00 : f32
    %max3A_20 = vector.broadcast %max3A : f32 to vector<2000x128xf32>
    %max3A_21 = arith.maximumf %add3A_16, %max3A_20 : vector<2000x128xf32>
    %add3A_22 = arith.addf %get3A_19, %max3A_21 : vector<2000x128xf32>
    %get3A_23 = arith.constant 0 : index
    %get3A_24 = arith.constant 0 : index
    %get3A_25 = vector.load %arg7[%get3A_23, %get3A_24] : memref<128x128xf32, #tpu.memory_space<vmem>>, vector<128x128xf32>
    %dot_general3A = arith.constant dense<0.000000e+00> : vector<2000x128xf32>
    %dot_general3A_26 = tpu.matmul %add3A_22, %get3A_25, %dot_general3A {dimension_numbers = #tpu.dot_dimension_numbers<[1], [0], [0], [1], [0, 0, 1, 1], [], []>, transpose_lhs_hint = false} : vector<2000x128xf32>, vector<128x128xf32>, vector<2000x128xf32> -> vector<2000x128xf32>
    %get3A_27 = arith.constant 0 : index
    %get3A_28 = arith.constant 0 : index
    %get3A_29 = vector.load %arg8[%get3A_27, %get3A_28] : memref<1x128xf32, #tpu.memory_space<vmem>>, vector<1x128xf32>
    %add3A_30 = vector.broadcast %get3A_29 : vector<1x128xf32> to vector<2000x128xf32>
    %add3A_31 = arith.addf %dot_general3A_26, %add3A_30 : vector<2000x128xf32>
    %swap3A = arith.constant 0 : index
    %swap3A_32 = arith.constant 0 : index
    %swap3A_33 = vector.load %arg10[%swap3A, %swap3A_32] : memref<2000x128xf32, #tpu.memory_space<vmem>>, vector<2000x128xf32>
    tpu.vector_store %arg10[%swap3A, %swap3A_32], %add3A_22 {strides = array<i32>} : memref<2000x128xf32, #tpu.memory_space<vmem>>, vector<2000x128xf32>,
    %slice3A = vector.extract_strided_slice %add3A_31 {offsets = [0, 0], sizes = [2000, 64], strides = [1, 1]} : vector<2000x128xf32> to vector<2000x64xf32>
    %swap3A_34 = arith.constant 0 : index
    %swap3A_35 = arith.constant 0 : index
    %swap3A_36 = arith.constant 0 : index
    %swap3A_37 = vector.load %arg9[%swap3A_34, %swap3A_35, %swap3A_36] : memref<2x2000x64xf32, #tpu.memory_space<vmem>>, vector<1x2000x64xf32>
    %swap3A_38 = vector.shape_cast %swap3A_37 : vector<1x2000x64xf32> to vector<2000x64xf32>
    %swap3A_39 = vector.shape_cast %slice3A : vector<2000x64xf32> to vector<1x2000x64xf32>
    tpu.vector_store %arg9[%swap3A_34, %swap3A_35, %swap3A_36], %swap3A_39 {strides = array<i32>} : memref<2x2000x64xf32, #tpu.memory_space<vmem>>, vector<1x2000x64xf32>,
    %slice3A_40 = vector.extract_strided_slice %add3A_31 {offsets = [0, 64], sizes = [2000, 64], strides = [1, 1]} : vector<2000x128xf32> to vector<2000x64xf32>
    %swap3A_41 = arith.constant 1 : index
    %swap3A_42 = arith.constant 0 : index
    %swap3A_43 = arith.constant 0 : index
    %swap3A_44 = vector.load %arg9[%swap3A_41, %swap3A_42, %swap3A_43] : memref<2x2000x64xf32, #tpu.memory_space<vmem>>, vector<1x2000x64xf32>
    %swap3A_45 = vector.shape_cast %swap3A_44 : vector<1x2000x64xf32> to vector<2000x64xf32>
    %swap3A_46 = vector.shape_cast %slice3A_40 : vector<2000x64xf32> to vector<1x2000x64xf32>
    tpu.vector_store %arg9[%swap3A_41, %swap3A_42, %swap3A_43], %swap3A_46 {strides = array<i32>} : memref<2x2000x64xf32, #tpu.memory_space<vmem>>, vector<1x2000x64xf32>,
    return
  }
  func.func @transform_0(%arg0: i32) -> (i32, i32) {
    %c0_i32 = arith.constant 0 : i32
    %c0_i32_0 = arith.constant 0 : i32
    return %arg0, %c0_i32 : i32, i32
  }
  func.func @transform_1(%arg0: i32) -> (i32, i32, i32) {
    %c0_i32 = arith.constant 0 : i32
    %c0_i32_0 = arith.constant 0 : i32
    %c0_i32_1 = arith.constant 0 : i32
    return %c0_i32, %arg0, %c0_i32_0 : i32, i32, i32
  }
  func.func @transform_2(%arg0: i32) -> (i32, i32) {
    %c0_i32 = arith.constant 0 : i32
    %c0_i32_0 = arith.constant 0 : i32
    %c0_i32_1 = arith.constant 0 : i32
    return %c0_i32, %c0_i32_0 : i32, i32
  }
  func.func @transform_3(%arg0: i32) -> (i32, i32) {
    %c0_i32 = arith.constant 0 : i32
    %c0_i32_0 = arith.constant 0 : i32
    %c0_i32_1 = arith.constant 0 : i32
    return %c0_i32, %c0_i32_0 : i32, i32
  }
  func.func @transform_4(%arg0: i32) -> (i32, i32) {
    %c0_i32 = arith.constant 0 : i32
    %c0_i32_0 = arith.constant 0 : i32
    %c0_i32_1 = arith.constant 0 : i32
    return %c0_i32, %c0_i32_0 : i32, i32
  }
  func.func @transform_5(%arg0: i32) -> (i32, i32) {
    %c0_i32 = arith.constant 0 : i32
    %c0_i32_0 = arith.constant 0 : i32
    %c0_i32_1 = arith.constant 0 : i32
    return %c0_i32, %c0_i32_0 : i32, i32
  }
  func.func @transform_6(%arg0: i32) -> (i32, i32) {
    %c0_i32 = arith.constant 0 : i32
    %c0_i32_0 = arith.constant 0 : i32
    %c0_i32_1 = arith.constant 0 : i32
    return %c0_i32, %c0_i32_0 : i32, i32
  }
  func.func @transform_7(%arg0: i32) -> (i32, i32) {
    %c0_i32 = arith.constant 0 : i32
    %c0_i32_0 = arith.constant 0 : i32
    %c0_i32_1 = arith.constant 0 : i32
    return %c0_i32, %c0_i32_0 : i32, i32
  }
  func.func @transform_8(%arg0: i32) -> (i32, i32, i32) {
    %c0_i32 = arith.constant 0 : i32
    %c0_i32_0 = arith.constant 0 : i32
    %c0_i32_1 = arith.constant 0 : i32
    return %c0_i32, %arg0, %c0_i32_0 : i32, i32, i32
  }
  func.func @transform_9(%arg0: i32) -> (i32, i32) {
    %c0_i32 = arith.constant 0 : i32
    %c0_i32_0 = arith.constant 0 : i32
    return %arg0, %c0_i32 : i32, i32
  }
}

module attributes {stable_mosaic.version = 14 : i64} {
  func.func @_edge_kernel(%arg0: i32, %arg1: memref<2000x128xf32, #tpu.memory_space<vmem>>, %arg2: memref<2x2000x64xf32, #tpu.memory_space<vmem>>, %arg3: memref<1x128xf32, #tpu.memory_space<vmem>>, %arg4: memref<1x128xf32, #tpu.memory_space<vmem>>, %arg5: memref<128x128xf32, #tpu.memory_space<vmem>>, %arg6: memref<1x128xf32, #tpu.memory_space<vmem>>, %arg7: memref<128x128xf32, #tpu.memory_space<vmem>>, %arg8: memref<1x128xf32, #tpu.memory_space<vmem>>, %arg9: memref<2x2000x64xf32, #tpu.memory_space<vmem>>) attributes {dimension_semantics = [#tpu.dimension_semantics<arbitrary>], iteration_bounds = array<i64: 160>, scalar_prefetch = 0 : i64, scratch_operands = 0 : i64, tpu.core_type = #tpu.core_type<tc>, window_params = [{transform_indices = @transform_0, window_bounds = array<i64: 2000, 128>}, {transform_indices = @transform_1, window_bounds = array<i64: 2, 2000, 64>}, {pipeline_mode = #tpu.pipeline_mode<synchronous>, transform_indices = @transform_2, window_bounds = array<i64: 1, 128>}, {pipeline_mode = #tpu.pipeline_mode<synchronous>, transform_indices = @transform_3, window_bounds = array<i64: 1, 128>}, {pipeline_mode = #tpu.pipeline_mode<synchronous>, transform_indices = @transform_4, window_bounds = array<i64: 128, 128>}, {pipeline_mode = #tpu.pipeline_mode<synchronous>, transform_indices = @transform_5, window_bounds = array<i64: 1, 128>}, {pipeline_mode = #tpu.pipeline_mode<synchronous>, transform_indices = @transform_6, window_bounds = array<i64: 128, 128>}, {pipeline_mode = #tpu.pipeline_mode<synchronous>, transform_indices = @transform_7, window_bounds = array<i64: 1, 128>}, {transform_indices = @transform_8, window_bounds = array<i64: 2, 2000, 64>}]} {
    %get3A = arith.constant 0 : index
    %get3A_0 = arith.constant 0 : index
    %get3A_1 = arith.constant 0 : index
    %get3A_2 = vector.load %arg2[%get3A, %get3A_0, %get3A_1] : memref<2x2000x64xf32, #tpu.memory_space<vmem>>, vector<1x2000x64xf32>
    %get3A_3 = vector.shape_cast %get3A_2 : vector<1x2000x64xf32> to vector<2000x64xf32>
    %get3A_4 = arith.constant 1 : index
    %get3A_5 = arith.constant 0 : index
    %get3A_6 = arith.constant 0 : index
    %get3A_7 = vector.load %arg2[%get3A_4, %get3A_5, %get3A_6] : memref<2x2000x64xf32, #tpu.memory_space<vmem>>, vector<1x2000x64xf32>
    %get3A_8 = vector.shape_cast %get3A_7 : vector<1x2000x64xf32> to vector<2000x64xf32>
    %concatenate3A = tpu.concatenate %get3A_3, %get3A_8 in 1 : vector<2000x64xf32>, vector<2000x64xf32> -> vector<2000x128xf32>
    %get3A_9 = arith.constant 0 : index
    %get3A_10 = arith.constant 0 : index
    %get3A_11 = vector.load %arg3[%get3A_9, %get3A_10] : memref<1x128xf32, #tpu.memory_space<vmem>>, vector<1x128xf32>
    %mul3A = vector.broadcast %get3A_11 : vector<1x128xf32> to vector<2000x128xf32>
    %mul3A_12 = arith.mulf %concatenate3A, %mul3A : vector<2000x128xf32>
    %get3A_13 = arith.constant 0 : index
    %get3A_14 = arith.constant 0 : index
    %get3A_15 = vector.load %arg4[%get3A_13, %get3A_14] : memref<1x128xf32, #tpu.memory_space<vmem>>, vector<1x128xf32>
    %add3A = vector.broadcast %get3A_15 : vector<1x128xf32> to vector<2000x128xf32>
    %add3A_16 = arith.addf %mul3A_12, %add3A : vector<2000x128xf32>
    %get3A_17 = arith.constant 0 : index
    %get3A_18 = arith.constant 0 : index
    %get3A_19 = vector.load %arg1[%get3A_17, %get3A_18] : memref<2000x128xf32, #tpu.memory_space<vmem>>, vector<2000x128xf32>
    %max3A = arith.constant 0.000000e+00 : f32
    %max3A_20 = vector.broadcast %max3A : f32 to vector<2000x128xf32>
    %max3A_21 = arith.maximumf %add3A_16, %max3A_20 : vector<2000x128xf32>
    %add3A_22 = arith.addf %get3A_19, %max3A_21 : vector<2000x128xf32>
    %get3A_23 = arith.constant 0 : index
    %get3A_24 = arith.constant 0 : index
    %get3A_25 = vector.load %arg7[%get3A_23, %get3A_24] : memref<128x128xf32, #tpu.memory_space<vmem>>, vector<128x128xf32>
    %dot_general3A = arith.constant dense<0.000000e+00> : vector<2000x128xf32>
    %dot_general3A_26 = tpu.matmul %add3A_22, %get3A_25, %dot_general3A {dimension_numbers = #tpu.dot_dimension_numbers<[1], [0], [0], [1], [0, 0, 1, 1], [], []>, transpose_lhs_hint = false} : vector<2000x128xf32>, vector<128x128xf32>, vector<2000x128xf32> -> vector<2000x128xf32>
    %get3A_27 = arith.constant 0 : index
    %get3A_28 = arith.constant 0 : index
    %get3A_29 = vector.load %arg8[%get3A_27, %get3A_28] : memref<1x128xf32, #tpu.memory_space<vmem>>, vector<1x128xf32>
    %add3A_30 = vector.broadcast %get3A_29 : vector<1x128xf32> to vector<2000x128xf32>
    %add3A_31 = arith.addf %dot_general3A_26, %add3A_30 : vector<2000x128xf32>
    %slice3A = vector.extract_strided_slice %add3A_31 {offsets = [0, 0], sizes = [2000, 64], strides = [1, 1]} : vector<2000x128xf32> to vector<2000x64xf32>
    %swap3A = arith.constant 0 : index
    %swap3A_32 = arith.constant 0 : index
    %swap3A_33 = arith.constant 0 : index
    %swap3A_34 = vector.load %arg9[%swap3A, %swap3A_32, %swap3A_33] : memref<2x2000x64xf32, #tpu.memory_space<vmem>>, vector<1x2000x64xf32>
    %swap3A_35 = vector.shape_cast %swap3A_34 : vector<1x2000x64xf32> to vector<2000x64xf32>
    %swap3A_36 = vector.shape_cast %slice3A : vector<2000x64xf32> to vector<1x2000x64xf32>
    tpu.vector_store %arg9[%swap3A, %swap3A_32, %swap3A_33], %swap3A_36 {strides = array<i32>} : memref<2x2000x64xf32, #tpu.memory_space<vmem>>, vector<1x2000x64xf32>,
    %slice3A_37 = vector.extract_strided_slice %add3A_31 {offsets = [0, 64], sizes = [2000, 64], strides = [1, 1]} : vector<2000x128xf32> to vector<2000x64xf32>
    %swap3A_38 = arith.constant 1 : index
    %swap3A_39 = arith.constant 0 : index
    %swap3A_40 = arith.constant 0 : index
    %swap3A_41 = vector.load %arg9[%swap3A_38, %swap3A_39, %swap3A_40] : memref<2x2000x64xf32, #tpu.memory_space<vmem>>, vector<1x2000x64xf32>
    %swap3A_42 = vector.shape_cast %swap3A_41 : vector<1x2000x64xf32> to vector<2000x64xf32>
    %swap3A_43 = vector.shape_cast %slice3A_37 : vector<2000x64xf32> to vector<1x2000x64xf32>
    tpu.vector_store %arg9[%swap3A_38, %swap3A_39, %swap3A_40], %swap3A_43 {strides = array<i32>} : memref<2x2000x64xf32, #tpu.memory_space<vmem>>, vector<1x2000x64xf32>,
    return
  }
  func.func @transform_0(%arg0: i32) -> (i32, i32) {
    %c0_i32 = arith.constant 0 : i32
    %c0_i32_0 = arith.constant 0 : i32
    return %arg0, %c0_i32 : i32, i32
  }
  func.func @transform_1(%arg0: i32) -> (i32, i32, i32) {
    %c0_i32 = arith.constant 0 : i32
    %c0_i32_0 = arith.constant 0 : i32
    %c0_i32_1 = arith.constant 0 : i32
    return %c0_i32, %arg0, %c0_i32_0 : i32, i32, i32
  }
  func.func @transform_2(%arg0: i32) -> (i32, i32) {
    %c0_i32 = arith.constant 0 : i32
    %c0_i32_0 = arith.constant 0 : i32
    %c0_i32_1 = arith.constant 0 : i32
    return %c0_i32, %c0_i32_0 : i32, i32
  }
  func.func @transform_3(%arg0: i32) -> (i32, i32) {
    %c0_i32 = arith.constant 0 : i32
    %c0_i32_0 = arith.constant 0 : i32
    %c0_i32_1 = arith.constant 0 : i32
    return %c0_i32, %c0_i32_0 : i32, i32
  }
  func.func @transform_4(%arg0: i32) -> (i32, i32) {
    %c0_i32 = arith.constant 0 : i32
    %c0_i32_0 = arith.constant 0 : i32
    %c0_i32_1 = arith.constant 0 : i32
    return %c0_i32, %c0_i32_0 : i32, i32
  }
  func.func @transform_5(%arg0: i32) -> (i32, i32) {
    %c0_i32 = arith.constant 0 : i32
    %c0_i32_0 = arith.constant 0 : i32
    %c0_i32_1 = arith.constant 0 : i32
    return %c0_i32, %c0_i32_0 : i32, i32
  }
  func.func @transform_6(%arg0: i32) -> (i32, i32) {
    %c0_i32 = arith.constant 0 : i32
    %c0_i32_0 = arith.constant 0 : i32
    %c0_i32_1 = arith.constant 0 : i32
    return %c0_i32, %c0_i32_0 : i32, i32
  }
  func.func @transform_7(%arg0: i32) -> (i32, i32) {
    %c0_i32 = arith.constant 0 : i32
    %c0_i32_0 = arith.constant 0 : i32
    %c0_i32_1 = arith.constant 0 : i32
    return %c0_i32, %c0_i32_0 : i32, i32
  }
  func.func @transform_8(%arg0: i32) -> (i32, i32, i32) {
    %c0_i32 = arith.constant 0 : i32
    %c0_i32_0 = arith.constant 0 : i32
    %c0_i32_1 = arith.constant 0 : i32
    return %c0_i32, %arg0, %c0_i32_0 : i32, i32, i32
  }
}

module attributes {stable_mosaic.version = 14 : i64} {
  func.func @_update_kernel(%arg0: memref<10000x128xf32, #tpu.memory_space<vmem>>, %arg1: memref<128x128xf32, #tpu.memory_space<vmem>>, %arg2: memref<1x128xf32, #tpu.memory_space<vmem>>, %arg3: memref<10000x128xf32, #tpu.memory_space<vmem>>, %arg4: memref<2x10240x128xf32, #tpu.memory_space<vmem>>, %arg5: memref<1x128xf32, #tpu.memory_space<vmem>>, %arg6: memref<1x128xf32, #tpu.memory_space<vmem>>, %arg7: memref<10000x128xf32, #tpu.memory_space<vmem>>) attributes {dimension_semantics = [], scalar_prefetch = 0 : i64, scratch_operands = 0 : i64, tpu.core_type = #tpu.core_type<tc>} {
    %get3A = arith.constant 0 : index
    %get3A_0 = arith.constant 0 : index
    %get3A_1 = vector.load %arg0[%get3A, %get3A_0] : memref<10000x128xf32, #tpu.memory_space<vmem>>, vector<10000x128xf32>
    %get3A_2 = arith.constant 0 : index
    %get3A_3 = arith.constant 0 : index
    %get3A_4 = arith.constant 0 : index
    %get3A_5 = vector.load %arg4[%get3A_2, %get3A_3, %get3A_4] : memref<2x10240x128xf32, #tpu.memory_space<vmem>>, vector<1x10000x64xf32>
    %get3A_6 = vector.shape_cast %get3A_5 : vector<1x10000x64xf32> to vector<10000x64xf32>
    %get3A_7 = arith.constant 1 : index
    %get3A_8 = arith.constant 0 : index
    %get3A_9 = arith.constant 0 : index
    %get3A_10 = vector.load %arg4[%get3A_7, %get3A_8, %get3A_9] : memref<2x10240x128xf32, #tpu.memory_space<vmem>>, vector<1x10000x64xf32>
    %get3A_11 = vector.shape_cast %get3A_10 : vector<1x10000x64xf32> to vector<10000x64xf32>
    %concatenate3A = tpu.concatenate %get3A_6, %get3A_11 in 1 : vector<10000x64xf32>, vector<10000x64xf32> -> vector<10000x128xf32>
    %get3A_12 = arith.constant 0 : index
    %get3A_13 = arith.constant 0 : index
    %get3A_14 = arith.constant 64 : index
    %get3A_15 = vector.load %arg4[%get3A_12, %get3A_13, %get3A_14] : memref<2x10240x128xf32, #tpu.memory_space<vmem>>, vector<1x10000x64xf32>
    %get3A_16 = vector.shape_cast %get3A_15 : vector<1x10000x64xf32> to vector<10000x64xf32>
    %get3A_17 = arith.constant 1 : index
    %get3A_18 = arith.constant 0 : index
    %get3A_19 = arith.constant 64 : index
    %get3A_20 = vector.load %arg4[%get3A_17, %get3A_18, %get3A_19] : memref<2x10240x128xf32, #tpu.memory_space<vmem>>, vector<1x10000x64xf32>
    %get3A_21 = vector.shape_cast %get3A_20 : vector<1x10000x64xf32> to vector<10000x64xf32>
    %concatenate3A_22 = tpu.concatenate %get3A_16, %get3A_21 in 1 : vector<10000x64xf32>, vector<10000x64xf32> -> vector<10000x128xf32>
    %get3A_23 = arith.constant 0 : index
    %get3A_24 = arith.constant 0 : index
    %get3A_25 = vector.load %arg3[%get3A_23, %get3A_24] : memref<10000x128xf32, #tpu.memory_space<vmem>>, vector<10000x128xf32>
    %add3A = arith.constant 9.99999997E-7 : f32
    %add3A_26 = vector.broadcast %add3A : f32 to vector<10000x128xf32>
    %add3A_27 = arith.addf %concatenate3A_22, %add3A_26 : vector<10000x128xf32>
    %div3A = arith.divf %concatenate3A, %add3A_27 : vector<10000x128xf32>
    %add3A_28 = arith.addf %get3A_25, %div3A : vector<10000x128xf32>
    %reduce_sum3A = arith.constant dense<0.000000e+00> : vector<128xf32>
    %reduce_sum3A_29 = vector.multi_reduction <add>, %add3A_28, %reduce_sum3A [0] : vector<10000x128xf32> to vector<128xf32>
    %broadcast_in_dim3A = vector.shape_cast %reduce_sum3A_29 : vector<128xf32> to vector<1x128xf32>
    %div3A_30 = arith.constant 1.000000e+04 : f32
    %div3A_31 = vector.broadcast %div3A_30 : f32 to vector<1x128xf32>
    %div3A_32 = arith.divf %broadcast_in_dim3A, %div3A_31 : vector<1x128xf32>
    %sub3A = vector.broadcast %div3A_32 : vector<1x128xf32> to vector<10000x128xf32>
    %sub3A_33 = arith.subf %add3A_28, %sub3A : vector<10000x128xf32>
    %integer_pow3A = arith.mulf %sub3A_33, %sub3A_33 : vector<10000x128xf32>
    %reduce_sum3A_34 = arith.constant dense<0.000000e+00> : vector<128xf32>
    %reduce_sum3A_35 = vector.multi_reduction <add>, %integer_pow3A, %reduce_sum3A_34 [0] : vector<10000x128xf32> to vector<128xf32>
    %broadcast_in_dim3A_36 = vector.shape_cast %reduce_sum3A_35 : vector<128xf32> to vector<1x128xf32>
    %div3A_37 = arith.constant 1.000000e+04 : f32
    %div3A_38 = vector.broadcast %div3A_37 : f32 to vector<1x128xf32>
    %div3A_39 = arith.divf %broadcast_in_dim3A_36, %div3A_38 : vector<1x128xf32>
    %get3A_40 = arith.constant 0 : index
    %get3A_41 = arith.constant 0 : index
    %get3A_42 = vector.load %arg5[%get3A_40, %get3A_41] : memref<1x128xf32, #tpu.memory_space<vmem>>, vector<1x128xf32>
    %sub3A_43 = vector.broadcast %div3A_32 : vector<1x128xf32> to vector<10000x128xf32>
    %sub3A_44 = arith.subf %add3A_28, %sub3A_43 : vector<10000x128xf32>
    %mul3A = vector.broadcast %get3A_42 : vector<1x128xf32> to vector<10000x128xf32>
    %mul3A_45 = arith.mulf %mul3A, %sub3A_44 : vector<10000x128xf32>
    %add3A_46 = arith.constant 9.99999974E-6 : f32
    %add3A_47 = vector.broadcast %add3A_46 : f32 to vector<1x128xf32>
    %add3A_48 = arith.addf %div3A_39, %add3A_47 : vector<1x128xf32>
    %sqrt3A = math.sqrt %add3A_48 : vector<1x128xf32>
    %div3A_49 = vector.broadcast %sqrt3A : vector<1x128xf32> to vector<10000x128xf32>
    %div3A_50 = arith.divf %mul3A_45, %div3A_49 : vector<10000x128xf32>
    %get3A_51 = arith.constant 0 : index
    %get3A_52 = arith.constant 0 : index
    %get3A_53 = vector.load %arg6[%get3A_51, %get3A_52] : memref<1x128xf32, #tpu.memory_space<vmem>>, vector<1x128xf32>
    %add3A_54 = vector.broadcast %get3A_53 : vector<1x128xf32> to vector<10000x128xf32>
    %add3A_55 = arith.addf %div3A_50, %add3A_54 : vector<10000x128xf32>
    %max3A = arith.constant 0.000000e+00 : f32
    %max3A_56 = vector.broadcast %max3A : f32 to vector<10000x128xf32>
    %max3A_57 = arith.maximumf %add3A_55, %max3A_56 : vector<10000x128xf32>
    %add3A_58 = arith.addf %get3A_1, %max3A_57 : vector<10000x128xf32>
    %swap3A = arith.constant 0 : index
    %swap3A_59 = arith.constant 0 : index
    %swap3A_60 = vector.load %arg7[%swap3A, %swap3A_59] : memref<10000x128xf32, #tpu.memory_space<vmem>>, vector<10000x128xf32>
    tpu.vector_store %arg7[%swap3A, %swap3A_59], %add3A_58 {strides = array<i32>} : memref<10000x128xf32, #tpu.memory_space<vmem>>, vector<10000x128xf32>,
    return
  }
}

</mosaic_0001>

<sc_bundles>
// kernel: kernel.19.cloned.1.call-start
scs
__scs_entry_jumppad:
0x0: {  	(pc) =	sbr.rel $0x88, $3  }
0x1: {  	(tag) =	ssettag $0x0;
	lr =	simm.s32 $0x1  }
0x2: {  	[smem:$0x3F8C] =	sst lr;
	_ =	strace $0xD0000000  }
0x3: {  	_ = 	snop  }
0x4: {  	_ = 	snop  }
0x5: {  	_ = 	snop  }
0x6: {  	_ = 	snop  }
0x7: {  	_ = 	snop  }
__scs_overlays_trampoline_lowered:
0x8: {  	[smem:$0x3F9B] =	sst s0  }
0x9: {  	[smem:$0x3F9C] =	sst s1  }
0xa: {  	[smem:$0x3F9D] =	sst s2  }
0xb: {  	[smem:$0x3F9E] =	sst s3  }
0xc: {  	[smem:$0x3F9F] =	sst s4  }
0xd: {  	[smem:$0x3FA0] =	sst s5  }
0xe: {  	[smem:$0x3FA1] =	sst s6  }
0xf: {  	[smem:$0x3FA2] =	sst s7  }
0x10: {  	[smem:$0x3FA3] =	sst s8  }
0x11: {  	[smem:$0x3FA4] =	sst s9;
	s0 =	simm.s32 @!p0 $0x0  }
0x12: {  	s1 =	sld [smem:$0x3F8A];
	s0 =	simm.s32 @p0 $0x1  }
0x13: {  	[smem:$0x3FA5] =	sst s0;
	s0 =	simm.s32 @!p1 $0x0  }
0x14: {  	s2 =	sld [smem:$0x3F89];
	s0 =	simm.s32 @p1 $0x1  }
0x15: {  	[smem:$0x3FA6] =	sst s0;
	s0 =	simm.s32 @!p2 $0x0  }
0x16: {  	s3 =	sld [smem:$0x3FDB];
	s0 =	simm.s32 @p2 $0x1  }
0x17: {  	s4 =	simm.s32 $0x1BF5;
	[smem:$0x3FA8] =	sst s0  }
0x18: {  	s0 =	sld [smem:$0x3F8B];
	_ =	swait.ge [sflag:s4], $0x0  }
0x19: {  	s7 =	sld [smem:$0x3F8C]  }
0x1a: {  	s8 =	sadd.s32 $0xFFFFE003, lr  }
0x1b: {  	s9 =	sadd.s32 $0xFFFFFEF7, lr;
	s5 =	simm.s32 $0xFFFFFFFF;
	p2 =	slt.u32 s8, $0xFFFFF086  }
0x1c: {  	p1 =	slt.u32 s9, $0xF7A;
	s5 =	simm.s32 @!p2 $0x0  }
0x1d: {  	s5 =	simm.s32 @p1 $0x1;
	p0 =	seq.s32 s7, s2  }
0x1e: {  	s7 =	smul.u32 @!p0 $0xF7A, s2;
	p2 =	seq.s32 @!p0 s5, $0x0  }
0x1f: {  	s9 =	smul.u32 $0xF7A, s1;
	s8 =	simm.s32 @!p0 $0x1BF5;
	p2 =	por !p2, p0  }
0x20: {  	[sflag:s8] =	ssyncset.s32 @!p0 $0xFFFFF086;
	s6 =	sadd.s32 @!p0 s3, s7;
	s7 =	simm.s32 @!p0 $0x108  }
0x21: {  	s3 =	sadd.s32 s3, s9;
	s6 =	sadd.s32 @!p0 $0x88, s6;
	s7 =	simm.s32 @p2 $0x1082  }
0x22: {  	[simem:s7], [sflag:s8] =	dma.local @!p0 [hbm:s6], $0xF7A  }
0x23: {  	s9 =	sor.u32 $0xD0000000, s2;
	s6 =	simm.s32 $0x108;
	_ =	swait.ge @!p0 [sflag:s8], $0x0  }
0x24: {  	s3 =	sadd.s32 $0x88, s3;
	s6 =	simm.s32 @!p1 $0x1082;
	[sflag:s4] =	ssyncset.s32 $0xFFFFF086  }
0x25: {  	[simem:s6], [sflag:s4] =	dma.local [hbm:s3], $0xF7A  }
0x26: {  	[smem:$0x3F8C] =	sst s1;
	(tag) =	ssettag s2;
	_ =	strace s9  }
0x27: {  	s1 =	sld [smem:$0x3F9C]  }
0x28: {  	s2 =	sld [smem:$0x3F9D]  }
0x29: {  	s4 =	sld [smem:$0x3F9F]  }
0x2a: {  	p0 =	seq.s32 s5, $0x0;
	s5 =	sld [smem:$0x3FA0]  }
0x2b: {  	s6 =	sld [smem:$0x3FA1]  }
0x2c: {  	s7 =	sld [smem:$0x3FA2]  }
0x2d: {  	s3 =	simm.s32 $0x108;
	s8 =	sld [smem:$0x3FA3]  }
0x2e: {  	s3 =	simm.s32 @!p0 $0x1082;
	s9 =	sld [smem:$0x3FA4]  }
0x2f: {  	lr =	sadd.s32 s0, s3;
	s0 =	sld [smem:$0x3F9B]  }
0x30: {  	s3 =	sld [smem:$0x3F9E]  }
0x31: {  	[smem:$0x3FA7] =	sst s10  }
0x32: {  	s10 =	sld [smem:$0x3FA5];
	_ =	sdelay $0x3  }
0x33: {  	p0 =	seq.s32 s10, $0x1;
	s10 =	sld [smem:$0x3FA7];
	_ =	sdelay $0x3  }
0x34: {  	[smem:$0x3FA7] =	sst s10  }
0x35: {  	s10 =	sld [smem:$0x3FA6];
	_ =	sdelay $0x3  }
0x36: {  	p1 =	seq.s32 s10, $0x1;
	s10 =	sld [smem:$0x3FA7];
	_ =	sdelay $0x3  }
0x37: {  	[smem:$0x3FA7] =	sst s10  }
0x38: {  	s10 =	sld [smem:$0x3FA8]  }
0x39: {  	_ = 	snop;
	(pc) =	sbr.ind lr, $3  }
0x3a: {  	_ = 	snop  }
0x3b: {  	_ = 	snop  }
0x3c: {  	p2 =	seq.s32 s10, $0x1;
	s10 =	sld [smem:$0x3FA7]  }
0x3d: {  	_ =	shalt  }
0x3e: {  	_ =	shalt  }
0x3f: {  	_ =	shalt  }
0x40: {  	_ =	shalt  }
0x41: {  	_ =	shalt  }
0x42: {  	_ =	shalt  }
0x43: {  	_ =	shalt  }
0x44: {  	_ =	shalt  }
0x45: {  	_ =	shalt  }
0x46: {  	_ =	shalt  }
0x47: {  	_ =	shalt  }
0x48: {  	_ =	shalt  }
0x49: {  	_ =	shalt  }
0x4a: {  	_ =	shalt  }
0x4b: {  	_ =	shalt  }
0x4c: {  	_ =	shalt  }
0x4d: {  	_ =	shalt  }
0x4e: {  	_ =	shalt  }
0x4f: {  	_ =	shalt  }
0x50: {  	_ =	shalt  }
0x51: {  	_ =	shalt  }
0x52: {  	_ =	shalt  }
0x53: {  	_ =	shalt  }
0x54: {  	_ =	shalt  }
0x55: {  	_ =	shalt  }
0x56: {  	_ =	shalt  }
0x57: {  	_ =	shalt  }
0x58: {  	_ =	shalt  }
0x59: {  	_ =	shalt  }
0x5a: {  	_ =	shalt  }
0x5b: {  	_ =	shalt  }
0x5c: {  	_ =	shalt  }
0x5d: {  	_ =	shalt  }
0x5e: {  	_ =	shalt  }
0x5f: {  	_ =	shalt  }
0x60: {  	_ =	shalt  }
0x61: {  	_ =	shalt  }
0x62: {  	_ =	shalt  }
0x63: {  	_ =	shalt  }
0x64: {  	_ =	shalt  }
0x65: {  	_ =	shalt  }
0x66: {  	_ =	shalt  }
0x67: {  	_ =	shalt  }
0x68: {  	_ =	shalt  }
0x69: {  	_ =	shalt  }
0x6a: {  	_ =	shalt  }
0x6b: {  	_ =	shalt  }
0x6c: {  	_ =	shalt  }
0x6d: {  	_ =	shalt  }
0x6e: {  	_ =	shalt  }
0x6f: {  	_ =	shalt  }
0x70: {  	_ =	shalt  }
0x71: {  	_ =	shalt  }
0x72: {  	_ =	shalt  }
0x73: {  	_ =	shalt  }
0x74: {  	_ =	shalt  }
0x75: {  	_ =	shalt  }
0x76: {  	_ =	shalt  }
0x77: {  	_ =	shalt  }
0x78: {  	_ =	shalt  }
0x79: {  	_ =	shalt  }
0x7a: {  	_ =	shalt  }
0x7b: {  	_ =	shalt  }
0x7c: {  	_ =	shalt  }
0x7d: {  	_ =	shalt  }
0x7e: {  	_ =	shalt  }
0x7f: {  	_ =	shalt  }
0x80: {  	_ =	shalt  }
0x81: {  	_ =	shalt  }
0x82: {  	_ =	shalt  }
0x83: {  	_ =	shalt  }
0x84: {  	_ =	shalt  }
0x85: {  	_ =	shalt  }
0x86: {  	_ =	shalt  }
0x87: {  	_ =	shalt  }
.Lfunc_end0:
.L_simem_size_0:
called_computation_lowered:
.L_overlay_start_0:
0x88: {  	s2 =	sld [smem:$0x3FD9]  }
0x89: {  	s3 =	sld [smem:$0x3FFE];
	_ =	sdelay $0x1  }
0x8a: {  	s1 =	srdreg.scid  }
0x8b: {  	s0 =	sand.u32 $0x1, s1  }
0x8c: {  	s16 =	sshll.u32 s0, $0xA;
	s2 =	sadd.s32 s3, s2  }
0x8d: {  	s2 =	sadd.s32 s2, s16  }
0x8e: {  	[smem:$0x3FB3] =	sst s2  }
0x8f: {  	_ = 	snop  }
0x90: {  	(tm) =	ssettm $0x1  }
0x91: {  	s17 =	sld [smem:$0x3FFB];
	_ =	sdelay $0x3  }
0x92: {  	_ =	strace s17  }
0x93: {  	s2 =	sld [smem:$0x3FFC];
	_ =	sdelay $0x3  }
0x94: {  	_ =	strace s2  }
0x95: {  	s2 =	sld [smem:$0x3FFD];
	_ =	sdelay $0x3  }
0x96: {  	_ =	strace s2  }
0x97: {  	_ =	strace $0x8FFFFFFF  }
0x98: {  	s18 =	sld [smem:$0x3FDB];
	_ =	sdelay $0x1  }
0x99: {  	s19 =	simm.s32 $_scs_section_size  }
0x9a: {  	s4 =	simm.s32 $_size__tile_overlayer_lowered;
	s5 =	simm.s32 $_tile_overlayer_lowered  }
0x9b: {  	s22 =	simm.s32 $0x1BFF;
	s21 =	sshll.u32 s5, $0x1;
	s2 =	sadd.s32 s19, s18  }
0x9c: {  	s6 =	simm.s32 $0x0;
	s20 =	sshll.u32 s4, $0x1;
	s4 =	sadd.s32 s21, s2  }
0x9d: {  	[timem:s6], [sflag:s22] =	dma.local [hbm:s4], s20  }
0x9e: {  	_ =	swait.ge [sflag:s22], s20  }
0x9f: {  	s3 =	ssub.s32 $0x0, s20;
	[sflag:s22] =	ssyncset.done $0x0  }
0xa0: {  	[sflag:s22] =	ssyncadd.s32 s3;
	_ =	sdelay $0x1  }
0xa1: {  	s23 =	simm.s32 $0x1B8B  }
0xa2: {  	_ =	swait.ge [sflag:s23], $0x1  }
0xa3: {  	[sflag:s23] =	ssyncset.done $0x0  }
0xa4: {  	s25 =	simm.s32 $0x1B8E;
	s24 =	sld [smem:$0x3FFE];
	[sflag:s23] =	ssyncadd.s32 $0xFFFFFFFF  }
0xa5: {  	s26 =	simm.s32 $execute0_lowered;
	[smem:$0x3FD2] =	sst s25  }
0xa6: {  	s4 =	sshll.u32 s26, $0x1;
	_ =	strace $0x80000046;
	[dreg:$0x1] =	wrdreg $0xFFFFFFFF  }
0xa7: {  	s28 =	simm.s32 $_size_execute0_lowered;
	s2 =	sadd.s32 s2, s4;
	[dreg:$0x0] =	wrdreg $0x0  }
0xa8: {  	s4 =	sshll.u32 s28, $0x1;
	[dreg:$0x2] =	wrdreg s2  }
0xa9: {  	[dreg:$0x3] =	wrdreg s4  }
0xaa: {  	[dreg:$0x4] =	wrdreg $0xC0  }
0xab: {  	_ =	task [dreg:s6], $0x5FFFF  }
0xac: {  	[dreg:$0x1] =	wrdreg $0xFFFFFFFF  }
0xad: {  	[dreg:$0x0] =	wrdreg $0x60  }
0xae: {  	[dreg:$0x2] =	wrdreg s24  }
0xaf: {  	[dreg:$0x3] =	wrdreg $0xA2000  }
0xb0: {  	[dreg:$0x4] =	wrdreg $0x9  }
0xb1: {  	_ =	task.clear_ibuf [dreg:s6], $0x5FFFF;
	_ =	strace $0x90000046  }
0xb2: {  	s29 =	simm.s32 $0x9;
	_ =	strace $0x80000048  }
0xb3: {  	_ =	swait.ge [sflag:s29], $0x1  }
0xb4: {  	[sflag:s29] =	ssyncadd.s32 $0xFFFFFFFF  }
0xb5: {  	_ =	strace $0x90000048  }
0xb6: {  	_ =	sfence  }
0xb7: {  	s30 =	sld [smem:$0x0];
	_ =	sdelay $0x2  }
0xb8: {  	s31 =	sshll.u32 s1, $0xD;
	s1 =	sshrl.u32 s1, $0x2  }
0xb9: {  	s3 =	sand.u32 $0x4000, s31;
	s1 =	sadd.s32 s1, s30  }
0xba: {  	s0 =	sor.u32 s3, s0;
	s1 =	sshll.u32 s1, $0x11  }
0xbb: {  	s0 =	sor.u32 s1, s0  }
0xbc: {  	s0 =	sadd.s32 $0x8F2B, s0  }
0xbd: {  	[sflag:s0] =	ssyncadd.remote.s32 $0x1  }
0xbe: {  	_ =	sfence.sel $0xFFFF  }
0xbf: {  	[dreg:$0x0] =	wrdreg $0xFFFFFFFF;
	(pc) =	sbr.abs _section_cstart, $3  }
0xc0: {  	[dreg:$0x1] =	wrdreg $0xFFFFFFFF  }
0xc1: {  	_ =	task.clear_ibuf [dreg:s6], $0x2FFFF;
	_ =	strace $0x9FFFFFFF  }
0xc2: {  	(tm) =	ssettm $0x7FFFFFFF  }
0xc3: {  	_ =	shalt  }
tec
execute0_lowered:
.L_overlay_start_1:
0x0: {  	(tag) =	ssettag $0x1  }
0x1: {  	s0 =	rddreg [dreg:$0x0]  }
0x2: {  	s1 =	rddreg [dreg:$0x1];
	s3 =	simm.s32 $0x0;
	s16 =	stileid.u32  }
0x3: {  	s2 =	srdreg.scid;
	s28 =	simm.s32 $0x180;
	s9 =	smul.u32 $0x14000, s16  }
0x4: {  	s2 =	sand.u32 $0x1, s2;
	s4 =	sadd.s32 $0xED0200, s0;
	s5 =	sadd.s32 $0x55A400, s0  }
0x5: {  	[smem:$0x7FF] =	sst s3;
	s6 =	sadd.s32 $0x50C200, s0;
	s8 =	smul.u32 $0x140000, s2  }
0x6: {  	s7 =	sadd.s32 $0x15A00, s0;
	s14 =	sshll.u32 s16, $0x4;
	s13 =	smul.u32 $0x50000, s16  }
0x7: {  	_ =	strace $0x80000047;
	s11 =	ssub.s32 $0x2, s2;
	s10 =	sadd.s32 s9, s8  }
0x8: {  	s17 =	sshll.u32 s2, $0x8;
	s15 =	sshrl.u32 s11, $0x1;
	s10 =	sshrl.u32 s10, $0x3  }
0x9: {  	s8 =	sadd.s32 $0xBC00, s0;
	s9 =	sadd.s32 $0x1894200, s0;
	s12 =	sadd.s32 s10, s0  }
0xa: {  	s0 =	sadd.s32 s14, s0;
	s14 =	ssub.s32 s11, s15;
	s18 =	sadd.s32 $0x5CF800, s12  }
0xb: {  	s13 =	sshrl.u32 s13, $0x2;
	s19 =	smax.u32 s14, $0x1;
	[dreg:$0x5] =	wrdreg s18  }
0xc: {  	s0 =	sadd.s32 s17, s0;
	s17 =	sadd.s32 s13, s1;
	[dreg:$0x6] =	wrdreg s19  }
0xd: {  	s29 =	simm.s32 $0x100;
	s0 =	sadd.s32 $0x501800, s0;
	[dreg:$0x4] =	wrdreg s17  }
0xe: {  	s30 =	simm.s32 $0x2980;
	s20 =	sadd.s32 $0x2800, s17;
	[dreg:$0x3] =	wrdreg s0  }
0xf: {  	s31 =	simm.s32 $0x5180;
	s21 =	sadd.s32 $0x5000, s17;
	[dreg:$0x7] =	wrdreg s20  }
0x10: {  	s15 =	smul.u32 $0x2710, s2;
	s22 =	sadd.s32 $0x7800, s17;
	[dreg:$0x8] =	wrdreg s21  }
0x11: {  	s10 =	smul.u32 $0x4E20, s16;
	s23 =	sadd.s32 $0xA000, s17;
	[dreg:$0x9] =	wrdreg s22  }
0x12: {  	s11 =	smul.u32 $0x2710000, s2;
	s24 =	sadd.s32 $0xC800, s17;
	[dreg:$0xa] =	wrdreg s23  }
0x13: {  	s2 =	simm.s32 $0x2;
	s25 =	sadd.s32 $0xF000, s17;
	[dreg:$0xb] =	wrdreg s24  }
0x14: {  	s12 =	simm.s32 $0x0;
	s26 =	sadd.s32 $0x11800, s17;
	[dreg:$0xc] =	wrdreg s25  }
0x15: {  	[dreg:$0xd] =	wrdreg s26;
	s23 =	simm.s32 $0x7980;
	s24 =	simm.s32 $0x3  }
0x16: {  	v1 =	vimm.f32 $0.0e+00;
	v0 =	vmov s15;
	s25 =	simm.s32 $0x80;
	s26 =	simm.s32 $0x50;
	s0 =	simm.s32 $0x1  }
.LBB2_1:
0x17: {  	s13 =	sand.u32 $0xFE00, s3  }
0x18: {  	s14 =	sand.u32 $0x70, s3;
	s15 =	sshrl.u32 s13, $0x2  }
0x19: {  	s13 =	simm.s32 $0x40;
	s15 =	sor.u32 s14, s15;
	s14 =	simm.s32 $0x0  }
.LBB2_2:
0x1a: {  	p0 =	sne.s32 s13, $0x9FC0  }
0x1b: {  	[tilespmem:s15+$0x7980] =	vst v1;
	s14 =	sadd.s32 $0x10, s14;
	s15 =	smov.u32 s13;
	s13 =	sadd.s32 $0x40, s13  }
.Ltmp0:
0x1c: {  	(pc) =	sbr.rel @p0 .LBB2_2-.Ltmp0, $4  }
0x1d: {  	_ = 	snop  }
0x1e: {  	s15 =	sand.u32 $0xFE00, s15  }
0x1f: {  	s16 =	sand.u32 $0x70, s14;
	s15 =	sshrl.u32 s15, $0x2  }
0x20: {  	s15 =	sor.u32 s16, s15  }
0x21: {  	[tilespmem:s15+$0x7980] =	vst v1  }
0x22: {  	[spmem:s17] =	stream.linear.scatter [tilespmem:s23], [sflag:$0x3], $0x2800, $0x38;
	[tilespmem:$0x1E200] =	vst v63  }
0x23: {  	_ =	swait.ge [sflag:s24], $0x2800  }
0x24: {  	[sflag:s24] =	ssyncset.done $0x0  }
0x25: {  	s13 =	rddreg [dreg:$0x7];
	[sflag:s24] =	ssyncadd.s32 $0xFFFFD800  }
0x26: {  	[spmem:s13] =	stream.linear.scatter [tilespmem:s23], [sflag:$0x3], $0x2800, $0x38;
	[tilespmem:$0x1E200] =	vst v63  }
0x27: {  	_ =	swait.ge [sflag:s24], $0x2800  }
0x28: {  	[sflag:s24] =	ssyncset.done $0x0  }
0x29: {  	s17 =	rddreg [dreg:$0x8];
	[sflag:s24] =	ssyncadd.s32 $0xFFFFD800  }
0x2a: {  	[spmem:s17] =	stream.linear.scatter [tilespmem:s23], [sflag:$0x3], $0x2800, $0x38;
	[tilespmem:$0x1E200] =	vst v63  }
0x2b: {  	_ =	swait.ge [sflag:s24], $0x2800  }
0x2c: {  	[sflag:s24] =	ssyncset.done $0x0  }
0x2d: {  	s18 =	rddreg [dreg:$0x9];
	[sflag:s24] =	ssyncadd.s32 $0xFFFFD800  }
0x2e: {  	[spmem:s18] =	stream.linear.scatter [tilespmem:s23], [sflag:$0x3], $0x2800, $0x38;
	[tilespmem:$0x1E200] =	vst v63  }
0x2f: {  	_ =	swait.ge [sflag:s24], $0x2800  }
0x30: {  	[sflag:s24] =	ssyncset.done $0x0  }
0x31: {  	s19 =	rddreg [dreg:$0xa];
	[sflag:s24] =	ssyncadd.s32 $0xFFFFD800  }
0x32: {  	[spmem:s19] =	stream.linear.scatter [tilespmem:s23], [sflag:$0x3], $0x2800, $0x38;
	[tilespmem:$0x1E200] =	vst v63  }
0x33: {  	_ =	swait.ge [sflag:s24], $0x2800  }
0x34: {  	[sflag:s24] =	ssyncset.done $0x0  }
0x35: {  	s20 =	rddreg [dreg:$0xb];
	[sflag:s24] =	ssyncadd.s32 $0xFFFFD800  }
0x36: {  	[spmem:s20] =	stream.linear.scatter [tilespmem:s23], [sflag:$0x3], $0x2800, $0x38;
	[tilespmem:$0x1E200] =	vst v63  }
0x37: {  	_ =	swait.ge [sflag:s24], $0x2800  }
0x38: {  	[sflag:s24] =	ssyncset.done $0x0  }
0x39: {  	s21 =	rddreg [dreg:$0xc];
	[sflag:s24] =	ssyncadd.s32 $0xFFFFD800  }
0x3a: {  	[spmem:s21] =	stream.linear.scatter [tilespmem:s23], [sflag:$0x3], $0x2800, $0x38;
	[tilespmem:$0x1E200] =	vst v63  }
0x3b: {  	_ =	swait.ge [sflag:s24], $0x2800  }
0x3c: {  	[sflag:s24] =	ssyncset.done $0x0  }
0x3d: {  	s22 =	rddreg [dreg:$0xd];
	[sflag:s24] =	ssyncadd.s32 $0xFFFFD800  }
0x3e: {  	[spmem:s22] =	stream.linear.scatter [tilespmem:s23], [sflag:$0x3], $0x2800, $0x38;
	[tilespmem:$0x1E200] =	vst v63  }
0x3f: {  	_ =	swait.ge [sflag:s24], $0x2800  }
0x40: {  	v2 =	vimm.f32 $0.0e+00;
	v3 =	vimm.f32 $0.0e+00;
	[sflag:s24] =	ssyncset.done $0x0  }
0x41: {  	v6 =	vimm.f32 $0.0e+00;
	v8 =	vimm.f32 $0.0e+00;
	v4 =	vimm.f32 $0.0e+00;
	[sflag:s24] =	ssyncadd.s32 $0xFFFFD800  }
0x42: {  	s14 =	simm.s32 $0x0;
	v5 =	vimm.f32 $0.0e+00;
	v7 =	vimm.f32 $0.0e+00;
	v9 =	vimm.f32 $0.0e+00;
	s15 =	simm.s32 $0x0;
	[bflag:$0x0] =	sbarrier.arrive $0xFFFF  }
.LBB2_4:
0x43: {  	s13 =	smul.u32 $0x50, s15;
	_ =	sdelay $0x1  }
0x44: {  	s13 =	sadd.s32 s10, s13  }
0x45: {  	s16 =	sshrl.u32 s13, $0x3  }
0x46: {  	s17 =	sadd.s32 s7, s16  }
0x47: {  	[tilespmem:s14], [sflag:$0x3] =	stream.linear.gather [hbm4b:s17+s14], $0x50, $0x38;
	[tilespmem:$0x1E200] =	vst v63  }
0x48: {  	_ =	swait.ge [sflag:s24], $0x50  }
0x49: {  	[sflag:s24] =	ssyncset.done $0x0  }
0x4a: {  	s16 =	sadd.s32 s8, s16;
	[sflag:s24] =	ssyncadd.s32 $0xFFFFFFB0  }
0x4b: {  	[tilespmem:s25], [sflag:$0x3] =	stream.linear.gather [hbm4b:s16+s14], $0x50, $0x38;
	[tilespmem:$0x1E200] =	vst v63  }
0x4c: {  	_ =	swait.ge [sflag:s24], $0x50  }
0x4d: {  	[sflag:s24] =	ssyncset.done $0x0  }
0x4e: {  	[sflag:s24] =	ssyncadd.s32 $0xFFFFFFB0  }
0x4f: {  	v10 =	vld [tilespmem:$0x0]  }
0x50: {  	v11 =	vld [tilespmem:$0x80]  }
0x51: {  	v12 =	vld [tilespmem:$0x10]  }
0x52: {  	v13 =	vld [tilespmem:$0x90]  }
0x53: {  	v14 =	vld [tilespmem:$0x20]  }
0x54: {  	v15 =	vld [tilespmem:$0xA0];
	v10 =	vadd.s32 v0, v10  }
0x55: {  	[tilespmem:$0x0] =	vst v10;
	v10 =	vadd.s32 v0, v11;
	v11 =	vld [tilespmem:$0x30]  }
0x56: {  	[tilespmem:$0x100] =	vst v10;
	v10 =	vadd.s32 v0, v12;
	v12 =	vld [tilespmem:$0xB0]  }
0x57: {  	[tilespmem:$0x10] =	vst v10;
	v10 =	vadd.s32 v0, v13;
	v13 =	vld [tilespmem:$0x40]  }
0x58: {  	[tilespmem:$0x110] =	vst v10;
	v10 =	vadd.s32 v0, v14;
	v14 =	vld [tilespmem:$0xC0]  }
0x59: {  	[tilespmem:$0x20] =	vst v10;
	v10 =	vadd.s32 v0, v15  }
0x5a: {  	[tilespmem:$0x120] =	vst v10;
	v10 =	vadd.s32 v0, v11  }
0x5b: {  	[tilespmem:$0x30] =	vst v10;
	v10 =	vadd.s32 v0, v12  }
0x5c: {  	[tilespmem:$0x130] =	vst v10;
	v10 =	vadd.s32 v0, v13  }
0x5d: {  	s13 =	sshll.u32 s13, $0x7;
	[tilespmem:$0x40] =	vst v10;
	v10 =	vadd.s32 v0, v14  }
0x5e: {  	s13 =	sadd.s32 s11, s13;
	[tilespmem:$0x140] =	vst v10  }
0x5f: {  	[tilespmem:s28], [sflag:$0x1] =	stream.indirect.gather [hbm4b:s5+s26], $0x80, s14, s26, $0xb8;
	[tilespmem:$0x1E200] =	vst v63  }
0x60: {  	s16 =	sshrl.u32 s13, $0x3  }
0x61: {  	[tilespmem:s30], [sflag:$0x2] =	stream.indirect.gather [hbm4b:s6+s26], $0x80, s29, s26, $0xb8;
	[tilespmem:$0x1E200] =	vst v63  }
0x62: {  	s13 =	sadd.s32 s4, s16  }
0x63: {  	[tilespmem:s31], [sflag:$0x3] =	stream.linear.gather [hbm4b:s13+s14], $0x2800, $0x38;
	[tilespmem:$0x1E200] =	vst v63  }
0x64: {  	_ =	swait.ge [sflag:s24], $0x2800  }
0x65: {  	[sflag:s24] =	ssyncset.done $0x0  }
0x66: {  	[sflag:s24] =	ssyncadd.s32 $0xFFFFD800  }
0x67: {  	_ =	swait.ge [sflag:s0], $0x2800  }
0x68: {  	[sflag:s0] =	ssyncset.done $0x0  }
0x69: {  	[sflag:s0] =	ssyncadd.s32 $0xFFFFD800  }
0x6a: {  	_ =	swait.ge [sflag:s2], $0x2800  }
0x6b: {  	[sflag:s2] =	ssyncset.done $0x0  }
0x6c: {  	s19 =	simm.s32 $0x0;
	[sflag:s2] =	ssyncadd.s32 $0xFFFFD800  }
0x6d: {  	v10 =	vld [tilespmem:s19+$0x2980]  }
0x6e: {  	v11 =	vld [tilespmem:s19+$0x2990]  }
0x6f: {  	v12 =	vld [tilespmem:s19+$0x180]  }
0x70: {  	v13 =	vld [tilespmem:s19+$0x190]  }
0x71: {  	v17 =	vld [tilespmem:s19+$0x1A0]  }
0x72: {  	v14 =	vld [tilespmem:s19+$0x5180]  }
0x73: {  	v18 =	vld [tilespmem:s19+$0x1B0]  }
0x74: {  	v15 =	vld [tilespmem:s19+$0x5190]  }
0x75: {  	v19 =	vld [tilespmem:s19+$0x51A0]  }
0x76: {  	v20 =	vld [tilespmem:s19+$0x51B0]  }
0x77: {  	v21 =	vld [tilespmem:s19+$0x29A0];
	v12 =	vadd.f32 v12, v14  }
0x78: {  	v22 =	vld [tilespmem:s19+$0x29B0]  }
0x79: {  	v16 =	vld [tilespmem:s19+$0x1C0];
	v10 =	vadd.f32 v10, v12;
	v12 =	vadd.f32 v13, v15  }
0x7a: {  	v14 =	vld [tilespmem:s19+$0x1D0];
	v13 =	vadd.f32 v17, v19  }
0x7b: {  	v15 =	vld [tilespmem:s19+$0x1E0];
	v19 =	vadd.f32 v11, v12;
	v12 =	vadd.f32 v18, v20  }
0x7c: {  	s18 =	simm.s32 $0x80;
	v17 =	vld [tilespmem:s19+$0x1F0];
	[tilespmem:s19+$0x5180] =	vst v10;
	v21 =	vadd.f32 v21, v13  }
0x7d: {  	v11 =	vld [tilespmem:s18+$0x2980];
	[tilespmem:s19+$0x5190] =	vst v19;
	v22 =	vadd.f32 v22, v12  }
0x7e: {  	v13 =	vld [tilespmem:s18+$0x2990];
	[tilespmem:s19+$0x51A0] =	vst v21  }
0x7f: {  	v12 =	vld [tilespmem:s18+$0x180];
	[tilespmem:s19+$0x51B0] =	vst v22  }
0x80: {  	v20 =	vld [tilespmem:s18+$0x190]  }
0x81: {  	v28 =	vsub.f32 $0.0e+00, v10;
	v23 =	vld [tilespmem:s18+$0x1A0]  }
0x82: {  	v31 =	vmul.f32 v10, v10;
	v9 =	vadd.f32 v10, v9;
	v29 =	vsub.f32 $0.0e+00, v19;
	v24 =	vld [tilespmem:s18+$0x1B0]  }
0x83: {  	v32 =	vsub.f32 $0.0e+00, v21;
	v34 =	vmul.f32 v19, v19;
	v28 =	vmul.f32 $1.442695020e+00, v28;
	v18 =	vld [tilespmem:s18+$0x5180]  }
0x84: {  	v8 =	vadd.f32 v31, v8;
	v5 =	vadd.f32 v21, v5;
	v29 =	vmul.f32 $1.442695020e+00, v29;
	v25 =	vld [tilespmem:s18+$0x5190]  }
0x85: {  	v21 =	vmul.f32 v21, v21;
	v35 =	vsub.f32 $0.0e+00, v22;
	(erf) = vpow2.f32 v28;
	v26 =	vld [tilespmem:s18+$0x51A0]  }
0x86: {  	v27 =	vld [tilespmem:s18+$0x51B0];
	(erf) = vpow2.f32 v29;
	v29 =	vadd.f32 v22, v4;
	v4 =	vmul.f32 v22, v22  }
0x87: {  	v10 =	vadd.f32 v19, v7;
	v32 =	vmul.f32 $1.442695020e+00, v32;
	v30 =	vld [tilespmem:s18+$0x29A0];
	v3 =	vadd.f32 v21, v3  }
0x88: {  	v33 =	vld [tilespmem:s18+$0x29B0];
	v28 =	vmul.f32 $1.442695020e+00, v35;
	v61 =	vadd.f32 v4, v2;
	v12 =	vadd.f32 v12, v18  }
0x89: {  	(erf) = vpow2.f32 v32;
	v18 =	vld [tilespmem:s18+$0x1C0];
	v20 =	vadd.f32 v20, v25;
	v25 =	vadd.f32 v34, v6  }
0x8a: {  	v6 =	vadd.f32 v23, v26;
	v36 =	vadd.f32 v11, v12;
	v11 =	vld [tilespmem:s18+$0x1D0]  }
0x8b: {  	(erf) = vpow2.f32 v28;
	v7 =	vadd.f32 v24, v27;
	v12 =	vld [tilespmem:s18+$0x1E0];
	v23 =	vadd.f32 v13, v20  }
0x8c: {  	s17 =	simm.s32 $0x100;
	v13 =	vld [tilespmem:s18+$0x1F0];
	v26 =	vadd.f32 v30, v6;
	[tilespmem:s18+$0x5180] =	vst v36;
	v6 =	vsub.f32 $0.0e+00, v36  }
0x8d: {  	v30 =	vadd.f32 v33, v7;
	v7 =	vsub.f32 $0.0e+00, v23;
	v19 =	vld [tilespmem:s17+$0x2980];
	[tilespmem:s18+$0x5190] =	vst v23  }
0x8e: {  	v24 =	vmul.f32 v36, v36;
	v21 =	vsub.f32 $0.0e+00, v26;
	v20 =	vld [tilespmem:s17+$0x2990];
	[tilespmem:s18+$0x51A0] =	vst v26;
	v6 =	vmul.f32 $1.442695020e+00, v6  }
0x8f: {  	v27 =	vsub.f32 $0.0e+00, v30;
	v4 =	vmul.f32 v23, v23;
	v7 =	vmul.f32 $1.442695020e+00, v7;
	v31 =	vld [tilespmem:s17+$0x180];
	[tilespmem:s18+$0x51B0] =	vst v30  }
0x90: {  	v22 =	vpop (erf);
	v60 =	vld [tilespmem:s17+$0x190];
	(erf) = vpow2.f32 v6;
	v6 =	vmul.f32 $1.442695020e+00, v21  }
0x91: {  	v2 =	vpop (erf);
	v27 =	vmul.f32 $1.442695020e+00, v27;
	v21 =	vld [tilespmem:s17+$0x1A0];
	(erf) = vpow2.f32 v7  }
0x92: {  	v62 =	vadd.f32 $1.000000000e+00, v22;
	v5 =	vadd.f32 v26, v5;
	v28 =	vpop (erf);
	v22 =	vld [tilespmem:s17+$0x1B0];
	(erf) = vpow2.f32 v6  }
0x93: {  	v2 =	vadd.f32 $1.000000000e+00, v2;
	v63 =	vadd.f32 $1.000000000e+00, v28;
	v37 =	vld [tilespmem:s17+$0x5180];
	(erf) = vpow2.f32 v27  }
0x94: {  	v39 =	vld [tilespmem:s17+$0x5190];
	v7 =	vpop (erf);
	v6 =	vadd.f32 v24, v8;
	v8 =	vadd.f32 v4, v25;
	(erf) = vrcp.f32 v62  }
0x95: {  	v24 =	vld [tilespmem:s17+$0x51A0];
	v4 =	vadd.f32 v23, v10;
	v38 =	vadd.f32 $1.000000000e+00, v7;
	(erf) = vrcp.f32 v2  }
0x96: {  	v7 =	vadd.f32 v36, v9;
	v27 =	vld [tilespmem:s17+$0x51B0];
	v9 =	vmul.f32 v26, v26;
	(erf) = vrcp.f32 v63  }
0x97: {  	v28 =	vld [tilespmem:s17+$0x29A0];
	v25 =	vmul.f32 v30, v30;
	v2 =	vadd.f32 v30, v29;
	(erf) = vrcp.f32 v38  }
0x98: {  	v23 =	vadd.f32 v31, v37;
	v29 =	vld [tilespmem:s17+$0x29B0];
	v3 =	vadd.f32 v9, v3  }
0x99: {  	s20 =	simm.s32 $0x600;
	s21 =	simm.s32 $0x800;
	s22 =	simm.s32 $0xA00;
	v10 =	vld [tilespmem:s17+$0x1C0];
	v30 =	vadd.f32 v60, v39;
	v9 =	vadd.f32 v25, v61;
	v26 =	vpop (erf)  }
.LBB2_5:
0x9a: {  	p0 =	sne.s32 s22, $0x9E00;
	v23 =	vadd.f32 v19, v23;
	v25 =	vld [tilespmem:s17+$0x1D0];
	v19 =	vadd.f32 v21, v24;
	v21 =	vpop (erf)  }
0x9b: {  	v30 =	vadd.f32 v20, v30;
	v31 =	vld [tilespmem:s17+$0x1E0];
	v20 =	vadd.f32 v22, v27;
	v22 =	vpop (erf)  }
0x9c: {  	s13 =	sshra.s32 s20, $0x2;
	s20 =	smov.u32 s21;
	s21 =	smov.u32 s22;
	v24 =	vsub.f32 $0.0e+00, v23;
	[tilespmem:s17+$0x5180] =	vst v23;
	v27 =	vmul.f32 v23, v23;
	v28 =	vadd.f32 v28, v19;
	v32 =	vld [tilespmem:s17+$0x1F0];
	v33 =	vpop (erf)  }
0x9d: {  	v19 =	vld [tilespmem:s13+$0x2980];
	v34 =	vsub.f32 $0.0e+00, v30;
	[tilespmem:s17+$0x5190] =	vst v30;
	v35 =	vmul.f32 v30, v30;
	v29 =	vadd.f32 v29, v20;
	v36 =	vpop (erf)  }
0x9e: {  	v26 =	vadd.f32 $1.000000000e+00, v26;
	v20 =	vld [tilespmem:s13+$0x2990];
	v24 =	vmul.f32 $1.442695020e+00, v24;
	v37 =	vsub.f32 $0.0e+00, v28;
	[tilespmem:s17+$0x51A0] =	vst v28;
	v38 =	vpop (erf)  }
0x9f: {  	v41 =	vadd.f32 $1.000000000e+00, v21;
	v39 =	vld [tilespmem:s13+$0x180];
	v34 =	vmul.f32 $1.442695020e+00, v34;
	v40 =	vsub.f32 $0.0e+00, v29;
	[tilespmem:s17+$0x51B0] =	vst v29;
	v42 =	vpop (erf)  }
0xa0: {  	v44 =	vadd.f32 $1.000000000e+00, v22;
	v43 =	vld [tilespmem:s13+$0x190];
	v37 =	vmul.f32 $1.442695020e+00, v37;
	(erf) = vpow2.f32 v24;
	[tilespmem:s19+$0x79C0] =	vst v36;
	v45 =	vpop (erf)  }
0xa1: {  	v33 =	vadd.f32 $1.000000000e+00, v33;
	v21 =	vld [tilespmem:s13+$0x1A0];
	v24 =	vmul.f32 $1.442695020e+00, v40;
	(erf) = vpow2.f32 v34;
	[tilespmem:s19+$0x79D0] =	vst v38  }
0xa2: {  	v6 =	vadd.f32 v27, v6;
	v27 =	vmul.f32 v36, v16;
	v16 =	vmovc v18;
	v22 =	vld [tilespmem:s13+$0x1B0];
	(erf) = vpow2.f32 v37;
	[tilespmem:s19+$0x79E0] =	vst v42  }
0xa3: {  	v8 =	vadd.f32 v35, v8;
	v34 =	vmul.f32 v38, v14;
	v14 =	vmovc v11;
	v18 =	vld [tilespmem:s13+$0x5180];
	(erf) = vpow2.f32 v24;
	[tilespmem:s19+$0x79F0] =	vst v45  }
0xa4: {  	v7 =	vadd.f32 v23, v7;
	v23 =	vmul.f32 v42, v15;
	v11 =	vmovc v25;
	v35 =	vld [tilespmem:s13+$0x5190];
	(erf) = vrcp.f32 v26;
	[tilespmem:s19+$0x7980] =	vst v27  }
.Ltmp1:
0xa5: {  	v4 =	vadd.f32 v30, v4;
	v15 =	vmovc v12;
	v30 =	vmul.f32 v45, v17;
	v24 =	vld [tilespmem:s13+$0x51A0];
	(erf) = vrcp.f32 v41;
	[tilespmem:s19+$0x7990] =	vst v34;
	(pc) =	sbr.rel @p0 .LBB2_5-.Ltmp1, $4  }
0xa6: {  	v5 =	vadd.f32 v28, v5;
	v12 =	vmovc v31;
	v25 =	vmul.f32 v28, v28;
	v27 =	vld [tilespmem:s13+$0x51B0];
	(erf) = vrcp.f32 v44;
	[tilespmem:s19+$0x79A0] =	vst v23  }
0xa7: {  	v2 =	vadd.f32 v29, v2;
	v31 =	vmul.f32 v29, v29;
	v17 =	vmovc v13;
	v28 =	vld [tilespmem:s13+$0x29A0];
	(erf) = vrcp.f32 v33;
	[tilespmem:s19+$0x79B0] =	vst v30;
	s19 =	smov.u32 s18;
	s18 =	smov.u32 s17;
	s17 =	smov.u32 s13  }
0xa8: {  	v13 =	vmovc v32;
	v3 =	vadd.f32 v25, v3;
	v23 =	vadd.f32 v39, v18;
	v29 =	vld [tilespmem:s17+$0x29B0];
	v18 =	vmov v10  }
0xa9: {  	s22 =	sadd.s32 $0x200, s22;
	v9 =	vadd.f32 v31, v9;
	v10 =	vld [tilespmem:s17+$0x1C0];
	v30 =	vadd.f32 v43, v35;
	v26 =	vpop (erf)  }
0xaa: {  	v19 =	vadd.f32 v19, v23;
	v25 =	vld [tilespmem:s17+$0x1D0];
	v21 =	vadd.f32 v21, v24  }
0xab: {  	v23 =	vld [tilespmem:s17+$0x1E0];
	v20 =	vadd.f32 v20, v30;
	v22 =	vadd.f32 v22, v27  }
0xac: {  	s20 =	sshra.s32 s20, $0x2;
	v24 =	vld [tilespmem:s17+$0x1F0];
	v46 =	vpop (erf);
	[tilespmem:s17+$0x5180] =	vst v19;
	v21 =	vadd.f32 v28, v21  }
0xad: {  	v47 =	vpop (erf);
	v63 =	vld [tilespmem:s20+$0x2980];
	[tilespmem:s17+$0x5190] =	vst v20;
	v22 =	vadd.f32 v29, v22  }
0xae: {  	v32 =	vpop (erf);
	v41 =	vsub.f32 $0.0e+00, v19;
	v45 =	vld [tilespmem:s20+$0x2990];
	[tilespmem:s17+$0x51A0] =	vst v21  }
0xaf: {  	v33 =	vpop (erf);
	v48 =	vsub.f32 $0.0e+00, v20;
	v31 =	vld [tilespmem:s20+$0x180];
	[tilespmem:s17+$0x51B0] =	vst v22  }
0xb0: {  	v35 =	vpop (erf);
	v16 =	vmul.f32 v33, v16;
	v42 =	vsub.f32 $0.0e+00, v21;
	v41 =	vmul.f32 $1.442695020e+00, v41;
	v34 =	vld [tilespmem:s20+$0x190];
	[tilespmem:s19+$0x79C0] =	vst v33  }
0xb1: {  	v37 =	vpop (erf);
	v14 =	vmul.f32 v35, v14;
	v49 =	vmul.f32 $1.442695020e+00, v48;
	v50 =	vsub.f32 $0.0e+00, v22;
	v36 =	vld [tilespmem:s20+$0x1A0];
	[tilespmem:s19+$0x79D0] =	vst v35  }
0xb2: {  	v39 =	vpop (erf);
	v51 =	vmul.f32 $1.442695020e+00, v42;
	(erf) = vpow2.f32 v41;
	v38 =	vld [tilespmem:s20+$0x1B0];
	[tilespmem:s19+$0x79E0] =	vst v37  }
0xb3: {  	v54 =	vmul.f32 $1.442695020e+00, v50;
	(erf) = vpow2.f32 v49;
	v40 =	vld [tilespmem:s20+$0x5180];
	[tilespmem:s19+$0x79F0] =	vst v39  }
0xb4: {  	v53 =	vadd.f32 $1.000000000e+00, v26;
	v15 =	vmul.f32 v37, v15;
	(erf) = vpow2.f32 v51;
	v43 =	vld [tilespmem:s20+$0x5190];
	[tilespmem:s19+$0x7980] =	vst v16  }
0xb5: {  	v28 =	vadd.f32 $1.000000000e+00, v46;
	v17 =	vmul.f32 v39, v17;
	(erf) = vpow2.f32 v54;
	v52 =	vld [tilespmem:s20+$0x51A0];
	[tilespmem:s19+$0x7990] =	vst v14  }
0xb6: {  	v29 =	vadd.f32 $1.000000000e+00, v47;
	(erf) = vrcp.f32 v53;
	v55 =	vld [tilespmem:s20+$0x51B0];
	[tilespmem:s19+$0x79A0] =	vst v15  }
0xb7: {  	v61 =	vadd.f32 $1.000000000e+00, v32;
	(erf) = vrcp.f32 v28;
	v57 =	vld [tilespmem:s20+$0x29A0];
	[tilespmem:s19+$0x79B0] =	vst v17  }
0xb8: {  	(erf) = vrcp.f32 v29;
	v56 =	vadd.f32 v31, v40;
	v59 =	vld [tilespmem:s20+$0x29B0]  }
0xb9: {  	(erf) = vrcp.f32 v61;
	v26 =	vld [tilespmem:s20+$0x1C0];
	v58 =	vadd.f32 v34, v43  }
0xba: {  	v27 =	vld [tilespmem:s20+$0x1D0];
	v14 =	vadd.f32 v63, v56;
	v60 =	vadd.f32 v36, v52  }
0xbb: {  	v28 =	vld [tilespmem:s20+$0x1E0];
	v63 =	vpop (erf);
	v15 =	vadd.f32 v45, v58;
	v62 =	vadd.f32 v38, v55  }
0xbc: {  	s22 =	sshra.s32 s21, $0x2;
	v29 =	vld [tilespmem:s20+$0x1F0];
	v48 =	vpop (erf);
	[tilespmem:s20+$0x5180] =	vst v14;
	v16 =	vadd.f32 v57, v60  }
0xbd: {  	v30 =	vpop (erf);
	v32 =	vld [tilespmem:s22+$0x2980];
	[tilespmem:s20+$0x5190] =	vst v15;
	v17 =	vadd.f32 v59, v62  }
0xbe: {  	v36 =	vpop (erf);
	v33 =	vld [tilespmem:s22+$0x2990];
	[tilespmem:s20+$0x51A0] =	vst v16  }
0xbf: {  	v49 =	vpop (erf);
	v35 =	vld [tilespmem:s22+$0x180];
	[tilespmem:s20+$0x51B0] =	vst v17  }
0xc0: {  	v51 =	vpop (erf);
	v50 =	vld [tilespmem:s22+$0x190];
	[tilespmem:s18+$0x79C0] =	vst v49  }
0xc1: {  	v53 =	vpop (erf);
	v52 =	vld [tilespmem:s22+$0x1A0];
	[tilespmem:s18+$0x79D0] =	vst v51  }
0xc2: {  	v18 =	vmul.f32 v49, v18;
	v55 =	vpop (erf);
	v54 =	vld [tilespmem:s22+$0x1B0];
	[tilespmem:s18+$0x79E0] =	vst v53  }
0xc3: {  	v57 =	vsub.f32 $0.0e+00, v14;
	v11 =	vmul.f32 v51, v11;
	v44 =	vld [tilespmem:s22+$0x5180];
	[tilespmem:s18+$0x79F0] =	vst v55  }
0xc4: {  	v34 =	vadd.f32 $1.000000000e+00, v48;
	v60 =	vsub.f32 $0.0e+00, v15;
	v12 =	vmul.f32 v53, v12;
	v56 =	vld [tilespmem:s22+$0x5190];
	[tilespmem:s18+$0x7980] =	vst v18  }
0xc5: {  	v62 =	vadd.f32 $1.000000000e+00, v63;
	v13 =	vmul.f32 v55, v13;
	v58 =	vld [tilespmem:s22+$0x51A0];
	[tilespmem:s18+$0x7990] =	vst v11;
	v11 =	vmul.f32 $1.442695020e+00, v57  }
0xc6: {  	v30 =	vadd.f32 $1.000000000e+00, v30;
	v61 =	vsub.f32 $0.0e+00, v16;
	v59 =	vld [tilespmem:s22+$0x51B0];
	[tilespmem:s18+$0x79A0] =	vst v12  }
0xc7: {  	v63 =	vsub.f32 $0.0e+00, v17;
	(erf) = vpow2.f32 v11;
	v45 =	vld [tilespmem:s22+$0x29A0];
	[tilespmem:s18+$0x79B0] =	vst v13;
	v11 =	vmul.f32 $1.442695020e+00, v60  }
0xc8: {  	v36 =	vadd.f32 $1.000000000e+00, v36;
	v48 =	vmul.f32 $1.442695020e+00, v61;
	v35 =	vadd.f32 v35, v44;
	v49 =	vld [tilespmem:s22+$0x29B0]  }
0xc9: {  	v31 =	vmul.f32 $1.442695020e+00, v63;
	(erf) = vpow2.f32 v11;
	v37 =	vadd.f32 v50, v56  }
0xca: {  	(erf) = vpow2.f32 v48;
	v11 =	vadd.f32 v32, v35;
	v50 =	vadd.f32 v52, v58  }
0xcb: {  	(erf) = vpow2.f32 v31;
	v13 =	vadd.f32 v33, v37;
	v18 =	vadd.f32 v54, v59  }
0xcc: {  	(erf) = vrcp.f32 v62;
	v51 =	vsub.f32 $0.0e+00, v11;
	v12 =	vadd.f32 v45, v50  }
0xcd: {  	(erf) = vrcp.f32 v34;
	v52 =	vsub.f32 $0.0e+00, v13;
	v18 =	vadd.f32 v49, v18  }
0xce: {  	(erf) = vrcp.f32 v30;
	v53 =	vmul.f32 $1.442695020e+00, v51;
	v54 =	vsub.f32 $0.0e+00, v12  }
0xcf: {  	(erf) = vrcp.f32 v36;
	v32 =	vmul.f32 $1.442695020e+00, v52;
	v55 =	vsub.f32 $0.0e+00, v18  }
0xd0: {  	v31 =	vmul.f32 $1.442695020e+00, v54;
	(erf) = vpow2.f32 v53  }
0xd1: {  	v56 =	vpop (erf);
	v33 =	vmul.f32 $1.442695020e+00, v55;
	(erf) = vpow2.f32 v32  }
0xd2: {  	v58 =	vpop (erf);
	(erf) = vpow2.f32 v31  }
0xd3: {  	[tilespmem:s22+$0x5180] =	vst v11;
	v30 =	vadd.f32 $1.000000000e+00, v56;
	v60 =	vpop (erf);
	(erf) = vpow2.f32 v33  }
0xd4: {  	v57 =	vld [tilespmem:s22+$0x1C0];
	[tilespmem:s22+$0x5190] =	vst v13;
	v34 =	vadd.f32 $1.000000000e+00, v58;
	v62 =	vpop (erf)  }
0xd5: {  	v61 =	vld [tilespmem:s22+$0x1E0];
	[tilespmem:s22+$0x51A0] =	vst v12;
	v35 =	vadd.f32 $1.000000000e+00, v60;
	(erf) = vrcp.f32 v30;
	v40 =	vpop (erf)  }
0xd6: {  	v63 =	vld [tilespmem:s22+$0x1F0];
	[tilespmem:s22+$0x51B0] =	vst v18;
	v36 =	vadd.f32 $1.000000000e+00, v62;
	(erf) = vrcp.f32 v34;
	v41 =	vpop (erf);
	v10 =	vmul.f32 v40, v10  }
0xd7: {  	v59 =	vld [tilespmem:s22+$0x1D0];
	[tilespmem:s17+$0x79C0] =	vst v40;
	(erf) = vrcp.f32 v35;
	v42 =	vpop (erf)  }
0xd8: {  	(erf) = vrcp.f32 v36;
	v43 =	vpop (erf);
	[tilespmem:s17+$0x7980] =	vst v10;
	v10 =	vmul.f32 v42, v23  }
0xd9: {  	[tilespmem:s17+$0x79D0] =	vst v41;
	v44 =	vpop (erf)  }
0xda: {  	[tilespmem:s17+$0x79E0] =	vst v42;
	v45 =	vpop (erf)  }
0xdb: {  	v25 =	vmul.f32 v41, v25;
	[tilespmem:s17+$0x79F0] =	vst v43;
	v34 =	vadd.f32 $1.000000000e+00, v44;
	v46 =	vpop (erf)  }
0xdc: {  	v24 =	vmul.f32 v43, v24;
	[tilespmem:s17+$0x79A0] =	vst v10;
	v23 =	vadd.f32 $1.000000000e+00, v45;
	v10 =	vpop (erf)  }
0xdd: {  	[tilespmem:s17+$0x7990] =	vst v25;
	v25 =	vadd.f32 $1.000000000e+00, v46;
	(erf) = vrcp.f32 v34;
	v10 =	vadd.f32 $1.000000000e+00, v10  }
0xde: {  	[tilespmem:s17+$0x79B0] =	vst v24;
	v47 =	vpop (erf);
	(erf) = vrcp.f32 v23  }
0xdf: {  	v48 =	vpop (erf);
	[tilespmem:s20+$0x79C0] =	vst v47;
	(erf) = vrcp.f32 v25  }
0xe0: {  	v49 =	vpop (erf);
	[tilespmem:s20+$0x79D0] =	vst v48  }
0xe1: {  	v24 =	vmul.f32 v47, v26;
	(erf) = vrcp.f32 v10;
	[tilespmem:s20+$0x79E0] =	vst v49;
	v10 =	vpop (erf)  }
0xe2: {  	v23 =	vmul.f32 v48, v27;
	[tilespmem:s20+$0x79F0] =	vst v10;
	v10 =	vmul.f32 v10, v29  }
0xe3: {  	[tilespmem:s20+$0x7980] =	vst v24;
	v50 =	vmul.f32 v49, v28  }
0xe4: {  	[tilespmem:s20+$0x7990] =	vst v23  }
0xe5: {  	[tilespmem:s20+$0x79A0] =	vst v50  }
0xe6: {  	[tilespmem:s20+$0x79B0] =	vst v10;
	v10 =	vpop (erf)  }
0xe7: {  	v53 =	vpop (erf);
	[tilespmem:s22+$0x79C0] =	vst v10  }
0xe8: {  	v10 =	vmul.f32 v10, v57;
	v54 =	vpop (erf);
	[tilespmem:s22+$0x79D0] =	vst v53  }
0xe9: {  	v7 =	vadd.f32 v19, v7;
	v5 =	vadd.f32 v21, v5;
	[tilespmem:s22+$0x79E0] =	vst v54  }
0xea: {  	v4 =	vadd.f32 v20, v4;
	v2 =	vadd.f32 v22, v2;
	v25 =	vmul.f32 v53, v59;
	v56 =	vpop (erf);
	[tilespmem:s22+$0x7980] =	vst v10  }
0xeb: {  	v7 =	vadd.f32 v14, v7;
	v5 =	vadd.f32 v16, v5;
	v10 =	vmul.f32 v54, v61;
	[tilespmem:s22+$0x79F0] =	vst v56  }
0xec: {  	v4 =	vadd.f32 v15, v4;
	v51 =	vmul.f32 v19, v19;
	[tilespmem:s22+$0x7990] =	vst v25;
	v60 =	vmul.f32 v56, v63  }
0xed: {  	v2 =	vadd.f32 v17, v2;
	v5 =	vadd.f32 v12, v5;
	v52 =	vmul.f32 v20, v20;
	[tilespmem:s22+$0x79A0] =	vst v10  }
0xee: {  	s13 =	sadd.s32 s9, s16;
	v6 =	vadd.f32 v51, v6;
	v55 =	vmul.f32 v21, v21;
	v57 =	vmul.f32 v22, v22;
	[tilespmem:s22+$0x79B0] =	vst v60  }
0xef: {  	v8 =	vadd.f32 v52, v8;
	v58 =	vmul.f32 v14, v14;
	v59 =	vmul.f32 v15, v15;
	[hbm4b:s13+s3] =	stream.linear.scatter [tilespmem:s31], [sflag:$0x3], $0x2800, $0x38;
	[tilespmem:$0x1E200] =	vst v63  }
0xf0: {  	s15 =	sadd.s32 $0x1, s15;
	v3 =	vadd.f32 v55, v3;
	v9 =	vadd.f32 v57, v9;
	v61 =	vmul.f32 v17, v17;
	_ =	swait.ge [sflag:s24], $0x2800  }
0xf1: {  	p0 =	sne.s32 s15, $0xFA;
	v6 =	vadd.f32 v58, v6;
	v10 =	vadd.f32 v59, v8;
	v8 =	vmul.f32 v16, v16;
	[sflag:s24] =	ssyncset.done $0x0  }
.Ltmp2:
0xf2: {  	v62 =	vmul.f32 v11, v11;
	v63 =	vmul.f32 v13, v13;
	v14 =	vadd.f32 v61, v9;
	[sflag:s24] =	ssyncadd.s32 $0xFFFFD800;
	(pc) =	sbr.rel @p0 .LBB2_4-.Ltmp2, $4  }
0xf3: {  	v9 =	vadd.f32 v11, v7;
	v11 =	vmul.f32 v18, v18;
	v3 =	vadd.f32 v8, v3;
	[spmem:s1] =	stream.indirect.scatter.add.f32 [tilespmem:s23], [sflag:$0x3], $0x80, s25, s26, $0xb8;
	[tilespmem:$0x1E200] =	vst v63  }
0xf4: {  	v8 =	vadd.f32 v62, v6;
	v6 =	vadd.f32 v63, v10;
	v10 =	vmul.f32 v12, v12;
	_ =	swait.ge [sflag:s24], $0x2800  }
0xf5: {  	v7 =	vadd.f32 v13, v4;
	v4 =	vadd.f32 v18, v2;
	[sflag:s24] =	ssyncset.done $0x0  }
0xf6: {  	v2 =	vadd.f32 v11, v14;
	v3 =	vadd.f32 v10, v3;
	[sflag:s24] =	ssyncadd.s32 $0xFFFFD800  }
0xf7: {  	[tilespmem:$0xA180] =	vst v9  }
0xf8: {  	[tilespmem:$0xA1C0] =	vst v8  }
0xf9: {  	[tilespmem:$0xA190] =	vst v7  }
0xfa: {  	[tilespmem:$0xA1D0] =	vst v6  }
0xfb: {  	[tilespmem:$0xA1A0] =	vst v5  }
0xfc: {  	[tilespmem:$0xA1B0] =	vst v4  }
0xfd: {  	[tilespmem:$0xA1E0] =	vst v3  }
0xfe: {  	s13 =	rddreg [dreg:$0x3];
	s14 =	simm.s32 $0xA180;
	[tilespmem:$0xA1F0] =	vst v2  }
0xff: {  	[hbm4b:s13+s3] =	stream.linear.scatter [tilespmem:s14], [sflag:$0x3], $0x80, $0x38;
	[tilespmem:$0x1E200] =	vst v63  }
0x100: {  	_ =	swait.ge [sflag:s24], $0x80  }
0x101: {  	[sflag:s24] =	ssyncset.done $0x0  }
0x102: {  	[sflag:s24] =	ssyncadd.s32 $0xFFFFFF80  }
0x103: {  	s20 =	stileid.u32;
	[bflag:$0x0] =	sbarrier.arrive $0xFFFF  }
0x104: {  	s13 =	sshll.u32 s20, $0x6;
	s17 =	rddreg [dreg:$0x4]  }
0x105: {  	s13 =	sor.u32 $0x1C03, s13;
	s15 =	rddreg [dreg:$0x5];
	s21 =	sshrl.u32 s17, $0x3  }
0x106: {  	[hbm:s15], [sflag:s13] =	dma.local [spmem:s21], $0x2800  }
0x107: {  	_ =	swait.ge [sflag:s24], $0x2800  }
0x108: {  	s12 =	sadd.s32 $0x1, s12;
	s22 =	rddreg [dreg:$0x6]  }
0x109: {  	p0 =	sne.s32 s12, s22  }
.Ltmp3:
0x10a: {  	_ = 	snop;
	(pc) =	sbr.rel @p0 .LBB2_1-.Ltmp3, $3  }
0x10b: {  	_ =	sdelay $0x1  }
0x10c: {  	[sflag:s24] =	ssyncset.done $0x0  }
0x10d: {  	[sflag:s24] =	ssyncadd.s32 $0xFFFFD800  }
0x10e: {  	_ =	sfence.sel $0x180000  }
0x10f: {  	[bflag:$0x0] =	sbarrier.arrive $0xFFFF  }
0x110: {  	_ =	strace $0x90000047  }
0x111: {  	s0 =	stileid.u32;
	[bflag:$0x2] =	sbarrier.arrive $0xFFFF  }
0x112: {  	p0 =	sne.s32 s0, $0x0;
	s0 =	rddreg [dreg:$0x2]  }
0x113: {  	s0 =	sadd.s32 @!p0 $0x100000, s0  }
0x114: {  	[sflag:s0] =	ssyncadd.tile.s32 @!p0 $0x1;
	_ =	shalt  }
.Lfunc_end2:
_tile_overlayer_lowered:
.L_overlay_start_2:
0x115: {  	(tag) =	ssettag $0x2  }
0x116: {  	s0 =	rddreg [dreg:$0x0];
	s2 =	stileid.u32  }
0x117: {  	s1 =	rddreg [dreg:$0x1];
	p0 =	sne.s32 s2, $0x0  }
0x118: {  	s3 =	rddreg [dreg:$0x2];
	[bflag:$0x3] =	sbarrier.arrive $0xFFFF;
	s2 =	simm.s32 @!p0 $0x1C03  }
0x119: {  	[timem:s3], [sflag:s2] =	dma.local @!p0 [hbm:s0], s1  }
0x11a: {  	s0 =	simm.s32 @!p0 $0x3  }
0x11b: {  	_ =	swait.ge @!p0 [sflag:s0], s1  }
0x11c: {  	s1 =	ssub.s32 @!p0 $0x0, s1;
	[sflag:s0] =	ssyncset.done @!p0 $0x0  }
0x11d: {  	[sflag:s0] =	ssyncadd.s32 @!p0 s1  }
0x11e: {  	[bflag:$0x3] =	sbarrier.arrive $0xFFFF  }
0x11f: {  	_ =	shalt  }

// kernel: kernel.22.cloned.1.call-start
scs
__scs_entry_jumppad:
0x0: {  	(pc) =	sbr.rel $0x88, $3  }
0x1: {  	(tag) =	ssettag $0x0;
	lr =	simm.s32 $0x1  }
0x2: {  	[smem:$0x3F8C] =	sst lr;
	_ =	strace $0xD0000000  }
0x3: {  	_ = 	snop  }
0x4: {  	_ = 	snop  }
0x5: {  	_ = 	snop  }
0x6: {  	_ = 	snop  }
0x7: {  	_ = 	snop  }
__scs_overlays_trampoline_lowered:
0x8: {  	[smem:$0x3F9B] =	sst s0  }
0x9: {  	[smem:$0x3F9C] =	sst s1  }
0xa: {  	[smem:$0x3F9D] =	sst s2  }
0xb: {  	[smem:$0x3F9E] =	sst s3  }
0xc: {  	[smem:$0x3F9F] =	sst s4  }
0xd: {  	[smem:$0x3FA0] =	sst s5  }
0xe: {  	[smem:$0x3FA1] =	sst s6  }
0xf: {  	[smem:$0x3FA2] =	sst s7  }
0x10: {  	[smem:$0x3FA3] =	sst s8  }
0x11: {  	[smem:$0x3FA4] =	sst s9;
	s0 =	simm.s32 @!p0 $0x0  }
0x12: {  	s1 =	sld [smem:$0x3F8A];
	s0 =	simm.s32 @p0 $0x1  }
0x13: {  	[smem:$0x3FA5] =	sst s0;
	s0 =	simm.s32 @!p1 $0x0  }
0x14: {  	s2 =	sld [smem:$0x3F89];
	s0 =	simm.s32 @p1 $0x1  }
0x15: {  	[smem:$0x3FA6] =	sst s0;
	s0 =	simm.s32 @!p2 $0x0  }
0x16: {  	s3 =	sld [smem:$0x3FDB];
	s0 =	simm.s32 @p2 $0x1  }
0x17: {  	s4 =	simm.s32 $0x1BF5;
	[smem:$0x3FA8] =	sst s0  }
0x18: {  	s0 =	sld [smem:$0x3F8B];
	_ =	swait.ge [sflag:s4], $0x0  }
0x19: {  	s7 =	sld [smem:$0x3F8C]  }
0x1a: {  	s8 =	sadd.s32 $0xFFFFE003, lr  }
0x1b: {  	s9 =	sadd.s32 $0xFFFFFEF7, lr;
	s5 =	simm.s32 $0xFFFFFFFF;
	p2 =	slt.u32 s8, $0xFFFFF086  }
0x1c: {  	p1 =	slt.u32 s9, $0xF7A;
	s5 =	simm.s32 @!p2 $0x0  }
0x1d: {  	s5 =	simm.s32 @p1 $0x1;
	p0 =	seq.s32 s7, s2  }
0x1e: {  	s7 =	smul.u32 @!p0 $0xF7A, s2;
	p2 =	seq.s32 @!p0 s5, $0x0  }
0x1f: {  	s9 =	smul.u32 $0xF7A, s1;
	s8 =	simm.s32 @!p0 $0x1BF5;
	p2 =	por !p2, p0  }
0x20: {  	[sflag:s8] =	ssyncset.s32 @!p0 $0xFFFFF086;
	s6 =	sadd.s32 @!p0 s3, s7;
	s7 =	simm.s32 @!p0 $0x108  }
0x21: {  	s3 =	sadd.s32 s3, s9;
	s6 =	sadd.s32 @!p0 $0x88, s6;
	s7 =	simm.s32 @p2 $0x1082  }
0x22: {  	[simem:s7], [sflag:s8] =	dma.local @!p0 [hbm:s6], $0xF7A  }
0x23: {  	s9 =	sor.u32 $0xD0000000, s2;
	s6 =	simm.s32 $0x108;
	_ =	swait.ge @!p0 [sflag:s8], $0x0  }
0x24: {  	s3 =	sadd.s32 $0x88, s3;
	s6 =	simm.s32 @!p1 $0x1082;
	[sflag:s4] =	ssyncset.s32 $0xFFFFF086  }
0x25: {  	[simem:s6], [sflag:s4] =	dma.local [hbm:s3], $0xF7A  }
0x26: {  	[smem:$0x3F8C] =	sst s1;
	(tag) =	ssettag s2;
	_ =	strace s9  }
0x27: {  	s1 =	sld [smem:$0x3F9C]  }
0x28: {  	s2 =	sld [smem:$0x3F9D]  }
0x29: {  	s4 =	sld [smem:$0x3F9F]  }
0x2a: {  	p0 =	seq.s32 s5, $0x0;
	s5 =	sld [smem:$0x3FA0]  }
0x2b: {  	s6 =	sld [smem:$0x3FA1]  }
0x2c: {  	s7 =	sld [smem:$0x3FA2]  }
0x2d: {  	s3 =	simm.s32 $0x108;
	s8 =	sld [smem:$0x3FA3]  }
0x2e: {  	s3 =	simm.s32 @!p0 $0x1082;
	s9 =	sld [smem:$0x3FA4]  }
0x2f: {  	lr =	sadd.s32 s0, s3;
	s0 =	sld [smem:$0x3F9B]  }
0x30: {  	s3 =	sld [smem:$0x3F9E]  }
0x31: {  	[smem:$0x3FA7] =	sst s10  }
0x32: {  	s10 =	sld [smem:$0x3FA5];
	_ =	sdelay $0x3  }
0x33: {  	p0 =	seq.s32 s10, $0x1;
	s10 =	sld [smem:$0x3FA7];
	_ =	sdelay $0x3  }
0x34: {  	[smem:$0x3FA7] =	sst s10  }
0x35: {  	s10 =	sld [smem:$0x3FA6];
	_ =	sdelay $0x3  }
0x36: {  	p1 =	seq.s32 s10, $0x1;
	s10 =	sld [smem:$0x3FA7];
	_ =	sdelay $0x3  }
0x37: {  	[smem:$0x3FA7] =	sst s10  }
0x38: {  	s10 =	sld [smem:$0x3FA8]  }
0x39: {  	_ = 	snop;
	(pc) =	sbr.ind lr, $3  }
0x3a: {  	_ = 	snop  }
0x3b: {  	_ = 	snop  }
0x3c: {  	p2 =	seq.s32 s10, $0x1;
	s10 =	sld [smem:$0x3FA7]  }
0x3d: {  	_ =	shalt  }
0x3e: {  	_ =	shalt  }
0x3f: {  	_ =	shalt  }
0x40: {  	_ =	shalt  }
0x41: {  	_ =	shalt  }
0x42: {  	_ =	shalt  }
0x43: {  	_ =	shalt  }
0x44: {  	_ =	shalt  }
0x45: {  	_ =	shalt  }
0x46: {  	_ =	shalt  }
0x47: {  	_ =	shalt  }
0x48: {  	_ =	shalt  }
0x49: {  	_ =	shalt  }
0x4a: {  	_ =	shalt  }
0x4b: {  	_ =	shalt  }
0x4c: {  	_ =	shalt  }
0x4d: {  	_ =	shalt  }
0x4e: {  	_ =	shalt  }
0x4f: {  	_ =	shalt  }
0x50: {  	_ =	shalt  }
0x51: {  	_ =	shalt  }
0x52: {  	_ =	shalt  }
0x53: {  	_ =	shalt  }
0x54: {  	_ =	shalt  }
0x55: {  	_ =	shalt  }
0x56: {  	_ =	shalt  }
0x57: {  	_ =	shalt  }
0x58: {  	_ =	shalt  }
0x59: {  	_ =	shalt  }
0x5a: {  	_ =	shalt  }
0x5b: {  	_ =	shalt  }
0x5c: {  	_ =	shalt  }
0x5d: {  	_ =	shalt  }
0x5e: {  	_ =	shalt  }
0x5f: {  	_ =	shalt  }
0x60: {  	_ =	shalt  }
0x61: {  	_ =	shalt  }
0x62: {  	_ =	shalt  }
0x63: {  	_ =	shalt  }
0x64: {  	_ =	shalt  }
0x65: {  	_ =	shalt  }
0x66: {  	_ =	shalt  }
0x67: {  	_ =	shalt  }
0x68: {  	_ =	shalt  }
0x69: {  	_ =	shalt  }
0x6a: {  	_ =	shalt  }
0x6b: {  	_ =	shalt  }
0x6c: {  	_ =	shalt  }
0x6d: {  	_ =	shalt  }
0x6e: {  	_ =	shalt  }
0x6f: {  	_ =	shalt  }
0x70: {  	_ =	shalt  }
0x71: {  	_ =	shalt  }
0x72: {  	_ =	shalt  }
0x73: {  	_ =	shalt  }
0x74: {  	_ =	shalt  }
0x75: {  	_ =	shalt  }
0x76: {  	_ =	shalt  }
0x77: {  	_ =	shalt  }
0x78: {  	_ =	shalt  }
0x79: {  	_ =	shalt  }
0x7a: {  	_ =	shalt  }
0x7b: {  	_ =	shalt  }
0x7c: {  	_ =	shalt  }
0x7d: {  	_ =	shalt  }
0x7e: {  	_ =	shalt  }
0x7f: {  	_ =	shalt  }
0x80: {  	_ =	shalt  }
0x81: {  	_ =	shalt  }
0x82: {  	_ =	shalt  }
0x83: {  	_ =	shalt  }
0x84: {  	_ =	shalt  }
0x85: {  	_ =	shalt  }
0x86: {  	_ =	shalt  }
0x87: {  	_ =	shalt  }
.Lfunc_end0:
.L_simem_size_0:
called_computation.1_lowered:
.L_overlay_start_0:
0x88: {  	s2 =	sld [smem:$0x3FD9]  }
0x89: {  	s3 =	sld [smem:$0x3FFE];
	_ =	sdelay $0x1  }
0x8a: {  	s1 =	srdreg.scid  }
0x8b: {  	s0 =	sand.u32 $0x1, s1  }
0x8c: {  	s16 =	sshll.u32 s0, $0xA;
	s2 =	sadd.s32 s3, s2  }
0x8d: {  	s2 =	sadd.s32 s2, s16  }
0x8e: {  	[smem:$0x3FB3] =	sst s2  }
0x8f: {  	_ = 	snop  }
0x90: {  	(tm) =	ssettm $0x1  }
0x91: {  	s17 =	sld [smem:$0x3FFB];
	_ =	sdelay $0x3  }
0x92: {  	_ =	strace s17  }
0x93: {  	s2 =	sld [smem:$0x3FFC];
	_ =	sdelay $0x3  }
0x94: {  	_ =	strace s2  }
0x95: {  	s2 =	sld [smem:$0x3FFD];
	_ =	sdelay $0x3  }
0x96: {  	_ =	strace s2  }
0x97: {  	_ =	strace $0x8FFFFFFF  }
0x98: {  	s18 =	sld [smem:$0x3FDB];
	_ =	sdelay $0x1  }
0x99: {  	s19 =	simm.s32 $_scs_section_size  }
0x9a: {  	s4 =	simm.s32 $_size__tile_overlayer_lowered;
	s5 =	simm.s32 $_tile_overlayer_lowered  }
0x9b: {  	s22 =	simm.s32 $0x1BFF;
	s21 =	sshll.u32 s5, $0x1;
	s2 =	sadd.s32 s19, s18  }
0x9c: {  	s6 =	simm.s32 $0x0;
	s20 =	sshll.u32 s4, $0x1;
	s4 =	sadd.s32 s21, s2  }
0x9d: {  	[timem:s6], [sflag:s22] =	dma.local [hbm:s4], s20  }
0x9e: {  	_ =	swait.ge [sflag:s22], s20  }
0x9f: {  	s3 =	ssub.s32 $0x0, s20;
	[sflag:s22] =	ssyncset.done $0x0  }
0xa0: {  	[sflag:s22] =	ssyncadd.s32 s3;
	_ =	sdelay $0x1  }
0xa1: {  	s23 =	simm.s32 $0x1B8B  }
0xa2: {  	_ =	swait.ge [sflag:s23], $0x1  }
0xa3: {  	[sflag:s23] =	ssyncset.done $0x0  }
0xa4: {  	s25 =	simm.s32 $0x1B8E;
	s24 =	sld [smem:$0x3FFE];
	[sflag:s23] =	ssyncadd.s32 $0xFFFFFFFF  }
0xa5: {  	s26 =	simm.s32 $execute0_lowered;
	[smem:$0x3FD2] =	sst s25  }
0xa6: {  	s4 =	sshll.u32 s26, $0x1;
	_ =	strace $0x80000049;
	[dreg:$0x1] =	wrdreg $0xFFFFFFFF  }
0xa7: {  	s28 =	simm.s32 $_size_execute0_lowered;
	s2 =	sadd.s32 s2, s4;
	[dreg:$0x0] =	wrdreg $0x0  }
0xa8: {  	s4 =	sshll.u32 s28, $0x1;
	[dreg:$0x2] =	wrdreg s2  }
0xa9: {  	[dreg:$0x3] =	wrdreg s4  }
0xaa: {  	[dreg:$0x4] =	wrdreg $0xC0  }
0xab: {  	_ =	task [dreg:s6], $0x5FFFF  }
0xac: {  	[dreg:$0x1] =	wrdreg $0xFFFFFFFF  }
0xad: {  	[dreg:$0x0] =	wrdreg $0x60  }
0xae: {  	[dreg:$0x2] =	wrdreg s24  }
0xaf: {  	[dreg:$0x3] =	wrdreg $0xA2000  }
0xb0: {  	[dreg:$0x4] =	wrdreg $0x9  }
0xb1: {  	_ =	task.clear_ibuf [dreg:s6], $0x5FFFF;
	_ =	strace $0x90000049  }
0xb2: {  	s29 =	simm.s32 $0x9;
	_ =	strace $0x8000004B  }
0xb3: {  	_ =	swait.ge [sflag:s29], $0x1  }
0xb4: {  	[sflag:s29] =	ssyncadd.s32 $0xFFFFFFFF  }
0xb5: {  	_ =	strace $0x9000004B  }
0xb6: {  	_ =	sfence  }
0xb7: {  	s30 =	sld [smem:$0x0];
	_ =	sdelay $0x2  }
0xb8: {  	s31 =	sshll.u32 s1, $0xD;
	s1 =	sshrl.u32 s1, $0x2  }
0xb9: {  	s3 =	sand.u32 $0x4000, s31;
	s1 =	sadd.s32 s1, s30  }
0xba: {  	s0 =	sor.u32 s3, s0;
	s1 =	sshll.u32 s1, $0x11  }
0xbb: {  	s0 =	sor.u32 s1, s0  }
0xbc: {  	s0 =	sadd.s32 $0x8F2B, s0  }
0xbd: {  	[sflag:s0] =	ssyncadd.remote.s32 $0x1  }
0xbe: {  	_ =	sfence.sel $0xFFFF  }
0xbf: {  	[dreg:$0x0] =	wrdreg $0xFFFFFFFF;
	(pc) =	sbr.abs _section_cstart, $3  }
0xc0: {  	[dreg:$0x1] =	wrdreg $0xFFFFFFFF  }
0xc1: {  	_ =	task.clear_ibuf [dreg:s6], $0x2FFFF;
	_ =	strace $0x9FFFFFFF  }
0xc2: {  	(tm) =	ssettm $0x7FFFFFFF  }
0xc3: {  	_ =	shalt  }
tec
execute0_lowered:
.L_overlay_start_1:
0x0: {  	(tag) =	ssettag $0x1  }
0x1: {  	s0 =	rddreg [dreg:$0x0]  }
0x2: {  	s1 =	rddreg [dreg:$0x1];
	s3 =	simm.s32 $0x0;
	s2 =	srdreg.scid  }
0x3: {  	s16 =	stileid.u32;
	s28 =	simm.s32 $0x180;
	[smem:$0x7FF] =	sst s3  }
0x4: {  	s2 =	sand.u32 $0x1, s2;
	s9 =	smul.u32 $0x14000, s16;
	s4 =	sadd.s32 $0x50C200, s0  }
0x5: {  	s5 =	sadd.s32 $0x6DA00, s0;
	s6 =	sadd.s32 $0x1F800, s0;
	s8 =	smul.u32 $0x140000, s2  }
0x6: {  	s7 =	sadd.s32 $0x15A00, s0;
	s14 =	sshll.u32 s16, $0x4;
	s13 =	smul.u32 $0x50000, s16  }
0x7: {  	_ =	strace $0x8000004A;
	s11 =	ssub.s32 $0x2, s2;
	s10 =	sadd.s32 s9, s8  }
0x8: {  	s17 =	sshll.u32 s2, $0x8;
	s15 =	sshrl.u32 s11, $0x1;
	s10 =	sshrl.u32 s10, $0x3  }
0x9: {  	s8 =	sadd.s32 $0xBC00, s0;
	s9 =	sadd.s32 $0x13B2200, s0;
	s12 =	sadd.s32 s10, s0  }
0xa: {  	s0 =	sadd.s32 s14, s0;
	s14 =	ssub.s32 s11, s15;
	s18 =	sadd.s32 $0xE2E00, s12  }
0xb: {  	s13 =	sshrl.u32 s13, $0x2;
	s19 =	smax.u32 s14, $0x1;
	[dreg:$0x5] =	wrdreg s18  }
0xc: {  	s0 =	sadd.s32 s17, s0;
	s17 =	sadd.s32 s13, s1;
	[dreg:$0x6] =	wrdreg s19  }
0xd: {  	s29 =	simm.s32 $0x100;
	s0 =	sadd.s32 $0x501C00, s0;
	[dreg:$0x4] =	wrdreg s17  }
0xe: {  	s30 =	simm.s32 $0x2980;
	s20 =	sadd.s32 $0x2800, s17;
	[dreg:$0x3] =	wrdreg s0  }
0xf: {  	s31 =	simm.s32 $0x5180;
	s21 =	sadd.s32 $0x5000, s17;
	[dreg:$0x7] =	wrdreg s20  }
0x10: {  	s15 =	smul.u32 $0x2710, s2;
	s22 =	sadd.s32 $0x7800, s17;
	[dreg:$0x8] =	wrdreg s21  }
0x11: {  	s10 =	smul.u32 $0x4E20, s16;
	s23 =	sadd.s32 $0xA000, s17;
	[dreg:$0x9] =	wrdreg s22  }
0x12: {  	s11 =	smul.u32 $0x2710000, s2;
	s24 =	sadd.s32 $0xC800, s17;
	[dreg:$0xa] =	wrdreg s23  }
0x13: {  	s2 =	simm.s32 $0x2;
	s25 =	sadd.s32 $0xF000, s17;
	[dreg:$0xb] =	wrdreg s24  }
0x14: {  	s12 =	simm.s32 $0x0;
	s26 =	sadd.s32 $0x11800, s17;
	[dreg:$0xc] =	wrdreg s25  }
0x15: {  	[dreg:$0xd] =	wrdreg s26;
	s23 =	simm.s32 $0x7980;
	s24 =	simm.s32 $0x3  }
0x16: {  	v1 =	vimm.f32 $0.0e+00;
	v0 =	vmov s15;
	s25 =	simm.s32 $0x80;
	s26 =	simm.s32 $0x50;
	s0 =	simm.s32 $0x1  }
.LBB2_1:
0x17: {  	s13 =	sand.u32 $0xFE00, s3  }
0x18: {  	s14 =	sand.u32 $0x70, s3;
	s15 =	sshrl.u32 s13, $0x2  }
0x19: {  	s13 =	simm.s32 $0x40;
	s15 =	sor.u32 s14, s15;
	s14 =	simm.s32 $0x0  }
.LBB2_2:
0x1a: {  	p0 =	sne.s32 s13, $0x9FC0  }
0x1b: {  	[tilespmem:s15+$0x7980] =	vst v1;
	s14 =	sadd.s32 $0x10, s14;
	s15 =	smov.u32 s13;
	s13 =	sadd.s32 $0x40, s13  }
.Ltmp0:
0x1c: {  	(pc) =	sbr.rel @p0 .LBB2_2-.Ltmp0, $4  }
0x1d: {  	_ = 	snop  }
0x1e: {  	s15 =	sand.u32 $0xFE00, s15  }
0x1f: {  	s16 =	sand.u32 $0x70, s14;
	s15 =	sshrl.u32 s15, $0x2  }
0x20: {  	s15 =	sor.u32 s16, s15  }
0x21: {  	[tilespmem:s15+$0x7980] =	vst v1  }
0x22: {  	[spmem:s17] =	stream.linear.scatter [tilespmem:s23], [sflag:$0x3], $0x2800, $0x38;
	[tilespmem:$0x1E200] =	vst v63  }
0x23: {  	_ =	swait.ge [sflag:s24], $0x2800  }
0x24: {  	[sflag:s24] =	ssyncset.done $0x0  }
0x25: {  	s13 =	rddreg [dreg:$0x7];
	[sflag:s24] =	ssyncadd.s32 $0xFFFFD800  }
0x26: {  	[spmem:s13] =	stream.linear.scatter [tilespmem:s23], [sflag:$0x3], $0x2800, $0x38;
	[tilespmem:$0x1E200] =	vst v63  }
0x27: {  	_ =	swait.ge [sflag:s24], $0x2800  }
0x28: {  	[sflag:s24] =	ssyncset.done $0x0  }
0x29: {  	s17 =	rddreg [dreg:$0x8];
	[sflag:s24] =	ssyncadd.s32 $0xFFFFD800  }
0x2a: {  	[spmem:s17] =	stream.linear.scatter [tilespmem:s23], [sflag:$0x3], $0x2800, $0x38;
	[tilespmem:$0x1E200] =	vst v63  }
0x2b: {  	_ =	swait.ge [sflag:s24], $0x2800  }
0x2c: {  	[sflag:s24] =	ssyncset.done $0x0  }
0x2d: {  	s18 =	rddreg [dreg:$0x9];
	[sflag:s24] =	ssyncadd.s32 $0xFFFFD800  }
0x2e: {  	[spmem:s18] =	stream.linear.scatter [tilespmem:s23], [sflag:$0x3], $0x2800, $0x38;
	[tilespmem:$0x1E200] =	vst v63  }
0x2f: {  	_ =	swait.ge [sflag:s24], $0x2800  }
0x30: {  	[sflag:s24] =	ssyncset.done $0x0  }
0x31: {  	s19 =	rddreg [dreg:$0xa];
	[sflag:s24] =	ssyncadd.s32 $0xFFFFD800  }
0x32: {  	[spmem:s19] =	stream.linear.scatter [tilespmem:s23], [sflag:$0x3], $0x2800, $0x38;
	[tilespmem:$0x1E200] =	vst v63  }
0x33: {  	_ =	swait.ge [sflag:s24], $0x2800  }
0x34: {  	[sflag:s24] =	ssyncset.done $0x0  }
0x35: {  	s20 =	rddreg [dreg:$0xb];
	[sflag:s24] =	ssyncadd.s32 $0xFFFFD800  }
0x36: {  	[spmem:s20] =	stream.linear.scatter [tilespmem:s23], [sflag:$0x3], $0x2800, $0x38;
	[tilespmem:$0x1E200] =	vst v63  }
0x37: {  	_ =	swait.ge [sflag:s24], $0x2800  }
0x38: {  	[sflag:s24] =	ssyncset.done $0x0  }
0x39: {  	s21 =	rddreg [dreg:$0xc];
	[sflag:s24] =	ssyncadd.s32 $0xFFFFD800  }
0x3a: {  	[spmem:s21] =	stream.linear.scatter [tilespmem:s23], [sflag:$0x3], $0x2800, $0x38;
	[tilespmem:$0x1E200] =	vst v63  }
0x3b: {  	_ =	swait.ge [sflag:s24], $0x2800  }
0x3c: {  	[sflag:s24] =	ssyncset.done $0x0  }
0x3d: {  	s22 =	rddreg [dreg:$0xd];
	[sflag:s24] =	ssyncadd.s32 $0xFFFFD800  }
0x3e: {  	[spmem:s22] =	stream.linear.scatter [tilespmem:s23], [sflag:$0x3], $0x2800, $0x38;
	[tilespmem:$0x1E200] =	vst v63  }
0x3f: {  	_ =	swait.ge [sflag:s24], $0x2800  }
0x40: {  	v2 =	vimm.f32 $0.0e+00;
	v3 =	vimm.f32 $0.0e+00;
	[sflag:s24] =	ssyncset.done $0x0  }
0x41: {  	v6 =	vimm.f32 $0.0e+00;
	v8 =	vimm.f32 $0.0e+00;
	v4 =	vimm.f32 $0.0e+00;
	[sflag:s24] =	ssyncadd.s32 $0xFFFFD800  }
0x42: {  	s14 =	simm.s32 $0x0;
	v5 =	vimm.f32 $0.0e+00;
	v7 =	vimm.f32 $0.0e+00;
	v9 =	vimm.f32 $0.0e+00;
	s15 =	simm.s32 $0x0;
	[bflag:$0x0] =	sbarrier.arrive $0xFFFF  }
.LBB2_4:
0x43: {  	s13 =	smul.u32 $0x50, s15;
	_ =	sdelay $0x1  }
0x44: {  	s13 =	sadd.s32 s10, s13  }
0x45: {  	s16 =	sshrl.u32 s13, $0x3  }
0x46: {  	s17 =	sadd.s32 s7, s16  }
0x47: {  	[tilespmem:s14], [sflag:$0x3] =	stream.linear.gather [hbm4b:s17+s14], $0x50, $0x38;
	[tilespmem:$0x1E200] =	vst v63  }
0x48: {  	_ =	swait.ge [sflag:s24], $0x50  }
0x49: {  	[sflag:s24] =	ssyncset.done $0x0  }
0x4a: {  	s16 =	sadd.s32 s8, s16;
	[sflag:s24] =	ssyncadd.s32 $0xFFFFFFB0  }
0x4b: {  	[tilespmem:s25], [sflag:$0x3] =	stream.linear.gather [hbm4b:s16+s14], $0x50, $0x38;
	[tilespmem:$0x1E200] =	vst v63  }
0x4c: {  	_ =	swait.ge [sflag:s24], $0x50  }
0x4d: {  	[sflag:s24] =	ssyncset.done $0x0  }
0x4e: {  	[sflag:s24] =	ssyncadd.s32 $0xFFFFFFB0  }
0x4f: {  	v10 =	vld [tilespmem:$0x0]  }
0x50: {  	v11 =	vld [tilespmem:$0x80]  }
0x51: {  	v12 =	vld [tilespmem:$0x10]  }
0x52: {  	v13 =	vld [tilespmem:$0x90]  }
0x53: {  	v14 =	vld [tilespmem:$0x20]  }
0x54: {  	v15 =	vld [tilespmem:$0xA0];
	v10 =	vadd.s32 v0, v10  }
0x55: {  	[tilespmem:$0x0] =	vst v10;
	v10 =	vadd.s32 v0, v11;
	v11 =	vld [tilespmem:$0x30]  }
0x56: {  	[tilespmem:$0x100] =	vst v10;
	v10 =	vadd.s32 v0, v12;
	v12 =	vld [tilespmem:$0xB0]  }
0x57: {  	[tilespmem:$0x10] =	vst v10;
	v10 =	vadd.s32 v0, v13;
	v13 =	vld [tilespmem:$0x40]  }
0x58: {  	[tilespmem:$0x110] =	vst v10;
	v10 =	vadd.s32 v0, v14;
	v14 =	vld [tilespmem:$0xC0]  }
0x59: {  	[tilespmem:$0x20] =	vst v10;
	v10 =	vadd.s32 v0, v15  }
0x5a: {  	[tilespmem:$0x120] =	vst v10;
	v10 =	vadd.s32 v0, v11  }
0x5b: {  	[tilespmem:$0x30] =	vst v10;
	v10 =	vadd.s32 v0, v12  }
0x5c: {  	[tilespmem:$0x130] =	vst v10;
	v10 =	vadd.s32 v0, v13  }
0x5d: {  	s13 =	sshll.u32 s13, $0x7;
	[tilespmem:$0x40] =	vst v10;
	v10 =	vadd.s32 v0, v14  }
0x5e: {  	s13 =	sadd.s32 s11, s13;
	[tilespmem:$0x140] =	vst v10  }
0x5f: {  	[tilespmem:s28], [sflag:$0x1] =	stream.indirect.gather [hbm4b:s5+s26], $0x80, s14, s26, $0xb8;
	[tilespmem:$0x1E200] =	vst v63  }
0x60: {  	s16 =	sshrl.u32 s13, $0x3  }
0x61: {  	[tilespmem:s30], [sflag:$0x2] =	stream.indirect.gather [hbm4b:s6+s26], $0x80, s29, s26, $0xb8;
	[tilespmem:$0x1E200] =	vst v63  }
0x62: {  	s13 =	sadd.s32 s4, s16  }
0x63: {  	[tilespmem:s31], [sflag:$0x3] =	stream.linear.gather [hbm4b:s13+s14], $0x2800, $0x38;
	[tilespmem:$0x1E200] =	vst v63  }
0x64: {  	_ =	swait.ge [sflag:s24], $0x2800  }
0x65: {  	[sflag:s24] =	ssyncset.done $0x0  }
0x66: {  	[sflag:s24] =	ssyncadd.s32 $0xFFFFD800  }
0x67: {  	_ =	swait.ge [sflag:s0], $0x2800  }
0x68: {  	[sflag:s0] =	ssyncset.done $0x0  }
0x69: {  	[sflag:s0] =	ssyncadd.s32 $0xFFFFD800  }
0x6a: {  	_ =	swait.ge [sflag:s2], $0x2800  }
0x6b: {  	[sflag:s2] =	ssyncset.done $0x0  }
0x6c: {  	s19 =	simm.s32 $0x0;
	[sflag:s2] =	ssyncadd.s32 $0xFFFFD800  }
0x6d: {  	v10 =	vld [tilespmem:s19+$0x2980]  }
0x6e: {  	v11 =	vld [tilespmem:s19+$0x2990]  }
0x6f: {  	v12 =	vld [tilespmem:s19+$0x180]  }
0x70: {  	v13 =	vld [tilespmem:s19+$0x190]  }
0x71: {  	v17 =	vld [tilespmem:s19+$0x1A0]  }
0x72: {  	v14 =	vld [tilespmem:s19+$0x5180]  }
0x73: {  	v18 =	vld [tilespmem:s19+$0x1B0]  }
0x74: {  	v15 =	vld [tilespmem:s19+$0x5190]  }
0x75: {  	v19 =	vld [tilespmem:s19+$0x51A0]  }
0x76: {  	v20 =	vld [tilespmem:s19+$0x51B0]  }
0x77: {  	v21 =	vld [tilespmem:s19+$0x29A0];
	v12 =	vadd.f32 v12, v14  }
0x78: {  	v22 =	vld [tilespmem:s19+$0x29B0]  }
0x79: {  	v16 =	vld [tilespmem:s19+$0x1C0];
	v10 =	vadd.f32 v10, v12;
	v12 =	vadd.f32 v13, v15  }
0x7a: {  	v14 =	vld [tilespmem:s19+$0x1D0];
	v13 =	vadd.f32 v17, v19  }
0x7b: {  	v15 =	vld [tilespmem:s19+$0x1E0];
	v19 =	vadd.f32 v11, v12;
	v12 =	vadd.f32 v18, v20  }
0x7c: {  	s18 =	simm.s32 $0x80;
	v17 =	vld [tilespmem:s19+$0x1F0];
	[tilespmem:s19+$0x5180] =	vst v10;
	v21 =	vadd.f32 v21, v13  }
0x7d: {  	v11 =	vld [tilespmem:s18+$0x2980];
	[tilespmem:s19+$0x5190] =	vst v19;
	v22 =	vadd.f32 v22, v12  }
0x7e: {  	v13 =	vld [tilespmem:s18+$0x2990];
	[tilespmem:s19+$0x51A0] =	vst v21  }
0x7f: {  	v12 =	vld [tilespmem:s18+$0x180];
	[tilespmem:s19+$0x51B0] =	vst v22  }
0x80: {  	v20 =	vld [tilespmem:s18+$0x190]  }
0x81: {  	v28 =	vsub.f32 $0.0e+00, v10;
	v23 =	vld [tilespmem:s18+$0x1A0]  }
0x82: {  	v31 =	vmul.f32 v10, v10;
	v9 =	vadd.f32 v10, v9;
	v29 =	vsub.f32 $0.0e+00, v19;
	v24 =	vld [tilespmem:s18+$0x1B0]  }
0x83: {  	v32 =	vsub.f32 $0.0e+00, v21;
	v34 =	vmul.f32 v19, v19;
	v28 =	vmul.f32 $1.442695020e+00, v28;
	v18 =	vld [tilespmem:s18+$0x5180]  }
0x84: {  	v8 =	vadd.f32 v31, v8;
	v5 =	vadd.f32 v21, v5;
	v29 =	vmul.f32 $1.442695020e+00, v29;
	v25 =	vld [tilespmem:s18+$0x5190]  }
0x85: {  	v21 =	vmul.f32 v21, v21;
	v35 =	vsub.f32 $0.0e+00, v22;
	(erf) = vpow2.f32 v28;
	v26 =	vld [tilespmem:s18+$0x51A0]  }
0x86: {  	v27 =	vld [tilespmem:s18+$0x51B0];
	(erf) = vpow2.f32 v29;
	v29 =	vadd.f32 v22, v4;
	v4 =	vmul.f32 v22, v22  }
0x87: {  	v10 =	vadd.f32 v19, v7;
	v32 =	vmul.f32 $1.442695020e+00, v32;
	v30 =	vld [tilespmem:s18+$0x29A0];
	v3 =	vadd.f32 v21, v3  }
0x88: {  	v33 =	vld [tilespmem:s18+$0x29B0];
	v28 =	vmul.f32 $1.442695020e+00, v35;
	v61 =	vadd.f32 v4, v2;
	v12 =	vadd.f32 v12, v18  }
0x89: {  	(erf) = vpow2.f32 v32;
	v18 =	vld [tilespmem:s18+$0x1C0];
	v20 =	vadd.f32 v20, v25;
	v25 =	vadd.f32 v34, v6  }
0x8a: {  	v6 =	vadd.f32 v23, v26;
	v36 =	vadd.f32 v11, v12;
	v11 =	vld [tilespmem:s18+$0x1D0]  }
0x8b: {  	(erf) = vpow2.f32 v28;
	v7 =	vadd.f32 v24, v27;
	v12 =	vld [tilespmem:s18+$0x1E0];
	v23 =	vadd.f32 v13, v20  }
0x8c: {  	s17 =	simm.s32 $0x100;
	v13 =	vld [tilespmem:s18+$0x1F0];
	v26 =	vadd.f32 v30, v6;
	[tilespmem:s18+$0x5180] =	vst v36;
	v6 =	vsub.f32 $0.0e+00, v36  }
0x8d: {  	v30 =	vadd.f32 v33, v7;
	v7 =	vsub.f32 $0.0e+00, v23;
	v19 =	vld [tilespmem:s17+$0x2980];
	[tilespmem:s18+$0x5190] =	vst v23  }
0x8e: {  	v24 =	vmul.f32 v36, v36;
	v21 =	vsub.f32 $0.0e+00, v26;
	v20 =	vld [tilespmem:s17+$0x2990];
	[tilespmem:s18+$0x51A0] =	vst v26;
	v6 =	vmul.f32 $1.442695020e+00, v6  }
0x8f: {  	v27 =	vsub.f32 $0.0e+00, v30;
	v4 =	vmul.f32 v23, v23;
	v7 =	vmul.f32 $1.442695020e+00, v7;
	v31 =	vld [tilespmem:s17+$0x180];
	[tilespmem:s18+$0x51B0] =	vst v30  }
0x90: {  	v22 =	vpop (erf);
	v60 =	vld [tilespmem:s17+$0x190];
	(erf) = vpow2.f32 v6;
	v6 =	vmul.f32 $1.442695020e+00, v21  }
0x91: {  	v2 =	vpop (erf);
	v27 =	vmul.f32 $1.442695020e+00, v27;
	v21 =	vld [tilespmem:s17+$0x1A0];
	(erf) = vpow2.f32 v7  }
0x92: {  	v62 =	vadd.f32 $1.000000000e+00, v22;
	v5 =	vadd.f32 v26, v5;
	v28 =	vpop (erf);
	v22 =	vld [tilespmem:s17+$0x1B0];
	(erf) = vpow2.f32 v6  }
0x93: {  	v2 =	vadd.f32 $1.000000000e+00, v2;
	v63 =	vadd.f32 $1.000000000e+00, v28;
	v37 =	vld [tilespmem:s17+$0x5180];
	(erf) = vpow2.f32 v27  }
0x94: {  	v39 =	vld [tilespmem:s17+$0x5190];
	v7 =	vpop (erf);
	v6 =	vadd.f32 v24, v8;
	v8 =	vadd.f32 v4, v25;
	(erf) = vrcp.f32 v62  }
0x95: {  	v24 =	vld [tilespmem:s17+$0x51A0];
	v4 =	vadd.f32 v23, v10;
	v38 =	vadd.f32 $1.000000000e+00, v7;
	(erf) = vrcp.f32 v2  }
0x96: {  	v7 =	vadd.f32 v36, v9;
	v27 =	vld [tilespmem:s17+$0x51B0];
	v9 =	vmul.f32 v26, v26;
	(erf) = vrcp.f32 v63  }
0x97: {  	v28 =	vld [tilespmem:s17+$0x29A0];
	v25 =	vmul.f32 v30, v30;
	v2 =	vadd.f32 v30, v29;
	(erf) = vrcp.f32 v38  }
0x98: {  	v23 =	vadd.f32 v31, v37;
	v29 =	vld [tilespmem:s17+$0x29B0];
	v3 =	vadd.f32 v9, v3  }
0x99: {  	s20 =	simm.s32 $0x600;
	s21 =	simm.s32 $0x800;
	s22 =	simm.s32 $0xA00;
	v10 =	vld [tilespmem:s17+$0x1C0];
	v30 =	vadd.f32 v60, v39;
	v9 =	vadd.f32 v25, v61;
	v26 =	vpop (erf)  }
.LBB2_5:
0x9a: {  	p0 =	sne.s32 s22, $0x9E00;
	v23 =	vadd.f32 v19, v23;
	v25 =	vld [tilespmem:s17+$0x1D0];
	v19 =	vadd.f32 v21, v24;
	v21 =	vpop (erf)  }
0x9b: {  	v30 =	vadd.f32 v20, v30;
	v31 =	vld [tilespmem:s17+$0x1E0];
	v20 =	vadd.f32 v22, v27;
	v22 =	vpop (erf)  }
0x9c: {  	s13 =	sshra.s32 s20, $0x2;
	s20 =	smov.u32 s21;
	s21 =	smov.u32 s22;
	v24 =	vsub.f32 $0.0e+00, v23;
	[tilespmem:s17+$0x5180] =	vst v23;
	v27 =	vmul.f32 v23, v23;
	v28 =	vadd.f32 v28, v19;
	v32 =	vld [tilespmem:s17+$0x1F0];
	v33 =	vpop (erf)  }
0x9d: {  	v19 =	vld [tilespmem:s13+$0x2980];
	v34 =	vsub.f32 $0.0e+00, v30;
	[tilespmem:s17+$0x5190] =	vst v30;
	v35 =	vmul.f32 v30, v30;
	v29 =	vadd.f32 v29, v20;
	v36 =	vpop (erf)  }
0x9e: {  	v26 =	vadd.f32 $1.000000000e+00, v26;
	v20 =	vld [tilespmem:s13+$0x2990];
	v24 =	vmul.f32 $1.442695020e+00, v24;
	v37 =	vsub.f32 $0.0e+00, v28;
	[tilespmem:s17+$0x51A0] =	vst v28;
	v38 =	vpop (erf)  }
0x9f: {  	v41 =	vadd.f32 $1.000000000e+00, v21;
	v39 =	vld [tilespmem:s13+$0x180];
	v34 =	vmul.f32 $1.442695020e+00, v34;
	v40 =	vsub.f32 $0.0e+00, v29;
	[tilespmem:s17+$0x51B0] =	vst v29;
	v42 =	vpop (erf)  }
0xa0: {  	v44 =	vadd.f32 $1.000000000e+00, v22;
	v43 =	vld [tilespmem:s13+$0x190];
	v37 =	vmul.f32 $1.442695020e+00, v37;
	(erf) = vpow2.f32 v24;
	[tilespmem:s19+$0x79C0] =	vst v36;
	v45 =	vpop (erf)  }
0xa1: {  	v33 =	vadd.f32 $1.000000000e+00, v33;
	v21 =	vld [tilespmem:s13+$0x1A0];
	v24 =	vmul.f32 $1.442695020e+00, v40;
	(erf) = vpow2.f32 v34;
	[tilespmem:s19+$0x79D0] =	vst v38  }
0xa2: {  	v6 =	vadd.f32 v27, v6;
	v27 =	vmul.f32 v36, v16;
	v16 =	vmovc v18;
	v22 =	vld [tilespmem:s13+$0x1B0];
	(erf) = vpow2.f32 v37;
	[tilespmem:s19+$0x79E0] =	vst v42  }
0xa3: {  	v8 =	vadd.f32 v35, v8;
	v34 =	vmul.f32 v38, v14;
	v14 =	vmovc v11;
	v18 =	vld [tilespmem:s13+$0x5180];
	(erf) = vpow2.f32 v24;
	[tilespmem:s19+$0x79F0] =	vst v45  }
0xa4: {  	v7 =	vadd.f32 v23, v7;
	v23 =	vmul.f32 v42, v15;
	v11 =	vmovc v25;
	v35 =	vld [tilespmem:s13+$0x5190];
	(erf) = vrcp.f32 v26;
	[tilespmem:s19+$0x7980] =	vst v27  }
.Ltmp1:
0xa5: {  	v4 =	vadd.f32 v30, v4;
	v15 =	vmovc v12;
	v30 =	vmul.f32 v45, v17;
	v24 =	vld [tilespmem:s13+$0x51A0];
	(erf) = vrcp.f32 v41;
	[tilespmem:s19+$0x7990] =	vst v34;
	(pc) =	sbr.rel @p0 .LBB2_5-.Ltmp1, $4  }
0xa6: {  	v5 =	vadd.f32 v28, v5;
	v12 =	vmovc v31;
	v25 =	vmul.f32 v28, v28;
	v27 =	vld [tilespmem:s13+$0x51B0];
	(erf) = vrcp.f32 v44;
	[tilespmem:s19+$0x79A0] =	vst v23  }
0xa7: {  	v2 =	vadd.f32 v29, v2;
	v31 =	vmul.f32 v29, v29;
	v17 =	vmovc v13;
	v28 =	vld [tilespmem:s13+$0x29A0];
	(erf) = vrcp.f32 v33;
	[tilespmem:s19+$0x79B0] =	vst v30;
	s19 =	smov.u32 s18;
	s18 =	smov.u32 s17;
	s17 =	smov.u32 s13  }
0xa8: {  	v13 =	vmovc v32;
	v3 =	vadd.f32 v25, v3;
	v23 =	vadd.f32 v39, v18;
	v29 =	vld [tilespmem:s17+$0x29B0];
	v18 =	vmov v10  }
0xa9: {  	s22 =	sadd.s32 $0x200, s22;
	v9 =	vadd.f32 v31, v9;
	v10 =	vld [tilespmem:s17+$0x1C0];
	v30 =	vadd.f32 v43, v35;
	v26 =	vpop (erf)  }
0xaa: {  	v19 =	vadd.f32 v19, v23;
	v25 =	vld [tilespmem:s17+$0x1D0];
	v21 =	vadd.f32 v21, v24  }
0xab: {  	v23 =	vld [tilespmem:s17+$0x1E0];
	v20 =	vadd.f32 v20, v30;
	v22 =	vadd.f32 v22, v27  }
0xac: {  	s20 =	sshra.s32 s20, $0x2;
	v24 =	vld [tilespmem:s17+$0x1F0];
	v46 =	vpop (erf);
	[tilespmem:s17+$0x5180] =	vst v19;
	v21 =	vadd.f32 v28, v21  }
0xad: {  	v47 =	vpop (erf);
	v63 =	vld [tilespmem:s20+$0x2980];
	[tilespmem:s17+$0x5190] =	vst v20;
	v22 =	vadd.f32 v29, v22  }
0xae: {  	v32 =	vpop (erf);
	v41 =	vsub.f32 $0.0e+00, v19;
	v45 =	vld [tilespmem:s20+$0x2990];
	[tilespmem:s17+$0x51A0] =	vst v21  }
0xaf: {  	v33 =	vpop (erf);
	v48 =	vsub.f32 $0.0e+00, v20;
	v31 =	vld [tilespmem:s20+$0x180];
	[tilespmem:s17+$0x51B0] =	vst v22  }
0xb0: {  	v35 =	vpop (erf);
	v16 =	vmul.f32 v33, v16;
	v42 =	vsub.f32 $0.0e+00, v21;
	v41 =	vmul.f32 $1.442695020e+00, v41;
	v34 =	vld [tilespmem:s20+$0x190];
	[tilespmem:s19+$0x79C0] =	vst v33  }
0xb1: {  	v37 =	vpop (erf);
	v14 =	vmul.f32 v35, v14;
	v49 =	vmul.f32 $1.442695020e+00, v48;
	v50 =	vsub.f32 $0.0e+00, v22;
	v36 =	vld [tilespmem:s20+$0x1A0];
	[tilespmem:s19+$0x79D0] =	vst v35  }
0xb2: {  	v39 =	vpop (erf);
	v51 =	vmul.f32 $1.442695020e+00, v42;
	(erf) = vpow2.f32 v41;
	v38 =	vld [tilespmem:s20+$0x1B0];
	[tilespmem:s19+$0x79E0] =	vst v37  }
0xb3: {  	v54 =	vmul.f32 $1.442695020e+00, v50;
	(erf) = vpow2.f32 v49;
	v40 =	vld [tilespmem:s20+$0x5180];
	[tilespmem:s19+$0x79F0] =	vst v39  }
0xb4: {  	v53 =	vadd.f32 $1.000000000e+00, v26;
	v15 =	vmul.f32 v37, v15;
	(erf) = vpow2.f32 v51;
	v43 =	vld [tilespmem:s20+$0x5190];
	[tilespmem:s19+$0x7980] =	vst v16  }
0xb5: {  	v28 =	vadd.f32 $1.000000000e+00, v46;
	v17 =	vmul.f32 v39, v17;
	(erf) = vpow2.f32 v54;
	v52 =	vld [tilespmem:s20+$0x51A0];
	[tilespmem:s19+$0x7990] =	vst v14  }
0xb6: {  	v29 =	vadd.f32 $1.000000000e+00, v47;
	(erf) = vrcp.f32 v53;
	v55 =	vld [tilespmem:s20+$0x51B0];
	[tilespmem:s19+$0x79A0] =	vst v15  }
0xb7: {  	v61 =	vadd.f32 $1.000000000e+00, v32;
	(erf) = vrcp.f32 v28;
	v57 =	vld [tilespmem:s20+$0x29A0];
	[tilespmem:s19+$0x79B0] =	vst v17  }
0xb8: {  	(erf) = vrcp.f32 v29;
	v56 =	vadd.f32 v31, v40;
	v59 =	vld [tilespmem:s20+$0x29B0]  }
0xb9: {  	(erf) = vrcp.f32 v61;
	v26 =	vld [tilespmem:s20+$0x1C0];
	v58 =	vadd.f32 v34, v43  }
0xba: {  	v27 =	vld [tilespmem:s20+$0x1D0];
	v14 =	vadd.f32 v63, v56;
	v60 =	vadd.f32 v36, v52  }
0xbb: {  	v28 =	vld [tilespmem:s20+$0x1E0];
	v63 =	vpop (erf);
	v15 =	vadd.f32 v45, v58;
	v62 =	vadd.f32 v38, v55  }
0xbc: {  	s22 =	sshra.s32 s21, $0x2;
	v29 =	vld [tilespmem:s20+$0x1F0];
	v48 =	vpop (erf);
	[tilespmem:s20+$0x5180] =	vst v14;
	v16 =	vadd.f32 v57, v60  }
0xbd: {  	v30 =	vpop (erf);
	v32 =	vld [tilespmem:s22+$0x2980];
	[tilespmem:s20+$0x5190] =	vst v15;
	v17 =	vadd.f32 v59, v62  }
0xbe: {  	v36 =	vpop (erf);
	v33 =	vld [tilespmem:s22+$0x2990];
	[tilespmem:s20+$0x51A0] =	vst v16  }
0xbf: {  	v49 =	vpop (erf);
	v35 =	vld [tilespmem:s22+$0x180];
	[tilespmem:s20+$0x51B0] =	vst v17  }
0xc0: {  	v51 =	vpop (erf);
	v50 =	vld [tilespmem:s22+$0x190];
	[tilespmem:s18+$0x79C0] =	vst v49  }
0xc1: {  	v53 =	vpop (erf);
	v52 =	vld [tilespmem:s22+$0x1A0];
	[tilespmem:s18+$0x79D0] =	vst v51  }
0xc2: {  	v18 =	vmul.f32 v49, v18;
	v55 =	vpop (erf);
	v54 =	vld [tilespmem:s22+$0x1B0];
	[tilespmem:s18+$0x79E0] =	vst v53  }
0xc3: {  	v57 =	vsub.f32 $0.0e+00, v14;
	v11 =	vmul.f32 v51, v11;
	v44 =	vld [tilespmem:s22+$0x5180];
	[tilespmem:s18+$0x79F0] =	vst v55  }
0xc4: {  	v34 =	vadd.f32 $1.000000000e+00, v48;
	v60 =	vsub.f32 $0.0e+00, v15;
	v12 =	vmul.f32 v53, v12;
	v56 =	vld [tilespmem:s22+$0x5190];
	[tilespmem:s18+$0x7980] =	vst v18  }
0xc5: {  	v62 =	vadd.f32 $1.000000000e+00, v63;
	v13 =	vmul.f32 v55, v13;
	v58 =	vld [tilespmem:s22+$0x51A0];
	[tilespmem:s18+$0x7990] =	vst v11;
	v11 =	vmul.f32 $1.442695020e+00, v57  }
0xc6: {  	v30 =	vadd.f32 $1.000000000e+00, v30;
	v61 =	vsub.f32 $0.0e+00, v16;
	v59 =	vld [tilespmem:s22+$0x51B0];
	[tilespmem:s18+$0x79A0] =	vst v12  }
0xc7: {  	v63 =	vsub.f32 $0.0e+00, v17;
	(erf) = vpow2.f32 v11;
	v45 =	vld [tilespmem:s22+$0x29A0];
	[tilespmem:s18+$0x79B0] =	vst v13;
	v11 =	vmul.f32 $1.442695020e+00, v60  }
0xc8: {  	v36 =	vadd.f32 $1.000000000e+00, v36;
	v48 =	vmul.f32 $1.442695020e+00, v61;
	v35 =	vadd.f32 v35, v44;
	v49 =	vld [tilespmem:s22+$0x29B0]  }
0xc9: {  	v31 =	vmul.f32 $1.442695020e+00, v63;
	(erf) = vpow2.f32 v11;
	v37 =	vadd.f32 v50, v56  }
0xca: {  	(erf) = vpow2.f32 v48;
	v11 =	vadd.f32 v32, v35;
	v50 =	vadd.f32 v52, v58  }
0xcb: {  	(erf) = vpow2.f32 v31;
	v13 =	vadd.f32 v33, v37;
	v18 =	vadd.f32 v54, v59  }
0xcc: {  	(erf) = vrcp.f32 v62;
	v51 =	vsub.f32 $0.0e+00, v11;
	v12 =	vadd.f32 v45, v50  }
0xcd: {  	(erf) = vrcp.f32 v34;
	v52 =	vsub.f32 $0.0e+00, v13;
	v18 =	vadd.f32 v49, v18  }
0xce: {  	(erf) = vrcp.f32 v30;
	v53 =	vmul.f32 $1.442695020e+00, v51;
	v54 =	vsub.f32 $0.0e+00, v12  }
0xcf: {  	(erf) = vrcp.f32 v36;
	v32 =	vmul.f32 $1.442695020e+00, v52;
	v55 =	vsub.f32 $0.0e+00, v18  }
0xd0: {  	v31 =	vmul.f32 $1.442695020e+00, v54;
	(erf) = vpow2.f32 v53  }
0xd1: {  	v56 =	vpop (erf);
	v33 =	vmul.f32 $1.442695020e+00, v55;
	(erf) = vpow2.f32 v32  }
0xd2: {  	v58 =	vpop (erf);
	(erf) = vpow2.f32 v31  }
0xd3: {  	[tilespmem:s22+$0x5180] =	vst v11;
	v30 =	vadd.f32 $1.000000000e+00, v56;
	v60 =	vpop (erf);
	(erf) = vpow2.f32 v33  }
0xd4: {  	v57 =	vld [tilespmem:s22+$0x1C0];
	[tilespmem:s22+$0x5190] =	vst v13;
	v34 =	vadd.f32 $1.000000000e+00, v58;
	v62 =	vpop (erf)  }
0xd5: {  	v61 =	vld [tilespmem:s22+$0x1E0];
	[tilespmem:s22+$0x51A0] =	vst v12;
	v35 =	vadd.f32 $1.000000000e+00, v60;
	(erf) = vrcp.f32 v30;
	v40 =	vpop (erf)  }
0xd6: {  	v63 =	vld [tilespmem:s22+$0x1F0];
	[tilespmem:s22+$0x51B0] =	vst v18;
	v36 =	vadd.f32 $1.000000000e+00, v62;
	(erf) = vrcp.f32 v34;
	v41 =	vpop (erf);
	v10 =	vmul.f32 v40, v10  }
0xd7: {  	v59 =	vld [tilespmem:s22+$0x1D0];
	[tilespmem:s17+$0x79C0] =	vst v40;
	(erf) = vrcp.f32 v35;
	v42 =	vpop (erf)  }
0xd8: {  	(erf) = vrcp.f32 v36;
	v43 =	vpop (erf);
	[tilespmem:s17+$0x7980] =	vst v10;
	v10 =	vmul.f32 v42, v23  }
0xd9: {  	[tilespmem:s17+$0x79D0] =	vst v41;
	v44 =	vpop (erf)  }
0xda: {  	[tilespmem:s17+$0x79E0] =	vst v42;
	v45 =	vpop (erf)  }
0xdb: {  	v25 =	vmul.f32 v41, v25;
	[tilespmem:s17+$0x79F0] =	vst v43;
	v34 =	vadd.f32 $1.000000000e+00, v44;
	v46 =	vpop (erf)  }
0xdc: {  	v24 =	vmul.f32 v43, v24;
	[tilespmem:s17+$0x79A0] =	vst v10;
	v23 =	vadd.f32 $1.000000000e+00, v45;
	v10 =	vpop (erf)  }
0xdd: {  	[tilespmem:s17+$0x7990] =	vst v25;
	v25 =	vadd.f32 $1.000000000e+00, v46;
	(erf) = vrcp.f32 v34;
	v10 =	vadd.f32 $1.000000000e+00, v10  }
0xde: {  	[tilespmem:s17+$0x79B0] =	vst v24;
	v47 =	vpop (erf);
	(erf) = vrcp.f32 v23  }
0xdf: {  	v48 =	vpop (erf);
	[tilespmem:s20+$0x79C0] =	vst v47;
	(erf) = vrcp.f32 v25  }
0xe0: {  	v49 =	vpop (erf);
	[tilespmem:s20+$0x79D0] =	vst v48  }
0xe1: {  	v24 =	vmul.f32 v47, v26;
	(erf) = vrcp.f32 v10;
	[tilespmem:s20+$0x79E0] =	vst v49;
	v10 =	vpop (erf)  }
0xe2: {  	v23 =	vmul.f32 v48, v27;
	[tilespmem:s20+$0x79F0] =	vst v10;
	v10 =	vmul.f32 v10, v29  }
0xe3: {  	[tilespmem:s20+$0x7980] =	vst v24;
	v50 =	vmul.f32 v49, v28  }
0xe4: {  	[tilespmem:s20+$0x7990] =	vst v23  }
0xe5: {  	[tilespmem:s20+$0x79A0] =	vst v50  }
0xe6: {  	[tilespmem:s20+$0x79B0] =	vst v10;
	v10 =	vpop (erf)  }
0xe7: {  	v53 =	vpop (erf);
	[tilespmem:s22+$0x79C0] =	vst v10  }
0xe8: {  	v10 =	vmul.f32 v10, v57;
	v54 =	vpop (erf);
	[tilespmem:s22+$0x79D0] =	vst v53  }
0xe9: {  	v7 =	vadd.f32 v19, v7;
	v5 =	vadd.f32 v21, v5;
	[tilespmem:s22+$0x79E0] =	vst v54  }
0xea: {  	v4 =	vadd.f32 v20, v4;
	v2 =	vadd.f32 v22, v2;
	v25 =	vmul.f32 v53, v59;
	v56 =	vpop (erf);
	[tilespmem:s22+$0x7980] =	vst v10  }
0xeb: {  	v7 =	vadd.f32 v14, v7;
	v5 =	vadd.f32 v16, v5;
	v10 =	vmul.f32 v54, v61;
	[tilespmem:s22+$0x79F0] =	vst v56  }
0xec: {  	v4 =	vadd.f32 v15, v4;
	v51 =	vmul.f32 v19, v19;
	[tilespmem:s22+$0x7990] =	vst v25;
	v60 =	vmul.f32 v56, v63  }
0xed: {  	v2 =	vadd.f32 v17, v2;
	v5 =	vadd.f32 v12, v5;
	v52 =	vmul.f32 v20, v20;
	[tilespmem:s22+$0x79A0] =	vst v10  }
0xee: {  	s13 =	sadd.s32 s9, s16;
	v6 =	vadd.f32 v51, v6;
	v55 =	vmul.f32 v21, v21;
	v57 =	vmul.f32 v22, v22;
	[tilespmem:s22+$0x79B0] =	vst v60  }
0xef: {  	v8 =	vadd.f32 v52, v8;
	v58 =	vmul.f32 v14, v14;
	v59 =	vmul.f32 v15, v15;
	[hbm4b:s13+s3] =	stream.linear.scatter [tilespmem:s31], [sflag:$0x3], $0x2800, $0x38;
	[tilespmem:$0x1E200] =	vst v63  }
0xf0: {  	s15 =	sadd.s32 $0x1, s15;
	v3 =	vadd.f32 v55, v3;
	v9 =	vadd.f32 v57, v9;
	v61 =	vmul.f32 v17, v17;
	_ =	swait.ge [sflag:s24], $0x2800  }
0xf1: {  	p0 =	sne.s32 s15, $0xFA;
	v6 =	vadd.f32 v58, v6;
	v10 =	vadd.f32 v59, v8;
	v8 =	vmul.f32 v16, v16;
	[sflag:s24] =	ssyncset.done $0x0  }
.Ltmp2:
0xf2: {  	v62 =	vmul.f32 v11, v11;
	v63 =	vmul.f32 v13, v13;
	v14 =	vadd.f32 v61, v9;
	[sflag:s24] =	ssyncadd.s32 $0xFFFFD800;
	(pc) =	sbr.rel @p0 .LBB2_4-.Ltmp2, $4  }
0xf3: {  	v9 =	vadd.f32 v11, v7;
	v11 =	vmul.f32 v18, v18;
	v3 =	vadd.f32 v8, v3;
	[spmem:s1] =	stream.indirect.scatter.add.f32 [tilespmem:s23], [sflag:$0x3], $0x80, s25, s26, $0xb8;
	[tilespmem:$0x1E200] =	vst v63  }
0xf4: {  	v8 =	vadd.f32 v62, v6;
	v6 =	vadd.f32 v63, v10;
	v10 =	vmul.f32 v12, v12;
	_ =	swait.ge [sflag:s24], $0x2800  }
0xf5: {  	v7 =	vadd.f32 v13, v4;
	v4 =	vadd.f32 v18, v2;
	[sflag:s24] =	ssyncset.done $0x0  }
0xf6: {  	v2 =	vadd.f32 v11, v14;
	v3 =	vadd.f32 v10, v3;
	[sflag:s24] =	ssyncadd.s32 $0xFFFFD800  }
0xf7: {  	[tilespmem:$0xA180] =	vst v9  }
0xf8: {  	[tilespmem:$0xA1C0] =	vst v8  }
0xf9: {  	[tilespmem:$0xA190] =	vst v7  }
0xfa: {  	[tilespmem:$0xA1D0] =	vst v6  }
0xfb: {  	[tilespmem:$0xA1A0] =	vst v5  }
0xfc: {  	[tilespmem:$0xA1B0] =	vst v4  }
0xfd: {  	[tilespmem:$0xA1E0] =	vst v3  }
0xfe: {  	s13 =	rddreg [dreg:$0x3];
	s14 =	simm.s32 $0xA180;
	[tilespmem:$0xA1F0] =	vst v2  }
0xff: {  	[hbm4b:s13+s3] =	stream.linear.scatter [tilespmem:s14], [sflag:$0x3], $0x80, $0x38;
	[tilespmem:$0x1E200] =	vst v63  }
0x100: {  	_ =	swait.ge [sflag:s24], $0x80  }
0x101: {  	[sflag:s24] =	ssyncset.done $0x0  }
0x102: {  	[sflag:s24] =	ssyncadd.s32 $0xFFFFFF80  }
0x103: {  	s20 =	stileid.u32;
	[bflag:$0x0] =	sbarrier.arrive $0xFFFF  }
0x104: {  	s13 =	sshll.u32 s20, $0x6;
	s17 =	rddreg [dreg:$0x4]  }
0x105: {  	s13 =	sor.u32 $0x1C03, s13;
	s15 =	rddreg [dreg:$0x5];
	s21 =	sshrl.u32 s17, $0x3  }
0x106: {  	[hbm:s15], [sflag:s13] =	dma.local [spmem:s21], $0x2800  }
0x107: {  	_ =	swait.ge [sflag:s24], $0x2800  }
0x108: {  	s12 =	sadd.s32 $0x1, s12;
	s22 =	rddreg [dreg:$0x6]  }
0x109: {  	p0 =	sne.s32 s12, s22  }
.Ltmp3:
0x10a: {  	_ = 	snop;
	(pc) =	sbr.rel @p0 .LBB2_1-.Ltmp3, $3  }
0x10b: {  	_ =	sdelay $0x1  }
0x10c: {  	[sflag:s24] =	ssyncset.done $0x0  }
0x10d: {  	[sflag:s24] =	ssyncadd.s32 $0xFFFFD800  }
0x10e: {  	_ =	sfence.sel $0x180000  }
0x10f: {  	[bflag:$0x0] =	sbarrier.arrive $0xFFFF  }
0x110: {  	_ =	strace $0x9000004A  }
0x111: {  	s0 =	stileid.u32;
	[bflag:$0x2] =	sbarrier.arrive $0xFFFF  }
0x112: {  	p0 =	sne.s32 s0, $0x0;
	s0 =	rddreg [dreg:$0x2]  }
0x113: {  	s0 =	sadd.s32 @!p0 $0x100000, s0  }
0x114: {  	[sflag:s0] =	ssyncadd.tile.s32 @!p0 $0x1;
	_ =	shalt  }
.Lfunc_end2:
_tile_overlayer_lowered:
.L_overlay_start_2:
0x115: {  	(tag) =	ssettag $0x2  }
0x116: {  	s0 =	rddreg [dreg:$0x0];
	s2 =	stileid.u32  }
0x117: {  	s1 =	rddreg [dreg:$0x1];
	p0 =	sne.s32 s2, $0x0  }
0x118: {  	s3 =	rddreg [dreg:$0x2];
	[bflag:$0x3] =	sbarrier.arrive $0xFFFF;
	s2 =	simm.s32 @!p0 $0x1C03  }
0x119: {  	[timem:s3], [sflag:s2] =	dma.local @!p0 [hbm:s0], s1  }
0x11a: {  	s0 =	simm.s32 @!p0 $0x3  }
0x11b: {  	_ =	swait.ge @!p0 [sflag:s0], s1  }
0x11c: {  	s1 =	ssub.s32 @!p0 $0x0, s1;
	[sflag:s0] =	ssyncset.done @!p0 $0x0  }
0x11d: {  	[sflag:s0] =	ssyncadd.s32 @!p0 s1  }
0x11e: {  	[bflag:$0x3] =	sbarrier.arrive $0xFFFF  }
0x11f: {  	_ =	shalt  }

// kernel: kernel.25.cloned.1.call-start
scs
__scs_entry_jumppad:
0x0: {  	(pc) =	sbr.rel $0x88, $3  }
0x1: {  	(tag) =	ssettag $0x0;
	lr =	simm.s32 $0x1  }
0x2: {  	[smem:$0x3F8C] =	sst lr;
	_ =	strace $0xD0000000  }
0x3: {  	_ = 	snop  }
0x4: {  	_ = 	snop  }
0x5: {  	_ = 	snop  }
0x6: {  	_ = 	snop  }
0x7: {  	_ = 	snop  }
__scs_overlays_trampoline_lowered:
0x8: {  	[smem:$0x3F9B] =	sst s0  }
0x9: {  	[smem:$0x3F9C] =	sst s1  }
0xa: {  	[smem:$0x3F9D] =	sst s2  }
0xb: {  	[smem:$0x3F9E] =	sst s3  }
0xc: {  	[smem:$0x3F9F] =	sst s4  }
0xd: {  	[smem:$0x3FA0] =	sst s5  }
0xe: {  	[smem:$0x3FA1] =	sst s6  }
0xf: {  	[smem:$0x3FA2] =	sst s7  }
0x10: {  	[smem:$0x3FA3] =	sst s8  }
0x11: {  	[smem:$0x3FA4] =	sst s9;
	s0 =	simm.s32 @!p0 $0x0  }
0x12: {  	s1 =	sld [smem:$0x3F8A];
	s0 =	simm.s32 @p0 $0x1  }
0x13: {  	[smem:$0x3FA5] =	sst s0;
	s0 =	simm.s32 @!p1 $0x0  }
0x14: {  	s2 =	sld [smem:$0x3F89];
	s0 =	simm.s32 @p1 $0x1  }
0x15: {  	[smem:$0x3FA6] =	sst s0;
	s0 =	simm.s32 @!p2 $0x0  }
0x16: {  	s3 =	sld [smem:$0x3FDB];
	s0 =	simm.s32 @p2 $0x1  }
0x17: {  	s4 =	simm.s32 $0x1BF5;
	[smem:$0x3FA8] =	sst s0  }
0x18: {  	s0 =	sld [smem:$0x3F8B];
	_ =	swait.ge [sflag:s4], $0x0  }
0x19: {  	s7 =	sld [smem:$0x3F8C]  }
0x1a: {  	s8 =	sadd.s32 $0xFFFFE003, lr  }
0x1b: {  	s9 =	sadd.s32 $0xFFFFFEF7, lr;
	s5 =	simm.s32 $0xFFFFFFFF;
	p2 =	slt.u32 s8, $0xFFFFF086  }
0x1c: {  	p1 =	slt.u32 s9, $0xF7A;
	s5 =	simm.s32 @!p2 $0x0  }
0x1d: {  	s5 =	simm.s32 @p1 $0x1;
	p0 =	seq.s32 s7, s2  }
0x1e: {  	s7 =	smul.u32 @!p0 $0xF7A, s2;
	p2 =	seq.s32 @!p0 s5, $0x0  }
0x1f: {  	s9 =	smul.u32 $0xF7A, s1;
	s8 =	simm.s32 @!p0 $0x1BF5;
	p2 =	por !p2, p0  }
0x20: {  	[sflag:s8] =	ssyncset.s32 @!p0 $0xFFFFF086;
	s6 =	sadd.s32 @!p0 s3, s7;
	s7 =	simm.s32 @!p0 $0x108  }
0x21: {  	s3 =	sadd.s32 s3, s9;
	s6 =	sadd.s32 @!p0 $0x88, s6;
	s7 =	simm.s32 @p2 $0x1082  }
0x22: {  	[simem:s7], [sflag:s8] =	dma.local @!p0 [hbm:s6], $0xF7A  }
0x23: {  	s9 =	sor.u32 $0xD0000000, s2;
	s6 =	simm.s32 $0x108;
	_ =	swait.ge @!p0 [sflag:s8], $0x0  }
0x24: {  	s3 =	sadd.s32 $0x88, s3;
	s6 =	simm.s32 @!p1 $0x1082;
	[sflag:s4] =	ssyncset.s32 $0xFFFFF086  }
0x25: {  	[simem:s6], [sflag:s4] =	dma.local [hbm:s3], $0xF7A  }
0x26: {  	[smem:$0x3F8C] =	sst s1;
	(tag) =	ssettag s2;
	_ =	strace s9  }
0x27: {  	s1 =	sld [smem:$0x3F9C]  }
0x28: {  	s2 =	sld [smem:$0x3F9D]  }
0x29: {  	s4 =	sld [smem:$0x3F9F]  }
0x2a: {  	p0 =	seq.s32 s5, $0x0;
	s5 =	sld [smem:$0x3FA0]  }
0x2b: {  	s6 =	sld [smem:$0x3FA1]  }
0x2c: {  	s7 =	sld [smem:$0x3FA2]  }
0x2d: {  	s3 =	simm.s32 $0x108;
	s8 =	sld [smem:$0x3FA3]  }
0x2e: {  	s3 =	simm.s32 @!p0 $0x1082;
	s9 =	sld [smem:$0x3FA4]  }
0x2f: {  	lr =	sadd.s32 s0, s3;
	s0 =	sld [smem:$0x3F9B]  }
0x30: {  	s3 =	sld [smem:$0x3F9E]  }
0x31: {  	[smem:$0x3FA7] =	sst s10  }
0x32: {  	s10 =	sld [smem:$0x3FA5];
	_ =	sdelay $0x3  }
0x33: {  	p0 =	seq.s32 s10, $0x1;
	s10 =	sld [smem:$0x3FA7];
	_ =	sdelay $0x3  }
0x34: {  	[smem:$0x3FA7] =	sst s10  }
0x35: {  	s10 =	sld [smem:$0x3FA6];
	_ =	sdelay $0x3  }
0x36: {  	p1 =	seq.s32 s10, $0x1;
	s10 =	sld [smem:$0x3FA7];
	_ =	sdelay $0x3  }
0x37: {  	[smem:$0x3FA7] =	sst s10  }
0x38: {  	s10 =	sld [smem:$0x3FA8]  }
0x39: {  	_ = 	snop;
	(pc) =	sbr.ind lr, $3  }
0x3a: {  	_ = 	snop  }
0x3b: {  	_ = 	snop  }
0x3c: {  	p2 =	seq.s32 s10, $0x1;
	s10 =	sld [smem:$0x3FA7]  }
0x3d: {  	_ =	shalt  }
0x3e: {  	_ =	shalt  }
0x3f: {  	_ =	shalt  }
0x40: {  	_ =	shalt  }
0x41: {  	_ =	shalt  }
0x42: {  	_ =	shalt  }
0x43: {  	_ =	shalt  }
0x44: {  	_ =	shalt  }
0x45: {  	_ =	shalt  }
0x46: {  	_ =	shalt  }
0x47: {  	_ =	shalt  }
0x48: {  	_ =	shalt  }
0x49: {  	_ =	shalt  }
0x4a: {  	_ =	shalt  }
0x4b: {  	_ =	shalt  }
0x4c: {  	_ =	shalt  }
0x4d: {  	_ =	shalt  }
0x4e: {  	_ =	shalt  }
0x4f: {  	_ =	shalt  }
0x50: {  	_ =	shalt  }
0x51: {  	_ =	shalt  }
0x52: {  	_ =	shalt  }
0x53: {  	_ =	shalt  }
0x54: {  	_ =	shalt  }
0x55: {  	_ =	shalt  }
0x56: {  	_ =	shalt  }
0x57: {  	_ =	shalt  }
0x58: {  	_ =	shalt  }
0x59: {  	_ =	shalt  }
0x5a: {  	_ =	shalt  }
0x5b: {  	_ =	shalt  }
0x5c: {  	_ =	shalt  }
0x5d: {  	_ =	shalt  }
0x5e: {  	_ =	shalt  }
0x5f: {  	_ =	shalt  }
0x60: {  	_ =	shalt  }
0x61: {  	_ =	shalt  }
0x62: {  	_ =	shalt  }
0x63: {  	_ =	shalt  }
0x64: {  	_ =	shalt  }
0x65: {  	_ =	shalt  }
0x66: {  	_ =	shalt  }
0x67: {  	_ =	shalt  }
0x68: {  	_ =	shalt  }
0x69: {  	_ =	shalt  }
0x6a: {  	_ =	shalt  }
0x6b: {  	_ =	shalt  }
0x6c: {  	_ =	shalt  }
0x6d: {  	_ =	shalt  }
0x6e: {  	_ =	shalt  }
0x6f: {  	_ =	shalt  }
0x70: {  	_ =	shalt  }
0x71: {  	_ =	shalt  }
0x72: {  	_ =	shalt  }
0x73: {  	_ =	shalt  }
0x74: {  	_ =	shalt  }
0x75: {  	_ =	shalt  }
0x76: {  	_ =	shalt  }
0x77: {  	_ =	shalt  }
0x78: {  	_ =	shalt  }
0x79: {  	_ =	shalt  }
0x7a: {  	_ =	shalt  }
0x7b: {  	_ =	shalt  }
0x7c: {  	_ =	shalt  }
0x7d: {  	_ =	shalt  }
0x7e: {  	_ =	shalt  }
0x7f: {  	_ =	shalt  }
0x80: {  	_ =	shalt  }
0x81: {  	_ =	shalt  }
0x82: {  	_ =	shalt  }
0x83: {  	_ =	shalt  }
0x84: {  	_ =	shalt  }
0x85: {  	_ =	shalt  }
0x86: {  	_ =	shalt  }
0x87: {  	_ =	shalt  }
.Lfunc_end0:
.L_simem_size_0:
called_computation.2_lowered:
.L_overlay_start_0:
0x88: {  	s2 =	sld [smem:$0x3FD9]  }
0x89: {  	s3 =	sld [smem:$0x3FFE];
	_ =	sdelay $0x1  }
0x8a: {  	s1 =	srdreg.scid  }
0x8b: {  	s0 =	sand.u32 $0x1, s1  }
0x8c: {  	s16 =	sshll.u32 s0, $0xA;
	s2 =	sadd.s32 s3, s2  }
0x8d: {  	s2 =	sadd.s32 s2, s16  }
0x8e: {  	[smem:$0x3FB3] =	sst s2  }
0x8f: {  	_ = 	snop  }
0x90: {  	(tm) =	ssettm $0x1  }
0x91: {  	s17 =	sld [smem:$0x3FFB];
	_ =	sdelay $0x3  }
0x92: {  	_ =	strace s17  }
0x93: {  	s2 =	sld [smem:$0x3FFC];
	_ =	sdelay $0x3  }
0x94: {  	_ =	strace s2  }
0x95: {  	s2 =	sld [smem:$0x3FFD];
	_ =	sdelay $0x3  }
0x96: {  	_ =	strace s2  }
0x97: {  	_ =	strace $0x8FFFFFFF  }
0x98: {  	s18 =	sld [smem:$0x3FDB];
	_ =	sdelay $0x1  }
0x99: {  	s19 =	simm.s32 $_scs_section_size  }
0x9a: {  	s4 =	simm.s32 $_size__tile_overlayer_lowered;
	s5 =	simm.s32 $_tile_overlayer_lowered  }
0x9b: {  	s22 =	simm.s32 $0x1BFF;
	s21 =	sshll.u32 s5, $0x1;
	s2 =	sadd.s32 s19, s18  }
0x9c: {  	s6 =	simm.s32 $0x0;
	s20 =	sshll.u32 s4, $0x1;
	s4 =	sadd.s32 s21, s2  }
0x9d: {  	[timem:s6], [sflag:s22] =	dma.local [hbm:s4], s20  }
0x9e: {  	_ =	swait.ge [sflag:s22], s20  }
0x9f: {  	s3 =	ssub.s32 $0x0, s20;
	[sflag:s22] =	ssyncset.done $0x0  }
0xa0: {  	[sflag:s22] =	ssyncadd.s32 s3;
	_ =	sdelay $0x1  }
0xa1: {  	s23 =	simm.s32 $0x1B8B  }
0xa2: {  	_ =	swait.ge [sflag:s23], $0x1  }
0xa3: {  	[sflag:s23] =	ssyncset.done $0x0  }
0xa4: {  	s25 =	simm.s32 $0x1B8E;
	s24 =	sld [smem:$0x3FFE];
	[sflag:s23] =	ssyncadd.s32 $0xFFFFFFFF  }
0xa5: {  	s26 =	simm.s32 $execute0_lowered;
	[smem:$0x3FD2] =	sst s25  }
0xa6: {  	s4 =	sshll.u32 s26, $0x1;
	_ =	strace $0x8000004C;
	[dreg:$0x1] =	wrdreg $0xFFFFFFFF  }
0xa7: {  	s28 =	simm.s32 $_size_execute0_lowered;
	s2 =	sadd.s32 s2, s4;
	[dreg:$0x0] =	wrdreg $0x0  }
0xa8: {  	s4 =	sshll.u32 s28, $0x1;
	[dreg:$0x2] =	wrdreg s2  }
0xa9: {  	[dreg:$0x3] =	wrdreg s4  }
0xaa: {  	[dreg:$0x4] =	wrdreg $0xC0  }
0xab: {  	_ =	task [dreg:s6], $0x5FFFF  }
0xac: {  	[dreg:$0x1] =	wrdreg $0xFFFFFFFF  }
0xad: {  	[dreg:$0x0] =	wrdreg $0x60  }
0xae: {  	[dreg:$0x2] =	wrdreg s24  }
0xaf: {  	[dreg:$0x3] =	wrdreg $0xA2000  }
0xb0: {  	[dreg:$0x4] =	wrdreg $0x9  }
0xb1: {  	_ =	task.clear_ibuf [dreg:s6], $0x5FFFF;
	_ =	strace $0x9000004C  }
0xb2: {  	s29 =	simm.s32 $0x9;
	_ =	strace $0x8000004E  }
0xb3: {  	_ =	swait.ge [sflag:s29], $0x1  }
0xb4: {  	[sflag:s29] =	ssyncadd.s32 $0xFFFFFFFF  }
0xb5: {  	_ =	strace $0x9000004E  }
0xb6: {  	_ =	sfence  }
0xb7: {  	s30 =	sld [smem:$0x0];
	_ =	sdelay $0x2  }
0xb8: {  	s31 =	sshll.u32 s1, $0xD;
	s1 =	sshrl.u32 s1, $0x2  }
0xb9: {  	s3 =	sand.u32 $0x4000, s31;
	s1 =	sadd.s32 s1, s30  }
0xba: {  	s0 =	sor.u32 s3, s0;
	s1 =	sshll.u32 s1, $0x11  }
0xbb: {  	s0 =	sor.u32 s1, s0  }
0xbc: {  	s0 =	sadd.s32 $0x8F2B, s0  }
0xbd: {  	[sflag:s0] =	ssyncadd.remote.s32 $0x1  }
0xbe: {  	_ =	sfence.sel $0xFFFF  }
0xbf: {  	[dreg:$0x0] =	wrdreg $0xFFFFFFFF;
	(pc) =	sbr.abs _section_cstart, $3  }
0xc0: {  	[dreg:$0x1] =	wrdreg $0xFFFFFFFF  }
0xc1: {  	_ =	task.clear_ibuf [dreg:s6], $0x2FFFF;
	_ =	strace $0x9FFFFFFF  }
0xc2: {  	(tm) =	ssettm $0x7FFFFFFF  }
0xc3: {  	_ =	shalt  }
tec
execute0_lowered:
.L_overlay_start_1:
0x0: {  	(tag) =	ssettag $0x1  }
0x1: {  	s0 =	rddreg [dreg:$0x0]  }
0x2: {  	s1 =	rddreg [dreg:$0x1];
	s3 =	simm.s32 $0x0;
	s16 =	stileid.u32  }
0x3: {  	s2 =	srdreg.scid;
	s28 =	simm.s32 $0x180;
	s9 =	smul.u32 $0x14000, s16  }
0x4: {  	s2 =	sand.u32 $0x1, s2;
	s4 =	sadd.s32 $0x50C200, s0;
	s5 =	sadd.s32 $0xF1E400, s0  }
0x5: {  	[smem:$0x7FF] =	sst s3;
	s6 =	sadd.s32 $0xED0200, s0;
	s8 =	smul.u32 $0x140000, s2  }
0x6: {  	s7 =	sadd.s32 $0x15A00, s0;
	s14 =	sshll.u32 s16, $0x4;
	s13 =	smul.u32 $0x50000, s16  }
0x7: {  	_ =	strace $0x8000004D;
	s11 =	ssub.s32 $0x2, s2;
	s10 =	sadd.s32 s9, s8  }
0x8: {  	s17 =	sshll.u32 s2, $0x8;
	s15 =	sshrl.u32 s11, $0x1;
	s10 =	sshrl.u32 s10, $0x3  }
0x9: {  	s8 =	sadd.s32 $0xBC00, s0;
	s9 =	sadd.s32 $0xFE3800, s0;
	s12 =	sadd.s32 s10, s0  }
0xa: {  	s0 =	sadd.s32 s14, s0;
	s14 =	ssub.s32 s11, s15;
	s18 =	sadd.s32 $0xF93800, s12  }
0xb: {  	s13 =	sshrl.u32 s13, $0x2;
	s19 =	smax.u32 s14, $0x1;
	[dreg:$0x5] =	wrdreg s18  }
0xc: {  	s0 =	sadd.s32 s17, s0;
	s17 =	sadd.s32 s13, s1;
	[dreg:$0x6] =	wrdreg s19  }
0xd: {  	s29 =	simm.s32 $0x100;
	s0 =	sadd.s32 $0x507800, s0;
	[dreg:$0x4] =	wrdreg s17  }
0xe: {  	s30 =	simm.s32 $0x2980;
	s20 =	sadd.s32 $0x2800, s17;
	[dreg:$0x3] =	wrdreg s0  }
0xf: {  	s31 =	simm.s32 $0x5180;
	s21 =	sadd.s32 $0x5000, s17;
	[dreg:$0x7] =	wrdreg s20  }
0x10: {  	s15 =	smul.u32 $0x2710, s2;
	s22 =	sadd.s32 $0x7800, s17;
	[dreg:$0x8] =	wrdreg s21  }
0x11: {  	s10 =	smul.u32 $0x4E20, s16;
	s23 =	sadd.s32 $0xA000, s17;
	[dreg:$0x9] =	wrdreg s22  }
0x12: {  	s11 =	smul.u32 $0x2710000, s2;
	s24 =	sadd.s32 $0xC800, s17;
	[dreg:$0xa] =	wrdreg s23  }
0x13: {  	s2 =	simm.s32 $0x2;
	s25 =	sadd.s32 $0xF000, s17;
	[dreg:$0xb] =	wrdreg s24  }
0x14: {  	s12 =	simm.s32 $0x0;
	s26 =	sadd.s32 $0x11800, s17;
	[dreg:$0xc] =	wrdreg s25  }
0x15: {  	[dreg:$0xd] =	wrdreg s26;
	s23 =	simm.s32 $0x7980;
	s24 =	simm.s32 $0x3  }
0x16: {  	v1 =	vimm.f32 $0.0e+00;
	v0 =	vmov s15;
	s25 =	simm.s32 $0x80;
	s26 =	simm.s32 $0x50;
	s0 =	simm.s32 $0x1  }
.LBB2_1:
0x17: {  	s13 =	sand.u32 $0xFE00, s3  }
0x18: {  	s14 =	sand.u32 $0x70, s3;
	s15 =	sshrl.u32 s13, $0x2  }
0x19: {  	s13 =	simm.s32 $0x40;
	s15 =	sor.u32 s14, s15;
	s14 =	simm.s32 $0x0  }
.LBB2_2:
0x1a: {  	p0 =	sne.s32 s13, $0x9FC0  }
0x1b: {  	[tilespmem:s15+$0x7980] =	vst v1;
	s14 =	sadd.s32 $0x10, s14;
	s15 =	smov.u32 s13;
	s13 =	sadd.s32 $0x40, s13  }
.Ltmp0:
0x1c: {  	(pc) =	sbr.rel @p0 .LBB2_2-.Ltmp0, $4  }
0x1d: {  	_ = 	snop  }
0x1e: {  	s15 =	sand.u32 $0xFE00, s15  }
0x1f: {  	s16 =	sand.u32 $0x70, s14;
	s15 =	sshrl.u32 s15, $0x2  }
0x20: {  	s15 =	sor.u32 s16, s15  }
0x21: {  	[tilespmem:s15+$0x7980] =	vst v1  }
0x22: {  	[spmem:s17] =	stream.linear.scatter [tilespmem:s23], [sflag:$0x3], $0x2800, $0x38;
	[tilespmem:$0x1E200] =	vst v63  }
0x23: {  	_ =	swait.ge [sflag:s24], $0x2800  }
0x24: {  	[sflag:s24] =	ssyncset.done $0x0  }
0x25: {  	s13 =	rddreg [dreg:$0x7];
	[sflag:s24] =	ssyncadd.s32 $0xFFFFD800  }
0x26: {  	[spmem:s13] =	stream.linear.scatter [tilespmem:s23], [sflag:$0x3], $0x2800, $0x38;
	[tilespmem:$0x1E200] =	vst v63  }
0x27: {  	_ =	swait.ge [sflag:s24], $0x2800  }
0x28: {  	[sflag:s24] =	ssyncset.done $0x0  }
0x29: {  	s17 =	rddreg [dreg:$0x8];
	[sflag:s24] =	ssyncadd.s32 $0xFFFFD800  }
0x2a: {  	[spmem:s17] =	stream.linear.scatter [tilespmem:s23], [sflag:$0x3], $0x2800, $0x38;
	[tilespmem:$0x1E200] =	vst v63  }
0x2b: {  	_ =	swait.ge [sflag:s24], $0x2800  }
0x2c: {  	[sflag:s24] =	ssyncset.done $0x0  }
0x2d: {  	s18 =	rddreg [dreg:$0x9];
	[sflag:s24] =	ssyncadd.s32 $0xFFFFD800  }
0x2e: {  	[spmem:s18] =	stream.linear.scatter [tilespmem:s23], [sflag:$0x3], $0x2800, $0x38;
	[tilespmem:$0x1E200] =	vst v63  }
0x2f: {  	_ =	swait.ge [sflag:s24], $0x2800  }
0x30: {  	[sflag:s24] =	ssyncset.done $0x0  }
0x31: {  	s19 =	rddreg [dreg:$0xa];
	[sflag:s24] =	ssyncadd.s32 $0xFFFFD800  }
0x32: {  	[spmem:s19] =	stream.linear.scatter [tilespmem:s23], [sflag:$0x3], $0x2800, $0x38;
	[tilespmem:$0x1E200] =	vst v63  }
0x33: {  	_ =	swait.ge [sflag:s24], $0x2800  }
0x34: {  	[sflag:s24] =	ssyncset.done $0x0  }
0x35: {  	s20 =	rddreg [dreg:$0xb];
	[sflag:s24] =	ssyncadd.s32 $0xFFFFD800  }
0x36: {  	[spmem:s20] =	stream.linear.scatter [tilespmem:s23], [sflag:$0x3], $0x2800, $0x38;
	[tilespmem:$0x1E200] =	vst v63  }
0x37: {  	_ =	swait.ge [sflag:s24], $0x2800  }
0x38: {  	[sflag:s24] =	ssyncset.done $0x0  }
0x39: {  	s21 =	rddreg [dreg:$0xc];
	[sflag:s24] =	ssyncadd.s32 $0xFFFFD800  }
0x3a: {  	[spmem:s21] =	stream.linear.scatter [tilespmem:s23], [sflag:$0x3], $0x2800, $0x38;
	[tilespmem:$0x1E200] =	vst v63  }
0x3b: {  	_ =	swait.ge [sflag:s24], $0x2800  }
0x3c: {  	[sflag:s24] =	ssyncset.done $0x0  }
0x3d: {  	s22 =	rddreg [dreg:$0xd];
	[sflag:s24] =	ssyncadd.s32 $0xFFFFD800  }
0x3e: {  	[spmem:s22] =	stream.linear.scatter [tilespmem:s23], [sflag:$0x3], $0x2800, $0x38;
	[tilespmem:$0x1E200] =	vst v63  }
0x3f: {  	_ =	swait.ge [sflag:s24], $0x2800  }
0x40: {  	v2 =	vimm.f32 $0.0e+00;
	v3 =	vimm.f32 $0.0e+00;
	[sflag:s24] =	ssyncset.done $0x0  }
0x41: {  	v6 =	vimm.f32 $0.0e+00;
	v8 =	vimm.f32 $0.0e+00;
	v4 =	vimm.f32 $0.0e+00;
	[sflag:s24] =	ssyncadd.s32 $0xFFFFD800  }
0x42: {  	s14 =	simm.s32 $0x0;
	v5 =	vimm.f32 $0.0e+00;
	v7 =	vimm.f32 $0.0e+00;
	v9 =	vimm.f32 $0.0e+00;
	s15 =	simm.s32 $0x0;
	[bflag:$0x0] =	sbarrier.arrive $0xFFFF  }
.LBB2_4:
0x43: {  	s13 =	smul.u32 $0x50, s15;
	_ =	sdelay $0x1  }
0x44: {  	s13 =	sadd.s32 s10, s13  }
0x45: {  	s16 =	sshrl.u32 s13, $0x3  }
0x46: {  	s17 =	sadd.s32 s7, s16  }
0x47: {  	[tilespmem:s14], [sflag:$0x3] =	stream.linear.gather [hbm4b:s17+s14], $0x50, $0x38;
	[tilespmem:$0x1E200] =	vst v63  }
0x48: {  	_ =	swait.ge [sflag:s24], $0x50  }
0x49: {  	[sflag:s24] =	ssyncset.done $0x0  }
0x4a: {  	s16 =	sadd.s32 s8, s16;
	[sflag:s24] =	ssyncadd.s32 $0xFFFFFFB0  }
0x4b: {  	[tilespmem:s25], [sflag:$0x3] =	stream.linear.gather [hbm4b:s16+s14], $0x50, $0x38;
	[tilespmem:$0x1E200] =	vst v63  }
0x4c: {  	_ =	swait.ge [sflag:s24], $0x50  }
0x4d: {  	[sflag:s24] =	ssyncset.done $0x0  }
0x4e: {  	[sflag:s24] =	ssyncadd.s32 $0xFFFFFFB0  }
0x4f: {  	v10 =	vld [tilespmem:$0x0]  }
0x50: {  	v11 =	vld [tilespmem:$0x80]  }
0x51: {  	v12 =	vld [tilespmem:$0x10]  }
0x52: {  	v13 =	vld [tilespmem:$0x90]  }
0x53: {  	v14 =	vld [tilespmem:$0x20]  }
0x54: {  	v15 =	vld [tilespmem:$0xA0];
	v10 =	vadd.s32 v0, v10  }
0x55: {  	[tilespmem:$0x0] =	vst v10;
	v10 =	vadd.s32 v0, v11;
	v11 =	vld [tilespmem:$0x30]  }
0x56: {  	[tilespmem:$0x100] =	vst v10;
	v10 =	vadd.s32 v0, v12;
	v12 =	vld [tilespmem:$0xB0]  }
0x57: {  	[tilespmem:$0x10] =	vst v10;
	v10 =	vadd.s32 v0, v13;
	v13 =	vld [tilespmem:$0x40]  }
0x58: {  	[tilespmem:$0x110] =	vst v10;
	v10 =	vadd.s32 v0, v14;
	v14 =	vld [tilespmem:$0xC0]  }
0x59: {  	[tilespmem:$0x20] =	vst v10;
	v10 =	vadd.s32 v0, v15  }
0x5a: {  	[tilespmem:$0x120] =	vst v10;
	v10 =	vadd.s32 v0, v11  }
0x5b: {  	[tilespmem:$0x30] =	vst v10;
	v10 =	vadd.s32 v0, v12  }
0x5c: {  	[tilespmem:$0x130] =	vst v10;
	v10 =	vadd.s32 v0, v13  }
0x5d: {  	s13 =	sshll.u32 s13, $0x7;
	[tilespmem:$0x40] =	vst v10;
	v10 =	vadd.s32 v0, v14  }
0x5e: {  	s13 =	sadd.s32 s11, s13;
	[tilespmem:$0x140] =	vst v10  }
0x5f: {  	[tilespmem:s28], [sflag:$0x1] =	stream.indirect.gather [hbm4b:s5+s26], $0x80, s14, s26, $0xb8;
	[tilespmem:$0x1E200] =	vst v63  }
0x60: {  	s16 =	sshrl.u32 s13, $0x3  }
0x61: {  	[tilespmem:s30], [sflag:$0x2] =	stream.indirect.gather [hbm4b:s6+s26], $0x80, s29, s26, $0xb8;
	[tilespmem:$0x1E200] =	vst v63  }
0x62: {  	s13 =	sadd.s32 s4, s16  }
0x63: {  	[tilespmem:s31], [sflag:$0x3] =	stream.linear.gather [hbm4b:s13+s14], $0x2800, $0x38;
	[tilespmem:$0x1E200] =	vst v63  }
0x64: {  	_ =	swait.ge [sflag:s24], $0x2800  }
0x65: {  	[sflag:s24] =	ssyncset.done $0x0  }
0x66: {  	[sflag:s24] =	ssyncadd.s32 $0xFFFFD800  }
0x67: {  	_ =	swait.ge [sflag:s0], $0x2800  }
0x68: {  	[sflag:s0] =	ssyncset.done $0x0  }
0x69: {  	[sflag:s0] =	ssyncadd.s32 $0xFFFFD800  }
0x6a: {  	_ =	swait.ge [sflag:s2], $0x2800  }
0x6b: {  	[sflag:s2] =	ssyncset.done $0x0  }
0x6c: {  	s19 =	simm.s32 $0x0;
	[sflag:s2] =	ssyncadd.s32 $0xFFFFD800  }
0x6d: {  	v10 =	vld [tilespmem:s19+$0x2980]  }
0x6e: {  	v11 =	vld [tilespmem:s19+$0x2990]  }
0x6f: {  	v12 =	vld [tilespmem:s19+$0x180]  }
0x70: {  	v13 =	vld [tilespmem:s19+$0x190]  }
0x71: {  	v17 =	vld [tilespmem:s19+$0x1A0]  }
0x72: {  	v14 =	vld [tilespmem:s19+$0x5180]  }
0x73: {  	v18 =	vld [tilespmem:s19+$0x1B0]  }
0x74: {  	v15 =	vld [tilespmem:s19+$0x5190]  }
0x75: {  	v19 =	vld [tilespmem:s19+$0x51A0]  }
0x76: {  	v20 =	vld [tilespmem:s19+$0x51B0]  }
0x77: {  	v21 =	vld [tilespmem:s19+$0x29A0];
	v12 =	vadd.f32 v12, v14  }
0x78: {  	v22 =	vld [tilespmem:s19+$0x29B0]  }
0x79: {  	v16 =	vld [tilespmem:s19+$0x1C0];
	v10 =	vadd.f32 v10, v12;
	v12 =	vadd.f32 v13, v15  }
0x7a: {  	v14 =	vld [tilespmem:s19+$0x1D0];
	v13 =	vadd.f32 v17, v19  }
0x7b: {  	v15 =	vld [tilespmem:s19+$0x1E0];
	v19 =	vadd.f32 v11, v12;
	v12 =	vadd.f32 v18, v20  }
0x7c: {  	s18 =	simm.s32 $0x80;
	v17 =	vld [tilespmem:s19+$0x1F0];
	[tilespmem:s19+$0x5180] =	vst v10;
	v21 =	vadd.f32 v21, v13  }
0x7d: {  	v11 =	vld [tilespmem:s18+$0x2980];
	[tilespmem:s19+$0x5190] =	vst v19;
	v22 =	vadd.f32 v22, v12  }
0x7e: {  	v13 =	vld [tilespmem:s18+$0x2990];
	[tilespmem:s19+$0x51A0] =	vst v21  }
0x7f: {  	v12 =	vld [tilespmem:s18+$0x180];
	[tilespmem:s19+$0x51B0] =	vst v22  }
0x80: {  	v20 =	vld [tilespmem:s18+$0x190]  }
0x81: {  	v28 =	vsub.f32 $0.0e+00, v10;
	v23 =	vld [tilespmem:s18+$0x1A0]  }
0x82: {  	v31 =	vmul.f32 v10, v10;
	v9 =	vadd.f32 v10, v9;
	v29 =	vsub.f32 $0.0e+00, v19;
	v24 =	vld [tilespmem:s18+$0x1B0]  }
0x83: {  	v32 =	vsub.f32 $0.0e+00, v21;
	v34 =	vmul.f32 v19, v19;
	v28 =	vmul.f32 $1.442695020e+00, v28;
	v18 =	vld [tilespmem:s18+$0x5180]  }
0x84: {  	v8 =	vadd.f32 v31, v8;
	v5 =	vadd.f32 v21, v5;
	v29 =	vmul.f32 $1.442695020e+00, v29;
	v25 =	vld [tilespmem:s18+$0x5190]  }
0x85: {  	v21 =	vmul.f32 v21, v21;
	v35 =	vsub.f32 $0.0e+00, v22;
	(erf) = vpow2.f32 v28;
	v26 =	vld [tilespmem:s18+$0x51A0]  }
0x86: {  	v27 =	vld [tilespmem:s18+$0x51B0];
	(erf) = vpow2.f32 v29;
	v29 =	vadd.f32 v22, v4;
	v4 =	vmul.f32 v22, v22  }
0x87: {  	v10 =	vadd.f32 v19, v7;
	v32 =	vmul.f32 $1.442695020e+00, v32;
	v30 =	vld [tilespmem:s18+$0x29A0];
	v3 =	vadd.f32 v21, v3  }
0x88: {  	v33 =	vld [tilespmem:s18+$0x29B0];
	v28 =	vmul.f32 $1.442695020e+00, v35;
	v61 =	vadd.f32 v4, v2;
	v12 =	vadd.f32 v12, v18  }
0x89: {  	(erf) = vpow2.f32 v32;
	v18 =	vld [tilespmem:s18+$0x1C0];
	v20 =	vadd.f32 v20, v25;
	v25 =	vadd.f32 v34, v6  }
0x8a: {  	v6 =	vadd.f32 v23, v26;
	v36 =	vadd.f32 v11, v12;
	v11 =	vld [tilespmem:s18+$0x1D0]  }
0x8b: {  	(erf) = vpow2.f32 v28;
	v7 =	vadd.f32 v24, v27;
	v12 =	vld [tilespmem:s18+$0x1E0];
	v23 =	vadd.f32 v13, v20  }
0x8c: {  	s17 =	simm.s32 $0x100;
	v13 =	vld [tilespmem:s18+$0x1F0];
	v26 =	vadd.f32 v30, v6;
	[tilespmem:s18+$0x5180] =	vst v36;
	v6 =	vsub.f32 $0.0e+00, v36  }
0x8d: {  	v30 =	vadd.f32 v33, v7;
	v7 =	vsub.f32 $0.0e+00, v23;
	v19 =	vld [tilespmem:s17+$0x2980];
	[tilespmem:s18+$0x5190] =	vst v23  }
0x8e: {  	v24 =	vmul.f32 v36, v36;
	v21 =	vsub.f32 $0.0e+00, v26;
	v20 =	vld [tilespmem:s17+$0x2990];
	[tilespmem:s18+$0x51A0] =	vst v26;
	v6 =	vmul.f32 $1.442695020e+00, v6  }
0x8f: {  	v27 =	vsub.f32 $0.0e+00, v30;
	v4 =	vmul.f32 v23, v23;
	v7 =	vmul.f32 $1.442695020e+00, v7;
	v31 =	vld [tilespmem:s17+$0x180];
	[tilespmem:s18+$0x51B0] =	vst v30  }
0x90: {  	v22 =	vpop (erf);
	v60 =	vld [tilespmem:s17+$0x190];
	(erf) = vpow2.f32 v6;
	v6 =	vmul.f32 $1.442695020e+00, v21  }
0x91: {  	v2 =	vpop (erf);
	v27 =	vmul.f32 $1.442695020e+00, v27;
	v21 =	vld [tilespmem:s17+$0x1A0];
	(erf) = vpow2.f32 v7  }
0x92: {  	v62 =	vadd.f32 $1.000000000e+00, v22;
	v5 =	vadd.f32 v26, v5;
	v28 =	vpop (erf);
	v22 =	vld [tilespmem:s17+$0x1B0];
	(erf) = vpow2.f32 v6  }
0x93: {  	v2 =	vadd.f32 $1.000000000e+00, v2;
	v63 =	vadd.f32 $1.000000000e+00, v28;
	v37 =	vld [tilespmem:s17+$0x5180];
	(erf) = vpow2.f32 v27  }
0x94: {  	v39 =	vld [tilespmem:s17+$0x5190];
	v7 =	vpop (erf);
	v6 =	vadd.f32 v24, v8;
	v8 =	vadd.f32 v4, v25;
	(erf) = vrcp.f32 v62  }
0x95: {  	v24 =	vld [tilespmem:s17+$0x51A0];
	v4 =	vadd.f32 v23, v10;
	v38 =	vadd.f32 $1.000000000e+00, v7;
	(erf) = vrcp.f32 v2  }
0x96: {  	v7 =	vadd.f32 v36, v9;
	v27 =	vld [tilespmem:s17+$0x51B0];
	v9 =	vmul.f32 v26, v26;
	(erf) = vrcp.f32 v63  }
0x97: {  	v28 =	vld [tilespmem:s17+$0x29A0];
	v25 =	vmul.f32 v30, v30;
	v2 =	vadd.f32 v30, v29;
	(erf) = vrcp.f32 v38  }
0x98: {  	v23 =	vadd.f32 v31, v37;
	v29 =	vld [tilespmem:s17+$0x29B0];
	v3 =	vadd.f32 v9, v3  }
0x99: {  	s20 =	simm.s32 $0x600;
	s21 =	simm.s32 $0x800;
	s22 =	simm.s32 $0xA00;
	v10 =	vld [tilespmem:s17+$0x1C0];
	v30 =	vadd.f32 v60, v39;
	v9 =	vadd.f32 v25, v61;
	v26 =	vpop (erf)  }
.LBB2_5:
0x9a: {  	p0 =	sne.s32 s22, $0x9E00;
	v23 =	vadd.f32 v19, v23;
	v25 =	vld [tilespmem:s17+$0x1D0];
	v19 =	vadd.f32 v21, v24;
	v21 =	vpop (erf)  }
0x9b: {  	v30 =	vadd.f32 v20, v30;
	v31 =	vld [tilespmem:s17+$0x1E0];
	v20 =	vadd.f32 v22, v27;
	v22 =	vpop (erf)  }
0x9c: {  	s13 =	sshra.s32 s20, $0x2;
	s20 =	smov.u32 s21;
	s21 =	smov.u32 s22;
	v24 =	vsub.f32 $0.0e+00, v23;
	[tilespmem:s17+$0x5180] =	vst v23;
	v27 =	vmul.f32 v23, v23;
	v28 =	vadd.f32 v28, v19;
	v32 =	vld [tilespmem:s17+$0x1F0];
	v33 =	vpop (erf)  }
0x9d: {  	v19 =	vld [tilespmem:s13+$0x2980];
	v34 =	vsub.f32 $0.0e+00, v30;
	[tilespmem:s17+$0x5190] =	vst v30;
	v35 =	vmul.f32 v30, v30;
	v29 =	vadd.f32 v29, v20;
	v36 =	vpop (erf)  }
0x9e: {  	v26 =	vadd.f32 $1.000000000e+00, v26;
	v20 =	vld [tilespmem:s13+$0x2990];
	v24 =	vmul.f32 $1.442695020e+00, v24;
	v37 =	vsub.f32 $0.0e+00, v28;
	[tilespmem:s17+$0x51A0] =	vst v28;
	v38 =	vpop (erf)  }
0x9f: {  	v41 =	vadd.f32 $1.000000000e+00, v21;
	v39 =	vld [tilespmem:s13+$0x180];
	v34 =	vmul.f32 $1.442695020e+00, v34;
	v40 =	vsub.f32 $0.0e+00, v29;
	[tilespmem:s17+$0x51B0] =	vst v29;
	v42 =	vpop (erf)  }
0xa0: {  	v44 =	vadd.f32 $1.000000000e+00, v22;
	v43 =	vld [tilespmem:s13+$0x190];
	v37 =	vmul.f32 $1.442695020e+00, v37;
	(erf) = vpow2.f32 v24;
	[tilespmem:s19+$0x79C0] =	vst v36;
	v45 =	vpop (erf)  }
0xa1: {  	v33 =	vadd.f32 $1.000000000e+00, v33;
	v21 =	vld [tilespmem:s13+$0x1A0];
	v24 =	vmul.f32 $1.442695020e+00, v40;
	(erf) = vpow2.f32 v34;
	[tilespmem:s19+$0x79D0] =	vst v38  }
0xa2: {  	v6 =	vadd.f32 v27, v6;
	v27 =	vmul.f32 v36, v16;
	v16 =	vmovc v18;
	v22 =	vld [tilespmem:s13+$0x1B0];
	(erf) = vpow2.f32 v37;
	[tilespmem:s19+$0x79E0] =	vst v42  }
0xa3: {  	v8 =	vadd.f32 v35, v8;
	v34 =	vmul.f32 v38, v14;
	v14 =	vmovc v11;
	v18 =	vld [tilespmem:s13+$0x5180];
	(erf) = vpow2.f32 v24;
	[tilespmem:s19+$0x79F0] =	vst v45  }
0xa4: {  	v7 =	vadd.f32 v23, v7;
	v23 =	vmul.f32 v42, v15;
	v11 =	vmovc v25;
	v35 =	vld [tilespmem:s13+$0x5190];
	(erf) = vrcp.f32 v26;
	[tilespmem:s19+$0x7980] =	vst v27  }
.Ltmp1:
0xa5: {  	v4 =	vadd.f32 v30, v4;
	v15 =	vmovc v12;
	v30 =	vmul.f32 v45, v17;
	v24 =	vld [tilespmem:s13+$0x51A0];
	(erf) = vrcp.f32 v41;
	[tilespmem:s19+$0x7990] =	vst v34;
	(pc) =	sbr.rel @p0 .LBB2_5-.Ltmp1, $4  }
0xa6: {  	v5 =	vadd.f32 v28, v5;
	v12 =	vmovc v31;
	v25 =	vmul.f32 v28, v28;
	v27 =	vld [tilespmem:s13+$0x51B0];
	(erf) = vrcp.f32 v44;
	[tilespmem:s19+$0x79A0] =	vst v23  }
0xa7: {  	v2 =	vadd.f32 v29, v2;
	v31 =	vmul.f32 v29, v29;
	v17 =	vmovc v13;
	v28 =	vld [tilespmem:s13+$0x29A0];
	(erf) = vrcp.f32 v33;
	[tilespmem:s19+$0x79B0] =	vst v30;
	s19 =	smov.u32 s18;
	s18 =	smov.u32 s17;
	s17 =	smov.u32 s13  }
0xa8: {  	v13 =	vmovc v32;
	v3 =	vadd.f32 v25, v3;
	v23 =	vadd.f32 v39, v18;
	v29 =	vld [tilespmem:s17+$0x29B0];
	v18 =	vmov v10  }
0xa9: {  	s22 =	sadd.s32 $0x200, s22;
	v9 =	vadd.f32 v31, v9;
	v10 =	vld [tilespmem:s17+$0x1C0];
	v30 =	vadd.f32 v43, v35;
	v26 =	vpop (erf)  }
0xaa: {  	v19 =	vadd.f32 v19, v23;
	v25 =	vld [tilespmem:s17+$0x1D0];
	v21 =	vadd.f32 v21, v24  }
0xab: {  	v23 =	vld [tilespmem:s17+$0x1E0];
	v20 =	vadd.f32 v20, v30;
	v22 =	vadd.f32 v22, v27  }
0xac: {  	s20 =	sshra.s32 s20, $0x2;
	v24 =	vld [tilespmem:s17+$0x1F0];
	v46 =	vpop (erf);
	[tilespmem:s17+$0x5180] =	vst v19;
	v21 =	vadd.f32 v28, v21  }
0xad: {  	v47 =	vpop (erf);
	v63 =	vld [tilespmem:s20+$0x2980];
	[tilespmem:s17+$0x5190] =	vst v20;
	v22 =	vadd.f32 v29, v22  }
0xae: {  	v32 =	vpop (erf);
	v41 =	vsub.f32 $0.0e+00, v19;
	v45 =	vld [tilespmem:s20+$0x2990];
	[tilespmem:s17+$0x51A0] =	vst v21  }
0xaf: {  	v33 =	vpop (erf);
	v48 =	vsub.f32 $0.0e+00, v20;
	v31 =	vld [tilespmem:s20+$0x180];
	[tilespmem:s17+$0x51B0] =	vst v22  }
0xb0: {  	v35 =	vpop (erf);
	v16 =	vmul.f32 v33, v16;
	v42 =	vsub.f32 $0.0e+00, v21;
	v41 =	vmul.f32 $1.442695020e+00, v41;
	v34 =	vld [tilespmem:s20+$0x190];
	[tilespmem:s19+$0x79C0] =	vst v33  }
0xb1: {  	v37 =	vpop (erf);
	v14 =	vmul.f32 v35, v14;
	v49 =	vmul.f32 $1.442695020e+00, v48;
	v50 =	vsub.f32 $0.0e+00, v22;
	v36 =	vld [tilespmem:s20+$0x1A0];
	[tilespmem:s19+$0x79D0] =	vst v35  }
0xb2: {  	v39 =	vpop (erf);
	v51 =	vmul.f32 $1.442695020e+00, v42;
	(erf) = vpow2.f32 v41;
	v38 =	vld [tilespmem:s20+$0x1B0];
	[tilespmem:s19+$0x79E0] =	vst v37  }
0xb3: {  	v54 =	vmul.f32 $1.442695020e+00, v50;
	(erf) = vpow2.f32 v49;
	v40 =	vld [tilespmem:s20+$0x5180];
	[tilespmem:s19+$0x79F0] =	vst v39  }
0xb4: {  	v53 =	vadd.f32 $1.000000000e+00, v26;
	v15 =	vmul.f32 v37, v15;
	(erf) = vpow2.f32 v51;
	v43 =	vld [tilespmem:s20+$0x5190];
	[tilespmem:s19+$0x7980] =	vst v16  }
0xb5: {  	v28 =	vadd.f32 $1.000000000e+00, v46;
	v17 =	vmul.f32 v39, v17;
	(erf) = vpow2.f32 v54;
	v52 =	vld [tilespmem:s20+$0x51A0];
	[tilespmem:s19+$0x7990] =	vst v14  }
0xb6: {  	v29 =	vadd.f32 $1.000000000e+00, v47;
	(erf) = vrcp.f32 v53;
	v55 =	vld [tilespmem:s20+$0x51B0];
	[tilespmem:s19+$0x79A0] =	vst v15  }
0xb7: {  	v61 =	vadd.f32 $1.000000000e+00, v32;
	(erf) = vrcp.f32 v28;
	v57 =	vld [tilespmem:s20+$0x29A0];
	[tilespmem:s19+$0x79B0] =	vst v17  }
0xb8: {  	(erf) = vrcp.f32 v29;
	v56 =	vadd.f32 v31, v40;
	v59 =	vld [tilespmem:s20+$0x29B0]  }
0xb9: {  	(erf) = vrcp.f32 v61;
	v26 =	vld [tilespmem:s20+$0x1C0];
	v58 =	vadd.f32 v34, v43  }
0xba: {  	v27 =	vld [tilespmem:s20+$0x1D0];
	v14 =	vadd.f32 v63, v56;
	v60 =	vadd.f32 v36, v52  }
0xbb: {  	v28 =	vld [tilespmem:s20+$0x1E0];
	v63 =	vpop (erf);
	v15 =	vadd.f32 v45, v58;
	v62 =	vadd.f32 v38, v55  }
0xbc: {  	s22 =	sshra.s32 s21, $0x2;
	v29 =	vld [tilespmem:s20+$0x1F0];
	v48 =	vpop (erf);
	[tilespmem:s20+$0x5180] =	vst v14;
	v16 =	vadd.f32 v57, v60  }
0xbd: {  	v30 =	vpop (erf);
	v32 =	vld [tilespmem:s22+$0x2980];
	[tilespmem:s20+$0x5190] =	vst v15;
	v17 =	vadd.f32 v59, v62  }
0xbe: {  	v36 =	vpop (erf);
	v33 =	vld [tilespmem:s22+$0x2990];
	[tilespmem:s20+$0x51A0] =	vst v16  }
0xbf: {  	v49 =	vpop (erf);
	v35 =	vld [tilespmem:s22+$0x180];
	[tilespmem:s20+$0x51B0] =	vst v17  }
0xc0: {  	v51 =	vpop (erf);
	v50 =	vld [tilespmem:s22+$0x190];
	[tilespmem:s18+$0x79C0] =	vst v49  }
0xc1: {  	v53 =	vpop (erf);
	v52 =	vld [tilespmem:s22+$0x1A0];
	[tilespmem:s18+$0x79D0] =	vst v51  }
0xc2: {  	v18 =	vmul.f32 v49, v18;
	v55 =	vpop (erf);
	v54 =	vld [tilespmem:s22+$0x1B0];
	[tilespmem:s18+$0x79E0] =	vst v53  }
0xc3: {  	v57 =	vsub.f32 $0.0e+00, v14;
	v11 =	vmul.f32 v51, v11;
	v44 =	vld [tilespmem:s22+$0x5180];
	[tilespmem:s18+$0x79F0] =	vst v55  }
0xc4: {  	v34 =	vadd.f32 $1.000000000e+00, v48;
	v60 =	vsub.f32 $0.0e+00, v15;
	v12 =	vmul.f32 v53, v12;
	v56 =	vld [tilespmem:s22+$0x5190];
	[tilespmem:s18+$0x7980] =	vst v18  }
0xc5: {  	v62 =	vadd.f32 $1.000000000e+00, v63;
	v13 =	vmul.f32 v55, v13;
	v58 =	vld [tilespmem:s22+$0x51A0];
	[tilespmem:s18+$0x7990] =	vst v11;
	v11 =	vmul.f32 $1.442695020e+00, v57  }
0xc6: {  	v30 =	vadd.f32 $1.000000000e+00, v30;
	v61 =	vsub.f32 $0.0e+00, v16;
	v59 =	vld [tilespmem:s22+$0x51B0];
	[tilespmem:s18+$0x79A0] =	vst v12  }
0xc7: {  	v63 =	vsub.f32 $0.0e+00, v17;
	(erf) = vpow2.f32 v11;
	v45 =	vld [tilespmem:s22+$0x29A0];
	[tilespmem:s18+$0x79B0] =	vst v13;
	v11 =	vmul.f32 $1.442695020e+00, v60  }
0xc8: {  	v36 =	vadd.f32 $1.000000000e+00, v36;
	v48 =	vmul.f32 $1.442695020e+00, v61;
	v35 =	vadd.f32 v35, v44;
	v49 =	vld [tilespmem:s22+$0x29B0]  }
0xc9: {  	v31 =	vmul.f32 $1.442695020e+00, v63;
	(erf) = vpow2.f32 v11;
	v37 =	vadd.f32 v50, v56  }
0xca: {  	(erf) = vpow2.f32 v48;
	v11 =	vadd.f32 v32, v35;
	v50 =	vadd.f32 v52, v58  }
0xcb: {  	(erf) = vpow2.f32 v31;
	v13 =	vadd.f32 v33, v37;
	v18 =	vadd.f32 v54, v59  }
0xcc: {  	(erf) = vrcp.f32 v62;
	v51 =	vsub.f32 $0.0e+00, v11;
	v12 =	vadd.f32 v45, v50  }
0xcd: {  	(erf) = vrcp.f32 v34;
	v52 =	vsub.f32 $0.0e+00, v13;
	v18 =	vadd.f32 v49, v18  }
0xce: {  	(erf) = vrcp.f32 v30;
	v53 =	vmul.f32 $1.442695020e+00, v51;
	v54 =	vsub.f32 $0.0e+00, v12  }
0xcf: {  	(erf) = vrcp.f32 v36;
	v32 =	vmul.f32 $1.442695020e+00, v52;
	v55 =	vsub.f32 $0.0e+00, v18  }
0xd0: {  	v31 =	vmul.f32 $1.442695020e+00, v54;
	(erf) = vpow2.f32 v53  }
0xd1: {  	v56 =	vpop (erf);
	v33 =	vmul.f32 $1.442695020e+00, v55;
	(erf) = vpow2.f32 v32  }
0xd2: {  	v58 =	vpop (erf);
	(erf) = vpow2.f32 v31  }
0xd3: {  	[tilespmem:s22+$0x5180] =	vst v11;
	v30 =	vadd.f32 $1.000000000e+00, v56;
	v60 =	vpop (erf);
	(erf) = vpow2.f32 v33  }
0xd4: {  	v57 =	vld [tilespmem:s22+$0x1C0];
	[tilespmem:s22+$0x5190] =	vst v13;
	v34 =	vadd.f32 $1.000000000e+00, v58;
	v62 =	vpop (erf)  }
0xd5: {  	v61 =	vld [tilespmem:s22+$0x1E0];
	[tilespmem:s22+$0x51A0] =	vst v12;
	v35 =	vadd.f32 $1.000000000e+00, v60;
	(erf) = vrcp.f32 v30;
	v40 =	vpop (erf)  }
0xd6: {  	v63 =	vld [tilespmem:s22+$0x1F0];
	[tilespmem:s22+$0x51B0] =	vst v18;
	v36 =	vadd.f32 $1.000000000e+00, v62;
	(erf) = vrcp.f32 v34;
	v41 =	vpop (erf);
	v10 =	vmul.f32 v40, v10  }
0xd7: {  	v59 =	vld [tilespmem:s22+$0x1D0];
	[tilespmem:s17+$0x79C0] =	vst v40;
	(erf) = vrcp.f32 v35;
	v42 =	vpop (erf)  }
0xd8: {  	(erf) = vrcp.f32 v36;
	v43 =	vpop (erf);
	[tilespmem:s17+$0x7980] =	vst v10;
	v10 =	vmul.f32 v42, v23  }
0xd9: {  	[tilespmem:s17+$0x79D0] =	vst v41;
	v44 =	vpop (erf)  }
0xda: {  	[tilespmem:s17+$0x79E0] =	vst v42;
	v45 =	vpop (erf)  }
0xdb: {  	v25 =	vmul.f32 v41, v25;
	[tilespmem:s17+$0x79F0] =	vst v43;
	v34 =	vadd.f32 $1.000000000e+00, v44;
	v46 =	vpop (erf)  }
0xdc: {  	v24 =	vmul.f32 v43, v24;
	[tilespmem:s17+$0x79A0] =	vst v10;
	v23 =	vadd.f32 $1.000000000e+00, v45;
	v10 =	vpop (erf)  }
0xdd: {  	[tilespmem:s17+$0x7990] =	vst v25;
	v25 =	vadd.f32 $1.000000000e+00, v46;
	(erf) = vrcp.f32 v34;
	v10 =	vadd.f32 $1.000000000e+00, v10  }
0xde: {  	[tilespmem:s17+$0x79B0] =	vst v24;
	v47 =	vpop (erf);
	(erf) = vrcp.f32 v23  }
0xdf: {  	v48 =	vpop (erf);
	[tilespmem:s20+$0x79C0] =	vst v47;
	(erf) = vrcp.f32 v25  }
0xe0: {  	v49 =	vpop (erf);
	[tilespmem:s20+$0x79D0] =	vst v48  }
0xe1: {  	v24 =	vmul.f32 v47, v26;
	(erf) = vrcp.f32 v10;
	[tilespmem:s20+$0x79E0] =	vst v49;
	v10 =	vpop (erf)  }
0xe2: {  	v23 =	vmul.f32 v48, v27;
	[tilespmem:s20+$0x79F0] =	vst v10;
	v10 =	vmul.f32 v10, v29  }
0xe3: {  	[tilespmem:s20+$0x7980] =	vst v24;
	v50 =	vmul.f32 v49, v28  }
0xe4: {  	[tilespmem:s20+$0x7990] =	vst v23  }
0xe5: {  	[tilespmem:s20+$0x79A0] =	vst v50  }
0xe6: {  	[tilespmem:s20+$0x79B0] =	vst v10;
	v10 =	vpop (erf)  }
0xe7: {  	v53 =	vpop (erf);
	[tilespmem:s22+$0x79C0] =	vst v10  }
0xe8: {  	v10 =	vmul.f32 v10, v57;
	v54 =	vpop (erf);
	[tilespmem:s22+$0x79D0] =	vst v53  }
0xe9: {  	v7 =	vadd.f32 v19, v7;
	v5 =	vadd.f32 v21, v5;
	[tilespmem:s22+$0x79E0] =	vst v54  }
0xea: {  	v4 =	vadd.f32 v20, v4;
	v2 =	vadd.f32 v22, v2;
	v25 =	vmul.f32 v53, v59;
	v56 =	vpop (erf);
	[tilespmem:s22+$0x7980] =	vst v10  }
0xeb: {  	v7 =	vadd.f32 v14, v7;
	v5 =	vadd.f32 v16, v5;
	v10 =	vmul.f32 v54, v61;
	[tilespmem:s22+$0x79F0] =	vst v56  }
0xec: {  	v4 =	vadd.f32 v15, v4;
	v51 =	vmul.f32 v19, v19;
	[tilespmem:s22+$0x7990] =	vst v25;
	v60 =	vmul.f32 v56, v63  }
0xed: {  	v2 =	vadd.f32 v17, v2;
	v5 =	vadd.f32 v12, v5;
	v52 =	vmul.f32 v20, v20;
	[tilespmem:s22+$0x79A0] =	vst v10  }
0xee: {  	s13 =	sadd.s32 s9, s16;
	v6 =	vadd.f32 v51, v6;
	v55 =	vmul.f32 v21, v21;
	v57 =	vmul.f32 v22, v22;
	[tilespmem:s22+$0x79B0] =	vst v60  }
0xef: {  	v8 =	vadd.f32 v52, v8;
	v58 =	vmul.f32 v14, v14;
	v59 =	vmul.f32 v15, v15;
	[hbm4b:s13+s3] =	stream.linear.scatter [tilespmem:s31], [sflag:$0x3], $0x2800, $0x38;
	[tilespmem:$0x1E200] =	vst v63  }
0xf0: {  	s15 =	sadd.s32 $0x1, s15;
	v3 =	vadd.f32 v55, v3;
	v9 =	vadd.f32 v57, v9;
	v61 =	vmul.f32 v17, v17;
	_ =	swait.ge [sflag:s24], $0x2800  }
0xf1: {  	p0 =	sne.s32 s15, $0xFA;
	v6 =	vadd.f32 v58, v6;
	v10 =	vadd.f32 v59, v8;
	v8 =	vmul.f32 v16, v16;
	[sflag:s24] =	ssyncset.done $0x0  }
.Ltmp2:
0xf2: {  	v62 =	vmul.f32 v11, v11;
	v63 =	vmul.f32 v13, v13;
	v14 =	vadd.f32 v61, v9;
	[sflag:s24] =	ssyncadd.s32 $0xFFFFD800;
	(pc) =	sbr.rel @p0 .LBB2_4-.Ltmp2, $4  }
0xf3: {  	v9 =	vadd.f32 v11, v7;
	v11 =	vmul.f32 v18, v18;
	v3 =	vadd.f32 v8, v3;
	[spmem:s1] =	stream.indirect.scatter.add.f32 [tilespmem:s23], [sflag:$0x3], $0x80, s25, s26, $0xb8;
	[tilespmem:$0x1E200] =	vst v63  }
0xf4: {  	v8 =	vadd.f32 v62, v6;
	v6 =	vadd.f32 v63, v10;
	v10 =	vmul.f32 v12, v12;
	_ =	swait.ge [sflag:s24], $0x2800  }
0xf5: {  	v7 =	vadd.f32 v13, v4;
	v4 =	vadd.f32 v18, v2;
	[sflag:s24] =	ssyncset.done $0x0  }
0xf6: {  	v2 =	vadd.f32 v11, v14;
	v3 =	vadd.f32 v10, v3;
	[sflag:s24] =	ssyncadd.s32 $0xFFFFD800  }
0xf7: {  	[tilespmem:$0xA180] =	vst v9  }
0xf8: {  	[tilespmem:$0xA1C0] =	vst v8  }
0xf9: {  	[tilespmem:$0xA190] =	vst v7  }
0xfa: {  	[tilespmem:$0xA1D0] =	vst v6  }
0xfb: {  	[tilespmem:$0xA1A0] =	vst v5  }
0xfc: {  	[tilespmem:$0xA1B0] =	vst v4  }
0xfd: {  	[tilespmem:$0xA1E0] =	vst v3  }
0xfe: {  	s13 =	rddreg [dreg:$0x3];
	s14 =	simm.s32 $0xA180;
	[tilespmem:$0xA1F0] =	vst v2  }
0xff: {  	[hbm4b:s13+s3] =	stream.linear.scatter [tilespmem:s14], [sflag:$0x3], $0x80, $0x38;
	[tilespmem:$0x1E200] =	vst v63  }
0x100: {  	_ =	swait.ge [sflag:s24], $0x80  }
0x101: {  	[sflag:s24] =	ssyncset.done $0x0  }
0x102: {  	[sflag:s24] =	ssyncadd.s32 $0xFFFFFF80  }
0x103: {  	s20 =	stileid.u32;
	[bflag:$0x0] =	sbarrier.arrive $0xFFFF  }
0x104: {  	s13 =	sshll.u32 s20, $0x6;
	s17 =	rddreg [dreg:$0x4]  }
0x105: {  	s13 =	sor.u32 $0x1C03, s13;
	s15 =	rddreg [dreg:$0x5];
	s21 =	sshrl.u32 s17, $0x3  }
0x106: {  	[hbm:s15], [sflag:s13] =	dma.local [spmem:s21], $0x2800  }
0x107: {  	_ =	swait.ge [sflag:s24], $0x2800  }
0x108: {  	s12 =	sadd.s32 $0x1, s12;
	s22 =	rddreg [dreg:$0x6]  }
0x109: {  	p0 =	sne.s32 s12, s22  }
.Ltmp3:
0x10a: {  	_ = 	snop;
	(pc) =	sbr.rel @p0 .LBB2_1-.Ltmp3, $3  }
0x10b: {  	_ =	sdelay $0x1  }
0x10c: {  	[sflag:s24] =	ssyncset.done $0x0  }
0x10d: {  	[sflag:s24] =	ssyncadd.s32 $0xFFFFD800  }
0x10e: {  	_ =	sfence.sel $0x180000  }
0x10f: {  	[bflag:$0x0] =	sbarrier.arrive $0xFFFF  }
0x110: {  	_ =	strace $0x9000004D  }
0x111: {  	s0 =	stileid.u32;
	[bflag:$0x2] =	sbarrier.arrive $0xFFFF  }
0x112: {  	p0 =	sne.s32 s0, $0x0;
	s0 =	rddreg [dreg:$0x2]  }
0x113: {  	s0 =	sadd.s32 @!p0 $0x100000, s0  }
0x114: {  	[sflag:s0] =	ssyncadd.tile.s32 @!p0 $0x1;
	_ =	shalt  }
.Lfunc_end2:
_tile_overlayer_lowered:
.L_overlay_start_2:
0x115: {  	(tag) =	ssettag $0x2  }
0x116: {  	s0 =	rddreg [dreg:$0x0];
	s2 =	stileid.u32  }
0x117: {  	s1 =	rddreg [dreg:$0x1];
	p0 =	sne.s32 s2, $0x0  }
0x118: {  	s3 =	rddreg [dreg:$0x2];
	[bflag:$0x3] =	sbarrier.arrive $0xFFFF;
	s2 =	simm.s32 @!p0 $0x1C03  }
0x119: {  	[timem:s3], [sflag:s2] =	dma.local @!p0 [hbm:s0], s1  }
0x11a: {  	s0 =	simm.s32 @!p0 $0x3  }
0x11b: {  	_ =	swait.ge @!p0 [sflag:s0], s1  }
0x11c: {  	s1 =	ssub.s32 @!p0 $0x0, s1;
	[sflag:s0] =	ssyncset.done @!p0 $0x0  }
0x11d: {  	[sflag:s0] =	ssyncadd.s32 @!p0 s1  }
0x11e: {  	[bflag:$0x3] =	sbarrier.arrive $0xFFFF  }
0x11f: {  	_ =	shalt  }

// kernel: kernel.28.cloned.1.call-start
scs
__scs_entry_jumppad:
0x0: {  	(pc) =	sbr.rel $0x88, $3  }
0x1: {  	(tag) =	ssettag $0x0;
	lr =	simm.s32 $0x1  }
0x2: {  	[smem:$0x3F8C] =	sst lr;
	_ =	strace $0xD0000000  }
0x3: {  	_ = 	snop  }
0x4: {  	_ = 	snop  }
0x5: {  	_ = 	snop  }
0x6: {  	_ = 	snop  }
0x7: {  	_ = 	snop  }
__scs_overlays_trampoline_lowered:
0x8: {  	[smem:$0x3F9B] =	sst s0  }
0x9: {  	[smem:$0x3F9C] =	sst s1  }
0xa: {  	[smem:$0x3F9D] =	sst s2  }
0xb: {  	[smem:$0x3F9E] =	sst s3  }
0xc: {  	[smem:$0x3F9F] =	sst s4  }
0xd: {  	[smem:$0x3FA0] =	sst s5  }
0xe: {  	[smem:$0x3FA1] =	sst s6  }
0xf: {  	[smem:$0x3FA2] =	sst s7  }
0x10: {  	[smem:$0x3FA3] =	sst s8  }
0x11: {  	[smem:$0x3FA4] =	sst s9;
	s0 =	simm.s32 @!p0 $0x0  }
0x12: {  	s1 =	sld [smem:$0x3F8A];
	s0 =	simm.s32 @p0 $0x1  }
0x13: {  	[smem:$0x3FA5] =	sst s0;
	s0 =	simm.s32 @!p1 $0x0  }
0x14: {  	s2 =	sld [smem:$0x3F89];
	s0 =	simm.s32 @p1 $0x1  }
0x15: {  	[smem:$0x3FA6] =	sst s0;
	s0 =	simm.s32 @!p2 $0x0  }
0x16: {  	s3 =	sld [smem:$0x3FDB];
	s0 =	simm.s32 @p2 $0x1  }
0x17: {  	s4 =	simm.s32 $0x1BF5;
	[smem:$0x3FA8] =	sst s0  }
0x18: {  	s0 =	sld [smem:$0x3F8B];
	_ =	swait.ge [sflag:s4], $0x0  }
0x19: {  	s7 =	sld [smem:$0x3F8C]  }
0x1a: {  	s8 =	sadd.s32 $0xFFFFE003, lr  }
0x1b: {  	s9 =	sadd.s32 $0xFFFFFEF7, lr;
	s5 =	simm.s32 $0xFFFFFFFF;
	p2 =	slt.u32 s8, $0xFFFFF086  }
0x1c: {  	p1 =	slt.u32 s9, $0xF7A;
	s5 =	simm.s32 @!p2 $0x0  }
0x1d: {  	s5 =	simm.s32 @p1 $0x1;
	p0 =	seq.s32 s7, s2  }
0x1e: {  	s7 =	smul.u32 @!p0 $0xF7A, s2;
	p2 =	seq.s32 @!p0 s5, $0x0  }
0x1f: {  	s9 =	smul.u32 $0xF7A, s1;
	s8 =	simm.s32 @!p0 $0x1BF5;
	p2 =	por !p2, p0  }
0x20: {  	[sflag:s8] =	ssyncset.s32 @!p0 $0xFFFFF086;
	s6 =	sadd.s32 @!p0 s3, s7;
	s7 =	simm.s32 @!p0 $0x108  }
0x21: {  	s3 =	sadd.s32 s3, s9;
	s6 =	sadd.s32 @!p0 $0x88, s6;
	s7 =	simm.s32 @p2 $0x1082  }
0x22: {  	[simem:s7], [sflag:s8] =	dma.local @!p0 [hbm:s6], $0xF7A  }
0x23: {  	s9 =	sor.u32 $0xD0000000, s2;
	s6 =	simm.s32 $0x108;
	_ =	swait.ge @!p0 [sflag:s8], $0x0  }
0x24: {  	s3 =	sadd.s32 $0x88, s3;
	s6 =	simm.s32 @!p1 $0x1082;
	[sflag:s4] =	ssyncset.s32 $0xFFFFF086  }
0x25: {  	[simem:s6], [sflag:s4] =	dma.local [hbm:s3], $0xF7A  }
0x26: {  	[smem:$0x3F8C] =	sst s1;
	(tag) =	ssettag s2;
	_ =	strace s9  }
0x27: {  	s1 =	sld [smem:$0x3F9C]  }
0x28: {  	s2 =	sld [smem:$0x3F9D]  }
0x29: {  	s4 =	sld [smem:$0x3F9F]  }
0x2a: {  	p0 =	seq.s32 s5, $0x0;
	s5 =	sld [smem:$0x3FA0]  }
0x2b: {  	s6 =	sld [smem:$0x3FA1]  }
0x2c: {  	s7 =	sld [smem:$0x3FA2]  }
0x2d: {  	s3 =	simm.s32 $0x108;
	s8 =	sld [smem:$0x3FA3]  }
0x2e: {  	s3 =	simm.s32 @!p0 $0x1082;
	s9 =	sld [smem:$0x3FA4]  }
0x2f: {  	lr =	sadd.s32 s0, s3;
	s0 =	sld [smem:$0x3F9B]  }
0x30: {  	s3 =	sld [smem:$0x3F9E]  }
0x31: {  	[smem:$0x3FA7] =	sst s10  }
0x32: {  	s10 =	sld [smem:$0x3FA5];
	_ =	sdelay $0x3  }
0x33: {  	p0 =	seq.s32 s10, $0x1;
	s10 =	sld [smem:$0x3FA7];
	_ =	sdelay $0x3  }
0x34: {  	[smem:$0x3FA7] =	sst s10  }
0x35: {  	s10 =	sld [smem:$0x3FA6];
	_ =	sdelay $0x3  }
0x36: {  	p1 =	seq.s32 s10, $0x1;
	s10 =	sld [smem:$0x3FA7];
	_ =	sdelay $0x3  }
0x37: {  	[smem:$0x3FA7] =	sst s10  }
0x38: {  	s10 =	sld [smem:$0x3FA8]  }
0x39: {  	_ = 	snop;
	(pc) =	sbr.ind lr, $3  }
0x3a: {  	_ = 	snop  }
0x3b: {  	_ = 	snop  }
0x3c: {  	p2 =	seq.s32 s10, $0x1;
	s10 =	sld [smem:$0x3FA7]  }
0x3d: {  	_ =	shalt  }
0x3e: {  	_ =	shalt  }
0x3f: {  	_ =	shalt  }
0x40: {  	_ =	shalt  }
0x41: {  	_ =	shalt  }
0x42: {  	_ =	shalt  }
0x43: {  	_ =	shalt  }
0x44: {  	_ =	shalt  }
0x45: {  	_ =	shalt  }
0x46: {  	_ =	shalt  }
0x47: {  	_ =	shalt  }
0x48: {  	_ =	shalt  }
0x49: {  	_ =	shalt  }
0x4a: {  	_ =	shalt  }
0x4b: {  	_ =	shalt  }
0x4c: {  	_ =	shalt  }
0x4d: {  	_ =	shalt  }
0x4e: {  	_ =	shalt  }
0x4f: {  	_ =	shalt  }
0x50: {  	_ =	shalt  }
0x51: {  	_ =	shalt  }
0x52: {  	_ =	shalt  }
0x53: {  	_ =	shalt  }
0x54: {  	_ =	shalt  }
0x55: {  	_ =	shalt  }
0x56: {  	_ =	shalt  }
0x57: {  	_ =	shalt  }
0x58: {  	_ =	shalt  }
0x59: {  	_ =	shalt  }
0x5a: {  	_ =	shalt  }
0x5b: {  	_ =	shalt  }
0x5c: {  	_ =	shalt  }
0x5d: {  	_ =	shalt  }
0x5e: {  	_ =	shalt  }
0x5f: {  	_ =	shalt  }
0x60: {  	_ =	shalt  }
0x61: {  	_ =	shalt  }
0x62: {  	_ =	shalt  }
0x63: {  	_ =	shalt  }
0x64: {  	_ =	shalt  }
0x65: {  	_ =	shalt  }
0x66: {  	_ =	shalt  }
0x67: {  	_ =	shalt  }
0x68: {  	_ =	shalt  }
0x69: {  	_ =	shalt  }
0x6a: {  	_ =	shalt  }
0x6b: {  	_ =	shalt  }
0x6c: {  	_ =	shalt  }
0x6d: {  	_ =	shalt  }
0x6e: {  	_ =	shalt  }
0x6f: {  	_ =	shalt  }
0x70: {  	_ =	shalt  }
0x71: {  	_ =	shalt  }
0x72: {  	_ =	shalt  }
0x73: {  	_ =	shalt  }
0x74: {  	_ =	shalt  }
0x75: {  	_ =	shalt  }
0x76: {  	_ =	shalt  }
0x77: {  	_ =	shalt  }
0x78: {  	_ =	shalt  }
0x79: {  	_ =	shalt  }
0x7a: {  	_ =	shalt  }
0x7b: {  	_ =	shalt  }
0x7c: {  	_ =	shalt  }
0x7d: {  	_ =	shalt  }
0x7e: {  	_ =	shalt  }
0x7f: {  	_ =	shalt  }
0x80: {  	_ =	shalt  }
0x81: {  	_ =	shalt  }
0x82: {  	_ =	shalt  }
0x83: {  	_ =	shalt  }
0x84: {  	_ =	shalt  }
0x85: {  	_ =	shalt  }
0x86: {  	_ =	shalt  }
0x87: {  	_ =	shalt  }
.Lfunc_end0:
.L_simem_size_0:
called_computation.3_lowered:
.L_overlay_start_0:
0x88: {  	s2 =	sld [smem:$0x3FD9]  }
0x89: {  	s3 =	sld [smem:$0x3FFE];
	_ =	sdelay $0x1  }
0x8a: {  	s1 =	srdreg.scid  }
0x8b: {  	s0 =	sand.u32 $0x1, s1  }
0x8c: {  	s16 =	sshll.u32 s0, $0xA;
	s2 =	sadd.s32 s3, s2  }
0x8d: {  	s2 =	sadd.s32 s2, s16  }
0x8e: {  	[smem:$0x3FB3] =	sst s2  }
0x8f: {  	_ = 	snop  }
0x90: {  	(tm) =	ssettm $0x1  }
0x91: {  	s17 =	sld [smem:$0x3FFB];
	_ =	sdelay $0x3  }
0x92: {  	_ =	strace s17  }
0x93: {  	s2 =	sld [smem:$0x3FFC];
	_ =	sdelay $0x3  }
0x94: {  	_ =	strace s2  }
0x95: {  	s2 =	sld [smem:$0x3FFD];
	_ =	sdelay $0x3  }
0x96: {  	_ =	strace s2  }
0x97: {  	_ =	strace $0x8FFFFFFF  }
0x98: {  	s18 =	sld [smem:$0x3FDB];
	_ =	sdelay $0x1  }
0x99: {  	s19 =	simm.s32 $_scs_section_size  }
0x9a: {  	s4 =	simm.s32 $_size__tile_overlayer_lowered;
	s5 =	simm.s32 $_tile_overlayer_lowered  }
0x9b: {  	s22 =	simm.s32 $0x1BFF;
	s21 =	sshll.u32 s5, $0x1;
	s2 =	sadd.s32 s19, s18  }
0x9c: {  	s6 =	simm.s32 $0x0;
	s20 =	sshll.u32 s4, $0x1;
	s4 =	sadd.s32 s21, s2  }
0x9d: {  	[timem:s6], [sflag:s22] =	dma.local [hbm:s4], s20  }
0x9e: {  	_ =	swait.ge [sflag:s22], s20  }
0x9f: {  	s3 =	ssub.s32 $0x0, s20;
	[sflag:s22] =	ssyncset.done $0x0  }
0xa0: {  	[sflag:s22] =	ssyncadd.s32 s3;
	_ =	sdelay $0x1  }
0xa1: {  	s23 =	simm.s32 $0x1B8B  }
0xa2: {  	_ =	swait.ge [sflag:s23], $0x1  }
0xa3: {  	[sflag:s23] =	ssyncset.done $0x0  }
0xa4: {  	s25 =	simm.s32 $0x1B8E;
	s24 =	sld [smem:$0x3FFE];
	[sflag:s23] =	ssyncadd.s32 $0xFFFFFFFF  }
0xa5: {  	s26 =	simm.s32 $execute0_lowered;
	[smem:$0x3FD2] =	sst s25  }
0xa6: {  	s4 =	sshll.u32 s26, $0x1;
	_ =	strace $0x8000004F;
	[dreg:$0x1] =	wrdreg $0xFFFFFFFF  }
0xa7: {  	s28 =	simm.s32 $_size_execute0_lowered;
	s2 =	sadd.s32 s2, s4;
	[dreg:$0x0] =	wrdreg $0x0  }
0xa8: {  	s4 =	sshll.u32 s28, $0x1;
	[dreg:$0x2] =	wrdreg s2  }
0xa9: {  	[dreg:$0x3] =	wrdreg s4  }
0xaa: {  	[dreg:$0x4] =	wrdreg $0xC0  }
0xab: {  	_ =	task [dreg:s6], $0x5FFFF  }
0xac: {  	[dreg:$0x1] =	wrdreg $0xFFFFFFFF  }
0xad: {  	[dreg:$0x0] =	wrdreg $0x60  }
0xae: {  	[dreg:$0x2] =	wrdreg s24  }
0xaf: {  	[dreg:$0x3] =	wrdreg $0xA2000  }
0xb0: {  	[dreg:$0x4] =	wrdreg $0x9  }
0xb1: {  	_ =	task.clear_ibuf [dreg:s6], $0x5FFFF;
	_ =	strace $0x9000004F  }
0xb2: {  	s29 =	simm.s32 $0x9;
	_ =	strace $0x80000051  }
0xb3: {  	_ =	swait.ge [sflag:s29], $0x1  }
0xb4: {  	[sflag:s29] =	ssyncadd.s32 $0xFFFFFFFF  }
0xb5: {  	_ =	strace $0x90000051  }
0xb6: {  	_ =	sfence  }
0xb7: {  	s30 =	sld [smem:$0x0];
	_ =	sdelay $0x2  }
0xb8: {  	s31 =	sshll.u32 s1, $0xD;
	s1 =	sshrl.u32 s1, $0x2  }
0xb9: {  	s3 =	sand.u32 $0x4000, s31;
	s1 =	sadd.s32 s1, s30  }
0xba: {  	s0 =	sor.u32 s3, s0;
	s1 =	sshll.u32 s1, $0x11  }
0xbb: {  	s0 =	sor.u32 s1, s0  }
0xbc: {  	s0 =	sadd.s32 $0x8F2B, s0  }
0xbd: {  	[sflag:s0] =	ssyncadd.remote.s32 $0x1  }
0xbe: {  	_ =	sfence.sel $0xFFFF  }
0xbf: {  	[dreg:$0x0] =	wrdreg $0xFFFFFFFF;
	(pc) =	sbr.abs _section_cstart, $3  }
0xc0: {  	[dreg:$0x1] =	wrdreg $0xFFFFFFFF  }
0xc1: {  	_ =	task.clear_ibuf [dreg:s6], $0x2FFFF;
	_ =	strace $0x9FFFFFFF  }
0xc2: {  	(tm) =	ssettm $0x7FFFFFFF  }
0xc3: {  	_ =	shalt  }
tec
execute0_lowered:
.L_overlay_start_1:
0x0: {  	(tag) =	ssettag $0x1  }
0x1: {  	s0 =	rddreg [dreg:$0x0]  }
0x2: {  	s1 =	rddreg [dreg:$0x1]  }
0x3: {  	s2 =	srdreg.scid;
	s3 =	simm.s32 $0x0;
	s15 =	stileid.u32  }
0x4: {  	s28 =	simm.s32 $0x100;
	s29 =	simm.s32 $0x2980;
	s30 =	simm.s32 $0x5180  }
0x5: {  	s31 =	simm.s32 $0x1;
	s2 =	sand.u32 $0x1, s2;
	[smem:$0x7FF] =	sst s3  }
0x6: {  	s8 =	smul.u32 $0x14000, s15;
	s4 =	sadd.s32 $0x50C200, s0;
	s5 =	sadd.s32 $0x6DA00, s0  }
0x7: {  	s6 =	sadd.s32 $0x1F800, s0;
	s18 =	sshll.u32 s15, $0x4;
	s12 =	smul.u32 $0x50000, s15  }
0x8: {  	s7 =	smul.u32 $0x140000, s2;
	_ =	strace $0x80000050;
	s10 =	ssub.s32 $0x2, s2  }
0x9: {  	s14 =	smul.u32 $0x2710, s2;
	s20 =	sshll.u32 s2, $0x8;
	s19 =	sshrl.u32 s10, $0x1  }
0xa: {  	s12 =	sshrl.u32 s12, $0x2;
	s9 =	sadd.s32 s8, s7;
	s7 =	sadd.s32 $0x15A00, s0  }
0xb: {  	s8 =	sadd.s32 $0xBC00, s0;
	s13 =	ssub.s32 s10, s19;
	s10 =	smul.u32 $0x2710000, s2  }
0xc: {  	s12 =	sadd.s32 s12, s1;
	s2 =	simm.s32 $0x0;
	s22 =	smax.u32 s13, $0x1  }
0xd: {  	s9 =	sshrl.u32 s9, $0x3;
	s23 =	sadd.s32 $0x2800, s12;
	[dreg:$0x5] =	wrdreg s22  }
0xe: {  	s24 =	sadd.s32 $0x5000, s12;
	s25 =	sadd.s32 $0x7800, s12;
	[dreg:$0x6] =	wrdreg s23  }
0xf: {  	s26 =	sadd.s32 $0xA000, s12;
	s19 =	sadd.s32 $0xC800, s12;
	[dreg:$0x7] =	wrdreg s24  }
0x10: {  	s11 =	sadd.s32 s9, s0;
	s0 =	sadd.s32 s18, s0;
	[dreg:$0x8] =	wrdreg s25  }
0x11: {  	s9 =	smul.u32 $0x4E20, s15;
	[dreg:$0x9] =	wrdreg s26;
	s22 =	simm.s32 $0x7980  }
0x12: {  	s23 =	simm.s32 $0x3;
	s24 =	simm.s32 $0x80;
	s25 =	simm.s32 $0x50  }
0x13: {  	s26 =	simm.s32 $0x180;
	s0 =	sadd.s32 s20, s0;
	s21 =	sadd.s32 $0xE2E00, s11  }
0x14: {  	s20 =	sadd.s32 $0xF000, s12;
	s0 =	sadd.s32 $0x504200, s0;
	[dreg:$0x4] =	wrdreg s21  }
0x15: {  	v1 =	vimm.f32 $0.0e+00;
	v0 =	vmov s14;
	s21 =	sadd.s32 $0x11800, s12;
	[dreg:$0x3] =	wrdreg s0;
	s0 =	simm.s32 $0x2  }
.LBB2_1:
0x16: {  	s11 =	sand.u32 $0xFE00, s3  }
0x17: {  	s13 =	sand.u32 $0x70, s3;
	s14 =	sshrl.u32 s11, $0x2  }
0x18: {  	s11 =	simm.s32 $0x40;
	s14 =	sor.u32 s13, s14;
	s13 =	simm.s32 $0x0  }
.LBB2_2:
0x19: {  	p0 =	sne.s32 s11, $0x9FC0  }
0x1a: {  	[tilespmem:s14+$0x7980] =	vst v1;
	s13 =	sadd.s32 $0x10, s13;
	s14 =	smov.u32 s11;
	s11 =	sadd.s32 $0x40, s11  }
.Ltmp0:
0x1b: {  	(pc) =	sbr.rel @p0 .LBB2_2-.Ltmp0, $4  }
0x1c: {  	_ = 	snop  }
0x1d: {  	s14 =	sand.u32 $0xFE00, s14  }
0x1e: {  	s15 =	sand.u32 $0x70, s13;
	s14 =	sshrl.u32 s14, $0x2  }
0x1f: {  	s14 =	sor.u32 s15, s14  }
0x20: {  	[tilespmem:s14+$0x7980] =	vst v1  }
0x21: {  	[spmem:s12] =	stream.linear.scatter [tilespmem:s22], [sflag:$0x3], $0x2800, $0x38;
	[tilespmem:$0x1E200] =	vst v63  }
0x22: {  	_ =	swait.ge [sflag:s23], $0x2800  }
0x23: {  	[sflag:s23] =	ssyncset.done $0x0  }
0x24: {  	s11 =	rddreg [dreg:$0x6];
	[sflag:s23] =	ssyncadd.s32 $0xFFFFD800  }
0x25: {  	[spmem:s11] =	stream.linear.scatter [tilespmem:s22], [sflag:$0x3], $0x2800, $0x38;
	[tilespmem:$0x1E200] =	vst v63  }
0x26: {  	_ =	swait.ge [sflag:s23], $0x2800  }
0x27: {  	[sflag:s23] =	ssyncset.done $0x0  }
0x28: {  	s16 =	rddreg [dreg:$0x7];
	[sflag:s23] =	ssyncadd.s32 $0xFFFFD800  }
0x29: {  	[spmem:s16] =	stream.linear.scatter [tilespmem:s22], [sflag:$0x3], $0x2800, $0x38;
	[tilespmem:$0x1E200] =	vst v63  }
0x2a: {  	_ =	swait.ge [sflag:s23], $0x2800  }
0x2b: {  	[sflag:s23] =	ssyncset.done $0x0  }
0x2c: {  	s17 =	rddreg [dreg:$0x8];
	[sflag:s23] =	ssyncadd.s32 $0xFFFFD800  }
0x2d: {  	[spmem:s17] =	stream.linear.scatter [tilespmem:s22], [sflag:$0x3], $0x2800, $0x38;
	[tilespmem:$0x1E200] =	vst v63  }
0x2e: {  	_ =	swait.ge [sflag:s23], $0x2800  }
0x2f: {  	[sflag:s23] =	ssyncset.done $0x0  }
0x30: {  	s18 =	rddreg [dreg:$0x9];
	[sflag:s23] =	ssyncadd.s32 $0xFFFFD800  }
0x31: {  	[spmem:s18] =	stream.linear.scatter [tilespmem:s22], [sflag:$0x3], $0x2800, $0x38;
	[tilespmem:$0x1E200] =	vst v63  }
0x32: {  	_ =	swait.ge [sflag:s23], $0x2800  }
0x33: {  	[sflag:s23] =	ssyncset.done $0x0  }
0x34: {  	[sflag:s23] =	ssyncadd.s32 $0xFFFFD800  }
0x35: {  	[spmem:s19] =	stream.linear.scatter [tilespmem:s22], [sflag:$0x3], $0x2800, $0x38;
	[tilespmem:$0x1E200] =	vst v63  }
0x36: {  	_ =	swait.ge [sflag:s23], $0x2800  }
0x37: {  	[sflag:s23] =	ssyncset.done $0x0  }
0x38: {  	[sflag:s23] =	ssyncadd.s32 $0xFFFFD800  }
0x39: {  	[spmem:s20] =	stream.linear.scatter [tilespmem:s22], [sflag:$0x3], $0x2800, $0x38;
	[tilespmem:$0x1E200] =	vst v63  }
0x3a: {  	_ =	swait.ge [sflag:s23], $0x2800  }
0x3b: {  	[sflag:s23] =	ssyncset.done $0x0  }
0x3c: {  	[sflag:s23] =	ssyncadd.s32 $0xFFFFD800  }
0x3d: {  	[spmem:s21] =	stream.linear.scatter [tilespmem:s22], [sflag:$0x3], $0x2800, $0x38;
	[tilespmem:$0x1E200] =	vst v63  }
0x3e: {  	_ =	swait.ge [sflag:s23], $0x2800  }
0x3f: {  	v6 =	vimm.f32 $0.0e+00;
	v4 =	vimm.f32 $0.0e+00;
	[sflag:s23] =	ssyncset.done $0x0  }
0x40: {  	v5 =	vimm.f32 $0.0e+00;
	v10 =	vimm.f32 $0.0e+00;
	v9 =	vimm.f32 $0.0e+00;
	[sflag:s23] =	ssyncadd.s32 $0xFFFFD800  }
0x41: {  	v7 =	vimm.f32 $0.0e+00;
	v12 =	vimm.f32 $0.0e+00;
	v11 =	vimm.f32 $0.0e+00;
	s13 =	simm.s32 $0x0;
	s11 =	simm.s32 $0x0;
	[bflag:$0x0] =	sbarrier.arrive $0xFFFF  }
.LBB2_4:
0x42: {  	s14 =	smul.u32 $0x50, s13;
	_ =	sdelay $0x1  }
0x43: {  	s14 =	sadd.s32 s9, s14  }
0x44: {  	s15 =	sshrl.u32 s14, $0x3  }
0x45: {  	s16 =	sadd.s32 s7, s15  }
0x46: {  	[tilespmem:s11], [sflag:$0x3] =	stream.linear.gather [hbm4b:s16+s11], $0x50, $0x38;
	[tilespmem:$0x1E200] =	vst v63  }
0x47: {  	_ =	swait.ge [sflag:s23], $0x50  }
0x48: {  	[sflag:s23] =	ssyncset.done $0x0  }
0x49: {  	s15 =	sadd.s32 s8, s15;
	[sflag:s23] =	ssyncadd.s32 $0xFFFFFFB0  }
0x4a: {  	[tilespmem:s24], [sflag:$0x3] =	stream.linear.gather [hbm4b:s15+s11], $0x50, $0x38;
	[tilespmem:$0x1E200] =	vst v63  }
0x4b: {  	_ =	swait.ge [sflag:s23], $0x50  }
0x4c: {  	[sflag:s23] =	ssyncset.done $0x0  }
0x4d: {  	[sflag:s23] =	ssyncadd.s32 $0xFFFFFFB0  }
0x4e: {  	v2 =	vld [tilespmem:$0x0]  }
0x4f: {  	v3 =	vld [tilespmem:$0x80]  }
0x50: {  	v8 =	vld [tilespmem:$0x10]  }
0x51: {  	v13 =	vld [tilespmem:$0x90]  }
0x52: {  	v14 =	vld [tilespmem:$0x20]  }
0x53: {  	v15 =	vld [tilespmem:$0xA0];
	v2 =	vadd.s32 v0, v2  }
0x54: {  	[tilespmem:$0x0] =	vst v2;
	v2 =	vadd.s32 v0, v3;
	v3 =	vld [tilespmem:$0x30]  }
0x55: {  	[tilespmem:$0x100] =	vst v2;
	v2 =	vadd.s32 v0, v8;
	v8 =	vld [tilespmem:$0xB0]  }
0x56: {  	[tilespmem:$0x10] =	vst v2;
	v2 =	vadd.s32 v0, v13;
	v13 =	vld [tilespmem:$0x40]  }
0x57: {  	[tilespmem:$0x110] =	vst v2;
	v2 =	vadd.s32 v0, v14;
	v14 =	vld [tilespmem:$0xC0]  }
0x58: {  	[tilespmem:$0x20] =	vst v2;
	v2 =	vadd.s32 v0, v15  }
0x59: {  	[tilespmem:$0x120] =	vst v2;
	v2 =	vadd.s32 v0, v3  }
0x5a: {  	[tilespmem:$0x30] =	vst v2;
	v2 =	vadd.s32 v0, v8  }
0x5b: {  	[tilespmem:$0x130] =	vst v2;
	v2 =	vadd.s32 v0, v13  }
0x5c: {  	s14 =	sshll.u32 s14, $0x7;
	[tilespmem:$0x40] =	vst v2;
	v2 =	vadd.s32 v0, v14  }
0x5d: {  	s14 =	sadd.s32 s10, s14;
	[tilespmem:$0x140] =	vst v2  }
0x5e: {  	[tilespmem:s26], [sflag:$0x1] =	stream.indirect.gather [hbm4b:s5+s25], $0x80, s11, s25, $0xb8;
	[tilespmem:$0x1E200] =	vst v63  }
0x5f: {  	s14 =	sshrl.u32 s14, $0x3  }
0x60: {  	[tilespmem:s29], [sflag:$0x2] =	stream.indirect.gather [hbm4b:s6+s25], $0x80, s28, s25, $0xb8;
	[tilespmem:$0x1E200] =	vst v63  }
0x61: {  	s14 =	sadd.s32 s4, s14  }
0x62: {  	[tilespmem:s30], [sflag:$0x3] =	stream.linear.gather [hbm4b:s14+s11], $0x2800, $0x38;
	[tilespmem:$0x1E200] =	vst v63  }
0x63: {  	_ =	swait.ge [sflag:s23], $0x2800  }
0x64: {  	[sflag:s23] =	ssyncset.done $0x0  }
0x65: {  	[sflag:s23] =	ssyncadd.s32 $0xFFFFD800  }
0x66: {  	_ =	swait.ge [sflag:s31], $0x2800  }
0x67: {  	[sflag:s31] =	ssyncset.done $0x0  }
0x68: {  	[sflag:s31] =	ssyncadd.s32 $0xFFFFD800  }
0x69: {  	_ =	swait.ge [sflag:s0], $0x2800  }
0x6a: {  	[sflag:s0] =	ssyncset.done $0x0  }
0x6b: {  	s16 =	simm.s32 $0x0;
	[sflag:s0] =	ssyncadd.s32 $0xFFFFD800  }
0x6c: {  	v2 =	vld [tilespmem:s16+$0x51B0]  }
0x6d: {  	v3 =	vld [tilespmem:s16+$0x1B0];
	_ =	sdelay $0x1  }
0x6e: {  	v8 =	vld [tilespmem:s16+$0x29B0];
	_ =	sdelay $0x1  }
0x6f: {  	v13 =	vld [tilespmem:s16+$0x5180]  }
0x70: {  	v14 =	vld [tilespmem:s16+$0x180];
	v2 =	vadd.f32 v3, v2  }
0x71: {  	v15 =	vld [tilespmem:s16+$0x5190]  }
0x72: {  	v17 =	vld [tilespmem:s16+$0x1A0];
	v18 =	vadd.f32 v8, v2  }
0x73: {  	v3 =	vld [tilespmem:s16+$0x51A0]  }
0x74: {  	v2 =	vld [tilespmem:s16+$0x2980];
	v8 =	vsub.f32 $0.0e+00, v18  }
0x75: {  	v16 =	vld [tilespmem:s16+$0x190]  }
0x76: {  	v22 =	vmul.f32 $1.442695020e+00, v8  }
0x77: {  	v19 =	vld [tilespmem:s16+$0x2990];
	v13 =	vadd.f32 v14, v13  }
0x78: {  	v20 =	vld [tilespmem:s16+$0x29A0];
	(erf) = vpow2.f32 v22  }
0x79: {  	s14 =	simm.s32 $0x80;
	v3 =	vadd.f32 v17, v3;
	v17 =	vadd.f32 v2, v13  }
0x7a: {  	v14 =	vld [tilespmem:s14+$0x51B0];
	v15 =	vadd.f32 v16, v15  }
0x7b: {  	v16 =	vld [tilespmem:s14+$0x1B0];
	v13 =	vsub.f32 $0.0e+00, v17  }
0x7c: {  	v24 =	vld [tilespmem:s14+$0x5190];
	v15 =	vadd.f32 v19, v15  }
0x7d: {  	v2 =	vld [tilespmem:s14+$0x29B0];
	v19 =	vadd.f32 v20, v3;
	v13 =	vmul.f32 $1.442695020e+00, v13  }
0x7e: {  	v26 =	vld [tilespmem:s14+$0x190];
	v3 =	vsub.f32 $0.0e+00, v15  }
0x7f: {  	v27 =	vld [tilespmem:s14+$0x51A0];
	v25 =	vsub.f32 $0.0e+00, v19;
	(erf) = vpow2.f32 v13  }
0x80: {  	v28 =	vld [tilespmem:s14+$0x1A0];
	v14 =	vadd.f32 v16, v14;
	v3 =	vmul.f32 $1.442695020e+00, v3  }
0x81: {  	v29 =	vld [tilespmem:s14+$0x2980];
	v25 =	vmul.f32 $1.442695020e+00, v25;
	v13 =	vpop (erf)  }
0x82: {  	s15 =	simm.s32 $0x100;
	v32 =	vld [tilespmem:s16+$0x1F0];
	v14 =	vadd.f32 v2, v14;
	(erf) = vpow2.f32 v3;
	v3 =	vadd.f32 $1.000000000e+00, v13  }
0x83: {  	v57 =	vld [tilespmem:s15+$0x51B0];
	v30 =	vmul.f32 v18, v18;
	(erf) = vpow2.f32 v25  }
0x84: {  	v9 =	vadd.f32 v18, v9;
	v20 =	vld [tilespmem:s14+$0x180];
	v18 =	vsub.f32 $0.0e+00, v14;
	(erf) = vrcp.f32 v3  }
0x85: {  	v22 =	vld [tilespmem:s14+$0x5180]  }
0x86: {  	v58 =	vld [tilespmem:s15+$0x1B0]  }
0x87: {  	v24 =	vadd.f32 v26, v24;
	v25 =	vld [tilespmem:s14+$0x2990]  }
0x88: {  	v33 =	vld [tilespmem:s15+$0x5180];
	v31 =	vmul.f32 v17, v17;
	v11 =	vadd.f32 v17, v11;
	v17 =	vmul.f32 $1.442695020e+00, v18;
	v18 =	vpop (erf)  }
0x89: {  	v26 =	vld [tilespmem:s15+$0x29B0];
	v12 =	vadd.f32 v15, v12;
	v15 =	vmul.f32 v15, v15;
	v18 =	vadd.f32 $1.000000000e+00, v18  }
0x8a: {  	v16 =	vld [tilespmem:s14+$0x29A0];
	v34 =	vadd.f32 v19, v7;
	v19 =	vmul.f32 v19, v19;
	v20 =	vadd.f32 v20, v22  }
0x8b: {  	v15 =	vadd.f32 v15, v5;
	v5 =	vadd.f32 v28, v27;
	v2 =	vld [tilespmem:s14+$0x1E0];
	(erf) = vpow2.f32 v17;
	v22 =	vpop (erf)  }
0x8c: {  	v7 =	vadd.f32 v29, v20;
	v20 =	vld [tilespmem:s15+$0x180];
	v24 =	vadd.f32 v25, v24;
	v17 =	vpop (erf);
	(erf) = vrcp.f32 v18  }
0x8d: {  	v10 =	vadd.f32 v31, v10;
	v60 =	vadd.f32 v19, v4;
	v13 =	vld [tilespmem:s14+$0x1C0];
	v18 =	vpop (erf)  }
0x8e: {  	v3 =	vld [tilespmem:s14+$0x1D0];
	v25 =	vsub.f32 $0.0e+00, v7;
	v4 =	vsub.f32 $0.0e+00, v24;
	[tilespmem:s16+$0x79F0] =	vst v18;
	v18 =	vmul.f32 v18, v32  }
0x8f: {  	v16 =	vadd.f32 v16, v5;
	v5 =	vadd.f32 $1.000000000e+00, v22;
	v27 =	vld [tilespmem:s15+$0x5190]  }
0x90: {  	v61 =	vadd.f32 v14, v9;
	v9 =	vmul.f32 $1.442695020e+00, v4;
	v22 =	vld [tilespmem:s15+$0x190];
	[tilespmem:s16+$0x79B0] =	vst v18;
	v18 =	vmul.f32 $1.442695020e+00, v25  }
0x91: {  	v21 =	vld [tilespmem:s16+$0x1C0];
	v19 =	vsub.f32 $0.0e+00, v16;
	(erf) = vrcp.f32 v5;
	v5 =	vmul.f32 v7, v7  }
0x92: {  	v6 =	vadd.f32 v30, v6;
	(erf) = vpow2.f32 v18;
	v18 =	vadd.f32 v58, v57  }
0x93: {  	v59 =	vmul.f32 v14, v14;
	v14 =	vmul.f32 $1.442695020e+00, v19;
	v4 =	vadd.f32 v5, v10  }
0x94: {  	v5 =	vadd.f32 v7, v11;
	v10 =	vpop (erf);
	(erf) = vpow2.f32 v9;
	v11 =	vadd.f32 v26, v18  }
0x95: {  	v23 =	vld [tilespmem:s16+$0x1D0];
	v28 =	vadd.f32 v59, v6;
	v9 =	vpop (erf);
	(erf) = vpow2.f32 v14  }
0x96: {  	v25 =	vld [tilespmem:s15+$0x51A0];
	v14 =	vadd.f32 $1.000000000e+00, v17;
	v17 =	vmul.f32 v9, v21;
	v21 =	vsub.f32 $0.0e+00, v11  }
0x97: {  	v6 =	vadd.f32 v16, v34;
	v16 =	vmul.f32 v16, v16;
	v7 =	vadd.f32 v24, v12;
	v35 =	vld [tilespmem:s15+$0x1A0]  }
0x98: {  	v12 =	vmul.f32 v24, v24;
	v24 =	vadd.f32 $1.000000000e+00, v10;
	v62 =	vld [tilespmem:s15+$0x2980];
	(erf) = vrcp.f32 v14  }
0x99: {  	v20 =	vadd.f32 v20, v33;
	v63 =	vld [tilespmem:s15+$0x2990]  }
0x9a: {  	v10 =	vadd.f32 v16, v60;
	v18 =	vld [tilespmem:s15+$0x29A0];
	[tilespmem:s16+$0x79C0] =	vst v9;
	v16 =	vmul.f32 $1.442695020e+00, v21;
	v21 =	vpop (erf);
	(erf) = vrcp.f32 v24  }
0x9b: {  	v26 =	vadd.f32 v22, v27;
	v19 =	vld [tilespmem:s15+$0x1C0]  }
0x9c: {  	v9 =	vadd.f32 v12, v15;
	v14 =	vld [tilespmem:s15+$0x1D0];
	[tilespmem:s16+$0x7980] =	vst v17;
	v17 =	vmul.f32 v11, v11;
	v23 =	vmul.f32 v21, v23  }
0x9d: {  	v8 =	vld [tilespmem:s16+$0x1E0];
	v12 =	vadd.f32 v11, v61;
	v27 =	vadd.f32 v35, v25  }
0x9e: {  	v15 =	vld [tilespmem:s15+$0x1E0];
	v11 =	vadd.f32 v17, v28;
	v17 =	vadd.f32 v62, v20;
	[tilespmem:s16+$0x79D0] =	vst v21;
	v20 =	vpop (erf);
	(erf) = vpow2.f32 v16  }
0x9f: {  	s17 =	simm.s32 $0x180;
	v16 =	vadd.f32 v63, v26;
	v22 =	vld [tilespmem:s14+$0x1F0];
	v24 =	vadd.f32 $1.000000000e+00, v20;
	v26 =	vpop (erf);
	[tilespmem:s16+$0x7990] =	vst v23  }
0xa0: {  	s18 =	simm.s32 $0x800;
	v18 =	vadd.f32 v18, v27;
	v25 =	vsub.f32 $0.0e+00, v17;
	v20 =	vmul.f32 v17, v17;
	v21 =	vld [tilespmem:s17+$0x51B0];
	v23 =	vpop (erf)  }
.LBB2_5:
0xa1: {  	p0 =	sne.s32 s18, $0x9E00;
	v27 =	vld [tilespmem:s17+$0x1B0];
	v28 =	vsub.f32 $0.0e+00, v16;
	v32 =	vadd.f32 $1.000000000e+00, v26;
	(erf) = vrcp.f32 v24;
	v24 =	vpop (erf)  }
0xa2: {  	v23 =	vadd.f32 $1.000000000e+00, v23;
	v31 =	vmovc v19;
	v29 =	vld [tilespmem:s17+$0x5180];
	v25 =	vmul.f32 $1.442695020e+00, v25;
	v30 =	vsub.f32 $0.0e+00, v18;
	[tilespmem:s16+$0x79E0] =	vst v24  }
0xa3: {  	v4 =	vadd.f32 v20, v4;
	v19 =	vld [tilespmem:s17+$0x29B0];
	v20 =	vmul.f32 $1.442695020e+00, v28;
	(erf) = vrcp.f32 v32;
	v26 =	vpop (erf)  }
0xa4: {  	v5 =	vadd.f32 v17, v5;
	v28 =	vld [tilespmem:s17+$0x180];
	v30 =	vmul.f32 $1.442695020e+00, v30;
	v22 =	vmul.f32 v26, v22;
	[tilespmem:s14+$0x79F0] =	vst v26  }
0xa5: {  	v7 =	vadd.f32 v16, v7;
	v24 =	vmul.f32 v24, v8;
	v8 =	vmovc v2;
	v2 =	vmovc v15;
	v26 =	vld [tilespmem:s17+$0x5190];
	(erf) = vpow2.f32 v25  }
0xa6: {  	v16 =	vmul.f32 v16, v16;
	v15 =	vld [tilespmem:s17+$0x190];
	v21 =	vadd.f32 v27, v21;
	(erf) = vpow2.f32 v20;
	[tilespmem:s14+$0x79B0] =	vst v22  }
0xa7: {  	v6 =	vadd.f32 v18, v6;
	v18 =	vmul.f32 v18, v18;
	v20 =	vld [tilespmem:s17+$0x51A0];
	(erf) = vpow2.f32 v30;
	v17 =	vpop (erf);
	[tilespmem:s16+$0x79A0] =	vst v24;
	s16 =	smov.u32 s14;
	s14 =	smov.u32 s15;
	s15 =	smov.u32 s17  }
0xa8: {  	v22 =	vld [tilespmem:s15+$0x1A0];
	v21 =	vadd.f32 v19, v21;
	v19 =	vadd.f32 $1.000000000e+00, v17;
	(erf) = vrcp.f32 v23  }
0xa9: {  	v9 =	vadd.f32 v16, v9;
	v23 =	vadd.f32 v28, v29;
	v24 =	vld [tilespmem:s15+$0x2980]  }
0xaa: {  	v16 =	vld [tilespmem:s15+$0x2990];
	v25 =	vsub.f32 $0.0e+00, v21;
	v27 =	vmul.f32 v21, v21;
	(erf) = vrcp.f32 v19;
	v17 =	vpop (erf)  }
0xab: {  	v10 =	vadd.f32 v18, v10;
	v26 =	vadd.f32 v15, v26;
	v28 =	vld [tilespmem:s15+$0x29A0];
	v15 =	vmul.f32 v17, v13;
	[tilespmem:s16+$0x79C0] =	vst v17  }
.Ltmp1:
0xac: {  	v12 =	vadd.f32 v21, v12;
	v19 =	vld [tilespmem:s15+$0x1C0];
	v25 =	vmul.f32 $1.442695020e+00, v25;
	v11 =	vadd.f32 v27, v11;
	v21 =	vpop (erf);
	(pc) =	sbr.rel @p0 .LBB2_5-.Ltmp1, $4  }
0xad: {  	v13 =	vmovc v31;
	v27 =	vadd.f32 v22, v20;
	[tilespmem:s16+$0x7980] =	vst v15;
	v20 =	vmul.f32 v21, v3;
	v3 =	vmov v14;
	v14 =	vld [tilespmem:s15+$0x1D0]  }
0xae: {  	v17 =	vadd.f32 v24, v23;
	v15 =	vld [tilespmem:s15+$0x1E0];
	(erf) = vpow2.f32 v25;
	v18 =	vpop (erf);
	[tilespmem:s16+$0x79D0] =	vst v21  }
0xaf: {  	s17 =	sshra.s32 s18, $0x2;
	v16 =	vadd.f32 v16, v26;
	v24 =	vadd.f32 $1.000000000e+00, v18;
	v22 =	vld [tilespmem:s14+$0x1F0];
	v26 =	vpop (erf);
	[tilespmem:s16+$0x7990] =	vst v20  }
0xb0: {  	s18 =	sadd.s32 $0x200, s18;
	v21 =	vld [tilespmem:s17+$0x51B0];
	v25 =	vsub.f32 $0.0e+00, v17;
	v20 =	vmul.f32 v17, v17;
	v18 =	vadd.f32 v28, v27;
	v23 =	vpop (erf)  }
0xb1: {  	v27 =	vld [tilespmem:s17+$0x1B0];
	v28 =	vpop (erf)  }
0xb2: {  	v29 =	vld [tilespmem:s17+$0x5180];
	[tilespmem:s16+$0x79E0] =	vst v28  }
0xb3: {  	v26 =	vadd.f32 $1.000000000e+00, v26;
	v30 =	vld [tilespmem:s17+$0x29B0];
	v31 =	vpop (erf)  }
0xb4: {  	(erf) = vrcp.f32 v24;
	v38 =	vsub.f32 $0.0e+00, v16;
	v32 =	vld [tilespmem:s17+$0x180];
	[tilespmem:s14+$0x79F0] =	vst v31;
	v22 =	vmul.f32 v31, v22  }
0xb5: {  	v25 =	vmul.f32 $1.442695020e+00, v25;
	v8 =	vmul.f32 v28, v8;
	v39 =	vld [tilespmem:s17+$0x5190]  }
0xb6: {  	(erf) = vrcp.f32 v26;
	v24 =	vmul.f32 $1.442695020e+00, v38;
	v40 =	vld [tilespmem:s17+$0x190];
	[tilespmem:s14+$0x79B0] =	vst v22  }
0xb7: {  	(erf) = vpow2.f32 v25;
	v22 =	vld [tilespmem:s17+$0x51A0];
	[tilespmem:s16+$0x79A0] =	vst v8;
	v8 =	vsub.f32 $0.0e+00, v18  }
0xb8: {  	(erf) = vpow2.f32 v24  }
0xb9: {  	v8 =	vmul.f32 $1.442695020e+00, v8  }
0xba: {  	v21 =	vadd.f32 v27, v21;
	v44 =	vpop (erf);
	v42 =	vld [tilespmem:s17+$0x2980]  }
0xbb: {  	v41 =	vld [tilespmem:s17+$0x1A0];
	(erf) = vpow2.f32 v8;
	v8 =	vadd.f32 $1.000000000e+00, v44  }
0xbc: {  	v23 =	vadd.f32 $1.000000000e+00, v23;
	v21 =	vadd.f32 v30, v21  }
0xbd: {  	v43 =	vld [tilespmem:s17+$0x2990];
	v45 =	vadd.f32 v32, v29  }
0xbe: {  	v47 =	vsub.f32 $0.0e+00, v21;
	v48 =	vpop (erf);
	(erf) = vrcp.f32 v23  }
0xbf: {  	v46 =	vld [tilespmem:s17+$0x29A0];
	(erf) = vrcp.f32 v8;
	v25 =	vadd.f32 v42, v45;
	v8 =	vpop (erf)  }
0xc0: {  	v26 =	vadd.f32 v40, v39;
	v23 =	vmul.f32 $1.442695020e+00, v47;
	v22 =	vadd.f32 v41, v22;
	v49 =	vpop (erf)  }
0xc1: {  	v13 =	vmul.f32 v48, v13;
	v28 =	vsub.f32 $0.0e+00, v25;
	v24 =	vadd.f32 $1.000000000e+00, v49;
	v50 =	vpop (erf)  }
0xc2: {  	v26 =	vadd.f32 v43, v26;
	(erf) = vpow2.f32 v23;
	v51 =	vadd.f32 $1.000000000e+00, v50  }
0xc3: {  	v54 =	vmul.f32 $1.442695020e+00, v28;
	(erf) = vrcp.f32 v24  }
0xc4: {  	[tilespmem:s14+$0x79C0] =	vst v48;
	v22 =	vadd.f32 v46, v22;
	v53 =	vsub.f32 $0.0e+00, v26;
	(erf) = vrcp.f32 v51  }
0xc5: {  	v30 =	vld [tilespmem:s17+$0x1C0];
	(erf) = vpow2.f32 v54  }
0xc6: {  	v52 =	vld [tilespmem:s17+$0x1D0];
	[tilespmem:s14+$0x7980] =	vst v13;
	v55 =	vsub.f32 $0.0e+00, v22;
	v56 =	vmul.f32 $1.442695020e+00, v53  }
0xc7: {  	v13 =	vld [tilespmem:s17+$0x1E0];
	[tilespmem:s14+$0x79D0] =	vst v8;
	v3 =	vmul.f32 v8, v3  }
0xc8: {  	v57 =	vld [tilespmem:s15+$0x1F0];
	v23 =	vmul.f32 $1.442695020e+00, v55;
	v58 =	vpop (erf);
	(erf) = vpow2.f32 v56  }
0xc9: {  	[tilespmem:s14+$0x7990] =	vst v3;
	v8 =	vpop (erf);
	v3 =	vadd.f32 $1.000000000e+00, v58  }
0xca: {  	v59 =	vpop (erf);
	(erf) = vpow2.f32 v23  }
0xcb: {  	v60 =	vpop (erf)  }
0xcc: {  	v61 =	vpop (erf)  }
0xcd: {  	[tilespmem:s14+$0x79E0] =	vst v8;
	v24 =	vmul.f32 v59, v57;
	v28 =	vadd.f32 $1.000000000e+00, v60;
	(erf) = vrcp.f32 v3;
	v3 =	vpop (erf)  }
0xce: {  	v2 =	vmul.f32 v8, v2;
	[tilespmem:s15+$0x79F0] =	vst v59;
	v8 =	vpop (erf)  }
0xcf: {  	[tilespmem:s15+$0x79B0] =	vst v24;
	(erf) = vrcp.f32 v28;
	v8 =	vadd.f32 $1.000000000e+00, v8  }
0xd0: {  	[tilespmem:s14+$0x79A0] =	vst v2;
	v2 =	vmul.f32 v61, v19  }
0xd1: {  	[tilespmem:s15+$0x79C0] =	vst v61;
	v62 =	vpop (erf)  }
0xd2: {  	[tilespmem:s15+$0x7980] =	vst v2;
	v2 =	vadd.f32 $1.000000000e+00, v62;
	(erf) = vrcp.f32 v8  }
0xd3: {  	[tilespmem:s15+$0x79D0] =	vst v3;
	v8 =	vpop (erf)  }
0xd4: {  	v63 =	vld [tilespmem:s17+$0x1F0];
	(erf) = vrcp.f32 v2;
	v2 =	vmul.f32 v3, v14;
	v8 =	vadd.f32 $1.000000000e+00, v8;
	_ =	sdelay $0x1  }
0xd5: {  	(erf) = vrcp.f32 v8  }
0xd6: {  	v3 =	vpop (erf)  }
0xd7: {  	[tilespmem:s15+$0x7990] =	vst v2;
	v2 =	vpop (erf)  }
0xd8: {  	[tilespmem:s15+$0x79E0] =	vst v3;
	v8 =	vmul.f32 v2, v63  }
0xd9: {  	[tilespmem:s17+$0x79F0] =	vst v2;
	v2 =	vmul.f32 v3, v15  }
0xda: {  	[tilespmem:s17+$0x79B0] =	vst v8;
	v3 =	vpop (erf)  }
0xdb: {  	[tilespmem:s15+$0x79A0] =	vst v2;
	v2 =	vmul.f32 v3, v30  }
0xdc: {  	[tilespmem:s17+$0x79C0] =	vst v3;
	v3 =	vpop (erf)  }
0xdd: {  	[tilespmem:s17+$0x7980] =	vst v2;
	v2 =	vmul.f32 v3, v52  }
0xde: {  	v5 =	vadd.f32 v17, v5;
	v8 =	vmul.f32 v16, v16;
	[tilespmem:s17+$0x79D0] =	vst v3;
	v3 =	vpop (erf)  }
0xdf: {  	v7 =	vadd.f32 v16, v7;
	s13 =	sadd.s32 $0x1, s13;
	v4 =	vadd.f32 v20, v4;
	[tilespmem:s17+$0x7990] =	vst v2;
	v2 =	vmul.f32 v3, v13  }
0xe0: {  	p0 =	sne.s32 s13, $0xFA;
	v14 =	vadd.f32 v18, v6;
	v6 =	vmul.f32 v18, v18;
	v8 =	vadd.f32 v8, v9;
	[tilespmem:s17+$0x79E0] =	vst v3  }
.Ltmp2:
0xe1: {  	v15 =	vmul.f32 v25, v25;
	v9 =	vadd.f32 v21, v12;
	v12 =	vadd.f32 v26, v7;
	[tilespmem:s17+$0x79A0] =	vst v2;
	(pc) =	sbr.rel @p0 .LBB2_4-.Ltmp2, $4  }
0xe2: {  	v7 =	vadd.f32 v22, v14;
	v13 =	vmul.f32 v21, v21;
	v3 =	vadd.f32 v6, v10;
	[spmem:s1] =	stream.indirect.scatter.add.f32 [tilespmem:s22], [sflag:$0x3], $0x80, s24, s25, $0xb8;
	[tilespmem:$0x1E200] =	vst v63  }
0xe3: {  	v10 =	vadd.f32 v15, v4;
	v4 =	vmul.f32 v22, v22;
	v2 =	vmul.f32 v26, v26;
	_ =	swait.ge [sflag:s23], $0x2800  }
0xe4: {  	v6 =	vadd.f32 v13, v11;
	v11 =	vadd.f32 v25, v5;
	[sflag:s23] =	ssyncset.done $0x0  }
0xe5: {  	v4 =	vadd.f32 v4, v3;
	v5 =	vadd.f32 v2, v8;
	[sflag:s23] =	ssyncadd.s32 $0xFFFFD800  }
0xe6: {  	[tilespmem:$0xA180] =	vst v11  }
0xe7: {  	[tilespmem:$0xA1C0] =	vst v10  }
0xe8: {  	[tilespmem:$0xA190] =	vst v12  }
0xe9: {  	[tilespmem:$0xA1A0] =	vst v7  }
0xea: {  	[tilespmem:$0xA1B0] =	vst v9  }
0xeb: {  	[tilespmem:$0xA1F0] =	vst v6  }
0xec: {  	[tilespmem:$0xA1D0] =	vst v5  }
0xed: {  	s11 =	rddreg [dreg:$0x3];
	s13 =	simm.s32 $0xA180;
	[tilespmem:$0xA1E0] =	vst v4  }
0xee: {  	[hbm4b:s11+s3] =	stream.linear.scatter [tilespmem:s13], [sflag:$0x3], $0x80, $0x38;
	[tilespmem:$0x1E200] =	vst v63  }
0xef: {  	_ =	swait.ge [sflag:s23], $0x80  }
0xf0: {  	[sflag:s23] =	ssyncset.done $0x0  }
0xf1: {  	s16 =	stileid.u32;
	[sflag:s23] =	ssyncadd.s32 $0xFFFFFF80  }
0xf2: {  	s11 =	sshll.u32 s16, $0x6;
	[bflag:$0x0] =	sbarrier.arrive $0xFFFF  }
0xf3: {  	s17 =	sshrl.u32 s12, $0x3;
	s11 =	sor.u32 $0x1C03, s11;
	s14 =	rddreg [dreg:$0x4]  }
0xf4: {  	[hbm:s14], [sflag:s11] =	dma.local [spmem:s17], $0x2800  }
0xf5: {  	_ =	swait.ge [sflag:s23], $0x2800  }
0xf6: {  	s2 =	sadd.s32 $0x1, s2;
	s18 =	rddreg [dreg:$0x5]  }
0xf7: {  	p0 =	sne.s32 s2, s18  }
.Ltmp3:
0xf8: {  	_ = 	snop;
	(pc) =	sbr.rel @p0 .LBB2_1-.Ltmp3, $3  }
0xf9: {  	_ =	sdelay $0x1  }
0xfa: {  	[sflag:s23] =	ssyncset.done $0x0  }
0xfb: {  	[sflag:s23] =	ssyncadd.s32 $0xFFFFD800  }
0xfc: {  	_ =	sfence.sel $0x180000  }
0xfd: {  	[bflag:$0x0] =	sbarrier.arrive $0xFFFF  }
0xfe: {  	_ =	strace $0x90000050  }
0xff: {  	s0 =	stileid.u32;
	[bflag:$0x2] =	sbarrier.arrive $0xFFFF  }
0x100: {  	p0 =	sne.s32 s0, $0x0;
	s0 =	rddreg [dreg:$0x2]  }
0x101: {  	s0 =	sadd.s32 @!p0 $0x100000, s0  }
0x102: {  	[sflag:s0] =	ssyncadd.tile.s32 @!p0 $0x1;
	_ =	shalt  }
.Lfunc_end2:
_tile_overlayer_lowered:
.L_overlay_start_2:
0x103: {  	(tag) =	ssettag $0x2  }
0x104: {  	s0 =	rddreg [dreg:$0x0];
	s2 =	stileid.u32  }
0x105: {  	s1 =	rddreg [dreg:$0x1];
	p0 =	sne.s32 s2, $0x0  }
0x106: {  	s3 =	rddreg [dreg:$0x2];
	[bflag:$0x3] =	sbarrier.arrive $0xFFFF;
	s2 =	simm.s32 @!p0 $0x1C03  }
0x107: {  	[timem:s3], [sflag:s2] =	dma.local @!p0 [hbm:s0], s1  }
0x108: {  	s0 =	simm.s32 @!p0 $0x3  }
0x109: {  	_ =	swait.ge @!p0 [sflag:s0], s1  }
0x10a: {  	s1 =	ssub.s32 @!p0 $0x0, s1;
	[sflag:s0] =	ssyncset.done @!p0 $0x0  }
0x10b: {  	[sflag:s0] =	ssyncadd.s32 @!p0 s1  }
0x10c: {  	[bflag:$0x3] =	sbarrier.arrive $0xFFFF  }
0x10d: {  	_ =	shalt  }

</sc_bundles>
